<compile_context>
chip_gen: v7x
topology: tpu7x:2x2x1
jax: 0.10.2.dev20260603
libtpu: 0.0.44.dev20260713+nightly
codegen_flags: <defaults>
</compile_context>

<pallas_src>
import functools

import jax
import jax.numpy as jnp
from jax import lax
from jax.experimental import pallas as pl
from jax.experimental.pallas import tpu as pltpu
from jax.experimental.pallas import tpu_sc as plsc

N = 10000
D = 128
E = 320000

NC = 2
NS = 16
NW = NC * NS
N_PAD = 10240
E_PAD = NW * 10240
EP_T = E_PAD // NW
CH = 128
NCHUNK = EP_T // CH
ROWS_T = N_PAD // NS
G = 16
NG = NCHUNK // G

_MESH = plsc.VectorSubcoreMesh(core_axis_name="c", subcore_axis_name="s")


_DEG_SCRATCH = [
    pltpu.VMEM((G, CH), jnp.int32),
    pltpu.VMEM((G, CH), jnp.int32),
    pltpu.VMEM((CH,), jnp.float32),
    pltpu.VMEM((ROWS_T,), jnp.float32),
    pltpu.VMEM_SHARED((N_PAD,), jnp.float32),
    pltpu.VMEM_SHARED((N_PAD,), jnp.float32),
]
_DEG_OUT = (jax.ShapeDtypeStruct((NC, N_PAD), jnp.float32),
            jax.ShapeDtypeStruct((NC, N_PAD), jnp.float32))


def _deg_body(src_hbm, dst_hbm, dego_hbm, degi_hbm,
              src_g, dst_g, ones_v, bnc, acc_o, acc_i):
    c = lax.axis_index("c")
    s = lax.axis_index("s")
    base = (c * NS + s) * NCHUNK
    z16 = jnp.zeros((16,), jnp.float32)
    one16 = jnp.ones((16,), jnp.float32)
    for i in range(CH // 16):
        ones_v[pl.ds(i * 16, 16)] = one16

    def zbody(i, carry):
        bnc[pl.ds(i * 16, 16)] = z16
        return carry

    lax.fori_loop(0, ROWS_T // 16, zbody, 0)
    pltpu.sync_copy(bnc, acc_o.at[pl.ds(s * ROWS_T, ROWS_T)])
    pltpu.sync_copy(bnc, acc_i.at[pl.ds(s * ROWS_T, ROWS_T)])
    plsc.subcore_barrier()

    def body(j, carry):
        @pl.when(j % G == 0)
        def _():
            g = j // G
            pltpu.sync_copy(src_hbm.at[pl.ds(base + g * G, G)], src_g)
            pltpu.sync_copy(dst_hbm.at[pl.ds(base + g * G, G)], dst_g)

        pltpu.sync_copy(ones_v, acc_o.at[src_g.at[j % G]], add=True)
        pltpu.sync_copy(ones_v, acc_i.at[dst_g.at[j % G]], add=True)
        return carry

    lax.fori_loop(0, NCHUNK, body, 0)
    plsc.subcore_barrier()
    pltpu.sync_copy(acc_o.at[pl.ds(s * ROWS_T, ROWS_T)], bnc)
    pltpu.sync_copy(bnc, dego_hbm.at[c, pl.ds(s * ROWS_T, ROWS_T)])
    pltpu.sync_copy(acc_i.at[pl.ds(s * ROWS_T, ROWS_T)], bnc)
    pltpu.sync_copy(bnc, degi_hbm.at[c, pl.ds(s * ROWS_T, ROWS_T)])


_PROP_SCRATCH = [
    pltpu.VMEM((2, G, CH), jnp.int32),
    pltpu.VMEM((2, G, CH), jnp.int32),
    pltpu.VMEM((CH, D), jnp.float32),
    pltpu.VMEM((CH, D), jnp.float32),
    pltpu.VMEM_SHARED((N_PAD, D), jnp.float32),
    pltpu.SemaphoreType.DMA,
    pltpu.SemaphoreType.DMA,
]
_PROP_OUT = jax.ShapeDtypeStruct((NC, N_PAD, D), jnp.float32)


def _prop_body(z_hbm, src_hbm, dst_hbm, zeros_hbm, out_hbm,
                 src_g, dst_g, buf0, buf1, acc_s, sem0, sem1):
    c = lax.axis_index("c")
    s = lax.axis_index("s")
    base = (c * NS + s) * NCHUNK
    pltpu.sync_copy(zeros_hbm, buf0)
    for k in range(ROWS_T // CH):
        pltpu.sync_copy(buf0, acc_s.at[pl.ds(s * ROWS_T + k * CH, CH)])
    pltpu.sync_copy(src_hbm.at[pl.ds(base, G)], src_g.at[0])
    pltpu.sync_copy(dst_hbm.at[pl.ds(base, G)], dst_g.at[0])
    pltpu.sync_copy(src_hbm.at[pl.ds(base + G, G)], src_g.at[1])
    pltpu.sync_copy(dst_hbm.at[pl.ds(base + G, G)], dst_g.at[1])
    plsc.subcore_barrier()

    bufs = (buf0, buf1)
    sems = (sem0, sem1)
    pltpu.async_copy(z_hbm.at[src_g.at[0, 0]], buf0, sem0)
    pltpu.async_copy(z_hbm.at[src_g.at[0, 1]], buf1, sem1)

    def body(i, carry):
        j0 = 2 * i

        @pl.when(jnp.logical_and(j0 % G == 0,
                                 jnp.logical_and(j0 >= G, j0 <= (NG - 2) * G)))
        def _():
            tg = j0 // G + 1
            pltpu.sync_copy(src_hbm.at[pl.ds(base + tg * G, G)],
                            src_g.at[tg % 2])
            pltpu.sync_copy(dst_hbm.at[pl.ds(base + tg * G, G)],
                            dst_g.at[tg % 2])

        for b in range(2):
            j = j0 + b
            pltpu.make_async_copy(z_hbm.at[src_g.at[(j // G) % 2, j % G]],
                                  bufs[b], sems[b]).wait()
            pltpu.sync_copy(bufs[b], acc_s.at[dst_g.at[(j // G) % 2, j % G]],
                            add=True)
            jn = j + 2
            pltpu.async_copy(z_hbm.at[src_g.at[(jn // G) % 2, jn % G]],
                             bufs[b], sems[b])
        return carry

    lax.fori_loop(0, NCHUNK // 2 - 1, body, 0)
    for b in range(2):
        j = NCHUNK - 2 + b
        pltpu.make_async_copy(z_hbm.at[src_g.at[(j // G) % 2, j % G]],
                              bufs[b], sems[b]).wait()
        pltpu.sync_copy(bufs[b], acc_s.at[dst_g.at[(j // G) % 2, j % G]],
                        add=True)
    plsc.subcore_barrier()
    for k in range(ROWS_T // CH):
        pltpu.sync_copy(acc_s.at[pl.ds(s * ROWS_T + k * CH, CH)], buf0)
        pltpu.sync_copy(buf0, out_hbm.at[c, pl.ds(s * ROWS_T + k * CH, CH)])


_deg_kernel = pl.kernel(_deg_body, out_type=_DEG_OUT, mesh=_MESH,
                        scratch_types=_DEG_SCRATCH)
_prop_kernel = pl.kernel(_prop_body, out_type=_PROP_OUT, mesh=_MESH,
                         scratch_types=_PROP_SCRATCH)


_R = 512
_GRID = N_PAD // _R


def _norm(deg_ref):
    deg = deg_ref[0, :] + deg_ref[1, :]
    return lax.rsqrt(jnp.maximum(deg, 1.0))[:, None]


def _tc1_body(x_ref, dgo_ref, w_ref, z_ref):
    z_ref[...] = jnp.dot(x_ref[...] * _norm(dgo_ref), w_ref[...],
                         preferred_element_type=jnp.float32)


_tc1 = pl.pallas_call(
    _tc1_body,
    grid=(_GRID,),
    in_specs=[
        pl.BlockSpec((_R, D), lambda i: (i, 0)),
        pl.BlockSpec((NC, _R), lambda i: (0, i)),
        pl.BlockSpec((D, D), lambda i: (0, 0)),
    ],
    out_specs=pl.BlockSpec((_R, D), lambda i: (i, 0)),
    out_shape=jax.ShapeDtypeStruct((N_PAD, D), jnp.float32),
)


def _tc2_body(p_ref, dgo_ref, dgi_ref, b_ref, w_ref, z_ref):
    agg = (p_ref[0] + p_ref[1]) * _norm(dgi_ref)
    h = jnp.maximum(agg + b_ref[...], 0.0)
    z_ref[...] = jnp.dot(h * _norm(dgo_ref), w_ref[...],
                         preferred_element_type=jnp.float32)


_tc2 = pl.pallas_call(
    _tc2_body,
    grid=(_GRID,),
    in_specs=[
        pl.BlockSpec((NC, _R, D), lambda i: (0, i, 0)),
        pl.BlockSpec((NC, _R), lambda i: (0, i)),
        pl.BlockSpec((NC, _R), lambda i: (0, i)),
        pl.BlockSpec((1, D), lambda i: (0, 0)),
        pl.BlockSpec((D, D), lambda i: (0, 0)),
    ],
    out_specs=pl.BlockSpec((_R, D), lambda i: (i, 0)),
    out_shape=jax.ShapeDtypeStruct((N_PAD, D), jnp.float32),
)


def _tc3_body(q_ref, dgi_ref, b_ref, o_ref):
    agg = (q_ref[0] + q_ref[1]) * _norm(dgi_ref)
    o_ref[...] = jnp.maximum(agg + b_ref[...], 0.0)


_tc3 = pl.pallas_call(
    _tc3_body,
    grid=(_GRID,),
    in_specs=[
        pl.BlockSpec((NC, _R, D), lambda i: (0, i, 0)),
        pl.BlockSpec((NC, _R), lambda i: (0, i)),
        pl.BlockSpec((1, D), lambda i: (0, 0)),
    ],
    out_specs=pl.BlockSpec((_R, D), lambda i: (i, 0)),
    out_shape=jax.ShapeDtypeStruct((N_PAD, D), jnp.float32),
)


def kernel(x, edge_index, W1, b1, W2, b2):
    src = edge_index[0]
    dst = edge_index[1]
    pad = N + jnp.arange(E_PAD - E, dtype=jnp.int32) % (N_PAD - N)
    src2 = jnp.concatenate([src, pad]).reshape(E_PAD // CH, CH)
    dst2 = jnp.concatenate([dst, pad]).reshape(E_PAD // CH, CH)
    x_pad = jnp.pad(x, ((0, N_PAD - N), (0, 0)))
    zeros_d = jnp.zeros((CH, D), jnp.float32)

    dego, degi = _deg_kernel(src2, dst2)
    z1 = _tc1(x_pad, dego, W1)
    p1 = _prop_kernel(z1, src2, dst2, zeros_d)
    z2 = _tc2(p1, dego, degi, b1.reshape(1, D), W2)
    p2 = _prop_kernel(z2, src2, dst2, zeros_d)
    out = _tc3(p2, degi, b2.reshape(1, D))
    return out[:N]

# --- scband reference (transcript-rebuilt; emitter-appended) ---
"""Pipeline reference for scband-gcn-30588757082545 (READ-ONLY COPY).

The authoritative reference and input builder live on the scoring server;
editing this copy changes nothing except your own understanding.
"""

import jax, jax.numpy as jnp
import numpy as np

N = 10000
E = 320000
D_IN = 128
D_HID = 128
D_OUT = 128

def setup_inputs(seed: int = 0) -> dict:
    key = jax.random.key(seed)
    k1, k2, k3, k4, k5, k6 = jax.random.split(key, 6)
    x = jax.random.normal(k1, (N, D_IN), dtype=jnp.float32)
    edge_index = jax.random.randint(k2, (2, E), 0, N, dtype=jnp.int32)
    # GraphConv weights (DGL-style: y = norm * (A_norm @ (x)) @ W + b)
    W1 = jax.random.normal(k3, (D_IN, D_HID), dtype=jnp.float32) * (1.0 / np.sqrt(D_IN))
    b1 = jnp.zeros((D_HID,), dtype=jnp.float32)
    W2 = jax.random.normal(k4, (D_HID, D_OUT), dtype=jnp.float32) * (1.0 / np.sqrt(D_HID))
    b2 = jnp.zeros((D_OUT,), dtype=jnp.float32)
    return {"x": x, "edge_index": edge_index, "W1": W1, "b1": b1, "W2": W2, "b2": b2}

def _graph_conv(h, edge_index, W, b):
    # DGL GraphConv with norm='both': h' = D_in^{-1/2} A D_out^{-1/2} h W + b
    n = h.shape[0]
    src = edge_index[0]
    dst = edge_index[1]
    deg_out = jnp.clip(jnp.bincount(src, length=n).astype(jnp.float32), 1.0, None)
    deg_in = jnp.clip(jnp.bincount(dst, length=n).astype(jnp.float32), 1.0, None)
    norm_src = deg_out ** -0.5
    norm_dst = deg_in ** -0.5
    h = h * norm_src[:, None]
    msgs = jnp.take(h, src, axis=0)
    agg = jax.ops.segment_sum(msgs, dst, num_segments=n)
    agg = agg * norm_dst[:, None]
    return agg @ W + b

def reference(x, edge_index, W1, b1, W2, b2):
    h = _graph_conv(x, edge_index, W1, b1)
    h = jax.nn.relu(h)
    h = _graph_conv(h, edge_index, W2, b2)
    h = jax.nn.relu(h)
    return h

if __name__ == "__main__":
    import jax
    _d = setup_inputs()
    print(jax.jit(kernel)(*tuple(_d.values())))

</pallas_src>

<mosaic_0001>
#map = affine_map<(d0, d1) -> (0, 0)>
module attributes {stable_mosaic.version = 14 : i64} {
  func.func @_deg_body(%arg0: i32, %arg1: i32, %arg2: memref<2560x128xi32, #tpu.memory_space<hbm>>, %arg3: memref<2560x128xi32, #tpu.memory_space<hbm>>, %arg4: memref<2x10240xf32, #tpu.memory_space<hbm>>, %arg5: memref<2x10240xf32, #tpu.memory_space<hbm>>, %arg6: memref<16x128xi32, #tpu.memory_space<vmem>>, %arg7: memref<16x128xi32, #tpu.memory_space<vmem>>, %arg8: memref<128xf32, #tpu.memory_space<vmem>>, %arg9: memref<640xf32, #tpu.memory_space<vmem>>, %arg10: memref<10240xf32, #tpu.memory_space<vmem_shared>>, %arg11: memref<10240xf32, #tpu.memory_space<vmem_shared>>) attributes {dimension_semantics = [#tpu.dimension_semantics<core_parallel>, #tpu.dimension_semantics<subcore_parallel>], iteration_bounds = array<i64: 2, 16>, scalar_prefetch = 0 : i64, scratch_operands = 6 : i64, tpu.core_type = #tpu.core_type<sc_vector_subcore>, window_params = [{transform_indices = #map}, {transform_indices = #map}, {transform_indices = #map}, {transform_indices = #map}]} {
    %mul3A = arith.constant 16 : i32
    %mul3A_0 = arith.muli %arg0, %mul3A : i32
    %add3A = arith.addi %mul3A_0, %arg1 : i32
    %mul3A_1 = arith.constant 80 : i32
    %mul3A_2 = arith.muli %add3A, %mul3A_1 : i32
    %broadcast_in_dim3A = arith.constant 0.000000e+00 : f32
    %broadcast_in_dim3A_3 = vector.broadcast %broadcast_in_dim3A : f32 to vector<16xf32>
    %broadcast_in_dim3A_4 = arith.constant 1.000000e+00 : f32
    %broadcast_in_dim3A_5 = vector.broadcast %broadcast_in_dim3A_4 : f32 to vector<16xf32>
    %swap3A = arith.constant 0 : index
    %swap3A_6 = tpu.vector_load %arg8[%swap3A] {strides = array<i32>} : memref<128xf32, #tpu.memory_space<vmem>>, vector<16xf32>,
    %swap3A_7 = vector.shape_cast %swap3A_6 : vector<16xf32> to vector<16xf32>
    %swap3A_8 = vector.shape_cast %broadcast_in_dim3A_5 : vector<16xf32> to vector<16xf32>
    tpu.vector_store %arg8[%swap3A], %swap3A_8 {strides = array<i32>} : memref<128xf32, #tpu.memory_space<vmem>>, vector<16xf32>,
    %swap3A_9 = arith.constant 16 : index
    %swap3A_10 = tpu.vector_load %arg8[%swap3A_9] {strides = array<i32>} : memref<128xf32, #tpu.memory_space<vmem>>, vector<16xf32>,
    %swap3A_11 = vector.shape_cast %swap3A_10 : vector<16xf32> to vector<16xf32>
    %swap3A_12 = vector.shape_cast %broadcast_in_dim3A_5 : vector<16xf32> to vector<16xf32>
    tpu.vector_store %arg8[%swap3A_9], %swap3A_12 {strides = array<i32>} : memref<128xf32, #tpu.memory_space<vmem>>, vector<16xf32>,
    %swap3A_13 = arith.constant 32 : index
    %swap3A_14 = tpu.vector_load %arg8[%swap3A_13] {strides = array<i32>} : memref<128xf32, #tpu.memory_space<vmem>>, vector<16xf32>,
    %swap3A_15 = vector.shape_cast %swap3A_14 : vector<16xf32> to vector<16xf32>
    %swap3A_16 = vector.shape_cast %broadcast_in_dim3A_5 : vector<16xf32> to vector<16xf32>
    tpu.vector_store %arg8[%swap3A_13], %swap3A_16 {strides = array<i32>} : memref<128xf32, #tpu.memory_space<vmem>>, vector<16xf32>,
    %swap3A_17 = arith.constant 48 : index
    %swap3A_18 = tpu.vector_load %arg8[%swap3A_17] {strides = array<i32>} : memref<128xf32, #tpu.memory_space<vmem>>, vector<16xf32>,
    %swap3A_19 = vector.shape_cast %swap3A_18 : vector<16xf32> to vector<16xf32>
    %swap3A_20 = vector.shape_cast %broadcast_in_dim3A_5 : vector<16xf32> to vector<16xf32>
    tpu.vector_store %arg8[%swap3A_17], %swap3A_20 {strides = array<i32>} : memref<128xf32, #tpu.memory_space<vmem>>, vector<16xf32>,
    %swap3A_21 = arith.constant 64 : index
    %swap3A_22 = tpu.vector_load %arg8[%swap3A_21] {strides = array<i32>} : memref<128xf32, #tpu.memory_space<vmem>>, vector<16xf32>,
    %swap3A_23 = vector.shape_cast %swap3A_22 : vector<16xf32> to vector<16xf32>
    %swap3A_24 = vector.shape_cast %broadcast_in_dim3A_5 : vector<16xf32> to vector<16xf32>
    tpu.vector_store %arg8[%swap3A_21], %swap3A_24 {strides = array<i32>} : memref<128xf32, #tpu.memory_space<vmem>>, vector<16xf32>,
    %swap3A_25 = arith.constant 80 : index
    %swap3A_26 = tpu.vector_load %arg8[%swap3A_25] {strides = array<i32>} : memref<128xf32, #tpu.memory_space<vmem>>, vector<16xf32>,
    %swap3A_27 = vector.shape_cast %swap3A_26 : vector<16xf32> to vector<16xf32>
    %swap3A_28 = vector.shape_cast %broadcast_in_dim3A_5 : vector<16xf32> to vector<16xf32>
    tpu.vector_store %arg8[%swap3A_25], %swap3A_28 {strides = array<i32>} : memref<128xf32, #tpu.memory_space<vmem>>, vector<16xf32>,
    %swap3A_29 = arith.constant 96 : index
    %swap3A_30 = tpu.vector_load %arg8[%swap3A_29] {strides = array<i32>} : memref<128xf32, #tpu.memory_space<vmem>>, vector<16xf32>,
    %swap3A_31 = vector.shape_cast %swap3A_30 : vector<16xf32> to vector<16xf32>
    %swap3A_32 = vector.shape_cast %broadcast_in_dim3A_5 : vector<16xf32> to vector<16xf32>
    tpu.vector_store %arg8[%swap3A_29], %swap3A_32 {strides = array<i32>} : memref<128xf32, #tpu.memory_space<vmem>>, vector<16xf32>,
    %swap3A_33 = arith.constant 112 : index
    %swap3A_34 = tpu.vector_load %arg8[%swap3A_33] {strides = array<i32>} : memref<128xf32, #tpu.memory_space<vmem>>, vector<16xf32>,
    %swap3A_35 = vector.shape_cast %swap3A_34 : vector<16xf32> to vector<16xf32>
    %swap3A_36 = vector.shape_cast %broadcast_in_dim3A_5 : vector<16xf32> to vector<16xf32>
    tpu.vector_store %arg8[%swap3A_33], %swap3A_36 {strides = array<i32>} : memref<128xf32, #tpu.memory_space<vmem>>, vector<16xf32>,
    %scan3A = arith.constant 0 : i32
    %scan3A_37 = arith.constant 0 : i32
    %scan3A_38 = arith.constant 40 : i32
    %scan3A_39 = arith.addi %scan3A_37, %scan3A_38 : i32
    %scan3A_40 = arith.constant 1 : i32
    scf.for %scan3A_61 = %scan3A_37 to %scan3A_39 step %scan3A_40  : i32 {
      %mul3A_62 = arith.constant 16 : i32
      %mul3A_63 = arith.muli %scan3A_61, %mul3A_62 : i32
      %swap3A_64 = arith.index_cast %mul3A_63 : i32 to index
      %swap3A_65 = tpu.vector_load %arg9[%swap3A_64] {strides = array<i32>} : memref<640xf32, #tpu.memory_space<vmem>>, vector<16xf32>,
      %swap3A_66 = vector.shape_cast %swap3A_65 : vector<16xf32> to vector<16xf32>
      %swap3A_67 = vector.shape_cast %broadcast_in_dim3A_3 : vector<16xf32> to vector<16xf32>
      tpu.vector_store %arg9[%swap3A_64], %swap3A_67 {strides = array<i32>} : memref<640xf32, #tpu.memory_space<vmem>>, vector<16xf32>,
    }
    %scan3A_41 = arith.constant 40 : i32
    %mul3A_42 = arith.constant 640 : i32
    %mul3A_43 = arith.muli %arg1, %mul3A_42 : i32
    "tpu.region"() ({
      %run_scoped3A = tpu.sem_alloc : memref<!tpu.dma_semaphore, #tpu.memory_space<semaphore_mem>>
      %dma_start3A = tpu.memref_slice %arg10[%mul3A_43] : memref<10240xf32, #tpu.memory_space<vmem_shared>> -> memref<640xf32, #tpu.memory_space<vmem_shared>>
      %dma_start3A_61 = tpu.memref_slice %arg10[%mul3A_43] : memref<10240xf32, #tpu.memory_space<vmem_shared>> -> memref<640xf32, #tpu.memory_space<vmem_shared>>
      tpu.enqueue_dma source(%arg9 : memref<640xf32, #tpu.memory_space<vmem>>) target(%dma_start3A_61 : memref<640xf32, #tpu.memory_space<vmem_shared>>) target_semaphore(%run_scoped3A : memref<!tpu.dma_semaphore, #tpu.memory_space<semaphore_mem>>)
      %dma_wait3A = tpu.memref_slice %arg10[%mul3A_43] : memref<10240xf32, #tpu.memory_space<vmem_shared>> -> memref<640xf32, #tpu.memory_space<vmem_shared>>
      %dma_wait3A_62 = tpu.memref_slice %arg10[%mul3A_43] : memref<10240xf32, #tpu.memory_space<vmem_shared>> -> memref<640xf32, #tpu.memory_space<vmem_shared>>
      tpu.wait_dma2 semaphore(%run_scoped3A : memref<!tpu.dma_semaphore, #tpu.memory_space<semaphore_mem>>) src(%arg9 : memref<640xf32, #tpu.memory_space<vmem>>) dst(%dma_wait3A_62 : memref<640xf32, #tpu.memory_space<vmem_shared>>)
      tpu.yield
    }) : () -> ()
    %mul3A_44 = arith.constant 640 : i32
    %mul3A_45 = arith.muli %arg1, %mul3A_44 : i32
    "tpu.region"() ({
      %run_scoped3A = tpu.sem_alloc : memref<!tpu.dma_semaphore, #tpu.memory_space<semaphore_mem>>
      %dma_start3A = tpu.memref_slice %arg11[%mul3A_45] : memref<10240xf32, #tpu.memory_space<vmem_shared>> -> memref<640xf32, #tpu.memory_space<vmem_shared>>
      %dma_start3A_61 = tpu.memref_slice %arg11[%mul3A_45] : memref<10240xf32, #tpu.memory_space<vmem_shared>> -> memref<640xf32, #tpu.memory_space<vmem_shared>>
      tpu.enqueue_dma source(%arg9 : memref<640xf32, #tpu.memory_space<vmem>>) target(%dma_start3A_61 : memref<640xf32, #tpu.memory_space<vmem_shared>>) target_semaphore(%run_scoped3A : memref<!tpu.dma_semaphore, #tpu.memory_space<semaphore_mem>>)
      %dma_wait3A = tpu.memref_slice %arg11[%mul3A_45] : memref<10240xf32, #tpu.memory_space<vmem_shared>> -> memref<640xf32, #tpu.memory_space<vmem_shared>>
      %dma_wait3A_62 = tpu.memref_slice %arg11[%mul3A_45] : memref<10240xf32, #tpu.memory_space<vmem_shared>> -> memref<640xf32, #tpu.memory_space<vmem_shared>>
      tpu.wait_dma2 semaphore(%run_scoped3A : memref<!tpu.dma_semaphore, #tpu.memory_space<semaphore_mem>>) src(%arg9 : memref<640xf32, #tpu.memory_space<vmem>>) dst(%dma_wait3A_62 : memref<640xf32, #tpu.memory_space<vmem_shared>>)
      tpu.yield
    }) : () -> ()
    %barrier3A = arith.constant 0 : index
    tpu.barrier barrier_id(%barrier3A)
    %scan3A_46 = arith.constant 0 : i32
    %scan3A_47 = arith.constant 0 : i32
    %scan3A_48 = arith.constant 80 : i32
    %scan3A_49 = arith.addi %scan3A_47, %scan3A_48 : i32
    %scan3A_50 = arith.constant 1 : i32
    scf.for %scan3A_61 = %scan3A_47 to %scan3A_49 step %scan3A_50  : i32 {
      %jit3A = arith.constant 16 : i32
      %eq3A = arith.constant 0 : i32
      %eq3A_62 = arith.cmpi eq, %jit3A, %eq3A : i32
      %jit3A_63 = arith.constant 1 : i32
      %select_n3A = arith.select %eq3A_62, %jit3A_63, %jit3A : i32
      %rem3A = arith.remsi %scan3A_61, %select_n3A : i32
      %ne3A = arith.constant 0 : i32
      %ne3A_64 = arith.cmpi ne, %rem3A, %ne3A : i32
      %lt3A = arith.constant 0 : i32
      %lt3A_65 = arith.cmpi slt, %rem3A, %lt3A : i32
      %lt3A_66 = arith.constant 0 : i32
      %lt3A_67 = arith.cmpi slt, %select_n3A, %lt3A_66 : i32
      %ne3A_68 = arith.xori %lt3A_65, %lt3A_67 : i1
      %and3A = arith.andi %ne3A_68, %ne3A_64 : i1
      %add3A_69 = arith.addi %rem3A, %select_n3A : i32
      %select_n3A_70 = arith.select %and3A, %add3A_69, %rem3A : i32
      %eq3A_71 = arith.constant 0 : i32
      %eq3A_72 = arith.cmpi eq, %select_n3A_70, %eq3A_71 : i32
      %convert_element_type3A = arith.extui %eq3A_72 : i1 to i32
      %cond3A = arith.constant 0 : i32
      %cond3A_73 = arith.cmpi ne, %convert_element_type3A, %cond3A : i32
      scf.if %cond3A_73 {
        %jit3A_106 = arith.constant 16 : i32
        %div3A = arith.divsi %scan3A_61, %jit3A_106 : i32
        %sign3A = arith.constant 0 : i32
        %sign3A_107 = arith.cmpi sgt, %scan3A_61, %sign3A : i32
        %sign3A_108 = arith.extui %sign3A_107 : i1 to i32
        %sign3A_109 = arith.constant 0 : i32
        %sign3A_110 = arith.cmpi slt, %scan3A_61, %sign3A_109 : i32
        %sign3A_111 = arith.extui %sign3A_110 : i1 to i32
        %sign3A_112 = arith.subi %sign3A_108, %sign3A_111 : i32
        %sign3A_113 = arith.constant 0 : i32
        %sign3A_114 = arith.cmpi sgt, %jit3A_106, %sign3A_113 : i32
        %sign3A_115 = arith.extui %sign3A_114 : i1 to i32
        %sign3A_116 = arith.constant 0 : i32
        %sign3A_117 = arith.cmpi slt, %jit3A_106, %sign3A_116 : i32
        %sign3A_118 = arith.extui %sign3A_117 : i1 to i32
        %sign3A_119 = arith.subi %sign3A_115, %sign3A_118 : i32
        %ne3A_120 = arith.cmpi ne, %sign3A_112, %sign3A_119 : i32
        %rem3A_121 = arith.remsi %scan3A_61, %jit3A_106 : i32
        %ne3A_122 = arith.constant 0 : i32
        %ne3A_123 = arith.cmpi ne, %rem3A_121, %ne3A_122 : i32
        %and3A_124 = arith.andi %ne3A_120, %ne3A_123 : i1
        %sub3A = arith.constant 1 : i32
        %sub3A_125 = arith.subi %div3A, %sub3A : i32
        %select_n3A_126 = arith.select %and3A_124, %sub3A_125, %div3A : i32
        %mul3A_127 = arith.constant 16 : i32
        %mul3A_128 = arith.muli %select_n3A_126, %mul3A_127 : i32
        %add3A_129 = arith.addi %mul3A_2, %mul3A_128 : i32
        "tpu.region"() ({
          %run_scoped3A = tpu.sem_alloc : memref<!tpu.dma_semaphore, #tpu.memory_space<semaphore_mem>>
          %dma_start3A = arith.constant 0 : i32
          %dma_start3A_133 = tpu.memref_slice %arg2[%add3A_129, %dma_start3A] : memref<2560x128xi32, #tpu.memory_space<hbm>> -> memref<16x128xi32, #tpu.memory_space<hbm>>
          %dma_start3A_134 = arith.constant 0 : i32
          %dma_start3A_135 = tpu.memref_slice %arg2[%add3A_129, %dma_start3A_134] : memref<2560x128xi32, #tpu.memory_space<hbm>> -> memref<16x128xi32, #tpu.memory_space<hbm>>
          tpu.enqueue_dma source(%dma_start3A_135 : memref<16x128xi32, #tpu.memory_space<hbm>>) target(%arg6 : memref<16x128xi32, #tpu.memory_space<vmem>>) target_semaphore(%run_scoped3A : memref<!tpu.dma_semaphore, #tpu.memory_space<semaphore_mem>>)
          %dma_wait3A = arith.constant 0 : i32
          %dma_wait3A_136 = tpu.memref_slice %arg2[%add3A_129, %dma_wait3A] : memref<2560x128xi32, #tpu.memory_space<hbm>> -> memref<16x128xi32, #tpu.memory_space<hbm>>
          %dma_wait3A_137 = arith.constant 0 : i32
          %dma_wait3A_138 = tpu.memref_slice %arg2[%add3A_129, %dma_wait3A_137] : memref<2560x128xi32, #tpu.memory_space<hbm>> -> memref<16x128xi32, #tpu.memory_space<hbm>>
          tpu.wait_dma2 semaphore(%run_scoped3A : memref<!tpu.dma_semaphore, #tpu.memory_space<semaphore_mem>>) src(%dma_wait3A_138 : memref<16x128xi32, #tpu.memory_space<hbm>>) dst(%arg6 : memref<16x128xi32, #tpu.memory_space<vmem>>)
          tpu.yield
        }) : () -> ()
        %mul3A_130 = arith.constant 16 : i32
        %mul3A_131 = arith.muli %select_n3A_126, %mul3A_130 : i32
        %add3A_132 = arith.addi %mul3A_2, %mul3A_131 : i32
        "tpu.region"() ({
          %run_scoped3A = tpu.sem_alloc : memref<!tpu.dma_semaphore, #tpu.memory_space<semaphore_mem>>
          %dma_start3A = arith.constant 0 : i32
          %dma_start3A_133 = tpu.memref_slice %arg3[%add3A_132, %dma_start3A] : memref<2560x128xi32, #tpu.memory_space<hbm>> -> memref<16x128xi32, #tpu.memory_space<hbm>>
          %dma_start3A_134 = arith.constant 0 : i32
          %dma_start3A_135 = tpu.memref_slice %arg3[%add3A_132, %dma_start3A_134] : memref<2560x128xi32, #tpu.memory_space<hbm>> -> memref<16x128xi32, #tpu.memory_space<hbm>>
          tpu.enqueue_dma source(%dma_start3A_135 : memref<16x128xi32, #tpu.memory_space<hbm>>) target(%arg7 : memref<16x128xi32, #tpu.memory_space<vmem>>) target_semaphore(%run_scoped3A : memref<!tpu.dma_semaphore, #tpu.memory_space<semaphore_mem>>)
          %dma_wait3A = arith.constant 0 : i32
          %dma_wait3A_136 = tpu.memref_slice %arg3[%add3A_132, %dma_wait3A] : memref<2560x128xi32, #tpu.memory_space<hbm>> -> memref<16x128xi32, #tpu.memory_space<hbm>>
          %dma_wait3A_137 = arith.constant 0 : i32
          %dma_wait3A_138 = tpu.memref_slice %arg3[%add3A_132, %dma_wait3A_137] : memref<2560x128xi32, #tpu.memory_space<hbm>> -> memref<16x128xi32, #tpu.memory_space<hbm>>
          tpu.wait_dma2 semaphore(%run_scoped3A : memref<!tpu.dma_semaphore, #tpu.memory_space<semaphore_mem>>) src(%dma_wait3A_138 : memref<16x128xi32, #tpu.memory_space<hbm>>) dst(%arg7 : memref<16x128xi32, #tpu.memory_space<vmem>>)
          tpu.yield
        }) : () -> ()
      } else {
      }
      %jit3A_74 = arith.constant 16 : i32
      %eq3A_75 = arith.constant 0 : i32
      %eq3A_76 = arith.cmpi eq, %jit3A_74, %eq3A_75 : i32
      %jit3A_77 = arith.constant 1 : i32
      %select_n3A_78 = arith.select %eq3A_76, %jit3A_77, %jit3A_74 : i32
      %rem3A_79 = arith.remsi %scan3A_61, %select_n3A_78 : i32
      %ne3A_80 = arith.constant 0 : i32
      %ne3A_81 = arith.cmpi ne, %rem3A_79, %ne3A_80 : i32
      %lt3A_82 = arith.constant 0 : i32
      %lt3A_83 = arith.cmpi slt, %rem3A_79, %lt3A_82 : i32
      %lt3A_84 = arith.constant 0 : i32
      %lt3A_85 = arith.cmpi slt, %select_n3A_78, %lt3A_84 : i32
      %ne3A_86 = arith.xori %lt3A_83, %lt3A_85 : i1
      %and3A_87 = arith.andi %ne3A_86, %ne3A_81 : i1
      %add3A_88 = arith.addi %rem3A_79, %select_n3A_78 : i32
      %select_n3A_89 = arith.select %and3A_87, %add3A_88, %rem3A_79 : i32
      "tpu.region"() ({
        %run_scoped3A = tpu.sem_alloc : memref<!tpu.dma_semaphore, #tpu.memory_space<semaphore_mem>>
        %dma_start3A = arith.constant 0 : i32
        %dma_start3A_106 = tpu.memref_slice %arg6[%select_n3A_89, %dma_start3A] : memref<16x128xi32, #tpu.memory_space<vmem>> -> memref<1x128xi32, #tpu.memory_space<vmem>>
        %dma_start3A_107 = tpu.memref_squeeze %dma_start3A_106 : memref<1x128xi32, #tpu.memory_space<vmem>> -> memref<128xi32, #tpu.memory_space<vmem>>
        %dma_start3A_108 = arith.constant 0 : i32
        %dma_start3A_109 = tpu.memref_slice %arg10[%dma_start3A_108] : memref<10240xf32, #tpu.memory_space<vmem_shared>> -> memref<10240xf32, #tpu.memory_space<vmem_shared>>
        tpu.enqueue_indirect_dma source(%arg8 : memref<128xf32, #tpu.memory_space<vmem>>) target(%dma_start3A_109 : memref<10240xf32, #tpu.memory_space<vmem_shared>>) offsets(%dma_start3A_107 : memref<128xi32, #tpu.memory_space<vmem>>) semaphore(%run_scoped3A : memref<!tpu.dma_semaphore, #tpu.memory_space<semaphore_mem>>) {add = true}
        %dma_wait3A = arith.constant 0 : i32
        %dma_wait3A_110 = tpu.memref_slice %arg6[%select_n3A_89, %dma_wait3A] : memref<16x128xi32, #tpu.memory_space<vmem>> -> memref<1x128xi32, #tpu.memory_space<vmem>>
        %dma_wait3A_111 = tpu.memref_squeeze %dma_wait3A_110 : memref<1x128xi32, #tpu.memory_space<vmem>> -> memref<128xi32, #tpu.memory_space<vmem>>
        %dma_wait3A_112 = arith.constant 0 : i32
        %dma_wait3A_113 = tpu.memref_slice %arg10[%dma_wait3A_112] : memref<10240xf32, #tpu.memory_space<vmem_shared>> -> memref<10240xf32, #tpu.memory_space<vmem_shared>>
        tpu.wait_indirect_dma semaphore(%run_scoped3A : memref<!tpu.dma_semaphore, #tpu.memory_space<semaphore_mem>>) src(%arg8 : memref<128xf32, #tpu.memory_space<vmem>>) dst(%dma_wait3A_113 : memref<10240xf32, #tpu.memory_space<vmem_shared>>)
        tpu.yield
      }) : () -> ()
      %jit3A_90 = arith.constant 16 : i32
      %eq3A_91 = arith.constant 0 : i32
      %eq3A_92 = arith.cmpi eq, %jit3A_90, %eq3A_91 : i32
      %jit3A_93 = arith.constant 1 : i32
      %select_n3A_94 = arith.select %eq3A_92, %jit3A_93, %jit3A_90 : i32
      %rem3A_95 = arith.remsi %scan3A_61, %select_n3A_94 : i32
      %ne3A_96 = arith.constant 0 : i32
      %ne3A_97 = arith.cmpi ne, %rem3A_95, %ne3A_96 : i32
      %lt3A_98 = arith.constant 0 : i32
      %lt3A_99 = arith.cmpi slt, %rem3A_95, %lt3A_98 : i32
      %lt3A_100 = arith.constant 0 : i32
      %lt3A_101 = arith.cmpi slt, %select_n3A_94, %lt3A_100 : i32
      %ne3A_102 = arith.xori %lt3A_99, %lt3A_101 : i1
      %and3A_103 = arith.andi %ne3A_102, %ne3A_97 : i1
      %add3A_104 = arith.addi %rem3A_95, %select_n3A_94 : i32
      %select_n3A_105 = arith.select %and3A_103, %add3A_104, %rem3A_95 : i32
      "tpu.region"() ({
        %run_scoped3A = tpu.sem_alloc : memref<!tpu.dma_semaphore, #tpu.memory_space<semaphore_mem>>
        %dma_start3A = arith.constant 0 : i32
        %dma_start3A_106 = tpu.memref_slice %arg7[%select_n3A_105, %dma_start3A] : memref<16x128xi32, #tpu.memory_space<vmem>> -> memref<1x128xi32, #tpu.memory_space<vmem>>
        %dma_start3A_107 = tpu.memref_squeeze %dma_start3A_106 : memref<1x128xi32, #tpu.memory_space<vmem>> -> memref<128xi32, #tpu.memory_space<vmem>>
        %dma_start3A_108 = arith.constant 0 : i32
        %dma_start3A_109 = tpu.memref_slice %arg11[%dma_start3A_108] : memref<10240xf32, #tpu.memory_space<vmem_shared>> -> memref<10240xf32, #tpu.memory_space<vmem_shared>>
        tpu.enqueue_indirect_dma source(%arg8 : memref<128xf32, #tpu.memory_space<vmem>>) target(%dma_start3A_109 : memref<10240xf32, #tpu.memory_space<vmem_shared>>) offsets(%dma_start3A_107 : memref<128xi32, #tpu.memory_space<vmem>>) semaphore(%run_scoped3A : memref<!tpu.dma_semaphore, #tpu.memory_space<semaphore_mem>>) {add = true}
        %dma_wait3A = arith.constant 0 : i32
        %dma_wait3A_110 = tpu.memref_slice %arg7[%select_n3A_105, %dma_wait3A] : memref<16x128xi32, #tpu.memory_space<vmem>> -> memref<1x128xi32, #tpu.memory_space<vmem>>
        %dma_wait3A_111 = tpu.memref_squeeze %dma_wait3A_110 : memref<1x128xi32, #tpu.memory_space<vmem>> -> memref<128xi32, #tpu.memory_space<vmem>>
        %dma_wait3A_112 = arith.constant 0 : i32
        %dma_wait3A_113 = tpu.memref_slice %arg11[%dma_wait3A_112] : memref<10240xf32, #tpu.memory_space<vmem_shared>> -> memref<10240xf32, #tpu.memory_space<vmem_shared>>
        tpu.wait_indirect_dma semaphore(%run_scoped3A : memref<!tpu.dma_semaphore, #tpu.memory_space<semaphore_mem>>) src(%arg8 : memref<128xf32, #tpu.memory_space<vmem>>) dst(%dma_wait3A_113 : memref<10240xf32, #tpu.memory_space<vmem_shared>>)
        tpu.yield
      }) : () -> ()
    }
    %scan3A_51 = arith.constant 80 : i32
    %barrier3A_52 = arith.constant 0 : index
    tpu.barrier barrier_id(%barrier3A_52)
    %mul3A_53 = arith.constant 640 : i32
    %mul3A_54 = arith.muli %arg1, %mul3A_53 : i32
    "tpu.region"() ({
      %run_scoped3A = tpu.sem_alloc : memref<!tpu.dma_semaphore, #tpu.memory_space<semaphore_mem>>
      %dma_start3A = tpu.memref_slice %arg10[%mul3A_54] : memref<10240xf32, #tpu.memory_space<vmem_shared>> -> memref<640xf32, #tpu.memory_space<vmem_shared>>
      %dma_start3A_61 = tpu.memref_slice %arg10[%mul3A_54] : memref<10240xf32, #tpu.memory_space<vmem_shared>> -> memref<640xf32, #tpu.memory_space<vmem_shared>>
      tpu.enqueue_dma source(%dma_start3A_61 : memref<640xf32, #tpu.memory_space<vmem_shared>>) target(%arg9 : memref<640xf32, #tpu.memory_space<vmem>>) target_semaphore(%run_scoped3A : memref<!tpu.dma_semaphore, #tpu.memory_space<semaphore_mem>>)
      %dma_wait3A = tpu.memref_slice %arg10[%mul3A_54] : memref<10240xf32, #tpu.memory_space<vmem_shared>> -> memref<640xf32, #tpu.memory_space<vmem_shared>>
      %dma_wait3A_62 = tpu.memref_slice %arg10[%mul3A_54] : memref<10240xf32, #tpu.memory_space<vmem_shared>> -> memref<640xf32, #tpu.memory_space<vmem_shared>>
      tpu.wait_dma2 semaphore(%run_scoped3A : memref<!tpu.dma_semaphore, #tpu.memory_space<semaphore_mem>>) src(%dma_wait3A_62 : memref<640xf32, #tpu.memory_space<vmem_shared>>) dst(%arg9 : memref<640xf32, #tpu.memory_space<vmem>>)
      tpu.yield
    }) : () -> ()
    %mul3A_55 = arith.constant 640 : i32
    %mul3A_56 = arith.muli %arg1, %mul3A_55 : i32
    "tpu.region"() ({
      %run_scoped3A = tpu.sem_alloc : memref<!tpu.dma_semaphore, #tpu.memory_space<semaphore_mem>>
      %dma_start3A = tpu.memref_slice %arg4[%arg0, %mul3A_56] : memref<2x10240xf32, #tpu.memory_space<hbm>> -> memref<1x640xf32, #tpu.memory_space<hbm>>
      %dma_start3A_61 = tpu.memref_squeeze %dma_start3A : memref<1x640xf32, #tpu.memory_space<hbm>> -> memref<640xf32, #tpu.memory_space<hbm>>
      %dma_start3A_62 = tpu.memref_slice %arg4[%arg0, %mul3A_56] : memref<2x10240xf32, #tpu.memory_space<hbm>> -> memref<1x640xf32, #tpu.memory_space<hbm>>
      %dma_start3A_63 = tpu.memref_squeeze %dma_start3A_62 : memref<1x640xf32, #tpu.memory_space<hbm>> -> memref<640xf32, #tpu.memory_space<hbm>>
      tpu.enqueue_dma source(%arg9 : memref<640xf32, #tpu.memory_space<vmem>>) target(%dma_start3A_63 : memref<640xf32, #tpu.memory_space<hbm>>) target_semaphore(%run_scoped3A : memref<!tpu.dma_semaphore, #tpu.memory_space<semaphore_mem>>)
      %dma_wait3A = tpu.memref_slice %arg4[%arg0, %mul3A_56] : memref<2x10240xf32, #tpu.memory_space<hbm>> -> memref<1x640xf32, #tpu.memory_space<hbm>>
      %dma_wait3A_64 = tpu.memref_squeeze %dma_wait3A : memref<1x640xf32, #tpu.memory_space<hbm>> -> memref<640xf32, #tpu.memory_space<hbm>>
      %dma_wait3A_65 = tpu.memref_slice %arg4[%arg0, %mul3A_56] : memref<2x10240xf32, #tpu.memory_space<hbm>> -> memref<1x640xf32, #tpu.memory_space<hbm>>
      %dma_wait3A_66 = tpu.memref_squeeze %dma_wait3A_65 : memref<1x640xf32, #tpu.memory_space<hbm>> -> memref<640xf32, #tpu.memory_space<hbm>>
      tpu.wait_dma2 semaphore(%run_scoped3A : memref<!tpu.dma_semaphore, #tpu.memory_space<semaphore_mem>>) src(%arg9 : memref<640xf32, #tpu.memory_space<vmem>>) dst(%dma_wait3A_66 : memref<640xf32, #tpu.memory_space<hbm>>)
      tpu.yield
    }) : () -> ()
    %mul3A_57 = arith.constant 640 : i32
    %mul3A_58 = arith.muli %arg1, %mul3A_57 : i32
    "tpu.region"() ({
      %run_scoped3A = tpu.sem_alloc : memref<!tpu.dma_semaphore, #tpu.memory_space<semaphore_mem>>
      %dma_start3A = tpu.memref_slice %arg11[%mul3A_58] : memref<10240xf32, #tpu.memory_space<vmem_shared>> -> memref<640xf32, #tpu.memory_space<vmem_shared>>
      %dma_start3A_61 = tpu.memref_slice %arg11[%mul3A_58] : memref<10240xf32, #tpu.memory_space<vmem_shared>> -> memref<640xf32, #tpu.memory_space<vmem_shared>>
      tpu.enqueue_dma source(%dma_start3A_61 : memref<640xf32, #tpu.memory_space<vmem_shared>>) target(%arg9 : memref<640xf32, #tpu.memory_space<vmem>>) target_semaphore(%run_scoped3A : memref<!tpu.dma_semaphore, #tpu.memory_space<semaphore_mem>>)
      %dma_wait3A = tpu.memref_slice %arg11[%mul3A_58] : memref<10240xf32, #tpu.memory_space<vmem_shared>> -> memref<640xf32, #tpu.memory_space<vmem_shared>>
      %dma_wait3A_62 = tpu.memref_slice %arg11[%mul3A_58] : memref<10240xf32, #tpu.memory_space<vmem_shared>> -> memref<640xf32, #tpu.memory_space<vmem_shared>>
      tpu.wait_dma2 semaphore(%run_scoped3A : memref<!tpu.dma_semaphore, #tpu.memory_space<semaphore_mem>>) src(%dma_wait3A_62 : memref<640xf32, #tpu.memory_space<vmem_shared>>) dst(%arg9 : memref<640xf32, #tpu.memory_space<vmem>>)
      tpu.yield
    }) : () -> ()
    %mul3A_59 = arith.constant 640 : i32
    %mul3A_60 = arith.muli %arg1, %mul3A_59 : i32
    "tpu.region"() ({
      %run_scoped3A = tpu.sem_alloc : memref<!tpu.dma_semaphore, #tpu.memory_space<semaphore_mem>>
      %dma_start3A = tpu.memref_slice %arg5[%arg0, %mul3A_60] : memref<2x10240xf32, #tpu.memory_space<hbm>> -> memref<1x640xf32, #tpu.memory_space<hbm>>
      %dma_start3A_61 = tpu.memref_squeeze %dma_start3A : memref<1x640xf32, #tpu.memory_space<hbm>> -> memref<640xf32, #tpu.memory_space<hbm>>
      %dma_start3A_62 = tpu.memref_slice %arg5[%arg0, %mul3A_60] : memref<2x10240xf32, #tpu.memory_space<hbm>> -> memref<1x640xf32, #tpu.memory_space<hbm>>
      %dma_start3A_63 = tpu.memref_squeeze %dma_start3A_62 : memref<1x640xf32, #tpu.memory_space<hbm>> -> memref<640xf32, #tpu.memory_space<hbm>>
      tpu.enqueue_dma source(%arg9 : memref<640xf32, #tpu.memory_space<vmem>>) target(%dma_start3A_63 : memref<640xf32, #tpu.memory_space<hbm>>) target_semaphore(%run_scoped3A : memref<!tpu.dma_semaphore, #tpu.memory_space<semaphore_mem>>)
      %dma_wait3A = tpu.memref_slice %arg5[%arg0, %mul3A_60] : memref<2x10240xf32, #tpu.memory_space<hbm>> -> memref<1x640xf32, #tpu.memory_space<hbm>>
      %dma_wait3A_64 = tpu.memref_squeeze %dma_wait3A : memref<1x640xf32, #tpu.memory_space<hbm>> -> memref<640xf32, #tpu.memory_space<hbm>>
      %dma_wait3A_65 = tpu.memref_slice %arg5[%arg0, %mul3A_60] : memref<2x10240xf32, #tpu.memory_space<hbm>> -> memref<1x640xf32, #tpu.memory_space<hbm>>
      %dma_wait3A_66 = tpu.memref_squeeze %dma_wait3A_65 : memref<1x640xf32, #tpu.memory_space<hbm>> -> memref<640xf32, #tpu.memory_space<hbm>>
      tpu.wait_dma2 semaphore(%run_scoped3A : memref<!tpu.dma_semaphore, #tpu.memory_space<semaphore_mem>>) src(%arg9 : memref<640xf32, #tpu.memory_space<vmem>>) dst(%dma_wait3A_66 : memref<640xf32, #tpu.memory_space<hbm>>)
      tpu.yield
    }) : () -> ()
    return
  }
}

#map = affine_map<(d0, d1) -> (0, 0)>
#map1 = affine_map<(d0, d1) -> (0, 0, 0)>
module attributes {stable_mosaic.version = 14 : i64} {
  func.func @_prop_body(%arg0: i32, %arg1: i32, %arg2: memref<10240x128xf32, #tpu.memory_space<hbm>>, %arg3: memref<2560x128xi32, #tpu.memory_space<hbm>>, %arg4: memref<2560x128xi32, #tpu.memory_space<hbm>>, %arg5: memref<128x128xf32, #tpu.memory_space<hbm>>, %arg6: memref<2x10240x128xf32, #tpu.memory_space<hbm>>, %arg7: memref<2x16x128xi32, #tpu.memory_space<vmem>>, %arg8: memref<2x16x128xi32, #tpu.memory_space<vmem>>, %arg9: memref<128x128xf32, #tpu.memory_space<vmem>>, %arg10: memref<128x128xf32, #tpu.memory_space<vmem>>, %arg11: memref<10240x128xf32, #tpu.memory_space<vmem_shared>>, %arg12: memref<!tpu.dma_semaphore, #tpu.memory_space<semaphore_mem>>, %arg13: memref<!tpu.dma_semaphore, #tpu.memory_space<semaphore_mem>>) attributes {dimension_semantics = [#tpu.dimension_semantics<core_parallel>, #tpu.dimension_semantics<subcore_parallel>], iteration_bounds = array<i64: 2, 16>, scalar_prefetch = 0 : i64, scratch_operands = 7 : i64, tpu.core_type = #tpu.core_type<sc_vector_subcore>, window_params = [{transform_indices = #map}, {transform_indices = #map}, {transform_indices = #map}, {transform_indices = #map}, {transform_indices = #map1}]} {
    %mul3A = arith.constant 16 : i32
    %mul3A_0 = arith.muli %arg0, %mul3A : i32
    %add3A = arith.addi %mul3A_0, %arg1 : i32
    %mul3A_1 = arith.constant 80 : i32
    %mul3A_2 = arith.muli %add3A, %mul3A_1 : i32
    "tpu.region"() ({
      %run_scoped3A_110 = tpu.sem_alloc : memref<!tpu.dma_semaphore, #tpu.memory_space<semaphore_mem>>
      tpu.enqueue_dma source(%arg5 : memref<128x128xf32, #tpu.memory_space<hbm>>) target(%arg9 : memref<128x128xf32, #tpu.memory_space<vmem>>) target_semaphore(%run_scoped3A_110 : memref<!tpu.dma_semaphore, #tpu.memory_space<semaphore_mem>>)
      tpu.wait_dma2 semaphore(%run_scoped3A_110 : memref<!tpu.dma_semaphore, #tpu.memory_space<semaphore_mem>>) src(%arg5 : memref<128x128xf32, #tpu.memory_space<hbm>>) dst(%arg9 : memref<128x128xf32, #tpu.memory_space<vmem>>)
      tpu.yield
    }) : () -> ()
    %mul3A_3 = arith.constant 640 : i32
    %mul3A_4 = arith.muli %arg1, %mul3A_3 : i32
    %add3A_5 = arith.constant 0 : i32
    %add3A_6 = arith.addi %mul3A_4, %add3A_5 : i32
    "tpu.region"() ({
      %run_scoped3A_110 = tpu.sem_alloc : memref<!tpu.dma_semaphore, #tpu.memory_space<semaphore_mem>>
      %dma_start3A_111 = arith.constant 0 : i32
      %dma_start3A_112 = tpu.memref_slice %arg11[%add3A_6, %dma_start3A_111] : memref<10240x128xf32, #tpu.memory_space<vmem_shared>> -> memref<128x128xf32, #tpu.memory_space<vmem_shared>>
      %dma_start3A_113 = arith.constant 0 : i32
      %dma_start3A_114 = tpu.memref_slice %arg11[%add3A_6, %dma_start3A_113] : memref<10240x128xf32, #tpu.memory_space<vmem_shared>> -> memref<128x128xf32, #tpu.memory_space<vmem_shared>>
      tpu.enqueue_dma source(%arg9 : memref<128x128xf32, #tpu.memory_space<vmem>>) target(%dma_start3A_114 : memref<128x128xf32, #tpu.memory_space<vmem_shared>>) target_semaphore(%run_scoped3A_110 : memref<!tpu.dma_semaphore, #tpu.memory_space<semaphore_mem>>)
      %dma_wait3A_115 = arith.constant 0 : i32
      %dma_wait3A_116 = tpu.memref_slice %arg11[%add3A_6, %dma_wait3A_115] : memref<10240x128xf32, #tpu.memory_space<vmem_shared>> -> memref<128x128xf32, #tpu.memory_space<vmem_shared>>
      %dma_wait3A_117 = arith.constant 0 : i32
      %dma_wait3A_118 = tpu.memref_slice %arg11[%add3A_6, %dma_wait3A_117] : memref<10240x128xf32, #tpu.memory_space<vmem_shared>> -> memref<128x128xf32, #tpu.memory_space<vmem_shared>>
      tpu.wait_dma2 semaphore(%run_scoped3A_110 : memref<!tpu.dma_semaphore, #tpu.memory_space<semaphore_mem>>) src(%arg9 : memref<128x128xf32, #tpu.memory_space<vmem>>) dst(%dma_wait3A_118 : memref<128x128xf32, #tpu.memory_space<vmem_shared>>)
      tpu.yield
    }) : () -> ()
    %mul3A_7 = arith.constant 640 : i32
    %mul3A_8 = arith.muli %arg1, %mul3A_7 : i32
    %add3A_9 = arith.constant 128 : i32
    %add3A_10 = arith.addi %mul3A_8, %add3A_9 : i32
    "tpu.region"() ({
      %run_scoped3A_110 = tpu.sem_alloc : memref<!tpu.dma_semaphore, #tpu.memory_space<semaphore_mem>>
      %dma_start3A_111 = arith.constant 0 : i32
      %dma_start3A_112 = tpu.memref_slice %arg11[%add3A_10, %dma_start3A_111] : memref<10240x128xf32, #tpu.memory_space<vmem_shared>> -> memref<128x128xf32, #tpu.memory_space<vmem_shared>>
      %dma_start3A_113 = arith.constant 0 : i32
      %dma_start3A_114 = tpu.memref_slice %arg11[%add3A_10, %dma_start3A_113] : memref<10240x128xf32, #tpu.memory_space<vmem_shared>> -> memref<128x128xf32, #tpu.memory_space<vmem_shared>>
      tpu.enqueue_dma source(%arg9 : memref<128x128xf32, #tpu.memory_space<vmem>>) target(%dma_start3A_114 : memref<128x128xf32, #tpu.memory_space<vmem_shared>>) target_semaphore(%run_scoped3A_110 : memref<!tpu.dma_semaphore, #tpu.memory_space<semaphore_mem>>)
      %dma_wait3A_115 = arith.constant 0 : i32
      %dma_wait3A_116 = tpu.memref_slice %arg11[%add3A_10, %dma_wait3A_115] : memref<10240x128xf32, #tpu.memory_space<vmem_shared>> -> memref<128x128xf32, #tpu.memory_space<vmem_shared>>
      %dma_wait3A_117 = arith.constant 0 : i32
      %dma_wait3A_118 = tpu.memref_slice %arg11[%add3A_10, %dma_wait3A_117] : memref<10240x128xf32, #tpu.memory_space<vmem_shared>> -> memref<128x128xf32, #tpu.memory_space<vmem_shared>>
      tpu.wait_dma2 semaphore(%run_scoped3A_110 : memref<!tpu.dma_semaphore, #tpu.memory_space<semaphore_mem>>) src(%arg9 : memref<128x128xf32, #tpu.memory_space<vmem>>) dst(%dma_wait3A_118 : memref<128x128xf32, #tpu.memory_space<vmem_shared>>)
      tpu.yield
    }) : () -> ()
    %mul3A_11 = arith.constant 640 : i32
    %mul3A_12 = arith.muli %arg1, %mul3A_11 : i32
    %add3A_13 = arith.constant 256 : i32
    %add3A_14 = arith.addi %mul3A_12, %add3A_13 : i32
    "tpu.region"() ({
      %run_scoped3A_110 = tpu.sem_alloc : memref<!tpu.dma_semaphore, #tpu.memory_space<semaphore_mem>>
      %dma_start3A_111 = arith.constant 0 : i32
      %dma_start3A_112 = tpu.memref_slice %arg11[%add3A_14, %dma_start3A_111] : memref<10240x128xf32, #tpu.memory_space<vmem_shared>> -> memref<128x128xf32, #tpu.memory_space<vmem_shared>>
      %dma_start3A_113 = arith.constant 0 : i32
      %dma_start3A_114 = tpu.memref_slice %arg11[%add3A_14, %dma_start3A_113] : memref<10240x128xf32, #tpu.memory_space<vmem_shared>> -> memref<128x128xf32, #tpu.memory_space<vmem_shared>>
      tpu.enqueue_dma source(%arg9 : memref<128x128xf32, #tpu.memory_space<vmem>>) target(%dma_start3A_114 : memref<128x128xf32, #tpu.memory_space<vmem_shared>>) target_semaphore(%run_scoped3A_110 : memref<!tpu.dma_semaphore, #tpu.memory_space<semaphore_mem>>)
      %dma_wait3A_115 = arith.constant 0 : i32
      %dma_wait3A_116 = tpu.memref_slice %arg11[%add3A_14, %dma_wait3A_115] : memref<10240x128xf32, #tpu.memory_space<vmem_shared>> -> memref<128x128xf32, #tpu.memory_space<vmem_shared>>
      %dma_wait3A_117 = arith.constant 0 : i32
      %dma_wait3A_118 = tpu.memref_slice %arg11[%add3A_14, %dma_wait3A_117] : memref<10240x128xf32, #tpu.memory_space<vmem_shared>> -> memref<128x128xf32, #tpu.memory_space<vmem_shared>>
      tpu.wait_dma2 semaphore(%run_scoped3A_110 : memref<!tpu.dma_semaphore, #tpu.memory_space<semaphore_mem>>) src(%arg9 : memref<128x128xf32, #tpu.memory_space<vmem>>) dst(%dma_wait3A_118 : memref<128x128xf32, #tpu.memory_space<vmem_shared>>)
      tpu.yield
    }) : () -> ()
    %mul3A_15 = arith.constant 640 : i32
    %mul3A_16 = arith.muli %arg1, %mul3A_15 : i32
    %add3A_17 = arith.constant 384 : i32
    %add3A_18 = arith.addi %mul3A_16, %add3A_17 : i32
    "tpu.region"() ({
      %run_scoped3A_110 = tpu.sem_alloc : memref<!tpu.dma_semaphore, #tpu.memory_space<semaphore_mem>>
      %dma_start3A_111 = arith.constant 0 : i32
      %dma_start3A_112 = tpu.memref_slice %arg11[%add3A_18, %dma_start3A_111] : memref<10240x128xf32, #tpu.memory_space<vmem_shared>> -> memref<128x128xf32, #tpu.memory_space<vmem_shared>>
      %dma_start3A_113 = arith.constant 0 : i32
      %dma_start3A_114 = tpu.memref_slice %arg11[%add3A_18, %dma_start3A_113] : memref<10240x128xf32, #tpu.memory_space<vmem_shared>> -> memref<128x128xf32, #tpu.memory_space<vmem_shared>>
      tpu.enqueue_dma source(%arg9 : memref<128x128xf32, #tpu.memory_space<vmem>>) target(%dma_start3A_114 : memref<128x128xf32, #tpu.memory_space<vmem_shared>>) target_semaphore(%run_scoped3A_110 : memref<!tpu.dma_semaphore, #tpu.memory_space<semaphore_mem>>)
      %dma_wait3A_115 = arith.constant 0 : i32
      %dma_wait3A_116 = tpu.memref_slice %arg11[%add3A_18, %dma_wait3A_115] : memref<10240x128xf32, #tpu.memory_space<vmem_shared>> -> memref<128x128xf32, #tpu.memory_space<vmem_shared>>
      %dma_wait3A_117 = arith.constant 0 : i32
      %dma_wait3A_118 = tpu.memref_slice %arg11[%add3A_18, %dma_wait3A_117] : memref<10240x128xf32, #tpu.memory_space<vmem_shared>> -> memref<128x128xf32, #tpu.memory_space<vmem_shared>>
      tpu.wait_dma2 semaphore(%run_scoped3A_110 : memref<!tpu.dma_semaphore, #tpu.memory_space<semaphore_mem>>) src(%arg9 : memref<128x128xf32, #tpu.memory_space<vmem>>) dst(%dma_wait3A_118 : memref<128x128xf32, #tpu.memory_space<vmem_shared>>)
      tpu.yield
    }) : () -> ()
    %mul3A_19 = arith.constant 640 : i32
    %mul3A_20 = arith.muli %arg1, %mul3A_19 : i32
    %add3A_21 = arith.constant 512 : i32
    %add3A_22 = arith.addi %mul3A_20, %add3A_21 : i32
    "tpu.region"() ({
      %run_scoped3A_110 = tpu.sem_alloc : memref<!tpu.dma_semaphore, #tpu.memory_space<semaphore_mem>>
      %dma_start3A_111 = arith.constant 0 : i32
      %dma_start3A_112 = tpu.memref_slice %arg11[%add3A_22, %dma_start3A_111] : memref<10240x128xf32, #tpu.memory_space<vmem_shared>> -> memref<128x128xf32, #tpu.memory_space<vmem_shared>>
      %dma_start3A_113 = arith.constant 0 : i32
      %dma_start3A_114 = tpu.memref_slice %arg11[%add3A_22, %dma_start3A_113] : memref<10240x128xf32, #tpu.memory_space<vmem_shared>> -> memref<128x128xf32, #tpu.memory_space<vmem_shared>>
      tpu.enqueue_dma source(%arg9 : memref<128x128xf32, #tpu.memory_space<vmem>>) target(%dma_start3A_114 : memref<128x128xf32, #tpu.memory_space<vmem_shared>>) target_semaphore(%run_scoped3A_110 : memref<!tpu.dma_semaphore, #tpu.memory_space<semaphore_mem>>)
      %dma_wait3A_115 = arith.constant 0 : i32
      %dma_wait3A_116 = tpu.memref_slice %arg11[%add3A_22, %dma_wait3A_115] : memref<10240x128xf32, #tpu.memory_space<vmem_shared>> -> memref<128x128xf32, #tpu.memory_space<vmem_shared>>
      %dma_wait3A_117 = arith.constant 0 : i32
      %dma_wait3A_118 = tpu.memref_slice %arg11[%add3A_22, %dma_wait3A_117] : memref<10240x128xf32, #tpu.memory_space<vmem_shared>> -> memref<128x128xf32, #tpu.memory_space<vmem_shared>>
      tpu.wait_dma2 semaphore(%run_scoped3A_110 : memref<!tpu.dma_semaphore, #tpu.memory_space<semaphore_mem>>) src(%arg9 : memref<128x128xf32, #tpu.memory_space<vmem>>) dst(%dma_wait3A_118 : memref<128x128xf32, #tpu.memory_space<vmem_shared>>)
      tpu.yield
    }) : () -> ()
    %run_scoped3A = arith.constant 0 : i32
    "tpu.region"() ({
      %run_scoped3A_110 = tpu.sem_alloc : memref<!tpu.dma_semaphore, #tpu.memory_space<semaphore_mem>>
      %dma_start3A_111 = arith.constant 0 : i32
      %dma_start3A_112 = arith.constant 0 : i32
      %dma_start3A_113 = tpu.memref_slice %arg7[%run_scoped3A, %dma_start3A_111, %dma_start3A_112] : memref<2x16x128xi32, #tpu.memory_space<vmem>> -> memref<1x16x128xi32, #tpu.memory_space<vmem>>
      %dma_start3A_114 = tpu.memref_squeeze %dma_start3A_113 : memref<1x16x128xi32, #tpu.memory_space<vmem>> -> memref<16x128xi32, #tpu.memory_space<vmem>>
      %dma_start3A_115 = arith.constant 0 : i32
      %dma_start3A_116 = tpu.memref_slice %arg3[%mul3A_2, %dma_start3A_115] : memref<2560x128xi32, #tpu.memory_space<hbm>> -> memref<16x128xi32, #tpu.memory_space<hbm>>
      %dma_start3A_117 = arith.constant 0 : i32
      %dma_start3A_118 = arith.constant 0 : i32
      %dma_start3A_119 = tpu.memref_slice %arg7[%run_scoped3A, %dma_start3A_117, %dma_start3A_118] : memref<2x16x128xi32, #tpu.memory_space<vmem>> -> memref<1x16x128xi32, #tpu.memory_space<vmem>>
      %dma_start3A_120 = tpu.memref_squeeze %dma_start3A_119 : memref<1x16x128xi32, #tpu.memory_space<vmem>> -> memref<16x128xi32, #tpu.memory_space<vmem>>
      %dma_start3A_121 = arith.constant 0 : i32
      %dma_start3A_122 = tpu.memref_slice %arg3[%mul3A_2, %dma_start3A_121] : memref<2560x128xi32, #tpu.memory_space<hbm>> -> memref<16x128xi32, #tpu.memory_space<hbm>>
      tpu.enqueue_dma source(%dma_start3A_122 : memref<16x128xi32, #tpu.memory_space<hbm>>) target(%dma_start3A_120 : memref<16x128xi32, #tpu.memory_space<vmem>>) target_semaphore(%run_scoped3A_110 : memref<!tpu.dma_semaphore, #tpu.memory_space<semaphore_mem>>)
      %dma_wait3A_123 = arith.constant 0 : i32
      %dma_wait3A_124 = arith.constant 0 : i32
      %dma_wait3A_125 = tpu.memref_slice %arg7[%run_scoped3A, %dma_wait3A_123, %dma_wait3A_124] : memref<2x16x128xi32, #tpu.memory_space<vmem>> -> memref<1x16x128xi32, #tpu.memory_space<vmem>>
      %dma_wait3A_126 = tpu.memref_squeeze %dma_wait3A_125 : memref<1x16x128xi32, #tpu.memory_space<vmem>> -> memref<16x128xi32, #tpu.memory_space<vmem>>
      %dma_wait3A_127 = arith.constant 0 : i32
      %dma_wait3A_128 = tpu.memref_slice %arg3[%mul3A_2, %dma_wait3A_127] : memref<2560x128xi32, #tpu.memory_space<hbm>> -> memref<16x128xi32, #tpu.memory_space<hbm>>
      %dma_wait3A_129 = arith.constant 0 : i32
      %dma_wait3A_130 = arith.constant 0 : i32
      %dma_wait3A_131 = tpu.memref_slice %arg7[%run_scoped3A, %dma_wait3A_129, %dma_wait3A_130] : memref<2x16x128xi32, #tpu.memory_space<vmem>> -> memref<1x16x128xi32, #tpu.memory_space<vmem>>
      %dma_wait3A_132 = tpu.memref_squeeze %dma_wait3A_131 : memref<1x16x128xi32, #tpu.memory_space<vmem>> -> memref<16x128xi32, #tpu.memory_space<vmem>>
      %dma_wait3A_133 = arith.constant 0 : i32
      %dma_wait3A_134 = tpu.memref_slice %arg3[%mul3A_2, %dma_wait3A_133] : memref<2560x128xi32, #tpu.memory_space<hbm>> -> memref<16x128xi32, #tpu.memory_space<hbm>>
      tpu.wait_dma2 semaphore(%run_scoped3A_110 : memref<!tpu.dma_semaphore, #tpu.memory_space<semaphore_mem>>) src(%dma_wait3A_134 : memref<16x128xi32, #tpu.memory_space<hbm>>) dst(%dma_wait3A_132 : memref<16x128xi32, #tpu.memory_space<vmem>>)
      tpu.yield
    }) : () -> ()
    %run_scoped3A_23 = arith.constant 0 : i32
    "tpu.region"() ({
      %run_scoped3A_110 = tpu.sem_alloc : memref<!tpu.dma_semaphore, #tpu.memory_space<semaphore_mem>>
      %dma_start3A_111 = arith.constant 0 : i32
      %dma_start3A_112 = arith.constant 0 : i32
      %dma_start3A_113 = tpu.memref_slice %arg8[%run_scoped3A_23, %dma_start3A_111, %dma_start3A_112] : memref<2x16x128xi32, #tpu.memory_space<vmem>> -> memref<1x16x128xi32, #tpu.memory_space<vmem>>
      %dma_start3A_114 = tpu.memref_squeeze %dma_start3A_113 : memref<1x16x128xi32, #tpu.memory_space<vmem>> -> memref<16x128xi32, #tpu.memory_space<vmem>>
      %dma_start3A_115 = arith.constant 0 : i32
      %dma_start3A_116 = tpu.memref_slice %arg4[%mul3A_2, %dma_start3A_115] : memref<2560x128xi32, #tpu.memory_space<hbm>> -> memref<16x128xi32, #tpu.memory_space<hbm>>
      %dma_start3A_117 = arith.constant 0 : i32
      %dma_start3A_118 = arith.constant 0 : i32
      %dma_start3A_119 = tpu.memref_slice %arg8[%run_scoped3A_23, %dma_start3A_117, %dma_start3A_118] : memref<2x16x128xi32, #tpu.memory_space<vmem>> -> memref<1x16x128xi32, #tpu.memory_space<vmem>>
      %dma_start3A_120 = tpu.memref_squeeze %dma_start3A_119 : memref<1x16x128xi32, #tpu.memory_space<vmem>> -> memref<16x128xi32, #tpu.memory_space<vmem>>
      %dma_start3A_121 = arith.constant 0 : i32
      %dma_start3A_122 = tpu.memref_slice %arg4[%mul3A_2, %dma_start3A_121] : memref<2560x128xi32, #tpu.memory_space<hbm>> -> memref<16x128xi32, #tpu.memory_space<hbm>>
      tpu.enqueue_dma source(%dma_start3A_122 : memref<16x128xi32, #tpu.memory_space<hbm>>) target(%dma_start3A_120 : memref<16x128xi32, #tpu.memory_space<vmem>>) target_semaphore(%run_scoped3A_110 : memref<!tpu.dma_semaphore, #tpu.memory_space<semaphore_mem>>)
      %dma_wait3A_123 = arith.constant 0 : i32
      %dma_wait3A_124 = arith.constant 0 : i32
      %dma_wait3A_125 = tpu.memref_slice %arg8[%run_scoped3A_23, %dma_wait3A_123, %dma_wait3A_124] : memref<2x16x128xi32, #tpu.memory_space<vmem>> -> memref<1x16x128xi32, #tpu.memory_space<vmem>>
      %dma_wait3A_126 = tpu.memref_squeeze %dma_wait3A_125 : memref<1x16x128xi32, #tpu.memory_space<vmem>> -> memref<16x128xi32, #tpu.memory_space<vmem>>
      %dma_wait3A_127 = arith.constant 0 : i32
      %dma_wait3A_128 = tpu.memref_slice %arg4[%mul3A_2, %dma_wait3A_127] : memref<2560x128xi32, #tpu.memory_space<hbm>> -> memref<16x128xi32, #tpu.memory_space<hbm>>
      %dma_wait3A_129 = arith.constant 0 : i32
      %dma_wait3A_130 = arith.constant 0 : i32
      %dma_wait3A_131 = tpu.memref_slice %arg8[%run_scoped3A_23, %dma_wait3A_129, %dma_wait3A_130] : memref<2x16x128xi32, #tpu.memory_space<vmem>> -> memref<1x16x128xi32, #tpu.memory_space<vmem>>
      %dma_wait3A_132 = tpu.memref_squeeze %dma_wait3A_131 : memref<1x16x128xi32, #tpu.memory_space<vmem>> -> memref<16x128xi32, #tpu.memory_space<vmem>>
      %dma_wait3A_133 = arith.constant 0 : i32
      %dma_wait3A_134 = tpu.memref_slice %arg4[%mul3A_2, %dma_wait3A_133] : memref<2560x128xi32, #tpu.memory_space<hbm>> -> memref<16x128xi32, #tpu.memory_space<hbm>>
      tpu.wait_dma2 semaphore(%run_scoped3A_110 : memref<!tpu.dma_semaphore, #tpu.memory_space<semaphore_mem>>) src(%dma_wait3A_134 : memref<16x128xi32, #tpu.memory_space<hbm>>) dst(%dma_wait3A_132 : memref<16x128xi32, #tpu.memory_space<vmem>>)
      tpu.yield
    }) : () -> ()
    %add3A_24 = arith.constant 16 : i32
    %add3A_25 = arith.addi %mul3A_2, %add3A_24 : i32
    %run_scoped3A_26 = arith.constant 1 : i32
    "tpu.region"() ({
      %run_scoped3A_110 = tpu.sem_alloc : memref<!tpu.dma_semaphore, #tpu.memory_space<semaphore_mem>>
      %dma_start3A_111 = arith.constant 0 : i32
      %dma_start3A_112 = arith.constant 0 : i32
      %dma_start3A_113 = tpu.memref_slice %arg7[%run_scoped3A_26, %dma_start3A_111, %dma_start3A_112] : memref<2x16x128xi32, #tpu.memory_space<vmem>> -> memref<1x16x128xi32, #tpu.memory_space<vmem>>
      %dma_start3A_114 = tpu.memref_squeeze %dma_start3A_113 : memref<1x16x128xi32, #tpu.memory_space<vmem>> -> memref<16x128xi32, #tpu.memory_space<vmem>>
      %dma_start3A_115 = arith.constant 0 : i32
      %dma_start3A_116 = tpu.memref_slice %arg3[%add3A_25, %dma_start3A_115] : memref<2560x128xi32, #tpu.memory_space<hbm>> -> memref<16x128xi32, #tpu.memory_space<hbm>>
      %dma_start3A_117 = arith.constant 0 : i32
      %dma_start3A_118 = arith.constant 0 : i32
      %dma_start3A_119 = tpu.memref_slice %arg7[%run_scoped3A_26, %dma_start3A_117, %dma_start3A_118] : memref<2x16x128xi32, #tpu.memory_space<vmem>> -> memref<1x16x128xi32, #tpu.memory_space<vmem>>
      %dma_start3A_120 = tpu.memref_squeeze %dma_start3A_119 : memref<1x16x128xi32, #tpu.memory_space<vmem>> -> memref<16x128xi32, #tpu.memory_space<vmem>>
      %dma_start3A_121 = arith.constant 0 : i32
      %dma_start3A_122 = tpu.memref_slice %arg3[%add3A_25, %dma_start3A_121] : memref<2560x128xi32, #tpu.memory_space<hbm>> -> memref<16x128xi32, #tpu.memory_space<hbm>>
      tpu.enqueue_dma source(%dma_start3A_122 : memref<16x128xi32, #tpu.memory_space<hbm>>) target(%dma_start3A_120 : memref<16x128xi32, #tpu.memory_space<vmem>>) target_semaphore(%run_scoped3A_110 : memref<!tpu.dma_semaphore, #tpu.memory_space<semaphore_mem>>)
      %dma_wait3A_123 = arith.constant 0 : i32
      %dma_wait3A_124 = arith.constant 0 : i32
      %dma_wait3A_125 = tpu.memref_slice %arg7[%run_scoped3A_26, %dma_wait3A_123, %dma_wait3A_124] : memref<2x16x128xi32, #tpu.memory_space<vmem>> -> memref<1x16x128xi32, #tpu.memory_space<vmem>>
      %dma_wait3A_126 = tpu.memref_squeeze %dma_wait3A_125 : memref<1x16x128xi32, #tpu.memory_space<vmem>> -> memref<16x128xi32, #tpu.memory_space<vmem>>
      %dma_wait3A_127 = arith.constant 0 : i32
      %dma_wait3A_128 = tpu.memref_slice %arg3[%add3A_25, %dma_wait3A_127] : memref<2560x128xi32, #tpu.memory_space<hbm>> -> memref<16x128xi32, #tpu.memory_space<hbm>>
      %dma_wait3A_129 = arith.constant 0 : i32
      %dma_wait3A_130 = arith.constant 0 : i32
      %dma_wait3A_131 = tpu.memref_slice %arg7[%run_scoped3A_26, %dma_wait3A_129, %dma_wait3A_130] : memref<2x16x128xi32, #tpu.memory_space<vmem>> -> memref<1x16x128xi32, #tpu.memory_space<vmem>>
      %dma_wait3A_132 = tpu.memref_squeeze %dma_wait3A_131 : memref<1x16x128xi32, #tpu.memory_space<vmem>> -> memref<16x128xi32, #tpu.memory_space<vmem>>
      %dma_wait3A_133 = arith.constant 0 : i32
      %dma_wait3A_134 = tpu.memref_slice %arg3[%add3A_25, %dma_wait3A_133] : memref<2560x128xi32, #tpu.memory_space<hbm>> -> memref<16x128xi32, #tpu.memory_space<hbm>>
      tpu.wait_dma2 semaphore(%run_scoped3A_110 : memref<!tpu.dma_semaphore, #tpu.memory_space<semaphore_mem>>) src(%dma_wait3A_134 : memref<16x128xi32, #tpu.memory_space<hbm>>) dst(%dma_wait3A_132 : memref<16x128xi32, #tpu.memory_space<vmem>>)
      tpu.yield
    }) : () -> ()
    %add3A_27 = arith.constant 16 : i32
    %add3A_28 = arith.addi %mul3A_2, %add3A_27 : i32
    %run_scoped3A_29 = arith.constant 1 : i32
    "tpu.region"() ({
      %run_scoped3A_110 = tpu.sem_alloc : memref<!tpu.dma_semaphore, #tpu.memory_space<semaphore_mem>>
      %dma_start3A_111 = arith.constant 0 : i32
      %dma_start3A_112 = arith.constant 0 : i32
      %dma_start3A_113 = tpu.memref_slice %arg8[%run_scoped3A_29, %dma_start3A_111, %dma_start3A_112] : memref<2x16x128xi32, #tpu.memory_space<vmem>> -> memref<1x16x128xi32, #tpu.memory_space<vmem>>
      %dma_start3A_114 = tpu.memref_squeeze %dma_start3A_113 : memref<1x16x128xi32, #tpu.memory_space<vmem>> -> memref<16x128xi32, #tpu.memory_space<vmem>>
      %dma_start3A_115 = arith.constant 0 : i32
      %dma_start3A_116 = tpu.memref_slice %arg4[%add3A_28, %dma_start3A_115] : memref<2560x128xi32, #tpu.memory_space<hbm>> -> memref<16x128xi32, #tpu.memory_space<hbm>>
      %dma_start3A_117 = arith.constant 0 : i32
      %dma_start3A_118 = arith.constant 0 : i32
      %dma_start3A_119 = tpu.memref_slice %arg8[%run_scoped3A_29, %dma_start3A_117, %dma_start3A_118] : memref<2x16x128xi32, #tpu.memory_space<vmem>> -> memref<1x16x128xi32, #tpu.memory_space<vmem>>
      %dma_start3A_120 = tpu.memref_squeeze %dma_start3A_119 : memref<1x16x128xi32, #tpu.memory_space<vmem>> -> memref<16x128xi32, #tpu.memory_space<vmem>>
      %dma_start3A_121 = arith.constant 0 : i32
      %dma_start3A_122 = tpu.memref_slice %arg4[%add3A_28, %dma_start3A_121] : memref<2560x128xi32, #tpu.memory_space<hbm>> -> memref<16x128xi32, #tpu.memory_space<hbm>>
      tpu.enqueue_dma source(%dma_start3A_122 : memref<16x128xi32, #tpu.memory_space<hbm>>) target(%dma_start3A_120 : memref<16x128xi32, #tpu.memory_space<vmem>>) target_semaphore(%run_scoped3A_110 : memref<!tpu.dma_semaphore, #tpu.memory_space<semaphore_mem>>)
      %dma_wait3A_123 = arith.constant 0 : i32
      %dma_wait3A_124 = arith.constant 0 : i32
      %dma_wait3A_125 = tpu.memref_slice %arg8[%run_scoped3A_29, %dma_wait3A_123, %dma_wait3A_124] : memref<2x16x128xi32, #tpu.memory_space<vmem>> -> memref<1x16x128xi32, #tpu.memory_space<vmem>>
      %dma_wait3A_126 = tpu.memref_squeeze %dma_wait3A_125 : memref<1x16x128xi32, #tpu.memory_space<vmem>> -> memref<16x128xi32, #tpu.memory_space<vmem>>
      %dma_wait3A_127 = arith.constant 0 : i32
      %dma_wait3A_128 = tpu.memref_slice %arg4[%add3A_28, %dma_wait3A_127] : memref<2560x128xi32, #tpu.memory_space<hbm>> -> memref<16x128xi32, #tpu.memory_space<hbm>>
      %dma_wait3A_129 = arith.constant 0 : i32
      %dma_wait3A_130 = arith.constant 0 : i32
      %dma_wait3A_131 = tpu.memref_slice %arg8[%run_scoped3A_29, %dma_wait3A_129, %dma_wait3A_130] : memref<2x16x128xi32, #tpu.memory_space<vmem>> -> memref<1x16x128xi32, #tpu.memory_space<vmem>>
      %dma_wait3A_132 = tpu.memref_squeeze %dma_wait3A_131 : memref<1x16x128xi32, #tpu.memory_space<vmem>> -> memref<16x128xi32, #tpu.memory_space<vmem>>
      %dma_wait3A_133 = arith.constant 0 : i32
      %dma_wait3A_134 = tpu.memref_slice %arg4[%add3A_28, %dma_wait3A_133] : memref<2560x128xi32, #tpu.memory_space<hbm>> -> memref<16x128xi32, #tpu.memory_space<hbm>>
      tpu.wait_dma2 semaphore(%run_scoped3A_110 : memref<!tpu.dma_semaphore, #tpu.memory_space<semaphore_mem>>) src(%dma_wait3A_134 : memref<16x128xi32, #tpu.memory_space<hbm>>) dst(%dma_wait3A_132 : memref<16x128xi32, #tpu.memory_space<vmem>>)
      tpu.yield
    }) : () -> ()
    %barrier3A = arith.constant 0 : index
    tpu.barrier barrier_id(%barrier3A)
    %dma_start3A = arith.constant 0 : i32
    %dma_start3A_30 = arith.constant 0 : i32
    %dma_start3A_31 = arith.constant 0 : i32
    %dma_start3A_32 = tpu.memref_slice %arg7[%dma_start3A, %dma_start3A_30, %dma_start3A_31] : memref<2x16x128xi32, #tpu.memory_space<vmem>> -> memref<1x1x128xi32, #tpu.memory_space<vmem>>
    %dma_start3A_33 = tpu.memref_squeeze %dma_start3A_32 : memref<1x1x128xi32, #tpu.memory_space<vmem>> -> memref<128xi32, #tpu.memory_space<vmem>>
    %dma_start3A_34 = arith.constant 0 : i32
    %dma_start3A_35 = arith.constant 0 : i32
    %dma_start3A_36 = tpu.memref_slice %arg2[%dma_start3A_34, %dma_start3A_35] : memref<10240x128xf32, #tpu.memory_space<hbm>> -> memref<10240x128xf32, #tpu.memory_space<hbm>>
    tpu.enqueue_indirect_dma source(%dma_start3A_36 : memref<10240x128xf32, #tpu.memory_space<hbm>>) target(%arg9 : memref<128x128xf32, #tpu.memory_space<vmem>>) offsets(%dma_start3A_33 : memref<128xi32, #tpu.memory_space<vmem>>) semaphore(%arg12 : memref<!tpu.dma_semaphore, #tpu.memory_space<semaphore_mem>>)
    %dma_start3A_37 = arith.constant 0 : i32
    %dma_start3A_38 = arith.constant 1 : i32
    %dma_start3A_39 = arith.constant 0 : i32
    %dma_start3A_40 = tpu.memref_slice %arg7[%dma_start3A_37, %dma_start3A_38, %dma_start3A_39] : memref<2x16x128xi32, #tpu.memory_space<vmem>> -> memref<1x1x128xi32, #tpu.memory_space<vmem>>
    %dma_start3A_41 = tpu.memref_squeeze %dma_start3A_40 : memref<1x1x128xi32, #tpu.memory_space<vmem>> -> memref<128xi32, #tpu.memory_space<vmem>>
    %dma_start3A_42 = arith.constant 0 : i32
    %dma_start3A_43 = arith.constant 0 : i32
    %dma_start3A_44 = tpu.memref_slice %arg2[%dma_start3A_42, %dma_start3A_43] : memref<10240x128xf32, #tpu.memory_space<hbm>> -> memref<10240x128xf32, #tpu.memory_space<hbm>>
    tpu.enqueue_indirect_dma source(%dma_start3A_44 : memref<10240x128xf32, #tpu.memory_space<hbm>>) target(%arg10 : memref<128x128xf32, #tpu.memory_space<vmem>>) offsets(%dma_start3A_41 : memref<128xi32, #tpu.memory_space<vmem>>) semaphore(%arg13 : memref<!tpu.dma_semaphore, #tpu.memory_space<semaphore_mem>>)
    %scan3A = arith.constant 0 : i32
    %scan3A_45 = arith.constant 0 : i32
    %scan3A_46 = arith.constant 39 : i32
    %scan3A_47 = arith.addi %scan3A_45, %scan3A_46 : i32
    %scan3A_48 = arith.constant 1 : i32
    scf.for %scan3A_110 = %scan3A_45 to %scan3A_47 step %scan3A_48  : i32 {
      %mul3A_111 = arith.constant 2 : i32
      %mul3A_112 = arith.muli %mul3A_111, %scan3A_110 : i32
      %jit3A = arith.constant 16 : i32
      %eq3A = arith.constant 0 : i32
      %eq3A_113 = arith.cmpi eq, %jit3A, %eq3A : i32
      %jit3A_114 = arith.constant 1 : i32
      %select_n3A = arith.select %eq3A_113, %jit3A_114, %jit3A : i32
      %rem3A = arith.remsi %mul3A_112, %select_n3A : i32
      %ne3A = arith.constant 0 : i32
      %ne3A_115 = arith.cmpi ne, %rem3A, %ne3A : i32
      %lt3A = arith.constant 0 : i32
      %lt3A_116 = arith.cmpi slt, %rem3A, %lt3A : i32
      %lt3A_117 = arith.constant 0 : i32
      %lt3A_118 = arith.cmpi slt, %select_n3A, %lt3A_117 : i32
      %ne3A_119 = arith.xori %lt3A_116, %lt3A_118 : i1
      %and3A = arith.andi %ne3A_119, %ne3A_115 : i1
      %add3A_120 = arith.addi %rem3A, %select_n3A : i32
      %select_n3A_121 = arith.select %and3A, %add3A_120, %rem3A : i32
      %eq3A_122 = arith.constant 0 : i32
      %eq3A_123 = arith.cmpi eq, %select_n3A_121, %eq3A_122 : i32
      %ge3A = arith.constant 16 : i32
      %ge3A_124 = arith.cmpi sge, %mul3A_112, %ge3A : i32
      %le3A = arith.constant 48 : i32
      %le3A_125 = arith.cmpi sle, %mul3A_112, %le3A : i32
      %and3A_126 = arith.andi %ge3A_124, %le3A_125 : i1
      %and3A_127 = arith.andi %eq3A_123, %and3A_126 : i1
      %convert_element_type3A = arith.extui %and3A_127 : i1 to i32
      %cond3A = arith.constant 0 : i32
      %cond3A_128 = arith.cmpi ne, %convert_element_type3A, %cond3A : i32
      scf.if %cond3A_128 {
        %jit3A_494 = arith.constant 16 : i32
        %div3A_495 = arith.divsi %mul3A_112, %jit3A_494 : i32
        %sign3A_496 = arith.constant 0 : i32
        %sign3A_497 = arith.cmpi sgt, %mul3A_112, %sign3A_496 : i32
        %sign3A_498 = arith.extui %sign3A_497 : i1 to i32
        %sign3A_499 = arith.constant 0 : i32
        %sign3A_500 = arith.cmpi slt, %mul3A_112, %sign3A_499 : i32
        %sign3A_501 = arith.extui %sign3A_500 : i1 to i32
        %sign3A_502 = arith.subi %sign3A_498, %sign3A_501 : i32
        %sign3A_503 = arith.constant 0 : i32
        %sign3A_504 = arith.cmpi sgt, %jit3A_494, %sign3A_503 : i32
        %sign3A_505 = arith.extui %sign3A_504 : i1 to i32
        %sign3A_506 = arith.constant 0 : i32
        %sign3A_507 = arith.cmpi slt, %jit3A_494, %sign3A_506 : i32
        %sign3A_508 = arith.extui %sign3A_507 : i1 to i32
        %sign3A_509 = arith.subi %sign3A_505, %sign3A_508 : i32
        %ne3A_510 = arith.cmpi ne, %sign3A_502, %sign3A_509 : i32
        %rem3A_511 = arith.remsi %mul3A_112, %jit3A_494 : i32
        %ne3A_512 = arith.constant 0 : i32
        %ne3A_513 = arith.cmpi ne, %rem3A_511, %ne3A_512 : i32
        %and3A_514 = arith.andi %ne3A_510, %ne3A_513 : i1
        %sub3A_515 = arith.constant 1 : i32
        %sub3A_516 = arith.subi %div3A_495, %sub3A_515 : i32
        %select_n3A_517 = arith.select %and3A_514, %sub3A_516, %div3A_495 : i32
        %add3A_518 = arith.constant 1 : i32
        %add3A_519 = arith.addi %select_n3A_517, %add3A_518 : i32
        %mul3A_520 = arith.constant 16 : i32
        %mul3A_521 = arith.muli %add3A_519, %mul3A_520 : i32
        %add3A_522 = arith.addi %mul3A_2, %mul3A_521 : i32
        %jit3A_523 = arith.constant 2 : i32
        %eq3A_524 = arith.constant 0 : i32
        %eq3A_525 = arith.cmpi eq, %jit3A_523, %eq3A_524 : i32
        %jit3A_526 = arith.constant 1 : i32
        %select_n3A_527 = arith.select %eq3A_525, %jit3A_526, %jit3A_523 : i32
        %rem3A_528 = arith.remsi %add3A_519, %select_n3A_527 : i32
        %ne3A_529 = arith.constant 0 : i32
        %ne3A_530 = arith.cmpi ne, %rem3A_528, %ne3A_529 : i32
        %lt3A_531 = arith.constant 0 : i32
        %lt3A_532 = arith.cmpi slt, %rem3A_528, %lt3A_531 : i32
        %lt3A_533 = arith.constant 0 : i32
        %lt3A_534 = arith.cmpi slt, %select_n3A_527, %lt3A_533 : i32
        %ne3A_535 = arith.xori %lt3A_532, %lt3A_534 : i1
        %and3A_536 = arith.andi %ne3A_535, %ne3A_530 : i1
        %add3A_537 = arith.addi %rem3A_528, %select_n3A_527 : i32
        %select_n3A_538 = arith.select %and3A_536, %add3A_537, %rem3A_528 : i32
        "tpu.region"() ({
          %run_scoped3A_558 = tpu.sem_alloc : memref<!tpu.dma_semaphore, #tpu.memory_space<semaphore_mem>>
          %dma_start3A_559 = arith.constant 0 : i32
          %dma_start3A_560 = arith.constant 0 : i32
          %dma_start3A_561 = tpu.memref_slice %arg7[%select_n3A_538, %dma_start3A_559, %dma_start3A_560] : memref<2x16x128xi32, #tpu.memory_space<vmem>> -> memref<1x16x128xi32, #tpu.memory_space<vmem>>
          %dma_start3A_562 = tpu.memref_squeeze %dma_start3A_561 : memref<1x16x128xi32, #tpu.memory_space<vmem>> -> memref<16x128xi32, #tpu.memory_space<vmem>>
          %dma_start3A_563 = arith.constant 0 : i32
          %dma_start3A_564 = tpu.memref_slice %arg3[%add3A_522, %dma_start3A_563] : memref<2560x128xi32, #tpu.memory_space<hbm>> -> memref<16x128xi32, #tpu.memory_space<hbm>>
          %dma_start3A_565 = arith.constant 0 : i32
          %dma_start3A_566 = arith.constant 0 : i32
          %dma_start3A_567 = tpu.memref_slice %arg7[%select_n3A_538, %dma_start3A_565, %dma_start3A_566] : memref<2x16x128xi32, #tpu.memory_space<vmem>> -> memref<1x16x128xi32, #tpu.memory_space<vmem>>
          %dma_start3A_568 = tpu.memref_squeeze %dma_start3A_567 : memref<1x16x128xi32, #tpu.memory_space<vmem>> -> memref<16x128xi32, #tpu.memory_space<vmem>>
          %dma_start3A_569 = arith.constant 0 : i32
          %dma_start3A_570 = tpu.memref_slice %arg3[%add3A_522, %dma_start3A_569] : memref<2560x128xi32, #tpu.memory_space<hbm>> -> memref<16x128xi32, #tpu.memory_space<hbm>>
          tpu.enqueue_dma source(%dma_start3A_570 : memref<16x128xi32, #tpu.memory_space<hbm>>) target(%dma_start3A_568 : memref<16x128xi32, #tpu.memory_space<vmem>>) target_semaphore(%run_scoped3A_558 : memref<!tpu.dma_semaphore, #tpu.memory_space<semaphore_mem>>)
          %dma_wait3A_571 = arith.constant 0 : i32
          %dma_wait3A_572 = arith.constant 0 : i32
          %dma_wait3A_573 = tpu.memref_slice %arg7[%select_n3A_538, %dma_wait3A_571, %dma_wait3A_572] : memref<2x16x128xi32, #tpu.memory_space<vmem>> -> memref<1x16x128xi32, #tpu.memory_space<vmem>>
          %dma_wait3A_574 = tpu.memref_squeeze %dma_wait3A_573 : memref<1x16x128xi32, #tpu.memory_space<vmem>> -> memref<16x128xi32, #tpu.memory_space<vmem>>
          %dma_wait3A_575 = arith.constant 0 : i32
          %dma_wait3A_576 = tpu.memref_slice %arg3[%add3A_522, %dma_wait3A_575] : memref<2560x128xi32, #tpu.memory_space<hbm>> -> memref<16x128xi32, #tpu.memory_space<hbm>>
          %dma_wait3A_577 = arith.constant 0 : i32
          %dma_wait3A_578 = arith.constant 0 : i32
          %dma_wait3A_579 = tpu.memref_slice %arg7[%select_n3A_538, %dma_wait3A_577, %dma_wait3A_578] : memref<2x16x128xi32, #tpu.memory_space<vmem>> -> memref<1x16x128xi32, #tpu.memory_space<vmem>>
          %dma_wait3A_580 = tpu.memref_squeeze %dma_wait3A_579 : memref<1x16x128xi32, #tpu.memory_space<vmem>> -> memref<16x128xi32, #tpu.memory_space<vmem>>
          %dma_wait3A_581 = arith.constant 0 : i32
          %dma_wait3A_582 = tpu.memref_slice %arg3[%add3A_522, %dma_wait3A_581] : memref<2560x128xi32, #tpu.memory_space<hbm>> -> memref<16x128xi32, #tpu.memory_space<hbm>>
          tpu.wait_dma2 semaphore(%run_scoped3A_558 : memref<!tpu.dma_semaphore, #tpu.memory_space<semaphore_mem>>) src(%dma_wait3A_582 : memref<16x128xi32, #tpu.memory_space<hbm>>) dst(%dma_wait3A_580 : memref<16x128xi32, #tpu.memory_space<vmem>>)
          tpu.yield
        }) : () -> ()
        %mul3A_539 = arith.constant 16 : i32
        %mul3A_540 = arith.muli %add3A_519, %mul3A_539 : i32
        %add3A_541 = arith.addi %mul3A_2, %mul3A_540 : i32
        %jit3A_542 = arith.constant 2 : i32
        %eq3A_543 = arith.constant 0 : i32
        %eq3A_544 = arith.cmpi eq, %jit3A_542, %eq3A_543 : i32
        %jit3A_545 = arith.constant 1 : i32
        %select_n3A_546 = arith.select %eq3A_544, %jit3A_545, %jit3A_542 : i32
        %rem3A_547 = arith.remsi %add3A_519, %select_n3A_546 : i32
        %ne3A_548 = arith.constant 0 : i32
        %ne3A_549 = arith.cmpi ne, %rem3A_547, %ne3A_548 : i32
        %lt3A_550 = arith.constant 0 : i32
        %lt3A_551 = arith.cmpi slt, %rem3A_547, %lt3A_550 : i32
        %lt3A_552 = arith.constant 0 : i32
        %lt3A_553 = arith.cmpi slt, %select_n3A_546, %lt3A_552 : i32
        %ne3A_554 = arith.xori %lt3A_551, %lt3A_553 : i1
        %and3A_555 = arith.andi %ne3A_554, %ne3A_549 : i1
        %add3A_556 = arith.addi %rem3A_547, %select_n3A_546 : i32
        %select_n3A_557 = arith.select %and3A_555, %add3A_556, %rem3A_547 : i32
        "tpu.region"() ({
          %run_scoped3A_558 = tpu.sem_alloc : memref<!tpu.dma_semaphore, #tpu.memory_space<semaphore_mem>>
          %dma_start3A_559 = arith.constant 0 : i32
          %dma_start3A_560 = arith.constant 0 : i32
          %dma_start3A_561 = tpu.memref_slice %arg8[%select_n3A_557, %dma_start3A_559, %dma_start3A_560] : memref<2x16x128xi32, #tpu.memory_space<vmem>> -> memref<1x16x128xi32, #tpu.memory_space<vmem>>
          %dma_start3A_562 = tpu.memref_squeeze %dma_start3A_561 : memref<1x16x128xi32, #tpu.memory_space<vmem>> -> memref<16x128xi32, #tpu.memory_space<vmem>>
          %dma_start3A_563 = arith.constant 0 : i32
          %dma_start3A_564 = tpu.memref_slice %arg4[%add3A_541, %dma_start3A_563] : memref<2560x128xi32, #tpu.memory_space<hbm>> -> memref<16x128xi32, #tpu.memory_space<hbm>>
          %dma_start3A_565 = arith.constant 0 : i32
          %dma_start3A_566 = arith.constant 0 : i32
          %dma_start3A_567 = tpu.memref_slice %arg8[%select_n3A_557, %dma_start3A_565, %dma_start3A_566] : memref<2x16x128xi32, #tpu.memory_space<vmem>> -> memref<1x16x128xi32, #tpu.memory_space<vmem>>
          %dma_start3A_568 = tpu.memref_squeeze %dma_start3A_567 : memref<1x16x128xi32, #tpu.memory_space<vmem>> -> memref<16x128xi32, #tpu.memory_space<vmem>>
          %dma_start3A_569 = arith.constant 0 : i32
          %dma_start3A_570 = tpu.memref_slice %arg4[%add3A_541, %dma_start3A_569] : memref<2560x128xi32, #tpu.memory_space<hbm>> -> memref<16x128xi32, #tpu.memory_space<hbm>>
          tpu.enqueue_dma source(%dma_start3A_570 : memref<16x128xi32, #tpu.memory_space<hbm>>) target(%dma_start3A_568 : memref<16x128xi32, #tpu.memory_space<vmem>>) target_semaphore(%run_scoped3A_558 : memref<!tpu.dma_semaphore, #tpu.memory_space<semaphore_mem>>)
          %dma_wait3A_571 = arith.constant 0 : i32
          %dma_wait3A_572 = arith.constant 0 : i32
          %dma_wait3A_573 = tpu.memref_slice %arg8[%select_n3A_557, %dma_wait3A_571, %dma_wait3A_572] : memref<2x16x128xi32, #tpu.memory_space<vmem>> -> memref<1x16x128xi32, #tpu.memory_space<vmem>>
          %dma_wait3A_574 = tpu.memref_squeeze %dma_wait3A_573 : memref<1x16x128xi32, #tpu.memory_space<vmem>> -> memref<16x128xi32, #tpu.memory_space<vmem>>
          %dma_wait3A_575 = arith.constant 0 : i32
          %dma_wait3A_576 = tpu.memref_slice %arg4[%add3A_541, %dma_wait3A_575] : memref<2560x128xi32, #tpu.memory_space<hbm>> -> memref<16x128xi32, #tpu.memory_space<hbm>>
          %dma_wait3A_577 = arith.constant 0 : i32
          %dma_wait3A_578 = arith.constant 0 : i32
          %dma_wait3A_579 = tpu.memref_slice %arg8[%select_n3A_557, %dma_wait3A_577, %dma_wait3A_578] : memref<2x16x128xi32, #tpu.memory_space<vmem>> -> memref<1x16x128xi32, #tpu.memory_space<vmem>>
          %dma_wait3A_580 = tpu.memref_squeeze %dma_wait3A_579 : memref<1x16x128xi32, #tpu.memory_space<vmem>> -> memref<16x128xi32, #tpu.memory_space<vmem>>
          %dma_wait3A_581 = arith.constant 0 : i32
          %dma_wait3A_582 = tpu.memref_slice %arg4[%add3A_541, %dma_wait3A_581] : memref<2560x128xi32, #tpu.memory_space<hbm>> -> memref<16x128xi32, #tpu.memory_space<hbm>>
          tpu.wait_dma2 semaphore(%run_scoped3A_558 : memref<!tpu.dma_semaphore, #tpu.memory_space<semaphore_mem>>) src(%dma_wait3A_582 : memref<16x128xi32, #tpu.memory_space<hbm>>) dst(%dma_wait3A_580 : memref<16x128xi32, #tpu.memory_space<vmem>>)
          tpu.yield
        }) : () -> ()
      } else {
      }
      %add3A_129 = arith.constant 0 : i32
      %add3A_130 = arith.addi %mul3A_112, %add3A_129 : i32
      %jit3A_131 = arith.constant 16 : i32
      %div3A = arith.divsi %add3A_130, %jit3A_131 : i32
      %sign3A = arith.constant 0 : i32
      %sign3A_132 = arith.cmpi sgt, %add3A_130, %sign3A : i32
      %sign3A_133 = arith.extui %sign3A_132 : i1 to i32
      %sign3A_134 = arith.constant 0 : i32
      %sign3A_135 = arith.cmpi slt, %add3A_130, %sign3A_134 : i32
      %sign3A_136 = arith.extui %sign3A_135 : i1 to i32
      %sign3A_137 = arith.subi %sign3A_133, %sign3A_136 : i32
      %sign3A_138 = arith.constant 0 : i32
      %sign3A_139 = arith.cmpi sgt, %jit3A_131, %sign3A_138 : i32
      %sign3A_140 = arith.extui %sign3A_139 : i1 to i32
      %sign3A_141 = arith.constant 0 : i32
      %sign3A_142 = arith.cmpi slt, %jit3A_131, %sign3A_141 : i32
      %sign3A_143 = arith.extui %sign3A_142 : i1 to i32
      %sign3A_144 = arith.subi %sign3A_140, %sign3A_143 : i32
      %ne3A_145 = arith.cmpi ne, %sign3A_137, %sign3A_144 : i32
      %rem3A_146 = arith.remsi %add3A_130, %jit3A_131 : i32
      %ne3A_147 = arith.constant 0 : i32
      %ne3A_148 = arith.cmpi ne, %rem3A_146, %ne3A_147 : i32
      %and3A_149 = arith.andi %ne3A_145, %ne3A_148 : i1
      %sub3A = arith.constant 1 : i32
      %sub3A_150 = arith.subi %div3A, %sub3A : i32
      %select_n3A_151 = arith.select %and3A_149, %sub3A_150, %div3A : i32
      %jit3A_152 = arith.constant 2 : i32
      %eq3A_153 = arith.constant 0 : i32
      %eq3A_154 = arith.cmpi eq, %jit3A_152, %eq3A_153 : i32
      %jit3A_155 = arith.constant 1 : i32
      %select_n3A_156 = arith.select %eq3A_154, %jit3A_155, %jit3A_152 : i32
      %rem3A_157 = arith.remsi %select_n3A_151, %select_n3A_156 : i32
      %ne3A_158 = arith.constant 0 : i32
      %ne3A_159 = arith.cmpi ne, %rem3A_157, %ne3A_158 : i32
      %lt3A_160 = arith.constant 0 : i32
      %lt3A_161 = arith.cmpi slt, %rem3A_157, %lt3A_160 : i32
      %lt3A_162 = arith.constant 0 : i32
      %lt3A_163 = arith.cmpi slt, %select_n3A_156, %lt3A_162 : i32
      %ne3A_164 = arith.xori %lt3A_161, %lt3A_163 : i1
      %and3A_165 = arith.andi %ne3A_164, %ne3A_159 : i1
      %add3A_166 = arith.addi %rem3A_157, %select_n3A_156 : i32
      %select_n3A_167 = arith.select %and3A_165, %add3A_166, %rem3A_157 : i32
      %jit3A_168 = arith.constant 16 : i32
      %eq3A_169 = arith.constant 0 : i32
      %eq3A_170 = arith.cmpi eq, %jit3A_168, %eq3A_169 : i32
      %jit3A_171 = arith.constant 1 : i32
      %select_n3A_172 = arith.select %eq3A_170, %jit3A_171, %jit3A_168 : i32
      %rem3A_173 = arith.remsi %add3A_130, %select_n3A_172 : i32
      %ne3A_174 = arith.constant 0 : i32
      %ne3A_175 = arith.cmpi ne, %rem3A_173, %ne3A_174 : i32
      %lt3A_176 = arith.constant 0 : i32
      %lt3A_177 = arith.cmpi slt, %rem3A_173, %lt3A_176 : i32
      %lt3A_178 = arith.constant 0 : i32
      %lt3A_179 = arith.cmpi slt, %select_n3A_172, %lt3A_178 : i32
      %ne3A_180 = arith.xori %lt3A_177, %lt3A_179 : i1
      %and3A_181 = arith.andi %ne3A_180, %ne3A_175 : i1
      %add3A_182 = arith.addi %rem3A_173, %select_n3A_172 : i32
      %select_n3A_183 = arith.select %and3A_181, %add3A_182, %rem3A_173 : i32
      %dma_wait3A_184 = arith.constant 0 : i32
      %dma_wait3A_185 = tpu.memref_slice %arg7[%select_n3A_167, %select_n3A_183, %dma_wait3A_184] : memref<2x16x128xi32, #tpu.memory_space<vmem>> -> memref<1x1x128xi32, #tpu.memory_space<vmem>>
      %dma_wait3A_186 = tpu.memref_squeeze %dma_wait3A_185 : memref<1x1x128xi32, #tpu.memory_space<vmem>> -> memref<128xi32, #tpu.memory_space<vmem>>
      %dma_wait3A_187 = arith.constant 0 : i32
      %dma_wait3A_188 = arith.constant 0 : i32
      %dma_wait3A_189 = tpu.memref_slice %arg2[%dma_wait3A_187, %dma_wait3A_188] : memref<10240x128xf32, #tpu.memory_space<hbm>> -> memref<10240x128xf32, #tpu.memory_space<hbm>>
      tpu.wait_indirect_dma semaphore(%arg12 : memref<!tpu.dma_semaphore, #tpu.memory_space<semaphore_mem>>) src(%dma_wait3A_189 : memref<10240x128xf32, #tpu.memory_space<hbm>>) dst(%arg9 : memref<128x128xf32, #tpu.memory_space<vmem>>)
      %jit3A_190 = arith.constant 16 : i32
      %div3A_191 = arith.divsi %add3A_130, %jit3A_190 : i32
      %sign3A_192 = arith.constant 0 : i32
      %sign3A_193 = arith.cmpi sgt, %add3A_130, %sign3A_192 : i32
      %sign3A_194 = arith.extui %sign3A_193 : i1 to i32
      %sign3A_195 = arith.constant 0 : i32
      %sign3A_196 = arith.cmpi slt, %add3A_130, %sign3A_195 : i32
      %sign3A_197 = arith.extui %sign3A_196 : i1 to i32
      %sign3A_198 = arith.subi %sign3A_194, %sign3A_197 : i32
      %sign3A_199 = arith.constant 0 : i32
      %sign3A_200 = arith.cmpi sgt, %jit3A_190, %sign3A_199 : i32
      %sign3A_201 = arith.extui %sign3A_200 : i1 to i32
      %sign3A_202 = arith.constant 0 : i32
      %sign3A_203 = arith.cmpi slt, %jit3A_190, %sign3A_202 : i32
      %sign3A_204 = arith.extui %sign3A_203 : i1 to i32
      %sign3A_205 = arith.subi %sign3A_201, %sign3A_204 : i32
      %ne3A_206 = arith.cmpi ne, %sign3A_198, %sign3A_205 : i32
      %rem3A_207 = arith.remsi %add3A_130, %jit3A_190 : i32
      %ne3A_208 = arith.constant 0 : i32
      %ne3A_209 = arith.cmpi ne, %rem3A_207, %ne3A_208 : i32
      %and3A_210 = arith.andi %ne3A_206, %ne3A_209 : i1
      %sub3A_211 = arith.constant 1 : i32
      %sub3A_212 = arith.subi %div3A_191, %sub3A_211 : i32
      %select_n3A_213 = arith.select %and3A_210, %sub3A_212, %div3A_191 : i32
      %jit3A_214 = arith.constant 2 : i32
      %eq3A_215 = arith.constant 0 : i32
      %eq3A_216 = arith.cmpi eq, %jit3A_214, %eq3A_215 : i32
      %jit3A_217 = arith.constant 1 : i32
      %select_n3A_218 = arith.select %eq3A_216, %jit3A_217, %jit3A_214 : i32
      %rem3A_219 = arith.remsi %select_n3A_213, %select_n3A_218 : i32
      %ne3A_220 = arith.constant 0 : i32
      %ne3A_221 = arith.cmpi ne, %rem3A_219, %ne3A_220 : i32
      %lt3A_222 = arith.constant 0 : i32
      %lt3A_223 = arith.cmpi slt, %rem3A_219, %lt3A_222 : i32
      %lt3A_224 = arith.constant 0 : i32
      %lt3A_225 = arith.cmpi slt, %select_n3A_218, %lt3A_224 : i32
      %ne3A_226 = arith.xori %lt3A_223, %lt3A_225 : i1
      %and3A_227 = arith.andi %ne3A_226, %ne3A_221 : i1
      %add3A_228 = arith.addi %rem3A_219, %select_n3A_218 : i32
      %select_n3A_229 = arith.select %and3A_227, %add3A_228, %rem3A_219 : i32
      %jit3A_230 = arith.constant 16 : i32
      %eq3A_231 = arith.constant 0 : i32
      %eq3A_232 = arith.cmpi eq, %jit3A_230, %eq3A_231 : i32
      %jit3A_233 = arith.constant 1 : i32
      %select_n3A_234 = arith.select %eq3A_232, %jit3A_233, %jit3A_230 : i32
      %rem3A_235 = arith.remsi %add3A_130, %select_n3A_234 : i32
      %ne3A_236 = arith.constant 0 : i32
      %ne3A_237 = arith.cmpi ne, %rem3A_235, %ne3A_236 : i32
      %lt3A_238 = arith.constant 0 : i32
      %lt3A_239 = arith.cmpi slt, %rem3A_235, %lt3A_238 : i32
      %lt3A_240 = arith.constant 0 : i32
      %lt3A_241 = arith.cmpi slt, %select_n3A_234, %lt3A_240 : i32
      %ne3A_242 = arith.xori %lt3A_239, %lt3A_241 : i1
      %and3A_243 = arith.andi %ne3A_242, %ne3A_237 : i1
      %add3A_244 = arith.addi %rem3A_235, %select_n3A_234 : i32
      %select_n3A_245 = arith.select %and3A_243, %add3A_244, %rem3A_235 : i32
      "tpu.region"() ({
        %run_scoped3A_494 = tpu.sem_alloc : memref<!tpu.dma_semaphore, #tpu.memory_space<semaphore_mem>>
        %dma_start3A_495 = arith.constant 0 : i32
        %dma_start3A_496 = tpu.memref_slice %arg8[%select_n3A_229, %select_n3A_245, %dma_start3A_495] : memref<2x16x128xi32, #tpu.memory_space<vmem>> -> memref<1x1x128xi32, #tpu.memory_space<vmem>>
        %dma_start3A_497 = tpu.memref_squeeze %dma_start3A_496 : memref<1x1x128xi32, #tpu.memory_space<vmem>> -> memref<128xi32, #tpu.memory_space<vmem>>
        %dma_start3A_498 = arith.constant 0 : i32
        %dma_start3A_499 = arith.constant 0 : i32
        %dma_start3A_500 = tpu.memref_slice %arg11[%dma_start3A_498, %dma_start3A_499] : memref<10240x128xf32, #tpu.memory_space<vmem_shared>> -> memref<10240x128xf32, #tpu.memory_space<vmem_shared>>
        tpu.enqueue_indirect_dma source(%arg9 : memref<128x128xf32, #tpu.memory_space<vmem>>) target(%dma_start3A_500 : memref<10240x128xf32, #tpu.memory_space<vmem_shared>>) offsets(%dma_start3A_497 : memref<128xi32, #tpu.memory_space<vmem>>) semaphore(%run_scoped3A_494 : memref<!tpu.dma_semaphore, #tpu.memory_space<semaphore_mem>>) {add = true}
        %dma_wait3A_501 = arith.constant 0 : i32
        %dma_wait3A_502 = tpu.memref_slice %arg8[%select_n3A_229, %select_n3A_245, %dma_wait3A_501] : memref<2x16x128xi32, #tpu.memory_space<vmem>> -> memref<1x1x128xi32, #tpu.memory_space<vmem>>
        %dma_wait3A_503 = tpu.memref_squeeze %dma_wait3A_502 : memref<1x1x128xi32, #tpu.memory_space<vmem>> -> memref<128xi32, #tpu.memory_space<vmem>>
        %dma_wait3A_504 = arith.constant 0 : i32
        %dma_wait3A_505 = arith.constant 0 : i32
        %dma_wait3A_506 = tpu.memref_slice %arg11[%dma_wait3A_504, %dma_wait3A_505] : memref<10240x128xf32, #tpu.memory_space<vmem_shared>> -> memref<10240x128xf32, #tpu.memory_space<vmem_shared>>
        tpu.wait_indirect_dma semaphore(%run_scoped3A_494 : memref<!tpu.dma_semaphore, #tpu.memory_space<semaphore_mem>>) src(%arg9 : memref<128x128xf32, #tpu.memory_space<vmem>>) dst(%dma_wait3A_506 : memref<10240x128xf32, #tpu.memory_space<vmem_shared>>)
        tpu.yield
      }) : () -> ()
      %add3A_246 = arith.constant 2 : i32
      %add3A_247 = arith.addi %add3A_130, %add3A_246 : i32
      %jit3A_248 = arith.constant 16 : i32
      %div3A_249 = arith.divsi %add3A_247, %jit3A_248 : i32
      %sign3A_250 = arith.constant 0 : i32
      %sign3A_251 = arith.cmpi sgt, %add3A_247, %sign3A_250 : i32
      %sign3A_252 = arith.extui %sign3A_251 : i1 to i32
      %sign3A_253 = arith.constant 0 : i32
      %sign3A_254 = arith.cmpi slt, %add3A_247, %sign3A_253 : i32
      %sign3A_255 = arith.extui %sign3A_254 : i1 to i32
      %sign3A_256 = arith.subi %sign3A_252, %sign3A_255 : i32
      %sign3A_257 = arith.constant 0 : i32
      %sign3A_258 = arith.cmpi sgt, %jit3A_248, %sign3A_257 : i32
      %sign3A_259 = arith.extui %sign3A_258 : i1 to i32
      %sign3A_260 = arith.constant 0 : i32
      %sign3A_261 = arith.cmpi slt, %jit3A_248, %sign3A_260 : i32
      %sign3A_262 = arith.extui %sign3A_261 : i1 to i32
      %sign3A_263 = arith.subi %sign3A_259, %sign3A_262 : i32
      %ne3A_264 = arith.cmpi ne, %sign3A_256, %sign3A_263 : i32
      %rem3A_265 = arith.remsi %add3A_247, %jit3A_248 : i32
      %ne3A_266 = arith.constant 0 : i32
      %ne3A_267 = arith.cmpi ne, %rem3A_265, %ne3A_266 : i32
      %and3A_268 = arith.andi %ne3A_264, %ne3A_267 : i1
      %sub3A_269 = arith.constant 1 : i32
      %sub3A_270 = arith.subi %div3A_249, %sub3A_269 : i32
      %select_n3A_271 = arith.select %and3A_268, %sub3A_270, %div3A_249 : i32
      %jit3A_272 = arith.constant 2 : i32
      %eq3A_273 = arith.constant 0 : i32
      %eq3A_274 = arith.cmpi eq, %jit3A_272, %eq3A_273 : i32
      %jit3A_275 = arith.constant 1 : i32
      %select_n3A_276 = arith.select %eq3A_274, %jit3A_275, %jit3A_272 : i32
      %rem3A_277 = arith.remsi %select_n3A_271, %select_n3A_276 : i32
      %ne3A_278 = arith.constant 0 : i32
      %ne3A_279 = arith.cmpi ne, %rem3A_277, %ne3A_278 : i32
      %lt3A_280 = arith.constant 0 : i32
      %lt3A_281 = arith.cmpi slt, %rem3A_277, %lt3A_280 : i32
      %lt3A_282 = arith.constant 0 : i32
      %lt3A_283 = arith.cmpi slt, %select_n3A_276, %lt3A_282 : i32
      %ne3A_284 = arith.xori %lt3A_281, %lt3A_283 : i1
      %and3A_285 = arith.andi %ne3A_284, %ne3A_279 : i1
      %add3A_286 = arith.addi %rem3A_277, %select_n3A_276 : i32
      %select_n3A_287 = arith.select %and3A_285, %add3A_286, %rem3A_277 : i32
      %jit3A_288 = arith.constant 16 : i32
      %eq3A_289 = arith.constant 0 : i32
      %eq3A_290 = arith.cmpi eq, %jit3A_288, %eq3A_289 : i32
      %jit3A_291 = arith.constant 1 : i32
      %select_n3A_292 = arith.select %eq3A_290, %jit3A_291, %jit3A_288 : i32
      %rem3A_293 = arith.remsi %add3A_247, %select_n3A_292 : i32
      %ne3A_294 = arith.constant 0 : i32
      %ne3A_295 = arith.cmpi ne, %rem3A_293, %ne3A_294 : i32
      %lt3A_296 = arith.constant 0 : i32
      %lt3A_297 = arith.cmpi slt, %rem3A_293, %lt3A_296 : i32
      %lt3A_298 = arith.constant 0 : i32
      %lt3A_299 = arith.cmpi slt, %select_n3A_292, %lt3A_298 : i32
      %ne3A_300 = arith.xori %lt3A_297, %lt3A_299 : i1
      %and3A_301 = arith.andi %ne3A_300, %ne3A_295 : i1
      %add3A_302 = arith.addi %rem3A_293, %select_n3A_292 : i32
      %select_n3A_303 = arith.select %and3A_301, %add3A_302, %rem3A_293 : i32
      %dma_start3A_304 = arith.constant 0 : i32
      %dma_start3A_305 = tpu.memref_slice %arg7[%select_n3A_287, %select_n3A_303, %dma_start3A_304] : memref<2x16x128xi32, #tpu.memory_space<vmem>> -> memref<1x1x128xi32, #tpu.memory_space<vmem>>
      %dma_start3A_306 = tpu.memref_squeeze %dma_start3A_305 : memref<1x1x128xi32, #tpu.memory_space<vmem>> -> memref<128xi32, #tpu.memory_space<vmem>>
      %dma_start3A_307 = arith.constant 0 : i32
      %dma_start3A_308 = arith.constant 0 : i32
      %dma_start3A_309 = tpu.memref_slice %arg2[%dma_start3A_307, %dma_start3A_308] : memref<10240x128xf32, #tpu.memory_space<hbm>> -> memref<10240x128xf32, #tpu.memory_space<hbm>>
      tpu.enqueue_indirect_dma source(%dma_start3A_309 : memref<10240x128xf32, #tpu.memory_space<hbm>>) target(%arg9 : memref<128x128xf32, #tpu.memory_space<vmem>>) offsets(%dma_start3A_306 : memref<128xi32, #tpu.memory_space<vmem>>) semaphore(%arg12 : memref<!tpu.dma_semaphore, #tpu.memory_space<semaphore_mem>>)
      %add3A_310 = arith.constant 1 : i32
      %add3A_311 = arith.addi %mul3A_112, %add3A_310 : i32
      %jit3A_312 = arith.constant 16 : i32
      %div3A_313 = arith.divsi %add3A_311, %jit3A_312 : i32
      %sign3A_314 = arith.constant 0 : i32
      %sign3A_315 = arith.cmpi sgt, %add3A_311, %sign3A_314 : i32
      %sign3A_316 = arith.extui %sign3A_315 : i1 to i32
      %sign3A_317 = arith.constant 0 : i32
      %sign3A_318 = arith.cmpi slt, %add3A_311, %sign3A_317 : i32
      %sign3A_319 = arith.extui %sign3A_318 : i1 to i32
      %sign3A_320 = arith.subi %sign3A_316, %sign3A_319 : i32
      %sign3A_321 = arith.constant 0 : i32
      %sign3A_322 = arith.cmpi sgt, %jit3A_312, %sign3A_321 : i32
      %sign3A_323 = arith.extui %sign3A_322 : i1 to i32
      %sign3A_324 = arith.constant 0 : i32
      %sign3A_325 = arith.cmpi slt, %jit3A_312, %sign3A_324 : i32
      %sign3A_326 = arith.extui %sign3A_325 : i1 to i32
      %sign3A_327 = arith.subi %sign3A_323, %sign3A_326 : i32
      %ne3A_328 = arith.cmpi ne, %sign3A_320, %sign3A_327 : i32
      %rem3A_329 = arith.remsi %add3A_311, %jit3A_312 : i32
      %ne3A_330 = arith.constant 0 : i32
      %ne3A_331 = arith.cmpi ne, %rem3A_329, %ne3A_330 : i32
      %and3A_332 = arith.andi %ne3A_328, %ne3A_331 : i1
      %sub3A_333 = arith.constant 1 : i32
      %sub3A_334 = arith.subi %div3A_313, %sub3A_333 : i32
      %select_n3A_335 = arith.select %and3A_332, %sub3A_334, %div3A_313 : i32
      %jit3A_336 = arith.constant 2 : i32
      %eq3A_337 = arith.constant 0 : i32
      %eq3A_338 = arith.cmpi eq, %jit3A_336, %eq3A_337 : i32
      %jit3A_339 = arith.constant 1 : i32
      %select_n3A_340 = arith.select %eq3A_338, %jit3A_339, %jit3A_336 : i32
      %rem3A_341 = arith.remsi %select_n3A_335, %select_n3A_340 : i32
      %ne3A_342 = arith.constant 0 : i32
      %ne3A_343 = arith.cmpi ne, %rem3A_341, %ne3A_342 : i32
      %lt3A_344 = arith.constant 0 : i32
      %lt3A_345 = arith.cmpi slt, %rem3A_341, %lt3A_344 : i32
      %lt3A_346 = arith.constant 0 : i32
      %lt3A_347 = arith.cmpi slt, %select_n3A_340, %lt3A_346 : i32
      %ne3A_348 = arith.xori %lt3A_345, %lt3A_347 : i1
      %and3A_349 = arith.andi %ne3A_348, %ne3A_343 : i1
      %add3A_350 = arith.addi %rem3A_341, %select_n3A_340 : i32
      %select_n3A_351 = arith.select %and3A_349, %add3A_350, %rem3A_341 : i32
      %jit3A_352 = arith.constant 16 : i32
      %eq3A_353 = arith.constant 0 : i32
      %eq3A_354 = arith.cmpi eq, %jit3A_352, %eq3A_353 : i32
      %jit3A_355 = arith.constant 1 : i32
      %select_n3A_356 = arith.select %eq3A_354, %jit3A_355, %jit3A_352 : i32
      %rem3A_357 = arith.remsi %add3A_311, %select_n3A_356 : i32
      %ne3A_358 = arith.constant 0 : i32
      %ne3A_359 = arith.cmpi ne, %rem3A_357, %ne3A_358 : i32
      %lt3A_360 = arith.constant 0 : i32
      %lt3A_361 = arith.cmpi slt, %rem3A_357, %lt3A_360 : i32
      %lt3A_362 = arith.constant 0 : i32
      %lt3A_363 = arith.cmpi slt, %select_n3A_356, %lt3A_362 : i32
      %ne3A_364 = arith.xori %lt3A_361, %lt3A_363 : i1
      %and3A_365 = arith.andi %ne3A_364, %ne3A_359 : i1
      %add3A_366 = arith.addi %rem3A_357, %select_n3A_356 : i32
      %select_n3A_367 = arith.select %and3A_365, %add3A_366, %rem3A_357 : i32
      %dma_wait3A_368 = arith.constant 0 : i32
      %dma_wait3A_369 = tpu.memref_slice %arg7[%select_n3A_351, %select_n3A_367, %dma_wait3A_368] : memref<2x16x128xi32, #tpu.memory_space<vmem>> -> memref<1x1x128xi32, #tpu.memory_space<vmem>>
      %dma_wait3A_370 = tpu.memref_squeeze %dma_wait3A_369 : memref<1x1x128xi32, #tpu.memory_space<vmem>> -> memref<128xi32, #tpu.memory_space<vmem>>
      %dma_wait3A_371 = arith.constant 0 : i32
      %dma_wait3A_372 = arith.constant 0 : i32
      %dma_wait3A_373 = tpu.memref_slice %arg2[%dma_wait3A_371, %dma_wait3A_372] : memref<10240x128xf32, #tpu.memory_space<hbm>> -> memref<10240x128xf32, #tpu.memory_space<hbm>>
      tpu.wait_indirect_dma semaphore(%arg13 : memref<!tpu.dma_semaphore, #tpu.memory_space<semaphore_mem>>) src(%dma_wait3A_373 : memref<10240x128xf32, #tpu.memory_space<hbm>>) dst(%arg10 : memref<128x128xf32, #tpu.memory_space<vmem>>)
      %jit3A_374 = arith.constant 16 : i32
      %div3A_375 = arith.divsi %add3A_311, %jit3A_374 : i32
      %sign3A_376 = arith.constant 0 : i32
      %sign3A_377 = arith.cmpi sgt, %add3A_311, %sign3A_376 : i32
      %sign3A_378 = arith.extui %sign3A_377 : i1 to i32
      %sign3A_379 = arith.constant 0 : i32
      %sign3A_380 = arith.cmpi slt, %add3A_311, %sign3A_379 : i32
      %sign3A_381 = arith.extui %sign3A_380 : i1 to i32
      %sign3A_382 = arith.subi %sign3A_378, %sign3A_381 : i32
      %sign3A_383 = arith.constant 0 : i32
      %sign3A_384 = arith.cmpi sgt, %jit3A_374, %sign3A_383 : i32
      %sign3A_385 = arith.extui %sign3A_384 : i1 to i32
      %sign3A_386 = arith.constant 0 : i32
      %sign3A_387 = arith.cmpi slt, %jit3A_374, %sign3A_386 : i32
      %sign3A_388 = arith.extui %sign3A_387 : i1 to i32
      %sign3A_389 = arith.subi %sign3A_385, %sign3A_388 : i32
      %ne3A_390 = arith.cmpi ne, %sign3A_382, %sign3A_389 : i32
      %rem3A_391 = arith.remsi %add3A_311, %jit3A_374 : i32
      %ne3A_392 = arith.constant 0 : i32
      %ne3A_393 = arith.cmpi ne, %rem3A_391, %ne3A_392 : i32
      %and3A_394 = arith.andi %ne3A_390, %ne3A_393 : i1
      %sub3A_395 = arith.constant 1 : i32
      %sub3A_396 = arith.subi %div3A_375, %sub3A_395 : i32
      %select_n3A_397 = arith.select %and3A_394, %sub3A_396, %div3A_375 : i32
      %jit3A_398 = arith.constant 2 : i32
      %eq3A_399 = arith.constant 0 : i32
      %eq3A_400 = arith.cmpi eq, %jit3A_398, %eq3A_399 : i32
      %jit3A_401 = arith.constant 1 : i32
      %select_n3A_402 = arith.select %eq3A_400, %jit3A_401, %jit3A_398 : i32
      %rem3A_403 = arith.remsi %select_n3A_397, %select_n3A_402 : i32
      %ne3A_404 = arith.constant 0 : i32
      %ne3A_405 = arith.cmpi ne, %rem3A_403, %ne3A_404 : i32
      %lt3A_406 = arith.constant 0 : i32
      %lt3A_407 = arith.cmpi slt, %rem3A_403, %lt3A_406 : i32
      %lt3A_408 = arith.constant 0 : i32
      %lt3A_409 = arith.cmpi slt, %select_n3A_402, %lt3A_408 : i32
      %ne3A_410 = arith.xori %lt3A_407, %lt3A_409 : i1
      %and3A_411 = arith.andi %ne3A_410, %ne3A_405 : i1
      %add3A_412 = arith.addi %rem3A_403, %select_n3A_402 : i32
      %select_n3A_413 = arith.select %and3A_411, %add3A_412, %rem3A_403 : i32
      %jit3A_414 = arith.constant 16 : i32
      %eq3A_415 = arith.constant 0 : i32
      %eq3A_416 = arith.cmpi eq, %jit3A_414, %eq3A_415 : i32
      %jit3A_417 = arith.constant 1 : i32
      %select_n3A_418 = arith.select %eq3A_416, %jit3A_417, %jit3A_414 : i32
      %rem3A_419 = arith.remsi %add3A_311, %select_n3A_418 : i32
      %ne3A_420 = arith.constant 0 : i32
      %ne3A_421 = arith.cmpi ne, %rem3A_419, %ne3A_420 : i32
      %lt3A_422 = arith.constant 0 : i32
      %lt3A_423 = arith.cmpi slt, %rem3A_419, %lt3A_422 : i32
      %lt3A_424 = arith.constant 0 : i32
      %lt3A_425 = arith.cmpi slt, %select_n3A_418, %lt3A_424 : i32
      %ne3A_426 = arith.xori %lt3A_423, %lt3A_425 : i1
      %and3A_427 = arith.andi %ne3A_426, %ne3A_421 : i1
      %add3A_428 = arith.addi %rem3A_419, %select_n3A_418 : i32
      %select_n3A_429 = arith.select %and3A_427, %add3A_428, %rem3A_419 : i32
      "tpu.region"() ({
        %run_scoped3A_494 = tpu.sem_alloc : memref<!tpu.dma_semaphore, #tpu.memory_space<semaphore_mem>>
        %dma_start3A_495 = arith.constant 0 : i32
        %dma_start3A_496 = tpu.memref_slice %arg8[%select_n3A_413, %select_n3A_429, %dma_start3A_495] : memref<2x16x128xi32, #tpu.memory_space<vmem>> -> memref<1x1x128xi32, #tpu.memory_space<vmem>>
        %dma_start3A_497 = tpu.memref_squeeze %dma_start3A_496 : memref<1x1x128xi32, #tpu.memory_space<vmem>> -> memref<128xi32, #tpu.memory_space<vmem>>
        %dma_start3A_498 = arith.constant 0 : i32
        %dma_start3A_499 = arith.constant 0 : i32
        %dma_start3A_500 = tpu.memref_slice %arg11[%dma_start3A_498, %dma_start3A_499] : memref<10240x128xf32, #tpu.memory_space<vmem_shared>> -> memref<10240x128xf32, #tpu.memory_space<vmem_shared>>
        tpu.enqueue_indirect_dma source(%arg10 : memref<128x128xf32, #tpu.memory_space<vmem>>) target(%dma_start3A_500 : memref<10240x128xf32, #tpu.memory_space<vmem_shared>>) offsets(%dma_start3A_497 : memref<128xi32, #tpu.memory_space<vmem>>) semaphore(%run_scoped3A_494 : memref<!tpu.dma_semaphore, #tpu.memory_space<semaphore_mem>>) {add = true}
        %dma_wait3A_501 = arith.constant 0 : i32
        %dma_wait3A_502 = tpu.memref_slice %arg8[%select_n3A_413, %select_n3A_429, %dma_wait3A_501] : memref<2x16x128xi32, #tpu.memory_space<vmem>> -> memref<1x1x128xi32, #tpu.memory_space<vmem>>
        %dma_wait3A_503 = tpu.memref_squeeze %dma_wait3A_502 : memref<1x1x128xi32, #tpu.memory_space<vmem>> -> memref<128xi32, #tpu.memory_space<vmem>>
        %dma_wait3A_504 = arith.constant 0 : i32
        %dma_wait3A_505 = arith.constant 0 : i32
        %dma_wait3A_506 = tpu.memref_slice %arg11[%dma_wait3A_504, %dma_wait3A_505] : memref<10240x128xf32, #tpu.memory_space<vmem_shared>> -> memref<10240x128xf32, #tpu.memory_space<vmem_shared>>
        tpu.wait_indirect_dma semaphore(%run_scoped3A_494 : memref<!tpu.dma_semaphore, #tpu.memory_space<semaphore_mem>>) src(%arg10 : memref<128x128xf32, #tpu.memory_space<vmem>>) dst(%dma_wait3A_506 : memref<10240x128xf32, #tpu.memory_space<vmem_shared>>)
        tpu.yield
      }) : () -> ()
      %add3A_430 = arith.constant 2 : i32
      %add3A_431 = arith.addi %add3A_311, %add3A_430 : i32
      %jit3A_432 = arith.constant 16 : i32
      %div3A_433 = arith.divsi %add3A_431, %jit3A_432 : i32
      %sign3A_434 = arith.constant 0 : i32
      %sign3A_435 = arith.cmpi sgt, %add3A_431, %sign3A_434 : i32
      %sign3A_436 = arith.extui %sign3A_435 : i1 to i32
      %sign3A_437 = arith.constant 0 : i32
      %sign3A_438 = arith.cmpi slt, %add3A_431, %sign3A_437 : i32
      %sign3A_439 = arith.extui %sign3A_438 : i1 to i32
      %sign3A_440 = arith.subi %sign3A_436, %sign3A_439 : i32
      %sign3A_441 = arith.constant 0 : i32
      %sign3A_442 = arith.cmpi sgt, %jit3A_432, %sign3A_441 : i32
      %sign3A_443 = arith.extui %sign3A_442 : i1 to i32
      %sign3A_444 = arith.constant 0 : i32
      %sign3A_445 = arith.cmpi slt, %jit3A_432, %sign3A_444 : i32
      %sign3A_446 = arith.extui %sign3A_445 : i1 to i32
      %sign3A_447 = arith.subi %sign3A_443, %sign3A_446 : i32
      %ne3A_448 = arith.cmpi ne, %sign3A_440, %sign3A_447 : i32
      %rem3A_449 = arith.remsi %add3A_431, %jit3A_432 : i32
      %ne3A_450 = arith.constant 0 : i32
      %ne3A_451 = arith.cmpi ne, %rem3A_449, %ne3A_450 : i32
      %and3A_452 = arith.andi %ne3A_448, %ne3A_451 : i1
      %sub3A_453 = arith.constant 1 : i32
      %sub3A_454 = arith.subi %div3A_433, %sub3A_453 : i32
      %select_n3A_455 = arith.select %and3A_452, %sub3A_454, %div3A_433 : i32
      %jit3A_456 = arith.constant 2 : i32
      %eq3A_457 = arith.constant 0 : i32
      %eq3A_458 = arith.cmpi eq, %jit3A_456, %eq3A_457 : i32
      %jit3A_459 = arith.constant 1 : i32
      %select_n3A_460 = arith.select %eq3A_458, %jit3A_459, %jit3A_456 : i32
      %rem3A_461 = arith.remsi %select_n3A_455, %select_n3A_460 : i32
      %ne3A_462 = arith.constant 0 : i32
      %ne3A_463 = arith.cmpi ne, %rem3A_461, %ne3A_462 : i32
      %lt3A_464 = arith.constant 0 : i32
      %lt3A_465 = arith.cmpi slt, %rem3A_461, %lt3A_464 : i32
      %lt3A_466 = arith.constant 0 : i32
      %lt3A_467 = arith.cmpi slt, %select_n3A_460, %lt3A_466 : i32
      %ne3A_468 = arith.xori %lt3A_465, %lt3A_467 : i1
      %and3A_469 = arith.andi %ne3A_468, %ne3A_463 : i1
      %add3A_470 = arith.addi %rem3A_461, %select_n3A_460 : i32
      %select_n3A_471 = arith.select %and3A_469, %add3A_470, %rem3A_461 : i32
      %jit3A_472 = arith.constant 16 : i32
      %eq3A_473 = arith.constant 0 : i32
      %eq3A_474 = arith.cmpi eq, %jit3A_472, %eq3A_473 : i32
      %jit3A_475 = arith.constant 1 : i32
      %select_n3A_476 = arith.select %eq3A_474, %jit3A_475, %jit3A_472 : i32
      %rem3A_477 = arith.remsi %add3A_431, %select_n3A_476 : i32
      %ne3A_478 = arith.constant 0 : i32
      %ne3A_479 = arith.cmpi ne, %rem3A_477, %ne3A_478 : i32
      %lt3A_480 = arith.constant 0 : i32
      %lt3A_481 = arith.cmpi slt, %rem3A_477, %lt3A_480 : i32
      %lt3A_482 = arith.constant 0 : i32
      %lt3A_483 = arith.cmpi slt, %select_n3A_476, %lt3A_482 : i32
      %ne3A_484 = arith.xori %lt3A_481, %lt3A_483 : i1
      %and3A_485 = arith.andi %ne3A_484, %ne3A_479 : i1
      %add3A_486 = arith.addi %rem3A_477, %select_n3A_476 : i32
      %select_n3A_487 = arith.select %and3A_485, %add3A_486, %rem3A_477 : i32
      %dma_start3A_488 = arith.constant 0 : i32
      %dma_start3A_489 = tpu.memref_slice %arg7[%select_n3A_471, %select_n3A_487, %dma_start3A_488] : memref<2x16x128xi32, #tpu.memory_space<vmem>> -> memref<1x1x128xi32, #tpu.memory_space<vmem>>
      %dma_start3A_490 = tpu.memref_squeeze %dma_start3A_489 : memref<1x1x128xi32, #tpu.memory_space<vmem>> -> memref<128xi32, #tpu.memory_space<vmem>>
      %dma_start3A_491 = arith.constant 0 : i32
      %dma_start3A_492 = arith.constant 0 : i32
      %dma_start3A_493 = tpu.memref_slice %arg2[%dma_start3A_491, %dma_start3A_492] : memref<10240x128xf32, #tpu.memory_space<hbm>> -> memref<10240x128xf32, #tpu.memory_space<hbm>>
      tpu.enqueue_indirect_dma source(%dma_start3A_493 : memref<10240x128xf32, #tpu.memory_space<hbm>>) target(%arg10 : memref<128x128xf32, #tpu.memory_space<vmem>>) offsets(%dma_start3A_490 : memref<128xi32, #tpu.memory_space<vmem>>) semaphore(%arg13 : memref<!tpu.dma_semaphore, #tpu.memory_space<semaphore_mem>>)
    }
    %scan3A_49 = arith.constant 39 : i32
    %dma_wait3A = arith.constant 0 : i32
    %dma_wait3A_50 = arith.constant 14 : i32
    %dma_wait3A_51 = arith.constant 0 : i32
    %dma_wait3A_52 = tpu.memref_slice %arg7[%dma_wait3A, %dma_wait3A_50, %dma_wait3A_51] : memref<2x16x128xi32, #tpu.memory_space<vmem>> -> memref<1x1x128xi32, #tpu.memory_space<vmem>>
    %dma_wait3A_53 = tpu.memref_squeeze %dma_wait3A_52 : memref<1x1x128xi32, #tpu.memory_space<vmem>> -> memref<128xi32, #tpu.memory_space<vmem>>
    %dma_wait3A_54 = arith.constant 0 : i32
    %dma_wait3A_55 = arith.constant 0 : i32
    %dma_wait3A_56 = tpu.memref_slice %arg2[%dma_wait3A_54, %dma_wait3A_55] : memref<10240x128xf32, #tpu.memory_space<hbm>> -> memref<10240x128xf32, #tpu.memory_space<hbm>>
    tpu.wait_indirect_dma semaphore(%arg12 : memref<!tpu.dma_semaphore, #tpu.memory_space<semaphore_mem>>) src(%dma_wait3A_56 : memref<10240x128xf32, #tpu.memory_space<hbm>>) dst(%arg9 : memref<128x128xf32, #tpu.memory_space<vmem>>)
    %run_scoped3A_57 = arith.constant 0 : i32
    %run_scoped3A_58 = arith.constant 14 : i32
    "tpu.region"() ({
      %run_scoped3A_110 = tpu.sem_alloc : memref<!tpu.dma_semaphore, #tpu.memory_space<semaphore_mem>>
      %dma_start3A_111 = arith.constant 0 : i32
      %dma_start3A_112 = tpu.memref_slice %arg8[%run_scoped3A_57, %run_scoped3A_58, %dma_start3A_111] : memref<2x16x128xi32, #tpu.memory_space<vmem>> -> memref<1x1x128xi32, #tpu.memory_space<vmem>>
      %dma_start3A_113 = tpu.memref_squeeze %dma_start3A_112 : memref<1x1x128xi32, #tpu.memory_space<vmem>> -> memref<128xi32, #tpu.memory_space<vmem>>
      %dma_start3A_114 = arith.constant 0 : i32
      %dma_start3A_115 = arith.constant 0 : i32
      %dma_start3A_116 = tpu.memref_slice %arg11[%dma_start3A_114, %dma_start3A_115] : memref<10240x128xf32, #tpu.memory_space<vmem_shared>> -> memref<10240x128xf32, #tpu.memory_space<vmem_shared>>
      tpu.enqueue_indirect_dma source(%arg9 : memref<128x128xf32, #tpu.memory_space<vmem>>) target(%dma_start3A_116 : memref<10240x128xf32, #tpu.memory_space<vmem_shared>>) offsets(%dma_start3A_113 : memref<128xi32, #tpu.memory_space<vmem>>) semaphore(%run_scoped3A_110 : memref<!tpu.dma_semaphore, #tpu.memory_space<semaphore_mem>>) {add = true}
      %dma_wait3A_117 = arith.constant 0 : i32
      %dma_wait3A_118 = tpu.memref_slice %arg8[%run_scoped3A_57, %run_scoped3A_58, %dma_wait3A_117] : memref<2x16x128xi32, #tpu.memory_space<vmem>> -> memref<1x1x128xi32, #tpu.memory_space<vmem>>
      %dma_wait3A_119 = tpu.memref_squeeze %dma_wait3A_118 : memref<1x1x128xi32, #tpu.memory_space<vmem>> -> memref<128xi32, #tpu.memory_space<vmem>>
      %dma_wait3A_120 = arith.constant 0 : i32
      %dma_wait3A_121 = arith.constant 0 : i32
      %dma_wait3A_122 = tpu.memref_slice %arg11[%dma_wait3A_120, %dma_wait3A_121] : memref<10240x128xf32, #tpu.memory_space<vmem_shared>> -> memref<10240x128xf32, #tpu.memory_space<vmem_shared>>
      tpu.wait_indirect_dma semaphore(%run_scoped3A_110 : memref<!tpu.dma_semaphore, #tpu.memory_space<semaphore_mem>>) src(%arg9 : memref<128x128xf32, #tpu.memory_space<vmem>>) dst(%dma_wait3A_122 : memref<10240x128xf32, #tpu.memory_space<vmem_shared>>)
      tpu.yield
    }) : () -> ()
    %dma_wait3A_59 = arith.constant 0 : i32
    %dma_wait3A_60 = arith.constant 15 : i32
    %dma_wait3A_61 = arith.constant 0 : i32
    %dma_wait3A_62 = tpu.memref_slice %arg7[%dma_wait3A_59, %dma_wait3A_60, %dma_wait3A_61] : memref<2x16x128xi32, #tpu.memory_space<vmem>> -> memref<1x1x128xi32, #tpu.memory_space<vmem>>
    %dma_wait3A_63 = tpu.memref_squeeze %dma_wait3A_62 : memref<1x1x128xi32, #tpu.memory_space<vmem>> -> memref<128xi32, #tpu.memory_space<vmem>>
    %dma_wait3A_64 = arith.constant 0 : i32
    %dma_wait3A_65 = arith.constant 0 : i32
    %dma_wait3A_66 = tpu.memref_slice %arg2[%dma_wait3A_64, %dma_wait3A_65] : memref<10240x128xf32, #tpu.memory_space<hbm>> -> memref<10240x128xf32, #tpu.memory_space<hbm>>
    tpu.wait_indirect_dma semaphore(%arg13 : memref<!tpu.dma_semaphore, #tpu.memory_space<semaphore_mem>>) src(%dma_wait3A_66 : memref<10240x128xf32, #tpu.memory_space<hbm>>) dst(%arg10 : memref<128x128xf32, #tpu.memory_space<vmem>>)
    %run_scoped3A_67 = arith.constant 0 : i32
    %run_scoped3A_68 = arith.constant 15 : i32
    "tpu.region"() ({
      %run_scoped3A_110 = tpu.sem_alloc : memref<!tpu.dma_semaphore, #tpu.memory_space<semaphore_mem>>
      %dma_start3A_111 = arith.constant 0 : i32
      %dma_start3A_112 = tpu.memref_slice %arg8[%run_scoped3A_67, %run_scoped3A_68, %dma_start3A_111] : memref<2x16x128xi32, #tpu.memory_space<vmem>> -> memref<1x1x128xi32, #tpu.memory_space<vmem>>
      %dma_start3A_113 = tpu.memref_squeeze %dma_start3A_112 : memref<1x1x128xi32, #tpu.memory_space<vmem>> -> memref<128xi32, #tpu.memory_space<vmem>>
      %dma_start3A_114 = arith.constant 0 : i32
      %dma_start3A_115 = arith.constant 0 : i32
      %dma_start3A_116 = tpu.memref_slice %arg11[%dma_start3A_114, %dma_start3A_115] : memref<10240x128xf32, #tpu.memory_space<vmem_shared>> -> memref<10240x128xf32, #tpu.memory_space<vmem_shared>>
      tpu.enqueue_indirect_dma source(%arg10 : memref<128x128xf32, #tpu.memory_space<vmem>>) target(%dma_start3A_116 : memref<10240x128xf32, #tpu.memory_space<vmem_shared>>) offsets(%dma_start3A_113 : memref<128xi32, #tpu.memory_space<vmem>>) semaphore(%run_scoped3A_110 : memref<!tpu.dma_semaphore, #tpu.memory_space<semaphore_mem>>) {add = true}
      %dma_wait3A_117 = arith.constant 0 : i32
      %dma_wait3A_118 = tpu.memref_slice %arg8[%run_scoped3A_67, %run_scoped3A_68, %dma_wait3A_117] : memref<2x16x128xi32, #tpu.memory_space<vmem>> -> memref<1x1x128xi32, #tpu.memory_space<vmem>>
      %dma_wait3A_119 = tpu.memref_squeeze %dma_wait3A_118 : memref<1x1x128xi32, #tpu.memory_space<vmem>> -> memref<128xi32, #tpu.memory_space<vmem>>
      %dma_wait3A_120 = arith.constant 0 : i32
      %dma_wait3A_121 = arith.constant 0 : i32
      %dma_wait3A_122 = tpu.memref_slice %arg11[%dma_wait3A_120, %dma_wait3A_121] : memref<10240x128xf32, #tpu.memory_space<vmem_shared>> -> memref<10240x128xf32, #tpu.memory_space<vmem_shared>>
      tpu.wait_indirect_dma semaphore(%run_scoped3A_110 : memref<!tpu.dma_semaphore, #tpu.memory_space<semaphore_mem>>) src(%arg10 : memref<128x128xf32, #tpu.memory_space<vmem>>) dst(%dma_wait3A_122 : memref<10240x128xf32, #tpu.memory_space<vmem_shared>>)
      tpu.yield
    }) : () -> ()
    %barrier3A_69 = arith.constant 0 : index
    tpu.barrier barrier_id(%barrier3A_69)
    %mul3A_70 = arith.constant 640 : i32
    %mul3A_71 = arith.muli %arg1, %mul3A_70 : i32
    %add3A_72 = arith.constant 0 : i32
    %add3A_73 = arith.addi %mul3A_71, %add3A_72 : i32
    "tpu.region"() ({
      %run_scoped3A_110 = tpu.sem_alloc : memref<!tpu.dma_semaphore, #tpu.memory_space<semaphore_mem>>
      %dma_start3A_111 = arith.constant 0 : i32
      %dma_start3A_112 = tpu.memref_slice %arg11[%add3A_73, %dma_start3A_111] : memref<10240x128xf32, #tpu.memory_space<vmem_shared>> -> memref<128x128xf32, #tpu.memory_space<vmem_shared>>
      %dma_start3A_113 = arith.constant 0 : i32
      %dma_start3A_114 = tpu.memref_slice %arg11[%add3A_73, %dma_start3A_113] : memref<10240x128xf32, #tpu.memory_space<vmem_shared>> -> memref<128x128xf32, #tpu.memory_space<vmem_shared>>
      tpu.enqueue_dma source(%dma_start3A_114 : memref<128x128xf32, #tpu.memory_space<vmem_shared>>) target(%arg9 : memref<128x128xf32, #tpu.memory_space<vmem>>) target_semaphore(%run_scoped3A_110 : memref<!tpu.dma_semaphore, #tpu.memory_space<semaphore_mem>>)
      %dma_wait3A_115 = arith.constant 0 : i32
      %dma_wait3A_116 = tpu.memref_slice %arg11[%add3A_73, %dma_wait3A_115] : memref<10240x128xf32, #tpu.memory_space<vmem_shared>> -> memref<128x128xf32, #tpu.memory_space<vmem_shared>>
      %dma_wait3A_117 = arith.constant 0 : i32
      %dma_wait3A_118 = tpu.memref_slice %arg11[%add3A_73, %dma_wait3A_117] : memref<10240x128xf32, #tpu.memory_space<vmem_shared>> -> memref<128x128xf32, #tpu.memory_space<vmem_shared>>
      tpu.wait_dma2 semaphore(%run_scoped3A_110 : memref<!tpu.dma_semaphore, #tpu.memory_space<semaphore_mem>>) src(%dma_wait3A_118 : memref<128x128xf32, #tpu.memory_space<vmem_shared>>) dst(%arg9 : memref<128x128xf32, #tpu.memory_space<vmem>>)
      tpu.yield
    }) : () -> ()
    %mul3A_74 = arith.constant 640 : i32
    %mul3A_75 = arith.muli %arg1, %mul3A_74 : i32
    %add3A_76 = arith.constant 0 : i32
    %add3A_77 = arith.addi %mul3A_75, %add3A_76 : i32
    "tpu.region"() ({
      %run_scoped3A_110 = tpu.sem_alloc : memref<!tpu.dma_semaphore, #tpu.memory_space<semaphore_mem>>
      %dma_start3A_111 = arith.constant 0 : i32
      %dma_start3A_112 = tpu.memref_slice %arg6[%arg0, %add3A_77, %dma_start3A_111] : memref<2x10240x128xf32, #tpu.memory_space<hbm>> -> memref<1x128x128xf32, #tpu.memory_space<hbm>>
      %dma_start3A_113 = tpu.memref_squeeze %dma_start3A_112 : memref<1x128x128xf32, #tpu.memory_space<hbm>> -> memref<128x128xf32, #tpu.memory_space<hbm>>
      %dma_start3A_114 = arith.constant 0 : i32
      %dma_start3A_115 = tpu.memref_slice %arg6[%arg0, %add3A_77, %dma_start3A_114] : memref<2x10240x128xf32, #tpu.memory_space<hbm>> -> memref<1x128x128xf32, #tpu.memory_space<hbm>>
      %dma_start3A_116 = tpu.memref_squeeze %dma_start3A_115 : memref<1x128x128xf32, #tpu.memory_space<hbm>> -> memref<128x128xf32, #tpu.memory_space<hbm>>
      tpu.enqueue_dma source(%arg9 : memref<128x128xf32, #tpu.memory_space<vmem>>) target(%dma_start3A_116 : memref<128x128xf32, #tpu.memory_space<hbm>>) target_semaphore(%run_scoped3A_110 : memref<!tpu.dma_semaphore, #tpu.memory_space<semaphore_mem>>)
      %dma_wait3A_117 = arith.constant 0 : i32
      %dma_wait3A_118 = tpu.memref_slice %arg6[%arg0, %add3A_77, %dma_wait3A_117] : memref<2x10240x128xf32, #tpu.memory_space<hbm>> -> memref<1x128x128xf32, #tpu.memory_space<hbm>>
      %dma_wait3A_119 = tpu.memref_squeeze %dma_wait3A_118 : memref<1x128x128xf32, #tpu.memory_space<hbm>> -> memref<128x128xf32, #tpu.memory_space<hbm>>
      %dma_wait3A_120 = arith.constant 0 : i32
      %dma_wait3A_121 = tpu.memref_slice %arg6[%arg0, %add3A_77, %dma_wait3A_120] : memref<2x10240x128xf32, #tpu.memory_space<hbm>> -> memref<1x128x128xf32, #tpu.memory_space<hbm>>
      %dma_wait3A_122 = tpu.memref_squeeze %dma_wait3A_121 : memref<1x128x128xf32, #tpu.memory_space<hbm>> -> memref<128x128xf32, #tpu.memory_space<hbm>>
      tpu.wait_dma2 semaphore(%run_scoped3A_110 : memref<!tpu.dma_semaphore, #tpu.memory_space<semaphore_mem>>) src(%arg9 : memref<128x128xf32, #tpu.memory_space<vmem>>) dst(%dma_wait3A_122 : memref<128x128xf32, #tpu.memory_space<hbm>>)
      tpu.yield
    }) : () -> ()
    %mul3A_78 = arith.constant 640 : i32
    %mul3A_79 = arith.muli %arg1, %mul3A_78 : i32
    %add3A_80 = arith.constant 128 : i32
    %add3A_81 = arith.addi %mul3A_79, %add3A_80 : i32
    "tpu.region"() ({
      %run_scoped3A_110 = tpu.sem_alloc : memref<!tpu.dma_semaphore, #tpu.memory_space<semaphore_mem>>
      %dma_start3A_111 = arith.constant 0 : i32
      %dma_start3A_112 = tpu.memref_slice %arg11[%add3A_81, %dma_start3A_111] : memref<10240x128xf32, #tpu.memory_space<vmem_shared>> -> memref<128x128xf32, #tpu.memory_space<vmem_shared>>
      %dma_start3A_113 = arith.constant 0 : i32
      %dma_start3A_114 = tpu.memref_slice %arg11[%add3A_81, %dma_start3A_113] : memref<10240x128xf32, #tpu.memory_space<vmem_shared>> -> memref<128x128xf32, #tpu.memory_space<vmem_shared>>
      tpu.enqueue_dma source(%dma_start3A_114 : memref<128x128xf32, #tpu.memory_space<vmem_shared>>) target(%arg9 : memref<128x128xf32, #tpu.memory_space<vmem>>) target_semaphore(%run_scoped3A_110 : memref<!tpu.dma_semaphore, #tpu.memory_space<semaphore_mem>>)
      %dma_wait3A_115 = arith.constant 0 : i32
      %dma_wait3A_116 = tpu.memref_slice %arg11[%add3A_81, %dma_wait3A_115] : memref<10240x128xf32, #tpu.memory_space<vmem_shared>> -> memref<128x128xf32, #tpu.memory_space<vmem_shared>>
      %dma_wait3A_117 = arith.constant 0 : i32
      %dma_wait3A_118 = tpu.memref_slice %arg11[%add3A_81, %dma_wait3A_117] : memref<10240x128xf32, #tpu.memory_space<vmem_shared>> -> memref<128x128xf32, #tpu.memory_space<vmem_shared>>
      tpu.wait_dma2 semaphore(%run_scoped3A_110 : memref<!tpu.dma_semaphore, #tpu.memory_space<semaphore_mem>>) src(%dma_wait3A_118 : memref<128x128xf32, #tpu.memory_space<vmem_shared>>) dst(%arg9 : memref<128x128xf32, #tpu.memory_space<vmem>>)
      tpu.yield
    }) : () -> ()
    %mul3A_82 = arith.constant 640 : i32
    %mul3A_83 = arith.muli %arg1, %mul3A_82 : i32
    %add3A_84 = arith.constant 128 : i32
    %add3A_85 = arith.addi %mul3A_83, %add3A_84 : i32
    "tpu.region"() ({
      %run_scoped3A_110 = tpu.sem_alloc : memref<!tpu.dma_semaphore, #tpu.memory_space<semaphore_mem>>
      %dma_start3A_111 = arith.constant 0 : i32
      %dma_start3A_112 = tpu.memref_slice %arg6[%arg0, %add3A_85, %dma_start3A_111] : memref<2x10240x128xf32, #tpu.memory_space<hbm>> -> memref<1x128x128xf32, #tpu.memory_space<hbm>>
      %dma_start3A_113 = tpu.memref_squeeze %dma_start3A_112 : memref<1x128x128xf32, #tpu.memory_space<hbm>> -> memref<128x128xf32, #tpu.memory_space<hbm>>
      %dma_start3A_114 = arith.constant 0 : i32
      %dma_start3A_115 = tpu.memref_slice %arg6[%arg0, %add3A_85, %dma_start3A_114] : memref<2x10240x128xf32, #tpu.memory_space<hbm>> -> memref<1x128x128xf32, #tpu.memory_space<hbm>>
      %dma_start3A_116 = tpu.memref_squeeze %dma_start3A_115 : memref<1x128x128xf32, #tpu.memory_space<hbm>> -> memref<128x128xf32, #tpu.memory_space<hbm>>
      tpu.enqueue_dma source(%arg9 : memref<128x128xf32, #tpu.memory_space<vmem>>) target(%dma_start3A_116 : memref<128x128xf32, #tpu.memory_space<hbm>>) target_semaphore(%run_scoped3A_110 : memref<!tpu.dma_semaphore, #tpu.memory_space<semaphore_mem>>)
      %dma_wait3A_117 = arith.constant 0 : i32
      %dma_wait3A_118 = tpu.memref_slice %arg6[%arg0, %add3A_85, %dma_wait3A_117] : memref<2x10240x128xf32, #tpu.memory_space<hbm>> -> memref<1x128x128xf32, #tpu.memory_space<hbm>>
      %dma_wait3A_119 = tpu.memref_squeeze %dma_wait3A_118 : memref<1x128x128xf32, #tpu.memory_space<hbm>> -> memref<128x128xf32, #tpu.memory_space<hbm>>
      %dma_wait3A_120 = arith.constant 0 : i32
      %dma_wait3A_121 = tpu.memref_slice %arg6[%arg0, %add3A_85, %dma_wait3A_120] : memref<2x10240x128xf32, #tpu.memory_space<hbm>> -> memref<1x128x128xf32, #tpu.memory_space<hbm>>
      %dma_wait3A_122 = tpu.memref_squeeze %dma_wait3A_121 : memref<1x128x128xf32, #tpu.memory_space<hbm>> -> memref<128x128xf32, #tpu.memory_space<hbm>>
      tpu.wait_dma2 semaphore(%run_scoped3A_110 : memref<!tpu.dma_semaphore, #tpu.memory_space<semaphore_mem>>) src(%arg9 : memref<128x128xf32, #tpu.memory_space<vmem>>) dst(%dma_wait3A_122 : memref<128x128xf32, #tpu.memory_space<hbm>>)
      tpu.yield
    }) : () -> ()
    %mul3A_86 = arith.constant 640 : i32
    %mul3A_87 = arith.muli %arg1, %mul3A_86 : i32
    %add3A_88 = arith.constant 256 : i32
    %add3A_89 = arith.addi %mul3A_87, %add3A_88 : i32
    "tpu.region"() ({
      %run_scoped3A_110 = tpu.sem_alloc : memref<!tpu.dma_semaphore, #tpu.memory_space<semaphore_mem>>
      %dma_start3A_111 = arith.constant 0 : i32
      %dma_start3A_112 = tpu.memref_slice %arg11[%add3A_89, %dma_start3A_111] : memref<10240x128xf32, #tpu.memory_space<vmem_shared>> -> memref<128x128xf32, #tpu.memory_space<vmem_shared>>
      %dma_start3A_113 = arith.constant 0 : i32
      %dma_start3A_114 = tpu.memref_slice %arg11[%add3A_89, %dma_start3A_113] : memref<10240x128xf32, #tpu.memory_space<vmem_shared>> -> memref<128x128xf32, #tpu.memory_space<vmem_shared>>
      tpu.enqueue_dma source(%dma_start3A_114 : memref<128x128xf32, #tpu.memory_space<vmem_shared>>) target(%arg9 : memref<128x128xf32, #tpu.memory_space<vmem>>) target_semaphore(%run_scoped3A_110 : memref<!tpu.dma_semaphore, #tpu.memory_space<semaphore_mem>>)
      %dma_wait3A_115 = arith.constant 0 : i32
      %dma_wait3A_116 = tpu.memref_slice %arg11[%add3A_89, %dma_wait3A_115] : memref<10240x128xf32, #tpu.memory_space<vmem_shared>> -> memref<128x128xf32, #tpu.memory_space<vmem_shared>>
      %dma_wait3A_117 = arith.constant 0 : i32
      %dma_wait3A_118 = tpu.memref_slice %arg11[%add3A_89, %dma_wait3A_117] : memref<10240x128xf32, #tpu.memory_space<vmem_shared>> -> memref<128x128xf32, #tpu.memory_space<vmem_shared>>
      tpu.wait_dma2 semaphore(%run_scoped3A_110 : memref<!tpu.dma_semaphore, #tpu.memory_space<semaphore_mem>>) src(%dma_wait3A_118 : memref<128x128xf32, #tpu.memory_space<vmem_shared>>) dst(%arg9 : memref<128x128xf32, #tpu.memory_space<vmem>>)
      tpu.yield
    }) : () -> ()
    %mul3A_90 = arith.constant 640 : i32
    %mul3A_91 = arith.muli %arg1, %mul3A_90 : i32
    %add3A_92 = arith.constant 256 : i32
    %add3A_93 = arith.addi %mul3A_91, %add3A_92 : i32
    "tpu.region"() ({
      %run_scoped3A_110 = tpu.sem_alloc : memref<!tpu.dma_semaphore, #tpu.memory_space<semaphore_mem>>
      %dma_start3A_111 = arith.constant 0 : i32
      %dma_start3A_112 = tpu.memref_slice %arg6[%arg0, %add3A_93, %dma_start3A_111] : memref<2x10240x128xf32, #tpu.memory_space<hbm>> -> memref<1x128x128xf32, #tpu.memory_space<hbm>>
      %dma_start3A_113 = tpu.memref_squeeze %dma_start3A_112 : memref<1x128x128xf32, #tpu.memory_space<hbm>> -> memref<128x128xf32, #tpu.memory_space<hbm>>
      %dma_start3A_114 = arith.constant 0 : i32
      %dma_start3A_115 = tpu.memref_slice %arg6[%arg0, %add3A_93, %dma_start3A_114] : memref<2x10240x128xf32, #tpu.memory_space<hbm>> -> memref<1x128x128xf32, #tpu.memory_space<hbm>>
      %dma_start3A_116 = tpu.memref_squeeze %dma_start3A_115 : memref<1x128x128xf32, #tpu.memory_space<hbm>> -> memref<128x128xf32, #tpu.memory_space<hbm>>
      tpu.enqueue_dma source(%arg9 : memref<128x128xf32, #tpu.memory_space<vmem>>) target(%dma_start3A_116 : memref<128x128xf32, #tpu.memory_space<hbm>>) target_semaphore(%run_scoped3A_110 : memref<!tpu.dma_semaphore, #tpu.memory_space<semaphore_mem>>)
      %dma_wait3A_117 = arith.constant 0 : i32
      %dma_wait3A_118 = tpu.memref_slice %arg6[%arg0, %add3A_93, %dma_wait3A_117] : memref<2x10240x128xf32, #tpu.memory_space<hbm>> -> memref<1x128x128xf32, #tpu.memory_space<hbm>>
      %dma_wait3A_119 = tpu.memref_squeeze %dma_wait3A_118 : memref<1x128x128xf32, #tpu.memory_space<hbm>> -> memref<128x128xf32, #tpu.memory_space<hbm>>
      %dma_wait3A_120 = arith.constant 0 : i32
      %dma_wait3A_121 = tpu.memref_slice %arg6[%arg0, %add3A_93, %dma_wait3A_120] : memref<2x10240x128xf32, #tpu.memory_space<hbm>> -> memref<1x128x128xf32, #tpu.memory_space<hbm>>
      %dma_wait3A_122 = tpu.memref_squeeze %dma_wait3A_121 : memref<1x128x128xf32, #tpu.memory_space<hbm>> -> memref<128x128xf32, #tpu.memory_space<hbm>>
      tpu.wait_dma2 semaphore(%run_scoped3A_110 : memref<!tpu.dma_semaphore, #tpu.memory_space<semaphore_mem>>) src(%arg9 : memref<128x128xf32, #tpu.memory_space<vmem>>) dst(%dma_wait3A_122 : memref<128x128xf32, #tpu.memory_space<hbm>>)
      tpu.yield
    }) : () -> ()
    %mul3A_94 = arith.constant 640 : i32
    %mul3A_95 = arith.muli %arg1, %mul3A_94 : i32
    %add3A_96 = arith.constant 384 : i32
    %add3A_97 = arith.addi %mul3A_95, %add3A_96 : i32
    "tpu.region"() ({
      %run_scoped3A_110 = tpu.sem_alloc : memref<!tpu.dma_semaphore, #tpu.memory_space<semaphore_mem>>
      %dma_start3A_111 = arith.constant 0 : i32
      %dma_start3A_112 = tpu.memref_slice %arg11[%add3A_97, %dma_start3A_111] : memref<10240x128xf32, #tpu.memory_space<vmem_shared>> -> memref<128x128xf32, #tpu.memory_space<vmem_shared>>
      %dma_start3A_113 = arith.constant 0 : i32
      %dma_start3A_114 = tpu.memref_slice %arg11[%add3A_97, %dma_start3A_113] : memref<10240x128xf32, #tpu.memory_space<vmem_shared>> -> memref<128x128xf32, #tpu.memory_space<vmem_shared>>
      tpu.enqueue_dma source(%dma_start3A_114 : memref<128x128xf32, #tpu.memory_space<vmem_shared>>) target(%arg9 : memref<128x128xf32, #tpu.memory_space<vmem>>) target_semaphore(%run_scoped3A_110 : memref<!tpu.dma_semaphore, #tpu.memory_space<semaphore_mem>>)
      %dma_wait3A_115 = arith.constant 0 : i32
      %dma_wait3A_116 = tpu.memref_slice %arg11[%add3A_97, %dma_wait3A_115] : memref<10240x128xf32, #tpu.memory_space<vmem_shared>> -> memref<128x128xf32, #tpu.memory_space<vmem_shared>>
      %dma_wait3A_117 = arith.constant 0 : i32
      %dma_wait3A_118 = tpu.memref_slice %arg11[%add3A_97, %dma_wait3A_117] : memref<10240x128xf32, #tpu.memory_space<vmem_shared>> -> memref<128x128xf32, #tpu.memory_space<vmem_shared>>
      tpu.wait_dma2 semaphore(%run_scoped3A_110 : memref<!tpu.dma_semaphore, #tpu.memory_space<semaphore_mem>>) src(%dma_wait3A_118 : memref<128x128xf32, #tpu.memory_space<vmem_shared>>) dst(%arg9 : memref<128x128xf32, #tpu.memory_space<vmem>>)
      tpu.yield
    }) : () -> ()
    %mul3A_98 = arith.constant 640 : i32
    %mul3A_99 = arith.muli %arg1, %mul3A_98 : i32
    %add3A_100 = arith.constant 384 : i32
    %add3A_101 = arith.addi %mul3A_99, %add3A_100 : i32
    "tpu.region"() ({
      %run_scoped3A_110 = tpu.sem_alloc : memref<!tpu.dma_semaphore, #tpu.memory_space<semaphore_mem>>
      %dma_start3A_111 = arith.constant 0 : i32
      %dma_start3A_112 = tpu.memref_slice %arg6[%arg0, %add3A_101, %dma_start3A_111] : memref<2x10240x128xf32, #tpu.memory_space<hbm>> -> memref<1x128x128xf32, #tpu.memory_space<hbm>>
      %dma_start3A_113 = tpu.memref_squeeze %dma_start3A_112 : memref<1x128x128xf32, #tpu.memory_space<hbm>> -> memref<128x128xf32, #tpu.memory_space<hbm>>
      %dma_start3A_114 = arith.constant 0 : i32
      %dma_start3A_115 = tpu.memref_slice %arg6[%arg0, %add3A_101, %dma_start3A_114] : memref<2x10240x128xf32, #tpu.memory_space<hbm>> -> memref<1x128x128xf32, #tpu.memory_space<hbm>>
      %dma_start3A_116 = tpu.memref_squeeze %dma_start3A_115 : memref<1x128x128xf32, #tpu.memory_space<hbm>> -> memref<128x128xf32, #tpu.memory_space<hbm>>
      tpu.enqueue_dma source(%arg9 : memref<128x128xf32, #tpu.memory_space<vmem>>) target(%dma_start3A_116 : memref<128x128xf32, #tpu.memory_space<hbm>>) target_semaphore(%run_scoped3A_110 : memref<!tpu.dma_semaphore, #tpu.memory_space<semaphore_mem>>)
      %dma_wait3A_117 = arith.constant 0 : i32
      %dma_wait3A_118 = tpu.memref_slice %arg6[%arg0, %add3A_101, %dma_wait3A_117] : memref<2x10240x128xf32, #tpu.memory_space<hbm>> -> memref<1x128x128xf32, #tpu.memory_space<hbm>>
      %dma_wait3A_119 = tpu.memref_squeeze %dma_wait3A_118 : memref<1x128x128xf32, #tpu.memory_space<hbm>> -> memref<128x128xf32, #tpu.memory_space<hbm>>
      %dma_wait3A_120 = arith.constant 0 : i32
      %dma_wait3A_121 = tpu.memref_slice %arg6[%arg0, %add3A_101, %dma_wait3A_120] : memref<2x10240x128xf32, #tpu.memory_space<hbm>> -> memref<1x128x128xf32, #tpu.memory_space<hbm>>
      %dma_wait3A_122 = tpu.memref_squeeze %dma_wait3A_121 : memref<1x128x128xf32, #tpu.memory_space<hbm>> -> memref<128x128xf32, #tpu.memory_space<hbm>>
      tpu.wait_dma2 semaphore(%run_scoped3A_110 : memref<!tpu.dma_semaphore, #tpu.memory_space<semaphore_mem>>) src(%arg9 : memref<128x128xf32, #tpu.memory_space<vmem>>) dst(%dma_wait3A_122 : memref<128x128xf32, #tpu.memory_space<hbm>>)
      tpu.yield
    }) : () -> ()
    %mul3A_102 = arith.constant 640 : i32
    %mul3A_103 = arith.muli %arg1, %mul3A_102 : i32
    %add3A_104 = arith.constant 512 : i32
    %add3A_105 = arith.addi %mul3A_103, %add3A_104 : i32
    "tpu.region"() ({
      %run_scoped3A_110 = tpu.sem_alloc : memref<!tpu.dma_semaphore, #tpu.memory_space<semaphore_mem>>
      %dma_start3A_111 = arith.constant 0 : i32
      %dma_start3A_112 = tpu.memref_slice %arg11[%add3A_105, %dma_start3A_111] : memref<10240x128xf32, #tpu.memory_space<vmem_shared>> -> memref<128x128xf32, #tpu.memory_space<vmem_shared>>
      %dma_start3A_113 = arith.constant 0 : i32
      %dma_start3A_114 = tpu.memref_slice %arg11[%add3A_105, %dma_start3A_113] : memref<10240x128xf32, #tpu.memory_space<vmem_shared>> -> memref<128x128xf32, #tpu.memory_space<vmem_shared>>
      tpu.enqueue_dma source(%dma_start3A_114 : memref<128x128xf32, #tpu.memory_space<vmem_shared>>) target(%arg9 : memref<128x128xf32, #tpu.memory_space<vmem>>) target_semaphore(%run_scoped3A_110 : memref<!tpu.dma_semaphore, #tpu.memory_space<semaphore_mem>>)
      %dma_wait3A_115 = arith.constant 0 : i32
      %dma_wait3A_116 = tpu.memref_slice %arg11[%add3A_105, %dma_wait3A_115] : memref<10240x128xf32, #tpu.memory_space<vmem_shared>> -> memref<128x128xf32, #tpu.memory_space<vmem_shared>>
      %dma_wait3A_117 = arith.constant 0 : i32
      %dma_wait3A_118 = tpu.memref_slice %arg11[%add3A_105, %dma_wait3A_117] : memref<10240x128xf32, #tpu.memory_space<vmem_shared>> -> memref<128x128xf32, #tpu.memory_space<vmem_shared>>
      tpu.wait_dma2 semaphore(%run_scoped3A_110 : memref<!tpu.dma_semaphore, #tpu.memory_space<semaphore_mem>>) src(%dma_wait3A_118 : memref<128x128xf32, #tpu.memory_space<vmem_shared>>) dst(%arg9 : memref<128x128xf32, #tpu.memory_space<vmem>>)
      tpu.yield
    }) : () -> ()
    %mul3A_106 = arith.constant 640 : i32
    %mul3A_107 = arith.muli %arg1, %mul3A_106 : i32
    %add3A_108 = arith.constant 512 : i32
    %add3A_109 = arith.addi %mul3A_107, %add3A_108 : i32
    "tpu.region"() ({
      %run_scoped3A_110 = tpu.sem_alloc : memref<!tpu.dma_semaphore, #tpu.memory_space<semaphore_mem>>
      %dma_start3A_111 = arith.constant 0 : i32
      %dma_start3A_112 = tpu.memref_slice %arg6[%arg0, %add3A_109, %dma_start3A_111] : memref<2x10240x128xf32, #tpu.memory_space<hbm>> -> memref<1x128x128xf32, #tpu.memory_space<hbm>>
      %dma_start3A_113 = tpu.memref_squeeze %dma_start3A_112 : memref<1x128x128xf32, #tpu.memory_space<hbm>> -> memref<128x128xf32, #tpu.memory_space<hbm>>
      %dma_start3A_114 = arith.constant 0 : i32
      %dma_start3A_115 = tpu.memref_slice %arg6[%arg0, %add3A_109, %dma_start3A_114] : memref<2x10240x128xf32, #tpu.memory_space<hbm>> -> memref<1x128x128xf32, #tpu.memory_space<hbm>>
      %dma_start3A_116 = tpu.memref_squeeze %dma_start3A_115 : memref<1x128x128xf32, #tpu.memory_space<hbm>> -> memref<128x128xf32, #tpu.memory_space<hbm>>
      tpu.enqueue_dma source(%arg9 : memref<128x128xf32, #tpu.memory_space<vmem>>) target(%dma_start3A_116 : memref<128x128xf32, #tpu.memory_space<hbm>>) target_semaphore(%run_scoped3A_110 : memref<!tpu.dma_semaphore, #tpu.memory_space<semaphore_mem>>)
      %dma_wait3A_117 = arith.constant 0 : i32
      %dma_wait3A_118 = tpu.memref_slice %arg6[%arg0, %add3A_109, %dma_wait3A_117] : memref<2x10240x128xf32, #tpu.memory_space<hbm>> -> memref<1x128x128xf32, #tpu.memory_space<hbm>>
      %dma_wait3A_119 = tpu.memref_squeeze %dma_wait3A_118 : memref<1x128x128xf32, #tpu.memory_space<hbm>> -> memref<128x128xf32, #tpu.memory_space<hbm>>
      %dma_wait3A_120 = arith.constant 0 : i32
      %dma_wait3A_121 = tpu.memref_slice %arg6[%arg0, %add3A_109, %dma_wait3A_120] : memref<2x10240x128xf32, #tpu.memory_space<hbm>> -> memref<1x128x128xf32, #tpu.memory_space<hbm>>
      %dma_wait3A_122 = tpu.memref_squeeze %dma_wait3A_121 : memref<1x128x128xf32, #tpu.memory_space<hbm>> -> memref<128x128xf32, #tpu.memory_space<hbm>>
      tpu.wait_dma2 semaphore(%run_scoped3A_110 : memref<!tpu.dma_semaphore, #tpu.memory_space<semaphore_mem>>) src(%arg9 : memref<128x128xf32, #tpu.memory_space<vmem>>) dst(%dma_wait3A_122 : memref<128x128xf32, #tpu.memory_space<hbm>>)
      tpu.yield
    }) : () -> ()
    return
  }
}

#map = affine_map<(d0, d1) -> (0, 0)>
#map1 = affine_map<(d0, d1) -> (0, 0, 0)>
module attributes {stable_mosaic.version = 14 : i64} {
  func.func @_prop_body(%arg0: i32, %arg1: i32, %arg2: memref<10240x128xf32, #tpu.memory_space<hbm>>, %arg3: memref<2560x128xi32, #tpu.memory_space<hbm>>, %arg4: memref<2560x128xi32, #tpu.memory_space<hbm>>, %arg5: memref<128x128xf32, #tpu.memory_space<hbm>>, %arg6: memref<2x10240x128xf32, #tpu.memory_space<hbm>>, %arg7: memref<2x16x128xi32, #tpu.memory_space<vmem>>, %arg8: memref<2x16x128xi32, #tpu.memory_space<vmem>>, %arg9: memref<128x128xf32, #tpu.memory_space<vmem>>, %arg10: memref<128x128xf32, #tpu.memory_space<vmem>>, %arg11: memref<10240x128xf32, #tpu.memory_space<vmem_shared>>, %arg12: memref<!tpu.dma_semaphore, #tpu.memory_space<semaphore_mem>>, %arg13: memref<!tpu.dma_semaphore, #tpu.memory_space<semaphore_mem>>) attributes {dimension_semantics = [#tpu.dimension_semantics<core_parallel>, #tpu.dimension_semantics<subcore_parallel>], iteration_bounds = array<i64: 2, 16>, scalar_prefetch = 0 : i64, scratch_operands = 7 : i64, tpu.core_type = #tpu.core_type<sc_vector_subcore>, window_params = [{transform_indices = #map}, {transform_indices = #map}, {transform_indices = #map}, {transform_indices = #map}, {transform_indices = #map1}]} {
    %mul3A = arith.constant 16 : i32
    %mul3A_0 = arith.muli %arg0, %mul3A : i32
    %add3A = arith.addi %mul3A_0, %arg1 : i32
    %mul3A_1 = arith.constant 80 : i32
    %mul3A_2 = arith.muli %add3A, %mul3A_1 : i32
    "tpu.region"() ({
      %run_scoped3A_110 = tpu.sem_alloc : memref<!tpu.dma_semaphore, #tpu.memory_space<semaphore_mem>>
      tpu.enqueue_dma source(%arg5 : memref<128x128xf32, #tpu.memory_space<hbm>>) target(%arg9 : memref<128x128xf32, #tpu.memory_space<vmem>>) target_semaphore(%run_scoped3A_110 : memref<!tpu.dma_semaphore, #tpu.memory_space<semaphore_mem>>)
      tpu.wait_dma2 semaphore(%run_scoped3A_110 : memref<!tpu.dma_semaphore, #tpu.memory_space<semaphore_mem>>) src(%arg5 : memref<128x128xf32, #tpu.memory_space<hbm>>) dst(%arg9 : memref<128x128xf32, #tpu.memory_space<vmem>>)
      tpu.yield
    }) : () -> ()
    %mul3A_3 = arith.constant 640 : i32
    %mul3A_4 = arith.muli %arg1, %mul3A_3 : i32
    %add3A_5 = arith.constant 0 : i32
    %add3A_6 = arith.addi %mul3A_4, %add3A_5 : i32
    "tpu.region"() ({
      %run_scoped3A_110 = tpu.sem_alloc : memref<!tpu.dma_semaphore, #tpu.memory_space<semaphore_mem>>
      %dma_start3A_111 = arith.constant 0 : i32
      %dma_start3A_112 = tpu.memref_slice %arg11[%add3A_6, %dma_start3A_111] : memref<10240x128xf32, #tpu.memory_space<vmem_shared>> -> memref<128x128xf32, #tpu.memory_space<vmem_shared>>
      %dma_start3A_113 = arith.constant 0 : i32
      %dma_start3A_114 = tpu.memref_slice %arg11[%add3A_6, %dma_start3A_113] : memref<10240x128xf32, #tpu.memory_space<vmem_shared>> -> memref<128x128xf32, #tpu.memory_space<vmem_shared>>
      tpu.enqueue_dma source(%arg9 : memref<128x128xf32, #tpu.memory_space<vmem>>) target(%dma_start3A_114 : memref<128x128xf32, #tpu.memory_space<vmem_shared>>) target_semaphore(%run_scoped3A_110 : memref<!tpu.dma_semaphore, #tpu.memory_space<semaphore_mem>>)
      %dma_wait3A_115 = arith.constant 0 : i32
      %dma_wait3A_116 = tpu.memref_slice %arg11[%add3A_6, %dma_wait3A_115] : memref<10240x128xf32, #tpu.memory_space<vmem_shared>> -> memref<128x128xf32, #tpu.memory_space<vmem_shared>>
      %dma_wait3A_117 = arith.constant 0 : i32
      %dma_wait3A_118 = tpu.memref_slice %arg11[%add3A_6, %dma_wait3A_117] : memref<10240x128xf32, #tpu.memory_space<vmem_shared>> -> memref<128x128xf32, #tpu.memory_space<vmem_shared>>
      tpu.wait_dma2 semaphore(%run_scoped3A_110 : memref<!tpu.dma_semaphore, #tpu.memory_space<semaphore_mem>>) src(%arg9 : memref<128x128xf32, #tpu.memory_space<vmem>>) dst(%dma_wait3A_118 : memref<128x128xf32, #tpu.memory_space<vmem_shared>>)
      tpu.yield
    }) : () -> ()
    %mul3A_7 = arith.constant 640 : i32
    %mul3A_8 = arith.muli %arg1, %mul3A_7 : i32
    %add3A_9 = arith.constant 128 : i32
    %add3A_10 = arith.addi %mul3A_8, %add3A_9 : i32
    "tpu.region"() ({
      %run_scoped3A_110 = tpu.sem_alloc : memref<!tpu.dma_semaphore, #tpu.memory_space<semaphore_mem>>
      %dma_start3A_111 = arith.constant 0 : i32
      %dma_start3A_112 = tpu.memref_slice %arg11[%add3A_10, %dma_start3A_111] : memref<10240x128xf32, #tpu.memory_space<vmem_shared>> -> memref<128x128xf32, #tpu.memory_space<vmem_shared>>
      %dma_start3A_113 = arith.constant 0 : i32
      %dma_start3A_114 = tpu.memref_slice %arg11[%add3A_10, %dma_start3A_113] : memref<10240x128xf32, #tpu.memory_space<vmem_shared>> -> memref<128x128xf32, #tpu.memory_space<vmem_shared>>
      tpu.enqueue_dma source(%arg9 : memref<128x128xf32, #tpu.memory_space<vmem>>) target(%dma_start3A_114 : memref<128x128xf32, #tpu.memory_space<vmem_shared>>) target_semaphore(%run_scoped3A_110 : memref<!tpu.dma_semaphore, #tpu.memory_space<semaphore_mem>>)
      %dma_wait3A_115 = arith.constant 0 : i32
      %dma_wait3A_116 = tpu.memref_slice %arg11[%add3A_10, %dma_wait3A_115] : memref<10240x128xf32, #tpu.memory_space<vmem_shared>> -> memref<128x128xf32, #tpu.memory_space<vmem_shared>>
      %dma_wait3A_117 = arith.constant 0 : i32
      %dma_wait3A_118 = tpu.memref_slice %arg11[%add3A_10, %dma_wait3A_117] : memref<10240x128xf32, #tpu.memory_space<vmem_shared>> -> memref<128x128xf32, #tpu.memory_space<vmem_shared>>
      tpu.wait_dma2 semaphore(%run_scoped3A_110 : memref<!tpu.dma_semaphore, #tpu.memory_space<semaphore_mem>>) src(%arg9 : memref<128x128xf32, #tpu.memory_space<vmem>>) dst(%dma_wait3A_118 : memref<128x128xf32, #tpu.memory_space<vmem_shared>>)
      tpu.yield
    }) : () -> ()
    %mul3A_11 = arith.constant 640 : i32
    %mul3A_12 = arith.muli %arg1, %mul3A_11 : i32
    %add3A_13 = arith.constant 256 : i32
    %add3A_14 = arith.addi %mul3A_12, %add3A_13 : i32
    "tpu.region"() ({
      %run_scoped3A_110 = tpu.sem_alloc : memref<!tpu.dma_semaphore, #tpu.memory_space<semaphore_mem>>
      %dma_start3A_111 = arith.constant 0 : i32
      %dma_start3A_112 = tpu.memref_slice %arg11[%add3A_14, %dma_start3A_111] : memref<10240x128xf32, #tpu.memory_space<vmem_shared>> -> memref<128x128xf32, #tpu.memory_space<vmem_shared>>
      %dma_start3A_113 = arith.constant 0 : i32
      %dma_start3A_114 = tpu.memref_slice %arg11[%add3A_14, %dma_start3A_113] : memref<10240x128xf32, #tpu.memory_space<vmem_shared>> -> memref<128x128xf32, #tpu.memory_space<vmem_shared>>
      tpu.enqueue_dma source(%arg9 : memref<128x128xf32, #tpu.memory_space<vmem>>) target(%dma_start3A_114 : memref<128x128xf32, #tpu.memory_space<vmem_shared>>) target_semaphore(%run_scoped3A_110 : memref<!tpu.dma_semaphore, #tpu.memory_space<semaphore_mem>>)
      %dma_wait3A_115 = arith.constant 0 : i32
      %dma_wait3A_116 = tpu.memref_slice %arg11[%add3A_14, %dma_wait3A_115] : memref<10240x128xf32, #tpu.memory_space<vmem_shared>> -> memref<128x128xf32, #tpu.memory_space<vmem_shared>>
      %dma_wait3A_117 = arith.constant 0 : i32
      %dma_wait3A_118 = tpu.memref_slice %arg11[%add3A_14, %dma_wait3A_117] : memref<10240x128xf32, #tpu.memory_space<vmem_shared>> -> memref<128x128xf32, #tpu.memory_space<vmem_shared>>
      tpu.wait_dma2 semaphore(%run_scoped3A_110 : memref<!tpu.dma_semaphore, #tpu.memory_space<semaphore_mem>>) src(%arg9 : memref<128x128xf32, #tpu.memory_space<vmem>>) dst(%dma_wait3A_118 : memref<128x128xf32, #tpu.memory_space<vmem_shared>>)
      tpu.yield
    }) : () -> ()
    %mul3A_15 = arith.constant 640 : i32
    %mul3A_16 = arith.muli %arg1, %mul3A_15 : i32
    %add3A_17 = arith.constant 384 : i32
    %add3A_18 = arith.addi %mul3A_16, %add3A_17 : i32
    "tpu.region"() ({
      %run_scoped3A_110 = tpu.sem_alloc : memref<!tpu.dma_semaphore, #tpu.memory_space<semaphore_mem>>
      %dma_start3A_111 = arith.constant 0 : i32
      %dma_start3A_112 = tpu.memref_slice %arg11[%add3A_18, %dma_start3A_111] : memref<10240x128xf32, #tpu.memory_space<vmem_shared>> -> memref<128x128xf32, #tpu.memory_space<vmem_shared>>
      %dma_start3A_113 = arith.constant 0 : i32
      %dma_start3A_114 = tpu.memref_slice %arg11[%add3A_18, %dma_start3A_113] : memref<10240x128xf32, #tpu.memory_space<vmem_shared>> -> memref<128x128xf32, #tpu.memory_space<vmem_shared>>
      tpu.enqueue_dma source(%arg9 : memref<128x128xf32, #tpu.memory_space<vmem>>) target(%dma_start3A_114 : memref<128x128xf32, #tpu.memory_space<vmem_shared>>) target_semaphore(%run_scoped3A_110 : memref<!tpu.dma_semaphore, #tpu.memory_space<semaphore_mem>>)
      %dma_wait3A_115 = arith.constant 0 : i32
      %dma_wait3A_116 = tpu.memref_slice %arg11[%add3A_18, %dma_wait3A_115] : memref<10240x128xf32, #tpu.memory_space<vmem_shared>> -> memref<128x128xf32, #tpu.memory_space<vmem_shared>>
      %dma_wait3A_117 = arith.constant 0 : i32
      %dma_wait3A_118 = tpu.memref_slice %arg11[%add3A_18, %dma_wait3A_117] : memref<10240x128xf32, #tpu.memory_space<vmem_shared>> -> memref<128x128xf32, #tpu.memory_space<vmem_shared>>
      tpu.wait_dma2 semaphore(%run_scoped3A_110 : memref<!tpu.dma_semaphore, #tpu.memory_space<semaphore_mem>>) src(%arg9 : memref<128x128xf32, #tpu.memory_space<vmem>>) dst(%dma_wait3A_118 : memref<128x128xf32, #tpu.memory_space<vmem_shared>>)
      tpu.yield
    }) : () -> ()
    %mul3A_19 = arith.constant 640 : i32
    %mul3A_20 = arith.muli %arg1, %mul3A_19 : i32
    %add3A_21 = arith.constant 512 : i32
    %add3A_22 = arith.addi %mul3A_20, %add3A_21 : i32
    "tpu.region"() ({
      %run_scoped3A_110 = tpu.sem_alloc : memref<!tpu.dma_semaphore, #tpu.memory_space<semaphore_mem>>
      %dma_start3A_111 = arith.constant 0 : i32
      %dma_start3A_112 = tpu.memref_slice %arg11[%add3A_22, %dma_start3A_111] : memref<10240x128xf32, #tpu.memory_space<vmem_shared>> -> memref<128x128xf32, #tpu.memory_space<vmem_shared>>
      %dma_start3A_113 = arith.constant 0 : i32
      %dma_start3A_114 = tpu.memref_slice %arg11[%add3A_22, %dma_start3A_113] : memref<10240x128xf32, #tpu.memory_space<vmem_shared>> -> memref<128x128xf32, #tpu.memory_space<vmem_shared>>
      tpu.enqueue_dma source(%arg9 : memref<128x128xf32, #tpu.memory_space<vmem>>) target(%dma_start3A_114 : memref<128x128xf32, #tpu.memory_space<vmem_shared>>) target_semaphore(%run_scoped3A_110 : memref<!tpu.dma_semaphore, #tpu.memory_space<semaphore_mem>>)
      %dma_wait3A_115 = arith.constant 0 : i32
      %dma_wait3A_116 = tpu.memref_slice %arg11[%add3A_22, %dma_wait3A_115] : memref<10240x128xf32, #tpu.memory_space<vmem_shared>> -> memref<128x128xf32, #tpu.memory_space<vmem_shared>>
      %dma_wait3A_117 = arith.constant 0 : i32
      %dma_wait3A_118 = tpu.memref_slice %arg11[%add3A_22, %dma_wait3A_117] : memref<10240x128xf32, #tpu.memory_space<vmem_shared>> -> memref<128x128xf32, #tpu.memory_space<vmem_shared>>
      tpu.wait_dma2 semaphore(%run_scoped3A_110 : memref<!tpu.dma_semaphore, #tpu.memory_space<semaphore_mem>>) src(%arg9 : memref<128x128xf32, #tpu.memory_space<vmem>>) dst(%dma_wait3A_118 : memref<128x128xf32, #tpu.memory_space<vmem_shared>>)
      tpu.yield
    }) : () -> ()
    %run_scoped3A = arith.constant 0 : i32
    "tpu.region"() ({
      %run_scoped3A_110 = tpu.sem_alloc : memref<!tpu.dma_semaphore, #tpu.memory_space<semaphore_mem>>
      %dma_start3A_111 = arith.constant 0 : i32
      %dma_start3A_112 = arith.constant 0 : i32
      %dma_start3A_113 = tpu.memref_slice %arg7[%run_scoped3A, %dma_start3A_111, %dma_start3A_112] : memref<2x16x128xi32, #tpu.memory_space<vmem>> -> memref<1x16x128xi32, #tpu.memory_space<vmem>>
      %dma_start3A_114 = tpu.memref_squeeze %dma_start3A_113 : memref<1x16x128xi32, #tpu.memory_space<vmem>> -> memref<16x128xi32, #tpu.memory_space<vmem>>
      %dma_start3A_115 = arith.constant 0 : i32
      %dma_start3A_116 = tpu.memref_slice %arg3[%mul3A_2, %dma_start3A_115] : memref<2560x128xi32, #tpu.memory_space<hbm>> -> memref<16x128xi32, #tpu.memory_space<hbm>>
      %dma_start3A_117 = arith.constant 0 : i32
      %dma_start3A_118 = arith.constant 0 : i32
      %dma_start3A_119 = tpu.memref_slice %arg7[%run_scoped3A, %dma_start3A_117, %dma_start3A_118] : memref<2x16x128xi32, #tpu.memory_space<vmem>> -> memref<1x16x128xi32, #tpu.memory_space<vmem>>
      %dma_start3A_120 = tpu.memref_squeeze %dma_start3A_119 : memref<1x16x128xi32, #tpu.memory_space<vmem>> -> memref<16x128xi32, #tpu.memory_space<vmem>>
      %dma_start3A_121 = arith.constant 0 : i32
      %dma_start3A_122 = tpu.memref_slice %arg3[%mul3A_2, %dma_start3A_121] : memref<2560x128xi32, #tpu.memory_space<hbm>> -> memref<16x128xi32, #tpu.memory_space<hbm>>
      tpu.enqueue_dma source(%dma_start3A_122 : memref<16x128xi32, #tpu.memory_space<hbm>>) target(%dma_start3A_120 : memref<16x128xi32, #tpu.memory_space<vmem>>) target_semaphore(%run_scoped3A_110 : memref<!tpu.dma_semaphore, #tpu.memory_space<semaphore_mem>>)
      %dma_wait3A_123 = arith.constant 0 : i32
      %dma_wait3A_124 = arith.constant 0 : i32
      %dma_wait3A_125 = tpu.memref_slice %arg7[%run_scoped3A, %dma_wait3A_123, %dma_wait3A_124] : memref<2x16x128xi32, #tpu.memory_space<vmem>> -> memref<1x16x128xi32, #tpu.memory_space<vmem>>
      %dma_wait3A_126 = tpu.memref_squeeze %dma_wait3A_125 : memref<1x16x128xi32, #tpu.memory_space<vmem>> -> memref<16x128xi32, #tpu.memory_space<vmem>>
      %dma_wait3A_127 = arith.constant 0 : i32
      %dma_wait3A_128 = tpu.memref_slice %arg3[%mul3A_2, %dma_wait3A_127] : memref<2560x128xi32, #tpu.memory_space<hbm>> -> memref<16x128xi32, #tpu.memory_space<hbm>>
      %dma_wait3A_129 = arith.constant 0 : i32
      %dma_wait3A_130 = arith.constant 0 : i32
      %dma_wait3A_131 = tpu.memref_slice %arg7[%run_scoped3A, %dma_wait3A_129, %dma_wait3A_130] : memref<2x16x128xi32, #tpu.memory_space<vmem>> -> memref<1x16x128xi32, #tpu.memory_space<vmem>>
      %dma_wait3A_132 = tpu.memref_squeeze %dma_wait3A_131 : memref<1x16x128xi32, #tpu.memory_space<vmem>> -> memref<16x128xi32, #tpu.memory_space<vmem>>
      %dma_wait3A_133 = arith.constant 0 : i32
      %dma_wait3A_134 = tpu.memref_slice %arg3[%mul3A_2, %dma_wait3A_133] : memref<2560x128xi32, #tpu.memory_space<hbm>> -> memref<16x128xi32, #tpu.memory_space<hbm>>
      tpu.wait_dma2 semaphore(%run_scoped3A_110 : memref<!tpu.dma_semaphore, #tpu.memory_space<semaphore_mem>>) src(%dma_wait3A_134 : memref<16x128xi32, #tpu.memory_space<hbm>>) dst(%dma_wait3A_132 : memref<16x128xi32, #tpu.memory_space<vmem>>)
      tpu.yield
    }) : () -> ()
    %run_scoped3A_23 = arith.constant 0 : i32
    "tpu.region"() ({
      %run_scoped3A_110 = tpu.sem_alloc : memref<!tpu.dma_semaphore, #tpu.memory_space<semaphore_mem>>
      %dma_start3A_111 = arith.constant 0 : i32
      %dma_start3A_112 = arith.constant 0 : i32
      %dma_start3A_113 = tpu.memref_slice %arg8[%run_scoped3A_23, %dma_start3A_111, %dma_start3A_112] : memref<2x16x128xi32, #tpu.memory_space<vmem>> -> memref<1x16x128xi32, #tpu.memory_space<vmem>>
      %dma_start3A_114 = tpu.memref_squeeze %dma_start3A_113 : memref<1x16x128xi32, #tpu.memory_space<vmem>> -> memref<16x128xi32, #tpu.memory_space<vmem>>
      %dma_start3A_115 = arith.constant 0 : i32
      %dma_start3A_116 = tpu.memref_slice %arg4[%mul3A_2, %dma_start3A_115] : memref<2560x128xi32, #tpu.memory_space<hbm>> -> memref<16x128xi32, #tpu.memory_space<hbm>>
      %dma_start3A_117 = arith.constant 0 : i32
      %dma_start3A_118 = arith.constant 0 : i32
      %dma_start3A_119 = tpu.memref_slice %arg8[%run_scoped3A_23, %dma_start3A_117, %dma_start3A_118] : memref<2x16x128xi32, #tpu.memory_space<vmem>> -> memref<1x16x128xi32, #tpu.memory_space<vmem>>
      %dma_start3A_120 = tpu.memref_squeeze %dma_start3A_119 : memref<1x16x128xi32, #tpu.memory_space<vmem>> -> memref<16x128xi32, #tpu.memory_space<vmem>>
      %dma_start3A_121 = arith.constant 0 : i32
      %dma_start3A_122 = tpu.memref_slice %arg4[%mul3A_2, %dma_start3A_121] : memref<2560x128xi32, #tpu.memory_space<hbm>> -> memref<16x128xi32, #tpu.memory_space<hbm>>
      tpu.enqueue_dma source(%dma_start3A_122 : memref<16x128xi32, #tpu.memory_space<hbm>>) target(%dma_start3A_120 : memref<16x128xi32, #tpu.memory_space<vmem>>) target_semaphore(%run_scoped3A_110 : memref<!tpu.dma_semaphore, #tpu.memory_space<semaphore_mem>>)
      %dma_wait3A_123 = arith.constant 0 : i32
      %dma_wait3A_124 = arith.constant 0 : i32
      %dma_wait3A_125 = tpu.memref_slice %arg8[%run_scoped3A_23, %dma_wait3A_123, %dma_wait3A_124] : memref<2x16x128xi32, #tpu.memory_space<vmem>> -> memref<1x16x128xi32, #tpu.memory_space<vmem>>
      %dma_wait3A_126 = tpu.memref_squeeze %dma_wait3A_125 : memref<1x16x128xi32, #tpu.memory_space<vmem>> -> memref<16x128xi32, #tpu.memory_space<vmem>>
      %dma_wait3A_127 = arith.constant 0 : i32
      %dma_wait3A_128 = tpu.memref_slice %arg4[%mul3A_2, %dma_wait3A_127] : memref<2560x128xi32, #tpu.memory_space<hbm>> -> memref<16x128xi32, #tpu.memory_space<hbm>>
      %dma_wait3A_129 = arith.constant 0 : i32
      %dma_wait3A_130 = arith.constant 0 : i32
      %dma_wait3A_131 = tpu.memref_slice %arg8[%run_scoped3A_23, %dma_wait3A_129, %dma_wait3A_130] : memref<2x16x128xi32, #tpu.memory_space<vmem>> -> memref<1x16x128xi32, #tpu.memory_space<vmem>>
      %dma_wait3A_132 = tpu.memref_squeeze %dma_wait3A_131 : memref<1x16x128xi32, #tpu.memory_space<vmem>> -> memref<16x128xi32, #tpu.memory_space<vmem>>
      %dma_wait3A_133 = arith.constant 0 : i32
      %dma_wait3A_134 = tpu.memref_slice %arg4[%mul3A_2, %dma_wait3A_133] : memref<2560x128xi32, #tpu.memory_space<hbm>> -> memref<16x128xi32, #tpu.memory_space<hbm>>
      tpu.wait_dma2 semaphore(%run_scoped3A_110 : memref<!tpu.dma_semaphore, #tpu.memory_space<semaphore_mem>>) src(%dma_wait3A_134 : memref<16x128xi32, #tpu.memory_space<hbm>>) dst(%dma_wait3A_132 : memref<16x128xi32, #tpu.memory_space<vmem>>)
      tpu.yield
    }) : () -> ()
    %add3A_24 = arith.constant 16 : i32
    %add3A_25 = arith.addi %mul3A_2, %add3A_24 : i32
    %run_scoped3A_26 = arith.constant 1 : i32
    "tpu.region"() ({
      %run_scoped3A_110 = tpu.sem_alloc : memref<!tpu.dma_semaphore, #tpu.memory_space<semaphore_mem>>
      %dma_start3A_111 = arith.constant 0 : i32
      %dma_start3A_112 = arith.constant 0 : i32
      %dma_start3A_113 = tpu.memref_slice %arg7[%run_scoped3A_26, %dma_start3A_111, %dma_start3A_112] : memref<2x16x128xi32, #tpu.memory_space<vmem>> -> memref<1x16x128xi32, #tpu.memory_space<vmem>>
      %dma_start3A_114 = tpu.memref_squeeze %dma_start3A_113 : memref<1x16x128xi32, #tpu.memory_space<vmem>> -> memref<16x128xi32, #tpu.memory_space<vmem>>
      %dma_start3A_115 = arith.constant 0 : i32
      %dma_start3A_116 = tpu.memref_slice %arg3[%add3A_25, %dma_start3A_115] : memref<2560x128xi32, #tpu.memory_space<hbm>> -> memref<16x128xi32, #tpu.memory_space<hbm>>
      %dma_start3A_117 = arith.constant 0 : i32
      %dma_start3A_118 = arith.constant 0 : i32
      %dma_start3A_119 = tpu.memref_slice %arg7[%run_scoped3A_26, %dma_start3A_117, %dma_start3A_118] : memref<2x16x128xi32, #tpu.memory_space<vmem>> -> memref<1x16x128xi32, #tpu.memory_space<vmem>>
      %dma_start3A_120 = tpu.memref_squeeze %dma_start3A_119 : memref<1x16x128xi32, #tpu.memory_space<vmem>> -> memref<16x128xi32, #tpu.memory_space<vmem>>
      %dma_start3A_121 = arith.constant 0 : i32
      %dma_start3A_122 = tpu.memref_slice %arg3[%add3A_25, %dma_start3A_121] : memref<2560x128xi32, #tpu.memory_space<hbm>> -> memref<16x128xi32, #tpu.memory_space<hbm>>
      tpu.enqueue_dma source(%dma_start3A_122 : memref<16x128xi32, #tpu.memory_space<hbm>>) target(%dma_start3A_120 : memref<16x128xi32, #tpu.memory_space<vmem>>) target_semaphore(%run_scoped3A_110 : memref<!tpu.dma_semaphore, #tpu.memory_space<semaphore_mem>>)
      %dma_wait3A_123 = arith.constant 0 : i32
      %dma_wait3A_124 = arith.constant 0 : i32
      %dma_wait3A_125 = tpu.memref_slice %arg7[%run_scoped3A_26, %dma_wait3A_123, %dma_wait3A_124] : memref<2x16x128xi32, #tpu.memory_space<vmem>> -> memref<1x16x128xi32, #tpu.memory_space<vmem>>
      %dma_wait3A_126 = tpu.memref_squeeze %dma_wait3A_125 : memref<1x16x128xi32, #tpu.memory_space<vmem>> -> memref<16x128xi32, #tpu.memory_space<vmem>>
      %dma_wait3A_127 = arith.constant 0 : i32
      %dma_wait3A_128 = tpu.memref_slice %arg3[%add3A_25, %dma_wait3A_127] : memref<2560x128xi32, #tpu.memory_space<hbm>> -> memref<16x128xi32, #tpu.memory_space<hbm>>
      %dma_wait3A_129 = arith.constant 0 : i32
      %dma_wait3A_130 = arith.constant 0 : i32
      %dma_wait3A_131 = tpu.memref_slice %arg7[%run_scoped3A_26, %dma_wait3A_129, %dma_wait3A_130] : memref<2x16x128xi32, #tpu.memory_space<vmem>> -> memref<1x16x128xi32, #tpu.memory_space<vmem>>
      %dma_wait3A_132 = tpu.memref_squeeze %dma_wait3A_131 : memref<1x16x128xi32, #tpu.memory_space<vmem>> -> memref<16x128xi32, #tpu.memory_space<vmem>>
      %dma_wait3A_133 = arith.constant 0 : i32
      %dma_wait3A_134 = tpu.memref_slice %arg3[%add3A_25, %dma_wait3A_133] : memref<2560x128xi32, #tpu.memory_space<hbm>> -> memref<16x128xi32, #tpu.memory_space<hbm>>
      tpu.wait_dma2 semaphore(%run_scoped3A_110 : memref<!tpu.dma_semaphore, #tpu.memory_space<semaphore_mem>>) src(%dma_wait3A_134 : memref<16x128xi32, #tpu.memory_space<hbm>>) dst(%dma_wait3A_132 : memref<16x128xi32, #tpu.memory_space<vmem>>)
      tpu.yield
    }) : () -> ()
    %add3A_27 = arith.constant 16 : i32
    %add3A_28 = arith.addi %mul3A_2, %add3A_27 : i32
    %run_scoped3A_29 = arith.constant 1 : i32
    "tpu.region"() ({
      %run_scoped3A_110 = tpu.sem_alloc : memref<!tpu.dma_semaphore, #tpu.memory_space<semaphore_mem>>
      %dma_start3A_111 = arith.constant 0 : i32
      %dma_start3A_112 = arith.constant 0 : i32
      %dma_start3A_113 = tpu.memref_slice %arg8[%run_scoped3A_29, %dma_start3A_111, %dma_start3A_112] : memref<2x16x128xi32, #tpu.memory_space<vmem>> -> memref<1x16x128xi32, #tpu.memory_space<vmem>>
      %dma_start3A_114 = tpu.memref_squeeze %dma_start3A_113 : memref<1x16x128xi32, #tpu.memory_space<vmem>> -> memref<16x128xi32, #tpu.memory_space<vmem>>
      %dma_start3A_115 = arith.constant 0 : i32
      %dma_start3A_116 = tpu.memref_slice %arg4[%add3A_28, %dma_start3A_115] : memref<2560x128xi32, #tpu.memory_space<hbm>> -> memref<16x128xi32, #tpu.memory_space<hbm>>
      %dma_start3A_117 = arith.constant 0 : i32
      %dma_start3A_118 = arith.constant 0 : i32
      %dma_start3A_119 = tpu.memref_slice %arg8[%run_scoped3A_29, %dma_start3A_117, %dma_start3A_118] : memref<2x16x128xi32, #tpu.memory_space<vmem>> -> memref<1x16x128xi32, #tpu.memory_space<vmem>>
      %dma_start3A_120 = tpu.memref_squeeze %dma_start3A_119 : memref<1x16x128xi32, #tpu.memory_space<vmem>> -> memref<16x128xi32, #tpu.memory_space<vmem>>
      %dma_start3A_121 = arith.constant 0 : i32
      %dma_start3A_122 = tpu.memref_slice %arg4[%add3A_28, %dma_start3A_121] : memref<2560x128xi32, #tpu.memory_space<hbm>> -> memref<16x128xi32, #tpu.memory_space<hbm>>
      tpu.enqueue_dma source(%dma_start3A_122 : memref<16x128xi32, #tpu.memory_space<hbm>>) target(%dma_start3A_120 : memref<16x128xi32, #tpu.memory_space<vmem>>) target_semaphore(%run_scoped3A_110 : memref<!tpu.dma_semaphore, #tpu.memory_space<semaphore_mem>>)
      %dma_wait3A_123 = arith.constant 0 : i32
      %dma_wait3A_124 = arith.constant 0 : i32
      %dma_wait3A_125 = tpu.memref_slice %arg8[%run_scoped3A_29, %dma_wait3A_123, %dma_wait3A_124] : memref<2x16x128xi32, #tpu.memory_space<vmem>> -> memref<1x16x128xi32, #tpu.memory_space<vmem>>
      %dma_wait3A_126 = tpu.memref_squeeze %dma_wait3A_125 : memref<1x16x128xi32, #tpu.memory_space<vmem>> -> memref<16x128xi32, #tpu.memory_space<vmem>>
      %dma_wait3A_127 = arith.constant 0 : i32
      %dma_wait3A_128 = tpu.memref_slice %arg4[%add3A_28, %dma_wait3A_127] : memref<2560x128xi32, #tpu.memory_space<hbm>> -> memref<16x128xi32, #tpu.memory_space<hbm>>
      %dma_wait3A_129 = arith.constant 0 : i32
      %dma_wait3A_130 = arith.constant 0 : i32
      %dma_wait3A_131 = tpu.memref_slice %arg8[%run_scoped3A_29, %dma_wait3A_129, %dma_wait3A_130] : memref<2x16x128xi32, #tpu.memory_space<vmem>> -> memref<1x16x128xi32, #tpu.memory_space<vmem>>
      %dma_wait3A_132 = tpu.memref_squeeze %dma_wait3A_131 : memref<1x16x128xi32, #tpu.memory_space<vmem>> -> memref<16x128xi32, #tpu.memory_space<vmem>>
      %dma_wait3A_133 = arith.constant 0 : i32
      %dma_wait3A_134 = tpu.memref_slice %arg4[%add3A_28, %dma_wait3A_133] : memref<2560x128xi32, #tpu.memory_space<hbm>> -> memref<16x128xi32, #tpu.memory_space<hbm>>
      tpu.wait_dma2 semaphore(%run_scoped3A_110 : memref<!tpu.dma_semaphore, #tpu.memory_space<semaphore_mem>>) src(%dma_wait3A_134 : memref<16x128xi32, #tpu.memory_space<hbm>>) dst(%dma_wait3A_132 : memref<16x128xi32, #tpu.memory_space<vmem>>)
      tpu.yield
    }) : () -> ()
    %barrier3A = arith.constant 0 : index
    tpu.barrier barrier_id(%barrier3A)
    %dma_start3A = arith.constant 0 : i32
    %dma_start3A_30 = arith.constant 0 : i32
    %dma_start3A_31 = arith.constant 0 : i32
    %dma_start3A_32 = tpu.memref_slice %arg7[%dma_start3A, %dma_start3A_30, %dma_start3A_31] : memref<2x16x128xi32, #tpu.memory_space<vmem>> -> memref<1x1x128xi32, #tpu.memory_space<vmem>>
    %dma_start3A_33 = tpu.memref_squeeze %dma_start3A_32 : memref<1x1x128xi32, #tpu.memory_space<vmem>> -> memref<128xi32, #tpu.memory_space<vmem>>
    %dma_start3A_34 = arith.constant 0 : i32
    %dma_start3A_35 = arith.constant 0 : i32
    %dma_start3A_36 = tpu.memref_slice %arg2[%dma_start3A_34, %dma_start3A_35] : memref<10240x128xf32, #tpu.memory_space<hbm>> -> memref<10240x128xf32, #tpu.memory_space<hbm>>
    tpu.enqueue_indirect_dma source(%dma_start3A_36 : memref<10240x128xf32, #tpu.memory_space<hbm>>) target(%arg9 : memref<128x128xf32, #tpu.memory_space<vmem>>) offsets(%dma_start3A_33 : memref<128xi32, #tpu.memory_space<vmem>>) semaphore(%arg12 : memref<!tpu.dma_semaphore, #tpu.memory_space<semaphore_mem>>)
    %dma_start3A_37 = arith.constant 0 : i32
    %dma_start3A_38 = arith.constant 1 : i32
    %dma_start3A_39 = arith.constant 0 : i32
    %dma_start3A_40 = tpu.memref_slice %arg7[%dma_start3A_37, %dma_start3A_38, %dma_start3A_39] : memref<2x16x128xi32, #tpu.memory_space<vmem>> -> memref<1x1x128xi32, #tpu.memory_space<vmem>>
    %dma_start3A_41 = tpu.memref_squeeze %dma_start3A_40 : memref<1x1x128xi32, #tpu.memory_space<vmem>> -> memref<128xi32, #tpu.memory_space<vmem>>
    %dma_start3A_42 = arith.constant 0 : i32
    %dma_start3A_43 = arith.constant 0 : i32
    %dma_start3A_44 = tpu.memref_slice %arg2[%dma_start3A_42, %dma_start3A_43] : memref<10240x128xf32, #tpu.memory_space<hbm>> -> memref<10240x128xf32, #tpu.memory_space<hbm>>
    tpu.enqueue_indirect_dma source(%dma_start3A_44 : memref<10240x128xf32, #tpu.memory_space<hbm>>) target(%arg10 : memref<128x128xf32, #tpu.memory_space<vmem>>) offsets(%dma_start3A_41 : memref<128xi32, #tpu.memory_space<vmem>>) semaphore(%arg13 : memref<!tpu.dma_semaphore, #tpu.memory_space<semaphore_mem>>)
    %scan3A = arith.constant 0 : i32
    %scan3A_45 = arith.constant 0 : i32
    %scan3A_46 = arith.constant 39 : i32
    %scan3A_47 = arith.addi %scan3A_45, %scan3A_46 : i32
    %scan3A_48 = arith.constant 1 : i32
    scf.for %scan3A_110 = %scan3A_45 to %scan3A_47 step %scan3A_48  : i32 {
      %mul3A_111 = arith.constant 2 : i32
      %mul3A_112 = arith.muli %mul3A_111, %scan3A_110 : i32
      %jit3A = arith.constant 16 : i32
      %eq3A = arith.constant 0 : i32
      %eq3A_113 = arith.cmpi eq, %jit3A, %eq3A : i32
      %jit3A_114 = arith.constant 1 : i32
      %select_n3A = arith.select %eq3A_113, %jit3A_114, %jit3A : i32
      %rem3A = arith.remsi %mul3A_112, %select_n3A : i32
      %ne3A = arith.constant 0 : i32
      %ne3A_115 = arith.cmpi ne, %rem3A, %ne3A : i32
      %lt3A = arith.constant 0 : i32
      %lt3A_116 = arith.cmpi slt, %rem3A, %lt3A : i32
      %lt3A_117 = arith.constant 0 : i32
      %lt3A_118 = arith.cmpi slt, %select_n3A, %lt3A_117 : i32
      %ne3A_119 = arith.xori %lt3A_116, %lt3A_118 : i1
      %and3A = arith.andi %ne3A_119, %ne3A_115 : i1
      %add3A_120 = arith.addi %rem3A, %select_n3A : i32
      %select_n3A_121 = arith.select %and3A, %add3A_120, %rem3A : i32
      %eq3A_122 = arith.constant 0 : i32
      %eq3A_123 = arith.cmpi eq, %select_n3A_121, %eq3A_122 : i32
      %ge3A = arith.constant 16 : i32
      %ge3A_124 = arith.cmpi sge, %mul3A_112, %ge3A : i32
      %le3A = arith.constant 48 : i32
      %le3A_125 = arith.cmpi sle, %mul3A_112, %le3A : i32
      %and3A_126 = arith.andi %ge3A_124, %le3A_125 : i1
      %and3A_127 = arith.andi %eq3A_123, %and3A_126 : i1
      %convert_element_type3A = arith.extui %and3A_127 : i1 to i32
      %cond3A = arith.constant 0 : i32
      %cond3A_128 = arith.cmpi ne, %convert_element_type3A, %cond3A : i32
      scf.if %cond3A_128 {
        %jit3A_494 = arith.constant 16 : i32
        %div3A_495 = arith.divsi %mul3A_112, %jit3A_494 : i32
        %sign3A_496 = arith.constant 0 : i32
        %sign3A_497 = arith.cmpi sgt, %mul3A_112, %sign3A_496 : i32
        %sign3A_498 = arith.extui %sign3A_497 : i1 to i32
        %sign3A_499 = arith.constant 0 : i32
        %sign3A_500 = arith.cmpi slt, %mul3A_112, %sign3A_499 : i32
        %sign3A_501 = arith.extui %sign3A_500 : i1 to i32
        %sign3A_502 = arith.subi %sign3A_498, %sign3A_501 : i32
        %sign3A_503 = arith.constant 0 : i32
        %sign3A_504 = arith.cmpi sgt, %jit3A_494, %sign3A_503 : i32
        %sign3A_505 = arith.extui %sign3A_504 : i1 to i32
        %sign3A_506 = arith.constant 0 : i32
        %sign3A_507 = arith.cmpi slt, %jit3A_494, %sign3A_506 : i32
        %sign3A_508 = arith.extui %sign3A_507 : i1 to i32
        %sign3A_509 = arith.subi %sign3A_505, %sign3A_508 : i32
        %ne3A_510 = arith.cmpi ne, %sign3A_502, %sign3A_509 : i32
        %rem3A_511 = arith.remsi %mul3A_112, %jit3A_494 : i32
        %ne3A_512 = arith.constant 0 : i32
        %ne3A_513 = arith.cmpi ne, %rem3A_511, %ne3A_512 : i32
        %and3A_514 = arith.andi %ne3A_510, %ne3A_513 : i1
        %sub3A_515 = arith.constant 1 : i32
        %sub3A_516 = arith.subi %div3A_495, %sub3A_515 : i32
        %select_n3A_517 = arith.select %and3A_514, %sub3A_516, %div3A_495 : i32
        %add3A_518 = arith.constant 1 : i32
        %add3A_519 = arith.addi %select_n3A_517, %add3A_518 : i32
        %mul3A_520 = arith.constant 16 : i32
        %mul3A_521 = arith.muli %add3A_519, %mul3A_520 : i32
        %add3A_522 = arith.addi %mul3A_2, %mul3A_521 : i32
        %jit3A_523 = arith.constant 2 : i32
        %eq3A_524 = arith.constant 0 : i32
        %eq3A_525 = arith.cmpi eq, %jit3A_523, %eq3A_524 : i32
        %jit3A_526 = arith.constant 1 : i32
        %select_n3A_527 = arith.select %eq3A_525, %jit3A_526, %jit3A_523 : i32
        %rem3A_528 = arith.remsi %add3A_519, %select_n3A_527 : i32
        %ne3A_529 = arith.constant 0 : i32
        %ne3A_530 = arith.cmpi ne, %rem3A_528, %ne3A_529 : i32
        %lt3A_531 = arith.constant 0 : i32
        %lt3A_532 = arith.cmpi slt, %rem3A_528, %lt3A_531 : i32
        %lt3A_533 = arith.constant 0 : i32
        %lt3A_534 = arith.cmpi slt, %select_n3A_527, %lt3A_533 : i32
        %ne3A_535 = arith.xori %lt3A_532, %lt3A_534 : i1
        %and3A_536 = arith.andi %ne3A_535, %ne3A_530 : i1
        %add3A_537 = arith.addi %rem3A_528, %select_n3A_527 : i32
        %select_n3A_538 = arith.select %and3A_536, %add3A_537, %rem3A_528 : i32
        "tpu.region"() ({
          %run_scoped3A_558 = tpu.sem_alloc : memref<!tpu.dma_semaphore, #tpu.memory_space<semaphore_mem>>
          %dma_start3A_559 = arith.constant 0 : i32
          %dma_start3A_560 = arith.constant 0 : i32
          %dma_start3A_561 = tpu.memref_slice %arg7[%select_n3A_538, %dma_start3A_559, %dma_start3A_560] : memref<2x16x128xi32, #tpu.memory_space<vmem>> -> memref<1x16x128xi32, #tpu.memory_space<vmem>>
          %dma_start3A_562 = tpu.memref_squeeze %dma_start3A_561 : memref<1x16x128xi32, #tpu.memory_space<vmem>> -> memref<16x128xi32, #tpu.memory_space<vmem>>
          %dma_start3A_563 = arith.constant 0 : i32
          %dma_start3A_564 = tpu.memref_slice %arg3[%add3A_522, %dma_start3A_563] : memref<2560x128xi32, #tpu.memory_space<hbm>> -> memref<16x128xi32, #tpu.memory_space<hbm>>
          %dma_start3A_565 = arith.constant 0 : i32
          %dma_start3A_566 = arith.constant 0 : i32
          %dma_start3A_567 = tpu.memref_slice %arg7[%select_n3A_538, %dma_start3A_565, %dma_start3A_566] : memref<2x16x128xi32, #tpu.memory_space<vmem>> -> memref<1x16x128xi32, #tpu.memory_space<vmem>>
          %dma_start3A_568 = tpu.memref_squeeze %dma_start3A_567 : memref<1x16x128xi32, #tpu.memory_space<vmem>> -> memref<16x128xi32, #tpu.memory_space<vmem>>
          %dma_start3A_569 = arith.constant 0 : i32
          %dma_start3A_570 = tpu.memref_slice %arg3[%add3A_522, %dma_start3A_569] : memref<2560x128xi32, #tpu.memory_space<hbm>> -> memref<16x128xi32, #tpu.memory_space<hbm>>
          tpu.enqueue_dma source(%dma_start3A_570 : memref<16x128xi32, #tpu.memory_space<hbm>>) target(%dma_start3A_568 : memref<16x128xi32, #tpu.memory_space<vmem>>) target_semaphore(%run_scoped3A_558 : memref<!tpu.dma_semaphore, #tpu.memory_space<semaphore_mem>>)
          %dma_wait3A_571 = arith.constant 0 : i32
          %dma_wait3A_572 = arith.constant 0 : i32
          %dma_wait3A_573 = tpu.memref_slice %arg7[%select_n3A_538, %dma_wait3A_571, %dma_wait3A_572] : memref<2x16x128xi32, #tpu.memory_space<vmem>> -> memref<1x16x128xi32, #tpu.memory_space<vmem>>
          %dma_wait3A_574 = tpu.memref_squeeze %dma_wait3A_573 : memref<1x16x128xi32, #tpu.memory_space<vmem>> -> memref<16x128xi32, #tpu.memory_space<vmem>>
          %dma_wait3A_575 = arith.constant 0 : i32
          %dma_wait3A_576 = tpu.memref_slice %arg3[%add3A_522, %dma_wait3A_575] : memref<2560x128xi32, #tpu.memory_space<hbm>> -> memref<16x128xi32, #tpu.memory_space<hbm>>
          %dma_wait3A_577 = arith.constant 0 : i32
          %dma_wait3A_578 = arith.constant 0 : i32
          %dma_wait3A_579 = tpu.memref_slice %arg7[%select_n3A_538, %dma_wait3A_577, %dma_wait3A_578] : memref<2x16x128xi32, #tpu.memory_space<vmem>> -> memref<1x16x128xi32, #tpu.memory_space<vmem>>
          %dma_wait3A_580 = tpu.memref_squeeze %dma_wait3A_579 : memref<1x16x128xi32, #tpu.memory_space<vmem>> -> memref<16x128xi32, #tpu.memory_space<vmem>>
          %dma_wait3A_581 = arith.constant 0 : i32
          %dma_wait3A_582 = tpu.memref_slice %arg3[%add3A_522, %dma_wait3A_581] : memref<2560x128xi32, #tpu.memory_space<hbm>> -> memref<16x128xi32, #tpu.memory_space<hbm>>
          tpu.wait_dma2 semaphore(%run_scoped3A_558 : memref<!tpu.dma_semaphore, #tpu.memory_space<semaphore_mem>>) src(%dma_wait3A_582 : memref<16x128xi32, #tpu.memory_space<hbm>>) dst(%dma_wait3A_580 : memref<16x128xi32, #tpu.memory_space<vmem>>)
          tpu.yield
        }) : () -> ()
        %mul3A_539 = arith.constant 16 : i32
        %mul3A_540 = arith.muli %add3A_519, %mul3A_539 : i32
        %add3A_541 = arith.addi %mul3A_2, %mul3A_540 : i32
        %jit3A_542 = arith.constant 2 : i32
        %eq3A_543 = arith.constant 0 : i32
        %eq3A_544 = arith.cmpi eq, %jit3A_542, %eq3A_543 : i32
        %jit3A_545 = arith.constant 1 : i32
        %select_n3A_546 = arith.select %eq3A_544, %jit3A_545, %jit3A_542 : i32
        %rem3A_547 = arith.remsi %add3A_519, %select_n3A_546 : i32
        %ne3A_548 = arith.constant 0 : i32
        %ne3A_549 = arith.cmpi ne, %rem3A_547, %ne3A_548 : i32
        %lt3A_550 = arith.constant 0 : i32
        %lt3A_551 = arith.cmpi slt, %rem3A_547, %lt3A_550 : i32
        %lt3A_552 = arith.constant 0 : i32
        %lt3A_553 = arith.cmpi slt, %select_n3A_546, %lt3A_552 : i32
        %ne3A_554 = arith.xori %lt3A_551, %lt3A_553 : i1
        %and3A_555 = arith.andi %ne3A_554, %ne3A_549 : i1
        %add3A_556 = arith.addi %rem3A_547, %select_n3A_546 : i32
        %select_n3A_557 = arith.select %and3A_555, %add3A_556, %rem3A_547 : i32
        "tpu.region"() ({
          %run_scoped3A_558 = tpu.sem_alloc : memref<!tpu.dma_semaphore, #tpu.memory_space<semaphore_mem>>
          %dma_start3A_559 = arith.constant 0 : i32
          %dma_start3A_560 = arith.constant 0 : i32
          %dma_start3A_561 = tpu.memref_slice %arg8[%select_n3A_557, %dma_start3A_559, %dma_start3A_560] : memref<2x16x128xi32, #tpu.memory_space<vmem>> -> memref<1x16x128xi32, #tpu.memory_space<vmem>>
          %dma_start3A_562 = tpu.memref_squeeze %dma_start3A_561 : memref<1x16x128xi32, #tpu.memory_space<vmem>> -> memref<16x128xi32, #tpu.memory_space<vmem>>
          %dma_start3A_563 = arith.constant 0 : i32
          %dma_start3A_564 = tpu.memref_slice %arg4[%add3A_541, %dma_start3A_563] : memref<2560x128xi32, #tpu.memory_space<hbm>> -> memref<16x128xi32, #tpu.memory_space<hbm>>
          %dma_start3A_565 = arith.constant 0 : i32
          %dma_start3A_566 = arith.constant 0 : i32
          %dma_start3A_567 = tpu.memref_slice %arg8[%select_n3A_557, %dma_start3A_565, %dma_start3A_566] : memref<2x16x128xi32, #tpu.memory_space<vmem>> -> memref<1x16x128xi32, #tpu.memory_space<vmem>>
          %dma_start3A_568 = tpu.memref_squeeze %dma_start3A_567 : memref<1x16x128xi32, #tpu.memory_space<vmem>> -> memref<16x128xi32, #tpu.memory_space<vmem>>
          %dma_start3A_569 = arith.constant 0 : i32
          %dma_start3A_570 = tpu.memref_slice %arg4[%add3A_541, %dma_start3A_569] : memref<2560x128xi32, #tpu.memory_space<hbm>> -> memref<16x128xi32, #tpu.memory_space<hbm>>
          tpu.enqueue_dma source(%dma_start3A_570 : memref<16x128xi32, #tpu.memory_space<hbm>>) target(%dma_start3A_568 : memref<16x128xi32, #tpu.memory_space<vmem>>) target_semaphore(%run_scoped3A_558 : memref<!tpu.dma_semaphore, #tpu.memory_space<semaphore_mem>>)
          %dma_wait3A_571 = arith.constant 0 : i32
          %dma_wait3A_572 = arith.constant 0 : i32
          %dma_wait3A_573 = tpu.memref_slice %arg8[%select_n3A_557, %dma_wait3A_571, %dma_wait3A_572] : memref<2x16x128xi32, #tpu.memory_space<vmem>> -> memref<1x16x128xi32, #tpu.memory_space<vmem>>
          %dma_wait3A_574 = tpu.memref_squeeze %dma_wait3A_573 : memref<1x16x128xi32, #tpu.memory_space<vmem>> -> memref<16x128xi32, #tpu.memory_space<vmem>>
          %dma_wait3A_575 = arith.constant 0 : i32
          %dma_wait3A_576 = tpu.memref_slice %arg4[%add3A_541, %dma_wait3A_575] : memref<2560x128xi32, #tpu.memory_space<hbm>> -> memref<16x128xi32, #tpu.memory_space<hbm>>
          %dma_wait3A_577 = arith.constant 0 : i32
          %dma_wait3A_578 = arith.constant 0 : i32
          %dma_wait3A_579 = tpu.memref_slice %arg8[%select_n3A_557, %dma_wait3A_577, %dma_wait3A_578] : memref<2x16x128xi32, #tpu.memory_space<vmem>> -> memref<1x16x128xi32, #tpu.memory_space<vmem>>
          %dma_wait3A_580 = tpu.memref_squeeze %dma_wait3A_579 : memref<1x16x128xi32, #tpu.memory_space<vmem>> -> memref<16x128xi32, #tpu.memory_space<vmem>>
          %dma_wait3A_581 = arith.constant 0 : i32
          %dma_wait3A_582 = tpu.memref_slice %arg4[%add3A_541, %dma_wait3A_581] : memref<2560x128xi32, #tpu.memory_space<hbm>> -> memref<16x128xi32, #tpu.memory_space<hbm>>
          tpu.wait_dma2 semaphore(%run_scoped3A_558 : memref<!tpu.dma_semaphore, #tpu.memory_space<semaphore_mem>>) src(%dma_wait3A_582 : memref<16x128xi32, #tpu.memory_space<hbm>>) dst(%dma_wait3A_580 : memref<16x128xi32, #tpu.memory_space<vmem>>)
          tpu.yield
        }) : () -> ()
      } else {
      }
      %add3A_129 = arith.constant 0 : i32
      %add3A_130 = arith.addi %mul3A_112, %add3A_129 : i32
      %jit3A_131 = arith.constant 16 : i32
      %div3A = arith.divsi %add3A_130, %jit3A_131 : i32
      %sign3A = arith.constant 0 : i32
      %sign3A_132 = arith.cmpi sgt, %add3A_130, %sign3A : i32
      %sign3A_133 = arith.extui %sign3A_132 : i1 to i32
      %sign3A_134 = arith.constant 0 : i32
      %sign3A_135 = arith.cmpi slt, %add3A_130, %sign3A_134 : i32
      %sign3A_136 = arith.extui %sign3A_135 : i1 to i32
      %sign3A_137 = arith.subi %sign3A_133, %sign3A_136 : i32
      %sign3A_138 = arith.constant 0 : i32
      %sign3A_139 = arith.cmpi sgt, %jit3A_131, %sign3A_138 : i32
      %sign3A_140 = arith.extui %sign3A_139 : i1 to i32
      %sign3A_141 = arith.constant 0 : i32
      %sign3A_142 = arith.cmpi slt, %jit3A_131, %sign3A_141 : i32
      %sign3A_143 = arith.extui %sign3A_142 : i1 to i32
      %sign3A_144 = arith.subi %sign3A_140, %sign3A_143 : i32
      %ne3A_145 = arith.cmpi ne, %sign3A_137, %sign3A_144 : i32
      %rem3A_146 = arith.remsi %add3A_130, %jit3A_131 : i32
      %ne3A_147 = arith.constant 0 : i32
      %ne3A_148 = arith.cmpi ne, %rem3A_146, %ne3A_147 : i32
      %and3A_149 = arith.andi %ne3A_145, %ne3A_148 : i1
      %sub3A = arith.constant 1 : i32
      %sub3A_150 = arith.subi %div3A, %sub3A : i32
      %select_n3A_151 = arith.select %and3A_149, %sub3A_150, %div3A : i32
      %jit3A_152 = arith.constant 2 : i32
      %eq3A_153 = arith.constant 0 : i32
      %eq3A_154 = arith.cmpi eq, %jit3A_152, %eq3A_153 : i32
      %jit3A_155 = arith.constant 1 : i32
      %select_n3A_156 = arith.select %eq3A_154, %jit3A_155, %jit3A_152 : i32
      %rem3A_157 = arith.remsi %select_n3A_151, %select_n3A_156 : i32
      %ne3A_158 = arith.constant 0 : i32
      %ne3A_159 = arith.cmpi ne, %rem3A_157, %ne3A_158 : i32
      %lt3A_160 = arith.constant 0 : i32
      %lt3A_161 = arith.cmpi slt, %rem3A_157, %lt3A_160 : i32
      %lt3A_162 = arith.constant 0 : i32
      %lt3A_163 = arith.cmpi slt, %select_n3A_156, %lt3A_162 : i32
      %ne3A_164 = arith.xori %lt3A_161, %lt3A_163 : i1
      %and3A_165 = arith.andi %ne3A_164, %ne3A_159 : i1
      %add3A_166 = arith.addi %rem3A_157, %select_n3A_156 : i32
      %select_n3A_167 = arith.select %and3A_165, %add3A_166, %rem3A_157 : i32
      %jit3A_168 = arith.constant 16 : i32
      %eq3A_169 = arith.constant 0 : i32
      %eq3A_170 = arith.cmpi eq, %jit3A_168, %eq3A_169 : i32
      %jit3A_171 = arith.constant 1 : i32
      %select_n3A_172 = arith.select %eq3A_170, %jit3A_171, %jit3A_168 : i32
      %rem3A_173 = arith.remsi %add3A_130, %select_n3A_172 : i32
      %ne3A_174 = arith.constant 0 : i32
      %ne3A_175 = arith.cmpi ne, %rem3A_173, %ne3A_174 : i32
      %lt3A_176 = arith.constant 0 : i32
      %lt3A_177 = arith.cmpi slt, %rem3A_173, %lt3A_176 : i32
      %lt3A_178 = arith.constant 0 : i32
      %lt3A_179 = arith.cmpi slt, %select_n3A_172, %lt3A_178 : i32
      %ne3A_180 = arith.xori %lt3A_177, %lt3A_179 : i1
      %and3A_181 = arith.andi %ne3A_180, %ne3A_175 : i1
      %add3A_182 = arith.addi %rem3A_173, %select_n3A_172 : i32
      %select_n3A_183 = arith.select %and3A_181, %add3A_182, %rem3A_173 : i32
      %dma_wait3A_184 = arith.constant 0 : i32
      %dma_wait3A_185 = tpu.memref_slice %arg7[%select_n3A_167, %select_n3A_183, %dma_wait3A_184] : memref<2x16x128xi32, #tpu.memory_space<vmem>> -> memref<1x1x128xi32, #tpu.memory_space<vmem>>
      %dma_wait3A_186 = tpu.memref_squeeze %dma_wait3A_185 : memref<1x1x128xi32, #tpu.memory_space<vmem>> -> memref<128xi32, #tpu.memory_space<vmem>>
      %dma_wait3A_187 = arith.constant 0 : i32
      %dma_wait3A_188 = arith.constant 0 : i32
      %dma_wait3A_189 = tpu.memref_slice %arg2[%dma_wait3A_187, %dma_wait3A_188] : memref<10240x128xf32, #tpu.memory_space<hbm>> -> memref<10240x128xf32, #tpu.memory_space<hbm>>
      tpu.wait_indirect_dma semaphore(%arg12 : memref<!tpu.dma_semaphore, #tpu.memory_space<semaphore_mem>>) src(%dma_wait3A_189 : memref<10240x128xf32, #tpu.memory_space<hbm>>) dst(%arg9 : memref<128x128xf32, #tpu.memory_space<vmem>>)
      %jit3A_190 = arith.constant 16 : i32
      %div3A_191 = arith.divsi %add3A_130, %jit3A_190 : i32
      %sign3A_192 = arith.constant 0 : i32
      %sign3A_193 = arith.cmpi sgt, %add3A_130, %sign3A_192 : i32
      %sign3A_194 = arith.extui %sign3A_193 : i1 to i32
      %sign3A_195 = arith.constant 0 : i32
      %sign3A_196 = arith.cmpi slt, %add3A_130, %sign3A_195 : i32
      %sign3A_197 = arith.extui %sign3A_196 : i1 to i32
      %sign3A_198 = arith.subi %sign3A_194, %sign3A_197 : i32
      %sign3A_199 = arith.constant 0 : i32
      %sign3A_200 = arith.cmpi sgt, %jit3A_190, %sign3A_199 : i32
      %sign3A_201 = arith.extui %sign3A_200 : i1 to i32
      %sign3A_202 = arith.constant 0 : i32
      %sign3A_203 = arith.cmpi slt, %jit3A_190, %sign3A_202 : i32
      %sign3A_204 = arith.extui %sign3A_203 : i1 to i32
      %sign3A_205 = arith.subi %sign3A_201, %sign3A_204 : i32
      %ne3A_206 = arith.cmpi ne, %sign3A_198, %sign3A_205 : i32
      %rem3A_207 = arith.remsi %add3A_130, %jit3A_190 : i32
      %ne3A_208 = arith.constant 0 : i32
      %ne3A_209 = arith.cmpi ne, %rem3A_207, %ne3A_208 : i32
      %and3A_210 = arith.andi %ne3A_206, %ne3A_209 : i1
      %sub3A_211 = arith.constant 1 : i32
      %sub3A_212 = arith.subi %div3A_191, %sub3A_211 : i32
      %select_n3A_213 = arith.select %and3A_210, %sub3A_212, %div3A_191 : i32
      %jit3A_214 = arith.constant 2 : i32
      %eq3A_215 = arith.constant 0 : i32
      %eq3A_216 = arith.cmpi eq, %jit3A_214, %eq3A_215 : i32
      %jit3A_217 = arith.constant 1 : i32
      %select_n3A_218 = arith.select %eq3A_216, %jit3A_217, %jit3A_214 : i32
      %rem3A_219 = arith.remsi %select_n3A_213, %select_n3A_218 : i32
      %ne3A_220 = arith.constant 0 : i32
      %ne3A_221 = arith.cmpi ne, %rem3A_219, %ne3A_220 : i32
      %lt3A_222 = arith.constant 0 : i32
      %lt3A_223 = arith.cmpi slt, %rem3A_219, %lt3A_222 : i32
      %lt3A_224 = arith.constant 0 : i32
      %lt3A_225 = arith.cmpi slt, %select_n3A_218, %lt3A_224 : i32
      %ne3A_226 = arith.xori %lt3A_223, %lt3A_225 : i1
      %and3A_227 = arith.andi %ne3A_226, %ne3A_221 : i1
      %add3A_228 = arith.addi %rem3A_219, %select_n3A_218 : i32
      %select_n3A_229 = arith.select %and3A_227, %add3A_228, %rem3A_219 : i32
      %jit3A_230 = arith.constant 16 : i32
      %eq3A_231 = arith.constant 0 : i32
      %eq3A_232 = arith.cmpi eq, %jit3A_230, %eq3A_231 : i32
      %jit3A_233 = arith.constant 1 : i32
      %select_n3A_234 = arith.select %eq3A_232, %jit3A_233, %jit3A_230 : i32
      %rem3A_235 = arith.remsi %add3A_130, %select_n3A_234 : i32
      %ne3A_236 = arith.constant 0 : i32
      %ne3A_237 = arith.cmpi ne, %rem3A_235, %ne3A_236 : i32
      %lt3A_238 = arith.constant 0 : i32
      %lt3A_239 = arith.cmpi slt, %rem3A_235, %lt3A_238 : i32
      %lt3A_240 = arith.constant 0 : i32
      %lt3A_241 = arith.cmpi slt, %select_n3A_234, %lt3A_240 : i32
      %ne3A_242 = arith.xori %lt3A_239, %lt3A_241 : i1
      %and3A_243 = arith.andi %ne3A_242, %ne3A_237 : i1
      %add3A_244 = arith.addi %rem3A_235, %select_n3A_234 : i32
      %select_n3A_245 = arith.select %and3A_243, %add3A_244, %rem3A_235 : i32
      "tpu.region"() ({
        %run_scoped3A_494 = tpu.sem_alloc : memref<!tpu.dma_semaphore, #tpu.memory_space<semaphore_mem>>
        %dma_start3A_495 = arith.constant 0 : i32
        %dma_start3A_496 = tpu.memref_slice %arg8[%select_n3A_229, %select_n3A_245, %dma_start3A_495] : memref<2x16x128xi32, #tpu.memory_space<vmem>> -> memref<1x1x128xi32, #tpu.memory_space<vmem>>
        %dma_start3A_497 = tpu.memref_squeeze %dma_start3A_496 : memref<1x1x128xi32, #tpu.memory_space<vmem>> -> memref<128xi32, #tpu.memory_space<vmem>>
        %dma_start3A_498 = arith.constant 0 : i32
        %dma_start3A_499 = arith.constant 0 : i32
        %dma_start3A_500 = tpu.memref_slice %arg11[%dma_start3A_498, %dma_start3A_499] : memref<10240x128xf32, #tpu.memory_space<vmem_shared>> -> memref<10240x128xf32, #tpu.memory_space<vmem_shared>>
        tpu.enqueue_indirect_dma source(%arg9 : memref<128x128xf32, #tpu.memory_space<vmem>>) target(%dma_start3A_500 : memref<10240x128xf32, #tpu.memory_space<vmem_shared>>) offsets(%dma_start3A_497 : memref<128xi32, #tpu.memory_space<vmem>>) semaphore(%run_scoped3A_494 : memref<!tpu.dma_semaphore, #tpu.memory_space<semaphore_mem>>) {add = true}
        %dma_wait3A_501 = arith.constant 0 : i32
        %dma_wait3A_502 = tpu.memref_slice %arg8[%select_n3A_229, %select_n3A_245, %dma_wait3A_501] : memref<2x16x128xi32, #tpu.memory_space<vmem>> -> memref<1x1x128xi32, #tpu.memory_space<vmem>>
        %dma_wait3A_503 = tpu.memref_squeeze %dma_wait3A_502 : memref<1x1x128xi32, #tpu.memory_space<vmem>> -> memref<128xi32, #tpu.memory_space<vmem>>
        %dma_wait3A_504 = arith.constant 0 : i32
        %dma_wait3A_505 = arith.constant 0 : i32
        %dma_wait3A_506 = tpu.memref_slice %arg11[%dma_wait3A_504, %dma_wait3A_505] : memref<10240x128xf32, #tpu.memory_space<vmem_shared>> -> memref<10240x128xf32, #tpu.memory_space<vmem_shared>>
        tpu.wait_indirect_dma semaphore(%run_scoped3A_494 : memref<!tpu.dma_semaphore, #tpu.memory_space<semaphore_mem>>) src(%arg9 : memref<128x128xf32, #tpu.memory_space<vmem>>) dst(%dma_wait3A_506 : memref<10240x128xf32, #tpu.memory_space<vmem_shared>>)
        tpu.yield
      }) : () -> ()
      %add3A_246 = arith.constant 2 : i32
      %add3A_247 = arith.addi %add3A_130, %add3A_246 : i32
      %jit3A_248 = arith.constant 16 : i32
      %div3A_249 = arith.divsi %add3A_247, %jit3A_248 : i32
      %sign3A_250 = arith.constant 0 : i32
      %sign3A_251 = arith.cmpi sgt, %add3A_247, %sign3A_250 : i32
      %sign3A_252 = arith.extui %sign3A_251 : i1 to i32
      %sign3A_253 = arith.constant 0 : i32
      %sign3A_254 = arith.cmpi slt, %add3A_247, %sign3A_253 : i32
      %sign3A_255 = arith.extui %sign3A_254 : i1 to i32
      %sign3A_256 = arith.subi %sign3A_252, %sign3A_255 : i32
      %sign3A_257 = arith.constant 0 : i32
      %sign3A_258 = arith.cmpi sgt, %jit3A_248, %sign3A_257 : i32
      %sign3A_259 = arith.extui %sign3A_258 : i1 to i32
      %sign3A_260 = arith.constant 0 : i32
      %sign3A_261 = arith.cmpi slt, %jit3A_248, %sign3A_260 : i32
      %sign3A_262 = arith.extui %sign3A_261 : i1 to i32
      %sign3A_263 = arith.subi %sign3A_259, %sign3A_262 : i32
      %ne3A_264 = arith.cmpi ne, %sign3A_256, %sign3A_263 : i32
      %rem3A_265 = arith.remsi %add3A_247, %jit3A_248 : i32
      %ne3A_266 = arith.constant 0 : i32
      %ne3A_267 = arith.cmpi ne, %rem3A_265, %ne3A_266 : i32
      %and3A_268 = arith.andi %ne3A_264, %ne3A_267 : i1
      %sub3A_269 = arith.constant 1 : i32
      %sub3A_270 = arith.subi %div3A_249, %sub3A_269 : i32
      %select_n3A_271 = arith.select %and3A_268, %sub3A_270, %div3A_249 : i32
      %jit3A_272 = arith.constant 2 : i32
      %eq3A_273 = arith.constant 0 : i32
      %eq3A_274 = arith.cmpi eq, %jit3A_272, %eq3A_273 : i32
      %jit3A_275 = arith.constant 1 : i32
      %select_n3A_276 = arith.select %eq3A_274, %jit3A_275, %jit3A_272 : i32
      %rem3A_277 = arith.remsi %select_n3A_271, %select_n3A_276 : i32
      %ne3A_278 = arith.constant 0 : i32
      %ne3A_279 = arith.cmpi ne, %rem3A_277, %ne3A_278 : i32
      %lt3A_280 = arith.constant 0 : i32
      %lt3A_281 = arith.cmpi slt, %rem3A_277, %lt3A_280 : i32
      %lt3A_282 = arith.constant 0 : i32
      %lt3A_283 = arith.cmpi slt, %select_n3A_276, %lt3A_282 : i32
      %ne3A_284 = arith.xori %lt3A_281, %lt3A_283 : i1
      %and3A_285 = arith.andi %ne3A_284, %ne3A_279 : i1
      %add3A_286 = arith.addi %rem3A_277, %select_n3A_276 : i32
      %select_n3A_287 = arith.select %and3A_285, %add3A_286, %rem3A_277 : i32
      %jit3A_288 = arith.constant 16 : i32
      %eq3A_289 = arith.constant 0 : i32
      %eq3A_290 = arith.cmpi eq, %jit3A_288, %eq3A_289 : i32
      %jit3A_291 = arith.constant 1 : i32
      %select_n3A_292 = arith.select %eq3A_290, %jit3A_291, %jit3A_288 : i32
      %rem3A_293 = arith.remsi %add3A_247, %select_n3A_292 : i32
      %ne3A_294 = arith.constant 0 : i32
      %ne3A_295 = arith.cmpi ne, %rem3A_293, %ne3A_294 : i32
      %lt3A_296 = arith.constant 0 : i32
      %lt3A_297 = arith.cmpi slt, %rem3A_293, %lt3A_296 : i32
      %lt3A_298 = arith.constant 0 : i32
      %lt3A_299 = arith.cmpi slt, %select_n3A_292, %lt3A_298 : i32
      %ne3A_300 = arith.xori %lt3A_297, %lt3A_299 : i1
      %and3A_301 = arith.andi %ne3A_300, %ne3A_295 : i1
      %add3A_302 = arith.addi %rem3A_293, %select_n3A_292 : i32
      %select_n3A_303 = arith.select %and3A_301, %add3A_302, %rem3A_293 : i32
      %dma_start3A_304 = arith.constant 0 : i32
      %dma_start3A_305 = tpu.memref_slice %arg7[%select_n3A_287, %select_n3A_303, %dma_start3A_304] : memref<2x16x128xi32, #tpu.memory_space<vmem>> -> memref<1x1x128xi32, #tpu.memory_space<vmem>>
      %dma_start3A_306 = tpu.memref_squeeze %dma_start3A_305 : memref<1x1x128xi32, #tpu.memory_space<vmem>> -> memref<128xi32, #tpu.memory_space<vmem>>
      %dma_start3A_307 = arith.constant 0 : i32
      %dma_start3A_308 = arith.constant 0 : i32
      %dma_start3A_309 = tpu.memref_slice %arg2[%dma_start3A_307, %dma_start3A_308] : memref<10240x128xf32, #tpu.memory_space<hbm>> -> memref<10240x128xf32, #tpu.memory_space<hbm>>
      tpu.enqueue_indirect_dma source(%dma_start3A_309 : memref<10240x128xf32, #tpu.memory_space<hbm>>) target(%arg9 : memref<128x128xf32, #tpu.memory_space<vmem>>) offsets(%dma_start3A_306 : memref<128xi32, #tpu.memory_space<vmem>>) semaphore(%arg12 : memref<!tpu.dma_semaphore, #tpu.memory_space<semaphore_mem>>)
      %add3A_310 = arith.constant 1 : i32
      %add3A_311 = arith.addi %mul3A_112, %add3A_310 : i32
      %jit3A_312 = arith.constant 16 : i32
      %div3A_313 = arith.divsi %add3A_311, %jit3A_312 : i32
      %sign3A_314 = arith.constant 0 : i32
      %sign3A_315 = arith.cmpi sgt, %add3A_311, %sign3A_314 : i32
      %sign3A_316 = arith.extui %sign3A_315 : i1 to i32
      %sign3A_317 = arith.constant 0 : i32
      %sign3A_318 = arith.cmpi slt, %add3A_311, %sign3A_317 : i32
      %sign3A_319 = arith.extui %sign3A_318 : i1 to i32
      %sign3A_320 = arith.subi %sign3A_316, %sign3A_319 : i32
      %sign3A_321 = arith.constant 0 : i32
      %sign3A_322 = arith.cmpi sgt, %jit3A_312, %sign3A_321 : i32
      %sign3A_323 = arith.extui %sign3A_322 : i1 to i32
      %sign3A_324 = arith.constant 0 : i32
      %sign3A_325 = arith.cmpi slt, %jit3A_312, %sign3A_324 : i32
      %sign3A_326 = arith.extui %sign3A_325 : i1 to i32
      %sign3A_327 = arith.subi %sign3A_323, %sign3A_326 : i32
      %ne3A_328 = arith.cmpi ne, %sign3A_320, %sign3A_327 : i32
      %rem3A_329 = arith.remsi %add3A_311, %jit3A_312 : i32
      %ne3A_330 = arith.constant 0 : i32
      %ne3A_331 = arith.cmpi ne, %rem3A_329, %ne3A_330 : i32
      %and3A_332 = arith.andi %ne3A_328, %ne3A_331 : i1
      %sub3A_333 = arith.constant 1 : i32
      %sub3A_334 = arith.subi %div3A_313, %sub3A_333 : i32
      %select_n3A_335 = arith.select %and3A_332, %sub3A_334, %div3A_313 : i32
      %jit3A_336 = arith.constant 2 : i32
      %eq3A_337 = arith.constant 0 : i32
      %eq3A_338 = arith.cmpi eq, %jit3A_336, %eq3A_337 : i32
      %jit3A_339 = arith.constant 1 : i32
      %select_n3A_340 = arith.select %eq3A_338, %jit3A_339, %jit3A_336 : i32
      %rem3A_341 = arith.remsi %select_n3A_335, %select_n3A_340 : i32
      %ne3A_342 = arith.constant 0 : i32
      %ne3A_343 = arith.cmpi ne, %rem3A_341, %ne3A_342 : i32
      %lt3A_344 = arith.constant 0 : i32
      %lt3A_345 = arith.cmpi slt, %rem3A_341, %lt3A_344 : i32
      %lt3A_346 = arith.constant 0 : i32
      %lt3A_347 = arith.cmpi slt, %select_n3A_340, %lt3A_346 : i32
      %ne3A_348 = arith.xori %lt3A_345, %lt3A_347 : i1
      %and3A_349 = arith.andi %ne3A_348, %ne3A_343 : i1
      %add3A_350 = arith.addi %rem3A_341, %select_n3A_340 : i32
      %select_n3A_351 = arith.select %and3A_349, %add3A_350, %rem3A_341 : i32
      %jit3A_352 = arith.constant 16 : i32
      %eq3A_353 = arith.constant 0 : i32
      %eq3A_354 = arith.cmpi eq, %jit3A_352, %eq3A_353 : i32
      %jit3A_355 = arith.constant 1 : i32
      %select_n3A_356 = arith.select %eq3A_354, %jit3A_355, %jit3A_352 : i32
      %rem3A_357 = arith.remsi %add3A_311, %select_n3A_356 : i32
      %ne3A_358 = arith.constant 0 : i32
      %ne3A_359 = arith.cmpi ne, %rem3A_357, %ne3A_358 : i32
      %lt3A_360 = arith.constant 0 : i32
      %lt3A_361 = arith.cmpi slt, %rem3A_357, %lt3A_360 : i32
      %lt3A_362 = arith.constant 0 : i32
      %lt3A_363 = arith.cmpi slt, %select_n3A_356, %lt3A_362 : i32
      %ne3A_364 = arith.xori %lt3A_361, %lt3A_363 : i1
      %and3A_365 = arith.andi %ne3A_364, %ne3A_359 : i1
      %add3A_366 = arith.addi %rem3A_357, %select_n3A_356 : i32
      %select_n3A_367 = arith.select %and3A_365, %add3A_366, %rem3A_357 : i32
      %dma_wait3A_368 = arith.constant 0 : i32
      %dma_wait3A_369 = tpu.memref_slice %arg7[%select_n3A_351, %select_n3A_367, %dma_wait3A_368] : memref<2x16x128xi32, #tpu.memory_space<vmem>> -> memref<1x1x128xi32, #tpu.memory_space<vmem>>
      %dma_wait3A_370 = tpu.memref_squeeze %dma_wait3A_369 : memref<1x1x128xi32, #tpu.memory_space<vmem>> -> memref<128xi32, #tpu.memory_space<vmem>>
      %dma_wait3A_371 = arith.constant 0 : i32
      %dma_wait3A_372 = arith.constant 0 : i32
      %dma_wait3A_373 = tpu.memref_slice %arg2[%dma_wait3A_371, %dma_wait3A_372] : memref<10240x128xf32, #tpu.memory_space<hbm>> -> memref<10240x128xf32, #tpu.memory_space<hbm>>
      tpu.wait_indirect_dma semaphore(%arg13 : memref<!tpu.dma_semaphore, #tpu.memory_space<semaphore_mem>>) src(%dma_wait3A_373 : memref<10240x128xf32, #tpu.memory_space<hbm>>) dst(%arg10 : memref<128x128xf32, #tpu.memory_space<vmem>>)
      %jit3A_374 = arith.constant 16 : i32
      %div3A_375 = arith.divsi %add3A_311, %jit3A_374 : i32
      %sign3A_376 = arith.constant 0 : i32
      %sign3A_377 = arith.cmpi sgt, %add3A_311, %sign3A_376 : i32
      %sign3A_378 = arith.extui %sign3A_377 : i1 to i32
      %sign3A_379 = arith.constant 0 : i32
      %sign3A_380 = arith.cmpi slt, %add3A_311, %sign3A_379 : i32
      %sign3A_381 = arith.extui %sign3A_380 : i1 to i32
      %sign3A_382 = arith.subi %sign3A_378, %sign3A_381 : i32
      %sign3A_383 = arith.constant 0 : i32
      %sign3A_384 = arith.cmpi sgt, %jit3A_374, %sign3A_383 : i32
      %sign3A_385 = arith.extui %sign3A_384 : i1 to i32
      %sign3A_386 = arith.constant 0 : i32
      %sign3A_387 = arith.cmpi slt, %jit3A_374, %sign3A_386 : i32
      %sign3A_388 = arith.extui %sign3A_387 : i1 to i32
      %sign3A_389 = arith.subi %sign3A_385, %sign3A_388 : i32
      %ne3A_390 = arith.cmpi ne, %sign3A_382, %sign3A_389 : i32
      %rem3A_391 = arith.remsi %add3A_311, %jit3A_374 : i32
      %ne3A_392 = arith.constant 0 : i32
      %ne3A_393 = arith.cmpi ne, %rem3A_391, %ne3A_392 : i32
      %and3A_394 = arith.andi %ne3A_390, %ne3A_393 : i1
      %sub3A_395 = arith.constant 1 : i32
      %sub3A_396 = arith.subi %div3A_375, %sub3A_395 : i32
      %select_n3A_397 = arith.select %and3A_394, %sub3A_396, %div3A_375 : i32
      %jit3A_398 = arith.constant 2 : i32
      %eq3A_399 = arith.constant 0 : i32
      %eq3A_400 = arith.cmpi eq, %jit3A_398, %eq3A_399 : i32
      %jit3A_401 = arith.constant 1 : i32
      %select_n3A_402 = arith.select %eq3A_400, %jit3A_401, %jit3A_398 : i32
      %rem3A_403 = arith.remsi %select_n3A_397, %select_n3A_402 : i32
      %ne3A_404 = arith.constant 0 : i32
      %ne3A_405 = arith.cmpi ne, %rem3A_403, %ne3A_404 : i32
      %lt3A_406 = arith.constant 0 : i32
      %lt3A_407 = arith.cmpi slt, %rem3A_403, %lt3A_406 : i32
      %lt3A_408 = arith.constant 0 : i32
      %lt3A_409 = arith.cmpi slt, %select_n3A_402, %lt3A_408 : i32
      %ne3A_410 = arith.xori %lt3A_407, %lt3A_409 : i1
      %and3A_411 = arith.andi %ne3A_410, %ne3A_405 : i1
      %add3A_412 = arith.addi %rem3A_403, %select_n3A_402 : i32
      %select_n3A_413 = arith.select %and3A_411, %add3A_412, %rem3A_403 : i32
      %jit3A_414 = arith.constant 16 : i32
      %eq3A_415 = arith.constant 0 : i32
      %eq3A_416 = arith.cmpi eq, %jit3A_414, %eq3A_415 : i32
      %jit3A_417 = arith.constant 1 : i32
      %select_n3A_418 = arith.select %eq3A_416, %jit3A_417, %jit3A_414 : i32
      %rem3A_419 = arith.remsi %add3A_311, %select_n3A_418 : i32
      %ne3A_420 = arith.constant 0 : i32
      %ne3A_421 = arith.cmpi ne, %rem3A_419, %ne3A_420 : i32
      %lt3A_422 = arith.constant 0 : i32
      %lt3A_423 = arith.cmpi slt, %rem3A_419, %lt3A_422 : i32
      %lt3A_424 = arith.constant 0 : i32
      %lt3A_425 = arith.cmpi slt, %select_n3A_418, %lt3A_424 : i32
      %ne3A_426 = arith.xori %lt3A_423, %lt3A_425 : i1
      %and3A_427 = arith.andi %ne3A_426, %ne3A_421 : i1
      %add3A_428 = arith.addi %rem3A_419, %select_n3A_418 : i32
      %select_n3A_429 = arith.select %and3A_427, %add3A_428, %rem3A_419 : i32
      "tpu.region"() ({
        %run_scoped3A_494 = tpu.sem_alloc : memref<!tpu.dma_semaphore, #tpu.memory_space<semaphore_mem>>
        %dma_start3A_495 = arith.constant 0 : i32
        %dma_start3A_496 = tpu.memref_slice %arg8[%select_n3A_413, %select_n3A_429, %dma_start3A_495] : memref<2x16x128xi32, #tpu.memory_space<vmem>> -> memref<1x1x128xi32, #tpu.memory_space<vmem>>
        %dma_start3A_497 = tpu.memref_squeeze %dma_start3A_496 : memref<1x1x128xi32, #tpu.memory_space<vmem>> -> memref<128xi32, #tpu.memory_space<vmem>>
        %dma_start3A_498 = arith.constant 0 : i32
        %dma_start3A_499 = arith.constant 0 : i32
        %dma_start3A_500 = tpu.memref_slice %arg11[%dma_start3A_498, %dma_start3A_499] : memref<10240x128xf32, #tpu.memory_space<vmem_shared>> -> memref<10240x128xf32, #tpu.memory_space<vmem_shared>>
        tpu.enqueue_indirect_dma source(%arg10 : memref<128x128xf32, #tpu.memory_space<vmem>>) target(%dma_start3A_500 : memref<10240x128xf32, #tpu.memory_space<vmem_shared>>) offsets(%dma_start3A_497 : memref<128xi32, #tpu.memory_space<vmem>>) semaphore(%run_scoped3A_494 : memref<!tpu.dma_semaphore, #tpu.memory_space<semaphore_mem>>) {add = true}
        %dma_wait3A_501 = arith.constant 0 : i32
        %dma_wait3A_502 = tpu.memref_slice %arg8[%select_n3A_413, %select_n3A_429, %dma_wait3A_501] : memref<2x16x128xi32, #tpu.memory_space<vmem>> -> memref<1x1x128xi32, #tpu.memory_space<vmem>>
        %dma_wait3A_503 = tpu.memref_squeeze %dma_wait3A_502 : memref<1x1x128xi32, #tpu.memory_space<vmem>> -> memref<128xi32, #tpu.memory_space<vmem>>
        %dma_wait3A_504 = arith.constant 0 : i32
        %dma_wait3A_505 = arith.constant 0 : i32
        %dma_wait3A_506 = tpu.memref_slice %arg11[%dma_wait3A_504, %dma_wait3A_505] : memref<10240x128xf32, #tpu.memory_space<vmem_shared>> -> memref<10240x128xf32, #tpu.memory_space<vmem_shared>>
        tpu.wait_indirect_dma semaphore(%run_scoped3A_494 : memref<!tpu.dma_semaphore, #tpu.memory_space<semaphore_mem>>) src(%arg10 : memref<128x128xf32, #tpu.memory_space<vmem>>) dst(%dma_wait3A_506 : memref<10240x128xf32, #tpu.memory_space<vmem_shared>>)
        tpu.yield
      }) : () -> ()
      %add3A_430 = arith.constant 2 : i32
      %add3A_431 = arith.addi %add3A_311, %add3A_430 : i32
      %jit3A_432 = arith.constant 16 : i32
      %div3A_433 = arith.divsi %add3A_431, %jit3A_432 : i32
      %sign3A_434 = arith.constant 0 : i32
      %sign3A_435 = arith.cmpi sgt, %add3A_431, %sign3A_434 : i32
      %sign3A_436 = arith.extui %sign3A_435 : i1 to i32
      %sign3A_437 = arith.constant 0 : i32
      %sign3A_438 = arith.cmpi slt, %add3A_431, %sign3A_437 : i32
      %sign3A_439 = arith.extui %sign3A_438 : i1 to i32
      %sign3A_440 = arith.subi %sign3A_436, %sign3A_439 : i32
      %sign3A_441 = arith.constant 0 : i32
      %sign3A_442 = arith.cmpi sgt, %jit3A_432, %sign3A_441 : i32
      %sign3A_443 = arith.extui %sign3A_442 : i1 to i32
      %sign3A_444 = arith.constant 0 : i32
      %sign3A_445 = arith.cmpi slt, %jit3A_432, %sign3A_444 : i32
      %sign3A_446 = arith.extui %sign3A_445 : i1 to i32
      %sign3A_447 = arith.subi %sign3A_443, %sign3A_446 : i32
      %ne3A_448 = arith.cmpi ne, %sign3A_440, %sign3A_447 : i32
      %rem3A_449 = arith.remsi %add3A_431, %jit3A_432 : i32
      %ne3A_450 = arith.constant 0 : i32
      %ne3A_451 = arith.cmpi ne, %rem3A_449, %ne3A_450 : i32
      %and3A_452 = arith.andi %ne3A_448, %ne3A_451 : i1
      %sub3A_453 = arith.constant 1 : i32
      %sub3A_454 = arith.subi %div3A_433, %sub3A_453 : i32
      %select_n3A_455 = arith.select %and3A_452, %sub3A_454, %div3A_433 : i32
      %jit3A_456 = arith.constant 2 : i32
      %eq3A_457 = arith.constant 0 : i32
      %eq3A_458 = arith.cmpi eq, %jit3A_456, %eq3A_457 : i32
      %jit3A_459 = arith.constant 1 : i32
      %select_n3A_460 = arith.select %eq3A_458, %jit3A_459, %jit3A_456 : i32
      %rem3A_461 = arith.remsi %select_n3A_455, %select_n3A_460 : i32
      %ne3A_462 = arith.constant 0 : i32
      %ne3A_463 = arith.cmpi ne, %rem3A_461, %ne3A_462 : i32
      %lt3A_464 = arith.constant 0 : i32
      %lt3A_465 = arith.cmpi slt, %rem3A_461, %lt3A_464 : i32
      %lt3A_466 = arith.constant 0 : i32
      %lt3A_467 = arith.cmpi slt, %select_n3A_460, %lt3A_466 : i32
      %ne3A_468 = arith.xori %lt3A_465, %lt3A_467 : i1
      %and3A_469 = arith.andi %ne3A_468, %ne3A_463 : i1
      %add3A_470 = arith.addi %rem3A_461, %select_n3A_460 : i32
      %select_n3A_471 = arith.select %and3A_469, %add3A_470, %rem3A_461 : i32
      %jit3A_472 = arith.constant 16 : i32
      %eq3A_473 = arith.constant 0 : i32
      %eq3A_474 = arith.cmpi eq, %jit3A_472, %eq3A_473 : i32
      %jit3A_475 = arith.constant 1 : i32
      %select_n3A_476 = arith.select %eq3A_474, %jit3A_475, %jit3A_472 : i32
      %rem3A_477 = arith.remsi %add3A_431, %select_n3A_476 : i32
      %ne3A_478 = arith.constant 0 : i32
      %ne3A_479 = arith.cmpi ne, %rem3A_477, %ne3A_478 : i32
      %lt3A_480 = arith.constant 0 : i32
      %lt3A_481 = arith.cmpi slt, %rem3A_477, %lt3A_480 : i32
      %lt3A_482 = arith.constant 0 : i32
      %lt3A_483 = arith.cmpi slt, %select_n3A_476, %lt3A_482 : i32
      %ne3A_484 = arith.xori %lt3A_481, %lt3A_483 : i1
      %and3A_485 = arith.andi %ne3A_484, %ne3A_479 : i1
      %add3A_486 = arith.addi %rem3A_477, %select_n3A_476 : i32
      %select_n3A_487 = arith.select %and3A_485, %add3A_486, %rem3A_477 : i32
      %dma_start3A_488 = arith.constant 0 : i32
      %dma_start3A_489 = tpu.memref_slice %arg7[%select_n3A_471, %select_n3A_487, %dma_start3A_488] : memref<2x16x128xi32, #tpu.memory_space<vmem>> -> memref<1x1x128xi32, #tpu.memory_space<vmem>>
      %dma_start3A_490 = tpu.memref_squeeze %dma_start3A_489 : memref<1x1x128xi32, #tpu.memory_space<vmem>> -> memref<128xi32, #tpu.memory_space<vmem>>
      %dma_start3A_491 = arith.constant 0 : i32
      %dma_start3A_492 = arith.constant 0 : i32
      %dma_start3A_493 = tpu.memref_slice %arg2[%dma_start3A_491, %dma_start3A_492] : memref<10240x128xf32, #tpu.memory_space<hbm>> -> memref<10240x128xf32, #tpu.memory_space<hbm>>
      tpu.enqueue_indirect_dma source(%dma_start3A_493 : memref<10240x128xf32, #tpu.memory_space<hbm>>) target(%arg10 : memref<128x128xf32, #tpu.memory_space<vmem>>) offsets(%dma_start3A_490 : memref<128xi32, #tpu.memory_space<vmem>>) semaphore(%arg13 : memref<!tpu.dma_semaphore, #tpu.memory_space<semaphore_mem>>)
    }
    %scan3A_49 = arith.constant 39 : i32
    %dma_wait3A = arith.constant 0 : i32
    %dma_wait3A_50 = arith.constant 14 : i32
    %dma_wait3A_51 = arith.constant 0 : i32
    %dma_wait3A_52 = tpu.memref_slice %arg7[%dma_wait3A, %dma_wait3A_50, %dma_wait3A_51] : memref<2x16x128xi32, #tpu.memory_space<vmem>> -> memref<1x1x128xi32, #tpu.memory_space<vmem>>
    %dma_wait3A_53 = tpu.memref_squeeze %dma_wait3A_52 : memref<1x1x128xi32, #tpu.memory_space<vmem>> -> memref<128xi32, #tpu.memory_space<vmem>>
    %dma_wait3A_54 = arith.constant 0 : i32
    %dma_wait3A_55 = arith.constant 0 : i32
    %dma_wait3A_56 = tpu.memref_slice %arg2[%dma_wait3A_54, %dma_wait3A_55] : memref<10240x128xf32, #tpu.memory_space<hbm>> -> memref<10240x128xf32, #tpu.memory_space<hbm>>
    tpu.wait_indirect_dma semaphore(%arg12 : memref<!tpu.dma_semaphore, #tpu.memory_space<semaphore_mem>>) src(%dma_wait3A_56 : memref<10240x128xf32, #tpu.memory_space<hbm>>) dst(%arg9 : memref<128x128xf32, #tpu.memory_space<vmem>>)
    %run_scoped3A_57 = arith.constant 0 : i32
    %run_scoped3A_58 = arith.constant 14 : i32
    "tpu.region"() ({
      %run_scoped3A_110 = tpu.sem_alloc : memref<!tpu.dma_semaphore, #tpu.memory_space<semaphore_mem>>
      %dma_start3A_111 = arith.constant 0 : i32
      %dma_start3A_112 = tpu.memref_slice %arg8[%run_scoped3A_57, %run_scoped3A_58, %dma_start3A_111] : memref<2x16x128xi32, #tpu.memory_space<vmem>> -> memref<1x1x128xi32, #tpu.memory_space<vmem>>
      %dma_start3A_113 = tpu.memref_squeeze %dma_start3A_112 : memref<1x1x128xi32, #tpu.memory_space<vmem>> -> memref<128xi32, #tpu.memory_space<vmem>>
      %dma_start3A_114 = arith.constant 0 : i32
      %dma_start3A_115 = arith.constant 0 : i32
      %dma_start3A_116 = tpu.memref_slice %arg11[%dma_start3A_114, %dma_start3A_115] : memref<10240x128xf32, #tpu.memory_space<vmem_shared>> -> memref<10240x128xf32, #tpu.memory_space<vmem_shared>>
      tpu.enqueue_indirect_dma source(%arg9 : memref<128x128xf32, #tpu.memory_space<vmem>>) target(%dma_start3A_116 : memref<10240x128xf32, #tpu.memory_space<vmem_shared>>) offsets(%dma_start3A_113 : memref<128xi32, #tpu.memory_space<vmem>>) semaphore(%run_scoped3A_110 : memref<!tpu.dma_semaphore, #tpu.memory_space<semaphore_mem>>) {add = true}
      %dma_wait3A_117 = arith.constant 0 : i32
      %dma_wait3A_118 = tpu.memref_slice %arg8[%run_scoped3A_57, %run_scoped3A_58, %dma_wait3A_117] : memref<2x16x128xi32, #tpu.memory_space<vmem>> -> memref<1x1x128xi32, #tpu.memory_space<vmem>>
      %dma_wait3A_119 = tpu.memref_squeeze %dma_wait3A_118 : memref<1x1x128xi32, #tpu.memory_space<vmem>> -> memref<128xi32, #tpu.memory_space<vmem>>
      %dma_wait3A_120 = arith.constant 0 : i32
      %dma_wait3A_121 = arith.constant 0 : i32
      %dma_wait3A_122 = tpu.memref_slice %arg11[%dma_wait3A_120, %dma_wait3A_121] : memref<10240x128xf32, #tpu.memory_space<vmem_shared>> -> memref<10240x128xf32, #tpu.memory_space<vmem_shared>>
      tpu.wait_indirect_dma semaphore(%run_scoped3A_110 : memref<!tpu.dma_semaphore, #tpu.memory_space<semaphore_mem>>) src(%arg9 : memref<128x128xf32, #tpu.memory_space<vmem>>) dst(%dma_wait3A_122 : memref<10240x128xf32, #tpu.memory_space<vmem_shared>>)
      tpu.yield
    }) : () -> ()
    %dma_wait3A_59 = arith.constant 0 : i32
    %dma_wait3A_60 = arith.constant 15 : i32
    %dma_wait3A_61 = arith.constant 0 : i32
    %dma_wait3A_62 = tpu.memref_slice %arg7[%dma_wait3A_59, %dma_wait3A_60, %dma_wait3A_61] : memref<2x16x128xi32, #tpu.memory_space<vmem>> -> memref<1x1x128xi32, #tpu.memory_space<vmem>>
    %dma_wait3A_63 = tpu.memref_squeeze %dma_wait3A_62 : memref<1x1x128xi32, #tpu.memory_space<vmem>> -> memref<128xi32, #tpu.memory_space<vmem>>
    %dma_wait3A_64 = arith.constant 0 : i32
    %dma_wait3A_65 = arith.constant 0 : i32
    %dma_wait3A_66 = tpu.memref_slice %arg2[%dma_wait3A_64, %dma_wait3A_65] : memref<10240x128xf32, #tpu.memory_space<hbm>> -> memref<10240x128xf32, #tpu.memory_space<hbm>>
    tpu.wait_indirect_dma semaphore(%arg13 : memref<!tpu.dma_semaphore, #tpu.memory_space<semaphore_mem>>) src(%dma_wait3A_66 : memref<10240x128xf32, #tpu.memory_space<hbm>>) dst(%arg10 : memref<128x128xf32, #tpu.memory_space<vmem>>)
    %run_scoped3A_67 = arith.constant 0 : i32
    %run_scoped3A_68 = arith.constant 15 : i32
    "tpu.region"() ({
      %run_scoped3A_110 = tpu.sem_alloc : memref<!tpu.dma_semaphore, #tpu.memory_space<semaphore_mem>>
      %dma_start3A_111 = arith.constant 0 : i32
      %dma_start3A_112 = tpu.memref_slice %arg8[%run_scoped3A_67, %run_scoped3A_68, %dma_start3A_111] : memref<2x16x128xi32, #tpu.memory_space<vmem>> -> memref<1x1x128xi32, #tpu.memory_space<vmem>>
      %dma_start3A_113 = tpu.memref_squeeze %dma_start3A_112 : memref<1x1x128xi32, #tpu.memory_space<vmem>> -> memref<128xi32, #tpu.memory_space<vmem>>
      %dma_start3A_114 = arith.constant 0 : i32
      %dma_start3A_115 = arith.constant 0 : i32
      %dma_start3A_116 = tpu.memref_slice %arg11[%dma_start3A_114, %dma_start3A_115] : memref<10240x128xf32, #tpu.memory_space<vmem_shared>> -> memref<10240x128xf32, #tpu.memory_space<vmem_shared>>
      tpu.enqueue_indirect_dma source(%arg10 : memref<128x128xf32, #tpu.memory_space<vmem>>) target(%dma_start3A_116 : memref<10240x128xf32, #tpu.memory_space<vmem_shared>>) offsets(%dma_start3A_113 : memref<128xi32, #tpu.memory_space<vmem>>) semaphore(%run_scoped3A_110 : memref<!tpu.dma_semaphore, #tpu.memory_space<semaphore_mem>>) {add = true}
      %dma_wait3A_117 = arith.constant 0 : i32
      %dma_wait3A_118 = tpu.memref_slice %arg8[%run_scoped3A_67, %run_scoped3A_68, %dma_wait3A_117] : memref<2x16x128xi32, #tpu.memory_space<vmem>> -> memref<1x1x128xi32, #tpu.memory_space<vmem>>
      %dma_wait3A_119 = tpu.memref_squeeze %dma_wait3A_118 : memref<1x1x128xi32, #tpu.memory_space<vmem>> -> memref<128xi32, #tpu.memory_space<vmem>>
      %dma_wait3A_120 = arith.constant 0 : i32
      %dma_wait3A_121 = arith.constant 0 : i32
      %dma_wait3A_122 = tpu.memref_slice %arg11[%dma_wait3A_120, %dma_wait3A_121] : memref<10240x128xf32, #tpu.memory_space<vmem_shared>> -> memref<10240x128xf32, #tpu.memory_space<vmem_shared>>
      tpu.wait_indirect_dma semaphore(%run_scoped3A_110 : memref<!tpu.dma_semaphore, #tpu.memory_space<semaphore_mem>>) src(%arg10 : memref<128x128xf32, #tpu.memory_space<vmem>>) dst(%dma_wait3A_122 : memref<10240x128xf32, #tpu.memory_space<vmem_shared>>)
      tpu.yield
    }) : () -> ()
    %barrier3A_69 = arith.constant 0 : index
    tpu.barrier barrier_id(%barrier3A_69)
    %mul3A_70 = arith.constant 640 : i32
    %mul3A_71 = arith.muli %arg1, %mul3A_70 : i32
    %add3A_72 = arith.constant 0 : i32
    %add3A_73 = arith.addi %mul3A_71, %add3A_72 : i32
    "tpu.region"() ({
      %run_scoped3A_110 = tpu.sem_alloc : memref<!tpu.dma_semaphore, #tpu.memory_space<semaphore_mem>>
      %dma_start3A_111 = arith.constant 0 : i32
      %dma_start3A_112 = tpu.memref_slice %arg11[%add3A_73, %dma_start3A_111] : memref<10240x128xf32, #tpu.memory_space<vmem_shared>> -> memref<128x128xf32, #tpu.memory_space<vmem_shared>>
      %dma_start3A_113 = arith.constant 0 : i32
      %dma_start3A_114 = tpu.memref_slice %arg11[%add3A_73, %dma_start3A_113] : memref<10240x128xf32, #tpu.memory_space<vmem_shared>> -> memref<128x128xf32, #tpu.memory_space<vmem_shared>>
      tpu.enqueue_dma source(%dma_start3A_114 : memref<128x128xf32, #tpu.memory_space<vmem_shared>>) target(%arg9 : memref<128x128xf32, #tpu.memory_space<vmem>>) target_semaphore(%run_scoped3A_110 : memref<!tpu.dma_semaphore, #tpu.memory_space<semaphore_mem>>)
      %dma_wait3A_115 = arith.constant 0 : i32
      %dma_wait3A_116 = tpu.memref_slice %arg11[%add3A_73, %dma_wait3A_115] : memref<10240x128xf32, #tpu.memory_space<vmem_shared>> -> memref<128x128xf32, #tpu.memory_space<vmem_shared>>
      %dma_wait3A_117 = arith.constant 0 : i32
      %dma_wait3A_118 = tpu.memref_slice %arg11[%add3A_73, %dma_wait3A_117] : memref<10240x128xf32, #tpu.memory_space<vmem_shared>> -> memref<128x128xf32, #tpu.memory_space<vmem_shared>>
      tpu.wait_dma2 semaphore(%run_scoped3A_110 : memref<!tpu.dma_semaphore, #tpu.memory_space<semaphore_mem>>) src(%dma_wait3A_118 : memref<128x128xf32, #tpu.memory_space<vmem_shared>>) dst(%arg9 : memref<128x128xf32, #tpu.memory_space<vmem>>)
      tpu.yield
    }) : () -> ()
    %mul3A_74 = arith.constant 640 : i32
    %mul3A_75 = arith.muli %arg1, %mul3A_74 : i32
    %add3A_76 = arith.constant 0 : i32
    %add3A_77 = arith.addi %mul3A_75, %add3A_76 : i32
    "tpu.region"() ({
      %run_scoped3A_110 = tpu.sem_alloc : memref<!tpu.dma_semaphore, #tpu.memory_space<semaphore_mem>>
      %dma_start3A_111 = arith.constant 0 : i32
      %dma_start3A_112 = tpu.memref_slice %arg6[%arg0, %add3A_77, %dma_start3A_111] : memref<2x10240x128xf32, #tpu.memory_space<hbm>> -> memref<1x128x128xf32, #tpu.memory_space<hbm>>
      %dma_start3A_113 = tpu.memref_squeeze %dma_start3A_112 : memref<1x128x128xf32, #tpu.memory_space<hbm>> -> memref<128x128xf32, #tpu.memory_space<hbm>>
      %dma_start3A_114 = arith.constant 0 : i32
      %dma_start3A_115 = tpu.memref_slice %arg6[%arg0, %add3A_77, %dma_start3A_114] : memref<2x10240x128xf32, #tpu.memory_space<hbm>> -> memref<1x128x128xf32, #tpu.memory_space<hbm>>
      %dma_start3A_116 = tpu.memref_squeeze %dma_start3A_115 : memref<1x128x128xf32, #tpu.memory_space<hbm>> -> memref<128x128xf32, #tpu.memory_space<hbm>>
      tpu.enqueue_dma source(%arg9 : memref<128x128xf32, #tpu.memory_space<vmem>>) target(%dma_start3A_116 : memref<128x128xf32, #tpu.memory_space<hbm>>) target_semaphore(%run_scoped3A_110 : memref<!tpu.dma_semaphore, #tpu.memory_space<semaphore_mem>>)
      %dma_wait3A_117 = arith.constant 0 : i32
      %dma_wait3A_118 = tpu.memref_slice %arg6[%arg0, %add3A_77, %dma_wait3A_117] : memref<2x10240x128xf32, #tpu.memory_space<hbm>> -> memref<1x128x128xf32, #tpu.memory_space<hbm>>
      %dma_wait3A_119 = tpu.memref_squeeze %dma_wait3A_118 : memref<1x128x128xf32, #tpu.memory_space<hbm>> -> memref<128x128xf32, #tpu.memory_space<hbm>>
      %dma_wait3A_120 = arith.constant 0 : i32
      %dma_wait3A_121 = tpu.memref_slice %arg6[%arg0, %add3A_77, %dma_wait3A_120] : memref<2x10240x128xf32, #tpu.memory_space<hbm>> -> memref<1x128x128xf32, #tpu.memory_space<hbm>>
      %dma_wait3A_122 = tpu.memref_squeeze %dma_wait3A_121 : memref<1x128x128xf32, #tpu.memory_space<hbm>> -> memref<128x128xf32, #tpu.memory_space<hbm>>
      tpu.wait_dma2 semaphore(%run_scoped3A_110 : memref<!tpu.dma_semaphore, #tpu.memory_space<semaphore_mem>>) src(%arg9 : memref<128x128xf32, #tpu.memory_space<vmem>>) dst(%dma_wait3A_122 : memref<128x128xf32, #tpu.memory_space<hbm>>)
      tpu.yield
    }) : () -> ()
    %mul3A_78 = arith.constant 640 : i32
    %mul3A_79 = arith.muli %arg1, %mul3A_78 : i32
    %add3A_80 = arith.constant 128 : i32
    %add3A_81 = arith.addi %mul3A_79, %add3A_80 : i32
    "tpu.region"() ({
      %run_scoped3A_110 = tpu.sem_alloc : memref<!tpu.dma_semaphore, #tpu.memory_space<semaphore_mem>>
      %dma_start3A_111 = arith.constant 0 : i32
      %dma_start3A_112 = tpu.memref_slice %arg11[%add3A_81, %dma_start3A_111] : memref<10240x128xf32, #tpu.memory_space<vmem_shared>> -> memref<128x128xf32, #tpu.memory_space<vmem_shared>>
      %dma_start3A_113 = arith.constant 0 : i32
      %dma_start3A_114 = tpu.memref_slice %arg11[%add3A_81, %dma_start3A_113] : memref<10240x128xf32, #tpu.memory_space<vmem_shared>> -> memref<128x128xf32, #tpu.memory_space<vmem_shared>>
      tpu.enqueue_dma source(%dma_start3A_114 : memref<128x128xf32, #tpu.memory_space<vmem_shared>>) target(%arg9 : memref<128x128xf32, #tpu.memory_space<vmem>>) target_semaphore(%run_scoped3A_110 : memref<!tpu.dma_semaphore, #tpu.memory_space<semaphore_mem>>)
      %dma_wait3A_115 = arith.constant 0 : i32
      %dma_wait3A_116 = tpu.memref_slice %arg11[%add3A_81, %dma_wait3A_115] : memref<10240x128xf32, #tpu.memory_space<vmem_shared>> -> memref<128x128xf32, #tpu.memory_space<vmem_shared>>
      %dma_wait3A_117 = arith.constant 0 : i32
      %dma_wait3A_118 = tpu.memref_slice %arg11[%add3A_81, %dma_wait3A_117] : memref<10240x128xf32, #tpu.memory_space<vmem_shared>> -> memref<128x128xf32, #tpu.memory_space<vmem_shared>>
      tpu.wait_dma2 semaphore(%run_scoped3A_110 : memref<!tpu.dma_semaphore, #tpu.memory_space<semaphore_mem>>) src(%dma_wait3A_118 : memref<128x128xf32, #tpu.memory_space<vmem_shared>>) dst(%arg9 : memref<128x128xf32, #tpu.memory_space<vmem>>)
      tpu.yield
    }) : () -> ()
    %mul3A_82 = arith.constant 640 : i32
    %mul3A_83 = arith.muli %arg1, %mul3A_82 : i32
    %add3A_84 = arith.constant 128 : i32
    %add3A_85 = arith.addi %mul3A_83, %add3A_84 : i32
    "tpu.region"() ({
      %run_scoped3A_110 = tpu.sem_alloc : memref<!tpu.dma_semaphore, #tpu.memory_space<semaphore_mem>>
      %dma_start3A_111 = arith.constant 0 : i32
      %dma_start3A_112 = tpu.memref_slice %arg6[%arg0, %add3A_85, %dma_start3A_111] : memref<2x10240x128xf32, #tpu.memory_space<hbm>> -> memref<1x128x128xf32, #tpu.memory_space<hbm>>
      %dma_start3A_113 = tpu.memref_squeeze %dma_start3A_112 : memref<1x128x128xf32, #tpu.memory_space<hbm>> -> memref<128x128xf32, #tpu.memory_space<hbm>>
      %dma_start3A_114 = arith.constant 0 : i32
      %dma_start3A_115 = tpu.memref_slice %arg6[%arg0, %add3A_85, %dma_start3A_114] : memref<2x10240x128xf32, #tpu.memory_space<hbm>> -> memref<1x128x128xf32, #tpu.memory_space<hbm>>
      %dma_start3A_116 = tpu.memref_squeeze %dma_start3A_115 : memref<1x128x128xf32, #tpu.memory_space<hbm>> -> memref<128x128xf32, #tpu.memory_space<hbm>>
      tpu.enqueue_dma source(%arg9 : memref<128x128xf32, #tpu.memory_space<vmem>>) target(%dma_start3A_116 : memref<128x128xf32, #tpu.memory_space<hbm>>) target_semaphore(%run_scoped3A_110 : memref<!tpu.dma_semaphore, #tpu.memory_space<semaphore_mem>>)
      %dma_wait3A_117 = arith.constant 0 : i32
      %dma_wait3A_118 = tpu.memref_slice %arg6[%arg0, %add3A_85, %dma_wait3A_117] : memref<2x10240x128xf32, #tpu.memory_space<hbm>> -> memref<1x128x128xf32, #tpu.memory_space<hbm>>
      %dma_wait3A_119 = tpu.memref_squeeze %dma_wait3A_118 : memref<1x128x128xf32, #tpu.memory_space<hbm>> -> memref<128x128xf32, #tpu.memory_space<hbm>>
      %dma_wait3A_120 = arith.constant 0 : i32
      %dma_wait3A_121 = tpu.memref_slice %arg6[%arg0, %add3A_85, %dma_wait3A_120] : memref<2x10240x128xf32, #tpu.memory_space<hbm>> -> memref<1x128x128xf32, #tpu.memory_space<hbm>>
      %dma_wait3A_122 = tpu.memref_squeeze %dma_wait3A_121 : memref<1x128x128xf32, #tpu.memory_space<hbm>> -> memref<128x128xf32, #tpu.memory_space<hbm>>
      tpu.wait_dma2 semaphore(%run_scoped3A_110 : memref<!tpu.dma_semaphore, #tpu.memory_space<semaphore_mem>>) src(%arg9 : memref<128x128xf32, #tpu.memory_space<vmem>>) dst(%dma_wait3A_122 : memref<128x128xf32, #tpu.memory_space<hbm>>)
      tpu.yield
    }) : () -> ()
    %mul3A_86 = arith.constant 640 : i32
    %mul3A_87 = arith.muli %arg1, %mul3A_86 : i32
    %add3A_88 = arith.constant 256 : i32
    %add3A_89 = arith.addi %mul3A_87, %add3A_88 : i32
    "tpu.region"() ({
      %run_scoped3A_110 = tpu.sem_alloc : memref<!tpu.dma_semaphore, #tpu.memory_space<semaphore_mem>>
      %dma_start3A_111 = arith.constant 0 : i32
      %dma_start3A_112 = tpu.memref_slice %arg11[%add3A_89, %dma_start3A_111] : memref<10240x128xf32, #tpu.memory_space<vmem_shared>> -> memref<128x128xf32, #tpu.memory_space<vmem_shared>>
      %dma_start3A_113 = arith.constant 0 : i32
      %dma_start3A_114 = tpu.memref_slice %arg11[%add3A_89, %dma_start3A_113] : memref<10240x128xf32, #tpu.memory_space<vmem_shared>> -> memref<128x128xf32, #tpu.memory_space<vmem_shared>>
      tpu.enqueue_dma source(%dma_start3A_114 : memref<128x128xf32, #tpu.memory_space<vmem_shared>>) target(%arg9 : memref<128x128xf32, #tpu.memory_space<vmem>>) target_semaphore(%run_scoped3A_110 : memref<!tpu.dma_semaphore, #tpu.memory_space<semaphore_mem>>)
      %dma_wait3A_115 = arith.constant 0 : i32
      %dma_wait3A_116 = tpu.memref_slice %arg11[%add3A_89, %dma_wait3A_115] : memref<10240x128xf32, #tpu.memory_space<vmem_shared>> -> memref<128x128xf32, #tpu.memory_space<vmem_shared>>
      %dma_wait3A_117 = arith.constant 0 : i32
      %dma_wait3A_118 = tpu.memref_slice %arg11[%add3A_89, %dma_wait3A_117] : memref<10240x128xf32, #tpu.memory_space<vmem_shared>> -> memref<128x128xf32, #tpu.memory_space<vmem_shared>>
      tpu.wait_dma2 semaphore(%run_scoped3A_110 : memref<!tpu.dma_semaphore, #tpu.memory_space<semaphore_mem>>) src(%dma_wait3A_118 : memref<128x128xf32, #tpu.memory_space<vmem_shared>>) dst(%arg9 : memref<128x128xf32, #tpu.memory_space<vmem>>)
      tpu.yield
    }) : () -> ()
    %mul3A_90 = arith.constant 640 : i32
    %mul3A_91 = arith.muli %arg1, %mul3A_90 : i32
    %add3A_92 = arith.constant 256 : i32
    %add3A_93 = arith.addi %mul3A_91, %add3A_92 : i32
    "tpu.region"() ({
      %run_scoped3A_110 = tpu.sem_alloc : memref<!tpu.dma_semaphore, #tpu.memory_space<semaphore_mem>>
      %dma_start3A_111 = arith.constant 0 : i32
      %dma_start3A_112 = tpu.memref_slice %arg6[%arg0, %add3A_93, %dma_start3A_111] : memref<2x10240x128xf32, #tpu.memory_space<hbm>> -> memref<1x128x128xf32, #tpu.memory_space<hbm>>
      %dma_start3A_113 = tpu.memref_squeeze %dma_start3A_112 : memref<1x128x128xf32, #tpu.memory_space<hbm>> -> memref<128x128xf32, #tpu.memory_space<hbm>>
      %dma_start3A_114 = arith.constant 0 : i32
      %dma_start3A_115 = tpu.memref_slice %arg6[%arg0, %add3A_93, %dma_start3A_114] : memref<2x10240x128xf32, #tpu.memory_space<hbm>> -> memref<1x128x128xf32, #tpu.memory_space<hbm>>
      %dma_start3A_116 = tpu.memref_squeeze %dma_start3A_115 : memref<1x128x128xf32, #tpu.memory_space<hbm>> -> memref<128x128xf32, #tpu.memory_space<hbm>>
      tpu.enqueue_dma source(%arg9 : memref<128x128xf32, #tpu.memory_space<vmem>>) target(%dma_start3A_116 : memref<128x128xf32, #tpu.memory_space<hbm>>) target_semaphore(%run_scoped3A_110 : memref<!tpu.dma_semaphore, #tpu.memory_space<semaphore_mem>>)
      %dma_wait3A_117 = arith.constant 0 : i32
      %dma_wait3A_118 = tpu.memref_slice %arg6[%arg0, %add3A_93, %dma_wait3A_117] : memref<2x10240x128xf32, #tpu.memory_space<hbm>> -> memref<1x128x128xf32, #tpu.memory_space<hbm>>
      %dma_wait3A_119 = tpu.memref_squeeze %dma_wait3A_118 : memref<1x128x128xf32, #tpu.memory_space<hbm>> -> memref<128x128xf32, #tpu.memory_space<hbm>>
      %dma_wait3A_120 = arith.constant 0 : i32
      %dma_wait3A_121 = tpu.memref_slice %arg6[%arg0, %add3A_93, %dma_wait3A_120] : memref<2x10240x128xf32, #tpu.memory_space<hbm>> -> memref<1x128x128xf32, #tpu.memory_space<hbm>>
      %dma_wait3A_122 = tpu.memref_squeeze %dma_wait3A_121 : memref<1x128x128xf32, #tpu.memory_space<hbm>> -> memref<128x128xf32, #tpu.memory_space<hbm>>
      tpu.wait_dma2 semaphore(%run_scoped3A_110 : memref<!tpu.dma_semaphore, #tpu.memory_space<semaphore_mem>>) src(%arg9 : memref<128x128xf32, #tpu.memory_space<vmem>>) dst(%dma_wait3A_122 : memref<128x128xf32, #tpu.memory_space<hbm>>)
      tpu.yield
    }) : () -> ()
    %mul3A_94 = arith.constant 640 : i32
    %mul3A_95 = arith.muli %arg1, %mul3A_94 : i32
    %add3A_96 = arith.constant 384 : i32
    %add3A_97 = arith.addi %mul3A_95, %add3A_96 : i32
    "tpu.region"() ({
      %run_scoped3A_110 = tpu.sem_alloc : memref<!tpu.dma_semaphore, #tpu.memory_space<semaphore_mem>>
      %dma_start3A_111 = arith.constant 0 : i32
      %dma_start3A_112 = tpu.memref_slice %arg11[%add3A_97, %dma_start3A_111] : memref<10240x128xf32, #tpu.memory_space<vmem_shared>> -> memref<128x128xf32, #tpu.memory_space<vmem_shared>>
      %dma_start3A_113 = arith.constant 0 : i32
      %dma_start3A_114 = tpu.memref_slice %arg11[%add3A_97, %dma_start3A_113] : memref<10240x128xf32, #tpu.memory_space<vmem_shared>> -> memref<128x128xf32, #tpu.memory_space<vmem_shared>>
      tpu.enqueue_dma source(%dma_start3A_114 : memref<128x128xf32, #tpu.memory_space<vmem_shared>>) target(%arg9 : memref<128x128xf32, #tpu.memory_space<vmem>>) target_semaphore(%run_scoped3A_110 : memref<!tpu.dma_semaphore, #tpu.memory_space<semaphore_mem>>)
      %dma_wait3A_115 = arith.constant 0 : i32
      %dma_wait3A_116 = tpu.memref_slice %arg11[%add3A_97, %dma_wait3A_115] : memref<10240x128xf32, #tpu.memory_space<vmem_shared>> -> memref<128x128xf32, #tpu.memory_space<vmem_shared>>
      %dma_wait3A_117 = arith.constant 0 : i32
      %dma_wait3A_118 = tpu.memref_slice %arg11[%add3A_97, %dma_wait3A_117] : memref<10240x128xf32, #tpu.memory_space<vmem_shared>> -> memref<128x128xf32, #tpu.memory_space<vmem_shared>>
      tpu.wait_dma2 semaphore(%run_scoped3A_110 : memref<!tpu.dma_semaphore, #tpu.memory_space<semaphore_mem>>) src(%dma_wait3A_118 : memref<128x128xf32, #tpu.memory_space<vmem_shared>>) dst(%arg9 : memref<128x128xf32, #tpu.memory_space<vmem>>)
      tpu.yield
    }) : () -> ()
    %mul3A_98 = arith.constant 640 : i32
    %mul3A_99 = arith.muli %arg1, %mul3A_98 : i32
    %add3A_100 = arith.constant 384 : i32
    %add3A_101 = arith.addi %mul3A_99, %add3A_100 : i32
    "tpu.region"() ({
      %run_scoped3A_110 = tpu.sem_alloc : memref<!tpu.dma_semaphore, #tpu.memory_space<semaphore_mem>>
      %dma_start3A_111 = arith.constant 0 : i32
      %dma_start3A_112 = tpu.memref_slice %arg6[%arg0, %add3A_101, %dma_start3A_111] : memref<2x10240x128xf32, #tpu.memory_space<hbm>> -> memref<1x128x128xf32, #tpu.memory_space<hbm>>
      %dma_start3A_113 = tpu.memref_squeeze %dma_start3A_112 : memref<1x128x128xf32, #tpu.memory_space<hbm>> -> memref<128x128xf32, #tpu.memory_space<hbm>>
      %dma_start3A_114 = arith.constant 0 : i32
      %dma_start3A_115 = tpu.memref_slice %arg6[%arg0, %add3A_101, %dma_start3A_114] : memref<2x10240x128xf32, #tpu.memory_space<hbm>> -> memref<1x128x128xf32, #tpu.memory_space<hbm>>
      %dma_start3A_116 = tpu.memref_squeeze %dma_start3A_115 : memref<1x128x128xf32, #tpu.memory_space<hbm>> -> memref<128x128xf32, #tpu.memory_space<hbm>>
      tpu.enqueue_dma source(%arg9 : memref<128x128xf32, #tpu.memory_space<vmem>>) target(%dma_start3A_116 : memref<128x128xf32, #tpu.memory_space<hbm>>) target_semaphore(%run_scoped3A_110 : memref<!tpu.dma_semaphore, #tpu.memory_space<semaphore_mem>>)
      %dma_wait3A_117 = arith.constant 0 : i32
      %dma_wait3A_118 = tpu.memref_slice %arg6[%arg0, %add3A_101, %dma_wait3A_117] : memref<2x10240x128xf32, #tpu.memory_space<hbm>> -> memref<1x128x128xf32, #tpu.memory_space<hbm>>
      %dma_wait3A_119 = tpu.memref_squeeze %dma_wait3A_118 : memref<1x128x128xf32, #tpu.memory_space<hbm>> -> memref<128x128xf32, #tpu.memory_space<hbm>>
      %dma_wait3A_120 = arith.constant 0 : i32
      %dma_wait3A_121 = tpu.memref_slice %arg6[%arg0, %add3A_101, %dma_wait3A_120] : memref<2x10240x128xf32, #tpu.memory_space<hbm>> -> memref<1x128x128xf32, #tpu.memory_space<hbm>>
      %dma_wait3A_122 = tpu.memref_squeeze %dma_wait3A_121 : memref<1x128x128xf32, #tpu.memory_space<hbm>> -> memref<128x128xf32, #tpu.memory_space<hbm>>
      tpu.wait_dma2 semaphore(%run_scoped3A_110 : memref<!tpu.dma_semaphore, #tpu.memory_space<semaphore_mem>>) src(%arg9 : memref<128x128xf32, #tpu.memory_space<vmem>>) dst(%dma_wait3A_122 : memref<128x128xf32, #tpu.memory_space<hbm>>)
      tpu.yield
    }) : () -> ()
    %mul3A_102 = arith.constant 640 : i32
    %mul3A_103 = arith.muli %arg1, %mul3A_102 : i32
    %add3A_104 = arith.constant 512 : i32
    %add3A_105 = arith.addi %mul3A_103, %add3A_104 : i32
    "tpu.region"() ({
      %run_scoped3A_110 = tpu.sem_alloc : memref<!tpu.dma_semaphore, #tpu.memory_space<semaphore_mem>>
      %dma_start3A_111 = arith.constant 0 : i32
      %dma_start3A_112 = tpu.memref_slice %arg11[%add3A_105, %dma_start3A_111] : memref<10240x128xf32, #tpu.memory_space<vmem_shared>> -> memref<128x128xf32, #tpu.memory_space<vmem_shared>>
      %dma_start3A_113 = arith.constant 0 : i32
      %dma_start3A_114 = tpu.memref_slice %arg11[%add3A_105, %dma_start3A_113] : memref<10240x128xf32, #tpu.memory_space<vmem_shared>> -> memref<128x128xf32, #tpu.memory_space<vmem_shared>>
      tpu.enqueue_dma source(%dma_start3A_114 : memref<128x128xf32, #tpu.memory_space<vmem_shared>>) target(%arg9 : memref<128x128xf32, #tpu.memory_space<vmem>>) target_semaphore(%run_scoped3A_110 : memref<!tpu.dma_semaphore, #tpu.memory_space<semaphore_mem>>)
      %dma_wait3A_115 = arith.constant 0 : i32
      %dma_wait3A_116 = tpu.memref_slice %arg11[%add3A_105, %dma_wait3A_115] : memref<10240x128xf32, #tpu.memory_space<vmem_shared>> -> memref<128x128xf32, #tpu.memory_space<vmem_shared>>
      %dma_wait3A_117 = arith.constant 0 : i32
      %dma_wait3A_118 = tpu.memref_slice %arg11[%add3A_105, %dma_wait3A_117] : memref<10240x128xf32, #tpu.memory_space<vmem_shared>> -> memref<128x128xf32, #tpu.memory_space<vmem_shared>>
      tpu.wait_dma2 semaphore(%run_scoped3A_110 : memref<!tpu.dma_semaphore, #tpu.memory_space<semaphore_mem>>) src(%dma_wait3A_118 : memref<128x128xf32, #tpu.memory_space<vmem_shared>>) dst(%arg9 : memref<128x128xf32, #tpu.memory_space<vmem>>)
      tpu.yield
    }) : () -> ()
    %mul3A_106 = arith.constant 640 : i32
    %mul3A_107 = arith.muli %arg1, %mul3A_106 : i32
    %add3A_108 = arith.constant 512 : i32
    %add3A_109 = arith.addi %mul3A_107, %add3A_108 : i32
    "tpu.region"() ({
      %run_scoped3A_110 = tpu.sem_alloc : memref<!tpu.dma_semaphore, #tpu.memory_space<semaphore_mem>>
      %dma_start3A_111 = arith.constant 0 : i32
      %dma_start3A_112 = tpu.memref_slice %arg6[%arg0, %add3A_109, %dma_start3A_111] : memref<2x10240x128xf32, #tpu.memory_space<hbm>> -> memref<1x128x128xf32, #tpu.memory_space<hbm>>
      %dma_start3A_113 = tpu.memref_squeeze %dma_start3A_112 : memref<1x128x128xf32, #tpu.memory_space<hbm>> -> memref<128x128xf32, #tpu.memory_space<hbm>>
      %dma_start3A_114 = arith.constant 0 : i32
      %dma_start3A_115 = tpu.memref_slice %arg6[%arg0, %add3A_109, %dma_start3A_114] : memref<2x10240x128xf32, #tpu.memory_space<hbm>> -> memref<1x128x128xf32, #tpu.memory_space<hbm>>
      %dma_start3A_116 = tpu.memref_squeeze %dma_start3A_115 : memref<1x128x128xf32, #tpu.memory_space<hbm>> -> memref<128x128xf32, #tpu.memory_space<hbm>>
      tpu.enqueue_dma source(%arg9 : memref<128x128xf32, #tpu.memory_space<vmem>>) target(%dma_start3A_116 : memref<128x128xf32, #tpu.memory_space<hbm>>) target_semaphore(%run_scoped3A_110 : memref<!tpu.dma_semaphore, #tpu.memory_space<semaphore_mem>>)
      %dma_wait3A_117 = arith.constant 0 : i32
      %dma_wait3A_118 = tpu.memref_slice %arg6[%arg0, %add3A_109, %dma_wait3A_117] : memref<2x10240x128xf32, #tpu.memory_space<hbm>> -> memref<1x128x128xf32, #tpu.memory_space<hbm>>
      %dma_wait3A_119 = tpu.memref_squeeze %dma_wait3A_118 : memref<1x128x128xf32, #tpu.memory_space<hbm>> -> memref<128x128xf32, #tpu.memory_space<hbm>>
      %dma_wait3A_120 = arith.constant 0 : i32
      %dma_wait3A_121 = tpu.memref_slice %arg6[%arg0, %add3A_109, %dma_wait3A_120] : memref<2x10240x128xf32, #tpu.memory_space<hbm>> -> memref<1x128x128xf32, #tpu.memory_space<hbm>>
      %dma_wait3A_122 = tpu.memref_squeeze %dma_wait3A_121 : memref<1x128x128xf32, #tpu.memory_space<hbm>> -> memref<128x128xf32, #tpu.memory_space<hbm>>
      tpu.wait_dma2 semaphore(%run_scoped3A_110 : memref<!tpu.dma_semaphore, #tpu.memory_space<semaphore_mem>>) src(%arg9 : memref<128x128xf32, #tpu.memory_space<vmem>>) dst(%dma_wait3A_122 : memref<128x128xf32, #tpu.memory_space<hbm>>)
      tpu.yield
    }) : () -> ()
    return
  }
}

module attributes {stable_mosaic.version = 14 : i64} {
  func.func @_tc1_body(%arg0: i32, %arg1: memref<512x128xf32, #tpu.memory_space<vmem>>, %arg2: memref<2x512xf32, #tpu.memory_space<vmem>>, %arg3: memref<128x128xf32, #tpu.memory_space<vmem>>, %arg4: memref<512x128xf32, #tpu.memory_space<vmem>>) attributes {dimension_semantics = [#tpu.dimension_semantics<arbitrary>], iteration_bounds = array<i64: 20>, scalar_prefetch = 0 : i64, scratch_operands = 0 : i64, tpu.core_type = #tpu.core_type<tc>, window_params = [{transform_indices = @transform_0, window_bounds = array<i64: 512, 128>}, {transform_indices = @transform_1, window_bounds = array<i64: 2, 512>}, {pipeline_mode = #tpu.pipeline_mode<synchronous>, transform_indices = @transform_2, window_bounds = array<i64: 128, 128>}, {transform_indices = @transform_3, window_bounds = array<i64: 512, 128>}]} {
    %get3A = arith.constant 0 : index
    %get3A_0 = arith.constant 0 : index
    %get3A_1 = vector.load %arg1[%get3A, %get3A_0] : memref<512x128xf32, #tpu.memory_space<vmem>>, vector<512x128xf32>
    %get3A_2 = arith.constant 0 : index
    %get3A_3 = arith.constant 0 : index
    %get3A_4 = vector.load %arg2[%get3A_2, %get3A_3] : memref<2x512xf32, #tpu.memory_space<vmem>>, vector<1x512xf32>
    %get3A_5 = vector.shape_cast %get3A_4 : vector<1x512xf32> to vector<512xf32>
    %get3A_6 = arith.constant 1 : index
    %get3A_7 = arith.constant 0 : index
    %get3A_8 = vector.load %arg2[%get3A_6, %get3A_7] : memref<2x512xf32, #tpu.memory_space<vmem>>, vector<1x512xf32>
    %get3A_9 = vector.shape_cast %get3A_8 : vector<1x512xf32> to vector<512xf32>
    %add3A = arith.addf %get3A_5, %get3A_9 : vector<512xf32>
    %max3A = arith.constant 1.000000e+00 : f32
    %max3A_10 = vector.broadcast %max3A : f32 to vector<512xf32>
    %max3A_11 = arith.maximumf %add3A, %max3A_10 : vector<512xf32>
    %rsqrt3A = math.rsqrt %max3A_11 : vector<512xf32>
    %broadcast_in_dim3A = vector.shape_cast %rsqrt3A : vector<512xf32> to vector<512x1xf32>
    %mul3A = vector.broadcast %broadcast_in_dim3A : vector<512x1xf32> to vector<512x128xf32>
    %mul3A_12 = arith.mulf %get3A_1, %mul3A : vector<512x128xf32>
    %get3A_13 = arith.constant 0 : index
    %get3A_14 = arith.constant 0 : index
    %get3A_15 = vector.load %arg3[%get3A_13, %get3A_14] : memref<128x128xf32, #tpu.memory_space<vmem>>, vector<128x128xf32>
    %dot_general3A = arith.constant dense<0.000000e+00> : vector<512x128xf32>
    %dot_general3A_16 = tpu.matmul %mul3A_12, %get3A_15, %dot_general3A {dimension_numbers = #tpu.dot_dimension_numbers<[1], [0], [0], [1], [0, 0, 1, 1], [], []>, transpose_lhs_hint = false} : vector<512x128xf32>, vector<128x128xf32>, vector<512x128xf32> -> vector<512x128xf32>
    %swap3A = arith.constant 0 : index
    %swap3A_17 = arith.constant 0 : index
    %swap3A_18 = vector.load %arg4[%swap3A, %swap3A_17] : memref<512x128xf32, #tpu.memory_space<vmem>>, vector<512x128xf32>
    tpu.vector_store %arg4[%swap3A, %swap3A_17], %dot_general3A_16 {strides = array<i32>} : memref<512x128xf32, #tpu.memory_space<vmem>>, vector<512x128xf32>,
    return
  }
  func.func @transform_0(%arg0: i32) -> (i32, i32) {
    %c0_i32 = arith.constant 0 : i32
    %c0_i32_0 = arith.constant 0 : i32
    return %arg0, %c0_i32 : i32, i32
  }
  func.func @transform_1(%arg0: i32) -> (i32, i32) {
    %c0_i32 = arith.constant 0 : i32
    %c0_i32_0 = arith.constant 0 : i32
    return %c0_i32, %arg0 : i32, i32
  }
  func.func @transform_2(%arg0: i32) -> (i32, i32) {
    %c0_i32 = arith.constant 0 : i32
    %c0_i32_0 = arith.constant 0 : i32
    %c0_i32_1 = arith.constant 0 : i32
    return %c0_i32, %c0_i32_0 : i32, i32
  }
  func.func @transform_3(%arg0: i32) -> (i32, i32) {
    %c0_i32 = arith.constant 0 : i32
    %c0_i32_0 = arith.constant 0 : i32
    return %arg0, %c0_i32 : i32, i32
  }
}

module attributes {stable_mosaic.version = 14 : i64} {
  func.func @_tc2_body(%arg0: i32, %arg1: memref<2x512x128xf32, #tpu.memory_space<vmem>>, %arg2: memref<2x512xf32, #tpu.memory_space<vmem>>, %arg3: memref<2x512xf32, #tpu.memory_space<vmem>>, %arg4: memref<1x128xf32, #tpu.memory_space<vmem>>, %arg5: memref<128x128xf32, #tpu.memory_space<vmem>>, %arg6: memref<512x128xf32, #tpu.memory_space<vmem>>) attributes {dimension_semantics = [#tpu.dimension_semantics<arbitrary>], iteration_bounds = array<i64: 20>, scalar_prefetch = 0 : i64, scratch_operands = 0 : i64, tpu.core_type = #tpu.core_type<tc>, window_params = [{transform_indices = @transform_0, window_bounds = array<i64: 2, 512, 128>}, {transform_indices = @transform_1, window_bounds = array<i64: 2, 512>}, {transform_indices = @transform_2, window_bounds = array<i64: 2, 512>}, {pipeline_mode = #tpu.pipeline_mode<synchronous>, transform_indices = @transform_3, window_bounds = array<i64: 1, 128>}, {pipeline_mode = #tpu.pipeline_mode<synchronous>, transform_indices = @transform_4, window_bounds = array<i64: 128, 128>}, {transform_indices = @transform_5, window_bounds = array<i64: 512, 128>}]} {
    %get3A = arith.constant 0 : index
    %get3A_0 = arith.constant 0 : index
    %get3A_1 = arith.constant 0 : index
    %get3A_2 = vector.load %arg1[%get3A, %get3A_0, %get3A_1] : memref<2x512x128xf32, #tpu.memory_space<vmem>>, vector<1x512x128xf32>
    %get3A_3 = vector.shape_cast %get3A_2 : vector<1x512x128xf32> to vector<512x128xf32>
    %get3A_4 = arith.constant 1 : index
    %get3A_5 = arith.constant 0 : index
    %get3A_6 = arith.constant 0 : index
    %get3A_7 = vector.load %arg1[%get3A_4, %get3A_5, %get3A_6] : memref<2x512x128xf32, #tpu.memory_space<vmem>>, vector<1x512x128xf32>
    %get3A_8 = vector.shape_cast %get3A_7 : vector<1x512x128xf32> to vector<512x128xf32>
    %add3A = arith.addf %get3A_3, %get3A_8 : vector<512x128xf32>
    %get3A_9 = arith.constant 0 : index
    %get3A_10 = arith.constant 0 : index
    %get3A_11 = vector.load %arg3[%get3A_9, %get3A_10] : memref<2x512xf32, #tpu.memory_space<vmem>>, vector<1x512xf32>
    %get3A_12 = vector.shape_cast %get3A_11 : vector<1x512xf32> to vector<512xf32>
    %get3A_13 = arith.constant 1 : index
    %get3A_14 = arith.constant 0 : index
    %get3A_15 = vector.load %arg3[%get3A_13, %get3A_14] : memref<2x512xf32, #tpu.memory_space<vmem>>, vector<1x512xf32>
    %get3A_16 = vector.shape_cast %get3A_15 : vector<1x512xf32> to vector<512xf32>
    %add3A_17 = arith.addf %get3A_12, %get3A_16 : vector<512xf32>
    %max3A = arith.constant 1.000000e+00 : f32
    %max3A_18 = vector.broadcast %max3A : f32 to vector<512xf32>
    %max3A_19 = arith.maximumf %add3A_17, %max3A_18 : vector<512xf32>
    %rsqrt3A = math.rsqrt %max3A_19 : vector<512xf32>
    %broadcast_in_dim3A = vector.shape_cast %rsqrt3A : vector<512xf32> to vector<512x1xf32>
    %mul3A = vector.broadcast %broadcast_in_dim3A : vector<512x1xf32> to vector<512x128xf32>
    %mul3A_20 = arith.mulf %add3A, %mul3A : vector<512x128xf32>
    %get3A_21 = arith.constant 0 : index
    %get3A_22 = arith.constant 0 : index
    %get3A_23 = vector.load %arg4[%get3A_21, %get3A_22] : memref<1x128xf32, #tpu.memory_space<vmem>>, vector<1x128xf32>
    %add3A_24 = vector.broadcast %get3A_23 : vector<1x128xf32> to vector<512x128xf32>
    %add3A_25 = arith.addf %mul3A_20, %add3A_24 : vector<512x128xf32>
    %max3A_26 = arith.constant 0.000000e+00 : f32
    %max3A_27 = vector.broadcast %max3A_26 : f32 to vector<512x128xf32>
    %max3A_28 = arith.maximumf %add3A_25, %max3A_27 : vector<512x128xf32>
    %get3A_29 = arith.constant 0 : index
    %get3A_30 = arith.constant 0 : index
    %get3A_31 = vector.load %arg2[%get3A_29, %get3A_30] : memref<2x512xf32, #tpu.memory_space<vmem>>, vector<1x512xf32>
    %get3A_32 = vector.shape_cast %get3A_31 : vector<1x512xf32> to vector<512xf32>
    %get3A_33 = arith.constant 1 : index
    %get3A_34 = arith.constant 0 : index
    %get3A_35 = vector.load %arg2[%get3A_33, %get3A_34] : memref<2x512xf32, #tpu.memory_space<vmem>>, vector<1x512xf32>
    %get3A_36 = vector.shape_cast %get3A_35 : vector<1x512xf32> to vector<512xf32>
    %add3A_37 = arith.addf %get3A_32, %get3A_36 : vector<512xf32>
    %max3A_38 = arith.constant 1.000000e+00 : f32
    %max3A_39 = vector.broadcast %max3A_38 : f32 to vector<512xf32>
    %max3A_40 = arith.maximumf %add3A_37, %max3A_39 : vector<512xf32>
    %rsqrt3A_41 = math.rsqrt %max3A_40 : vector<512xf32>
    %broadcast_in_dim3A_42 = vector.shape_cast %rsqrt3A_41 : vector<512xf32> to vector<512x1xf32>
    %mul3A_43 = vector.broadcast %broadcast_in_dim3A_42 : vector<512x1xf32> to vector<512x128xf32>
    %mul3A_44 = arith.mulf %max3A_28, %mul3A_43 : vector<512x128xf32>
    %get3A_45 = arith.constant 0 : index
    %get3A_46 = arith.constant 0 : index
    %get3A_47 = vector.load %arg5[%get3A_45, %get3A_46] : memref<128x128xf32, #tpu.memory_space<vmem>>, vector<128x128xf32>
    %dot_general3A = arith.constant dense<0.000000e+00> : vector<512x128xf32>
    %dot_general3A_48 = tpu.matmul %mul3A_44, %get3A_47, %dot_general3A {dimension_numbers = #tpu.dot_dimension_numbers<[1], [0], [0], [1], [0, 0, 1, 1], [], []>, transpose_lhs_hint = false} : vector<512x128xf32>, vector<128x128xf32>, vector<512x128xf32> -> vector<512x128xf32>
    %swap3A = arith.constant 0 : index
    %swap3A_49 = arith.constant 0 : index
    %swap3A_50 = vector.load %arg6[%swap3A, %swap3A_49] : memref<512x128xf32, #tpu.memory_space<vmem>>, vector<512x128xf32>
    tpu.vector_store %arg6[%swap3A, %swap3A_49], %dot_general3A_48 {strides = array<i32>} : memref<512x128xf32, #tpu.memory_space<vmem>>, vector<512x128xf32>,
    return
  }
  func.func @transform_0(%arg0: i32) -> (i32, i32, i32) {
    %c0_i32 = arith.constant 0 : i32
    %c0_i32_0 = arith.constant 0 : i32
    %c0_i32_1 = arith.constant 0 : i32
    return %c0_i32, %arg0, %c0_i32_0 : i32, i32, i32
  }
  func.func @transform_1(%arg0: i32) -> (i32, i32) {
    %c0_i32 = arith.constant 0 : i32
    %c0_i32_0 = arith.constant 0 : i32
    return %c0_i32, %arg0 : i32, i32
  }
  func.func @transform_2(%arg0: i32) -> (i32, i32) {
    %c0_i32 = arith.constant 0 : i32
    %c0_i32_0 = arith.constant 0 : i32
    return %c0_i32, %arg0 : i32, i32
  }
  func.func @transform_3(%arg0: i32) -> (i32, i32) {
    %c0_i32 = arith.constant 0 : i32
    %c0_i32_0 = arith.constant 0 : i32
    %c0_i32_1 = arith.constant 0 : i32
    return %c0_i32, %c0_i32_0 : i32, i32
  }
  func.func @transform_4(%arg0: i32) -> (i32, i32) {
    %c0_i32 = arith.constant 0 : i32
    %c0_i32_0 = arith.constant 0 : i32
    %c0_i32_1 = arith.constant 0 : i32
    return %c0_i32, %c0_i32_0 : i32, i32
  }
  func.func @transform_5(%arg0: i32) -> (i32, i32) {
    %c0_i32 = arith.constant 0 : i32
    %c0_i32_0 = arith.constant 0 : i32
    return %arg0, %c0_i32 : i32, i32
  }
}

module attributes {stable_mosaic.version = 14 : i64} {
  func.func @_tc3_body(%arg0: i32, %arg1: memref<2x512x128xf32, #tpu.memory_space<vmem>>, %arg2: memref<2x512xf32, #tpu.memory_space<vmem>>, %arg3: memref<1x128xf32, #tpu.memory_space<vmem>>, %arg4: memref<512x128xf32, #tpu.memory_space<vmem>>) attributes {dimension_semantics = [#tpu.dimension_semantics<arbitrary>], iteration_bounds = array<i64: 20>, scalar_prefetch = 0 : i64, scratch_operands = 0 : i64, tpu.core_type = #tpu.core_type<tc>, window_params = [{transform_indices = @transform_0, window_bounds = array<i64: 2, 512, 128>}, {transform_indices = @transform_1, window_bounds = array<i64: 2, 512>}, {pipeline_mode = #tpu.pipeline_mode<synchronous>, transform_indices = @transform_2, window_bounds = array<i64: 1, 128>}, {transform_indices = @transform_3, window_bounds = array<i64: 512, 128>}]} {
    %get3A = arith.constant 0 : index
    %get3A_0 = arith.constant 0 : index
    %get3A_1 = arith.constant 0 : index
    %get3A_2 = vector.load %arg1[%get3A, %get3A_0, %get3A_1] : memref<2x512x128xf32, #tpu.memory_space<vmem>>, vector<1x512x128xf32>
    %get3A_3 = vector.shape_cast %get3A_2 : vector<1x512x128xf32> to vector<512x128xf32>
    %get3A_4 = arith.constant 1 : index
    %get3A_5 = arith.constant 0 : index
    %get3A_6 = arith.constant 0 : index
    %get3A_7 = vector.load %arg1[%get3A_4, %get3A_5, %get3A_6] : memref<2x512x128xf32, #tpu.memory_space<vmem>>, vector<1x512x128xf32>
    %get3A_8 = vector.shape_cast %get3A_7 : vector<1x512x128xf32> to vector<512x128xf32>
    %add3A = arith.addf %get3A_3, %get3A_8 : vector<512x128xf32>
    %get3A_9 = arith.constant 0 : index
    %get3A_10 = arith.constant 0 : index
    %get3A_11 = vector.load %arg2[%get3A_9, %get3A_10] : memref<2x512xf32, #tpu.memory_space<vmem>>, vector<1x512xf32>
    %get3A_12 = vector.shape_cast %get3A_11 : vector<1x512xf32> to vector<512xf32>
    %get3A_13 = arith.constant 1 : index
    %get3A_14 = arith.constant 0 : index
    %get3A_15 = vector.load %arg2[%get3A_13, %get3A_14] : memref<2x512xf32, #tpu.memory_space<vmem>>, vector<1x512xf32>
    %get3A_16 = vector.shape_cast %get3A_15 : vector<1x512xf32> to vector<512xf32>
    %add3A_17 = arith.addf %get3A_12, %get3A_16 : vector<512xf32>
    %max3A = arith.constant 1.000000e+00 : f32
    %max3A_18 = vector.broadcast %max3A : f32 to vector<512xf32>
    %max3A_19 = arith.maximumf %add3A_17, %max3A_18 : vector<512xf32>
    %rsqrt3A = math.rsqrt %max3A_19 : vector<512xf32>
    %broadcast_in_dim3A = vector.shape_cast %rsqrt3A : vector<512xf32> to vector<512x1xf32>
    %mul3A = vector.broadcast %broadcast_in_dim3A : vector<512x1xf32> to vector<512x128xf32>
    %mul3A_20 = arith.mulf %add3A, %mul3A : vector<512x128xf32>
    %get3A_21 = arith.constant 0 : index
    %get3A_22 = arith.constant 0 : index
    %get3A_23 = vector.load %arg3[%get3A_21, %get3A_22] : memref<1x128xf32, #tpu.memory_space<vmem>>, vector<1x128xf32>
    %add3A_24 = vector.broadcast %get3A_23 : vector<1x128xf32> to vector<512x128xf32>
    %add3A_25 = arith.addf %mul3A_20, %add3A_24 : vector<512x128xf32>
    %max3A_26 = arith.constant 0.000000e+00 : f32
    %max3A_27 = vector.broadcast %max3A_26 : f32 to vector<512x128xf32>
    %max3A_28 = arith.maximumf %add3A_25, %max3A_27 : vector<512x128xf32>
    %swap3A = arith.constant 0 : index
    %swap3A_29 = arith.constant 0 : index
    %swap3A_30 = vector.load %arg4[%swap3A, %swap3A_29] : memref<512x128xf32, #tpu.memory_space<vmem>>, vector<512x128xf32>
    tpu.vector_store %arg4[%swap3A, %swap3A_29], %max3A_28 {strides = array<i32>} : memref<512x128xf32, #tpu.memory_space<vmem>>, vector<512x128xf32>,
    return
  }
  func.func @transform_0(%arg0: i32) -> (i32, i32, i32) {
    %c0_i32 = arith.constant 0 : i32
    %c0_i32_0 = arith.constant 0 : i32
    %c0_i32_1 = arith.constant 0 : i32
    return %c0_i32, %arg0, %c0_i32_0 : i32, i32, i32
  }
  func.func @transform_1(%arg0: i32) -> (i32, i32) {
    %c0_i32 = arith.constant 0 : i32
    %c0_i32_0 = arith.constant 0 : i32
    return %c0_i32, %arg0 : i32, i32
  }
  func.func @transform_2(%arg0: i32) -> (i32, i32) {
    %c0_i32 = arith.constant 0 : i32
    %c0_i32_0 = arith.constant 0 : i32
    %c0_i32_1 = arith.constant 0 : i32
    return %c0_i32, %c0_i32_0 : i32, i32
  }
  func.func @transform_3(%arg0: i32) -> (i32, i32) {
    %c0_i32 = arith.constant 0 : i32
    %c0_i32_0 = arith.constant 0 : i32
    return %arg0, %c0_i32 : i32, i32
  }
}

</mosaic_0001>

<sc_bundles>
// kernel: kernel.11.cloned.1.call-start
scs
__scs_entry_jumppad:
0x0: {  	(pc) =	sbr.rel $0x88, $3  }
0x1: {  	(tag) =	ssettag $0x0;
	lr =	simm.s32 $0x1  }
0x2: {  	[smem:$0x3F9B] =	sst lr;
	_ =	strace $0xD0000000  }
0x3: {  	_ = 	snop  }
0x4: {  	_ = 	snop  }
0x5: {  	_ = 	snop  }
0x6: {  	_ = 	snop  }
0x7: {  	_ = 	snop  }
__scs_overlays_trampoline_lowered:
0x8: {  	[smem:$0x3FAA] =	sst s0  }
0x9: {  	[smem:$0x3FAB] =	sst s1  }
0xa: {  	[smem:$0x3FAC] =	sst s2  }
0xb: {  	[smem:$0x3FAD] =	sst s3  }
0xc: {  	[smem:$0x3FAE] =	sst s4  }
0xd: {  	[smem:$0x3FAF] =	sst s5  }
0xe: {  	[smem:$0x3FB0] =	sst s6  }
0xf: {  	[smem:$0x3FB1] =	sst s7  }
0x10: {  	[smem:$0x3FB2] =	sst s8  }
0x11: {  	[smem:$0x3FB3] =	sst s9;
	s0 =	simm.s32 @!p0 $0x0  }
0x12: {  	s1 =	sld [smem:$0x3F99];
	s0 =	simm.s32 @p0 $0x1  }
0x13: {  	[smem:$0x3FB4] =	sst s0;
	s0 =	simm.s32 @!p1 $0x0  }
0x14: {  	s2 =	sld [smem:$0x3F98];
	s0 =	simm.s32 @p1 $0x1  }
0x15: {  	[smem:$0x3FB5] =	sst s0;
	s0 =	simm.s32 @!p2 $0x0  }
0x16: {  	s3 =	sld [smem:$0x3FDB];
	s0 =	simm.s32 @p2 $0x1  }
0x17: {  	s4 =	simm.s32 $0x1BF5;
	[smem:$0x3FB7] =	sst s0  }
0x18: {  	s0 =	sld [smem:$0x3F9A];
	_ =	swait.ge [sflag:s4], $0x0  }
0x19: {  	s7 =	sld [smem:$0x3F9B]  }
0x1a: {  	s8 =	sadd.s32 $0xFFFFE003, lr  }
0x1b: {  	s9 =	sadd.s32 $0xFFFFFEF7, lr;
	s5 =	simm.s32 $0xFFFFFFFF;
	p2 =	slt.u32 s8, $0xFFFFF086  }
0x1c: {  	p1 =	slt.u32 s9, $0xF7A;
	s5 =	simm.s32 @!p2 $0x0  }
0x1d: {  	s5 =	simm.s32 @p1 $0x1;
	p0 =	seq.s32 s7, s2  }
0x1e: {  	s7 =	smul.u32 @!p0 $0xF7A, s2;
	p2 =	seq.s32 @!p0 s5, $0x0  }
0x1f: {  	s9 =	smul.u32 $0xF7A, s1;
	s8 =	simm.s32 @!p0 $0x1BF5;
	p2 =	por !p2, p0  }
0x20: {  	[sflag:s8] =	ssyncset.s32 @!p0 $0xFFFFF086;
	s6 =	sadd.s32 @!p0 s3, s7;
	s7 =	simm.s32 @!p0 $0x108  }
0x21: {  	s3 =	sadd.s32 s3, s9;
	s6 =	sadd.s32 @!p0 $0x88, s6;
	s7 =	simm.s32 @p2 $0x1082  }
0x22: {  	[simem:s7], [sflag:s8] =	dma.local @!p0 [hbm:s6], $0xF7A  }
0x23: {  	s9 =	sor.u32 $0xD0000000, s2;
	s6 =	simm.s32 $0x108;
	_ =	swait.ge @!p0 [sflag:s8], $0x0  }
0x24: {  	s3 =	sadd.s32 $0x88, s3;
	s6 =	simm.s32 @!p1 $0x1082;
	[sflag:s4] =	ssyncset.s32 $0xFFFFF086  }
0x25: {  	[simem:s6], [sflag:s4] =	dma.local [hbm:s3], $0xF7A  }
0x26: {  	[smem:$0x3F9B] =	sst s1;
	(tag) =	ssettag s2;
	_ =	strace s9  }
0x27: {  	s1 =	sld [smem:$0x3FAB]  }
0x28: {  	s2 =	sld [smem:$0x3FAC]  }
0x29: {  	s4 =	sld [smem:$0x3FAE]  }
0x2a: {  	p0 =	seq.s32 s5, $0x0;
	s5 =	sld [smem:$0x3FAF]  }
0x2b: {  	s6 =	sld [smem:$0x3FB0]  }
0x2c: {  	s7 =	sld [smem:$0x3FB1]  }
0x2d: {  	s3 =	simm.s32 $0x108;
	s8 =	sld [smem:$0x3FB2]  }
0x2e: {  	s3 =	simm.s32 @!p0 $0x1082;
	s9 =	sld [smem:$0x3FB3]  }
0x2f: {  	lr =	sadd.s32 s0, s3;
	s0 =	sld [smem:$0x3FAA]  }
0x30: {  	s3 =	sld [smem:$0x3FAD]  }
0x31: {  	[smem:$0x3FB6] =	sst s10  }
0x32: {  	s10 =	sld [smem:$0x3FB4];
	_ =	sdelay $0x3  }
0x33: {  	p0 =	seq.s32 s10, $0x1;
	s10 =	sld [smem:$0x3FB6];
	_ =	sdelay $0x3  }
0x34: {  	[smem:$0x3FB6] =	sst s10  }
0x35: {  	s10 =	sld [smem:$0x3FB5];
	_ =	sdelay $0x3  }
0x36: {  	p1 =	seq.s32 s10, $0x1;
	s10 =	sld [smem:$0x3FB6];
	_ =	sdelay $0x3  }
0x37: {  	[smem:$0x3FB6] =	sst s10  }
0x38: {  	s10 =	sld [smem:$0x3FB7]  }
0x39: {  	_ = 	snop;
	(pc) =	sbr.ind lr, $3  }
0x3a: {  	_ = 	snop  }
0x3b: {  	_ = 	snop  }
0x3c: {  	p2 =	seq.s32 s10, $0x1;
	s10 =	sld [smem:$0x3FB6]  }
0x3d: {  	_ =	shalt  }
0x3e: {  	_ =	shalt  }
0x3f: {  	_ =	shalt  }
0x40: {  	_ =	shalt  }
0x41: {  	_ =	shalt  }
0x42: {  	_ =	shalt  }
0x43: {  	_ =	shalt  }
0x44: {  	_ =	shalt  }
0x45: {  	_ =	shalt  }
0x46: {  	_ =	shalt  }
0x47: {  	_ =	shalt  }
0x48: {  	_ =	shalt  }
0x49: {  	_ =	shalt  }
0x4a: {  	_ =	shalt  }
0x4b: {  	_ =	shalt  }
0x4c: {  	_ =	shalt  }
0x4d: {  	_ =	shalt  }
0x4e: {  	_ =	shalt  }
0x4f: {  	_ =	shalt  }
0x50: {  	_ =	shalt  }
0x51: {  	_ =	shalt  }
0x52: {  	_ =	shalt  }
0x53: {  	_ =	shalt  }
0x54: {  	_ =	shalt  }
0x55: {  	_ =	shalt  }
0x56: {  	_ =	shalt  }
0x57: {  	_ =	shalt  }
0x58: {  	_ =	shalt  }
0x59: {  	_ =	shalt  }
0x5a: {  	_ =	shalt  }
0x5b: {  	_ =	shalt  }
0x5c: {  	_ =	shalt  }
0x5d: {  	_ =	shalt  }
0x5e: {  	_ =	shalt  }
0x5f: {  	_ =	shalt  }
0x60: {  	_ =	shalt  }
0x61: {  	_ =	shalt  }
0x62: {  	_ =	shalt  }
0x63: {  	_ =	shalt  }
0x64: {  	_ =	shalt  }
0x65: {  	_ =	shalt  }
0x66: {  	_ =	shalt  }
0x67: {  	_ =	shalt  }
0x68: {  	_ =	shalt  }
0x69: {  	_ =	shalt  }
0x6a: {  	_ =	shalt  }
0x6b: {  	_ =	shalt  }
0x6c: {  	_ =	shalt  }
0x6d: {  	_ =	shalt  }
0x6e: {  	_ =	shalt  }
0x6f: {  	_ =	shalt  }
0x70: {  	_ =	shalt  }
0x71: {  	_ =	shalt  }
0x72: {  	_ =	shalt  }
0x73: {  	_ =	shalt  }
0x74: {  	_ =	shalt  }
0x75: {  	_ =	shalt  }
0x76: {  	_ =	shalt  }
0x77: {  	_ =	shalt  }
0x78: {  	_ =	shalt  }
0x79: {  	_ =	shalt  }
0x7a: {  	_ =	shalt  }
0x7b: {  	_ =	shalt  }
0x7c: {  	_ =	shalt  }
0x7d: {  	_ =	shalt  }
0x7e: {  	_ =	shalt  }
0x7f: {  	_ =	shalt  }
0x80: {  	_ =	shalt  }
0x81: {  	_ =	shalt  }
0x82: {  	_ =	shalt  }
0x83: {  	_ =	shalt  }
0x84: {  	_ =	shalt  }
0x85: {  	_ =	shalt  }
0x86: {  	_ =	shalt  }
0x87: {  	_ =	shalt  }
.Lfunc_end0:
.L_simem_size_0:
called_computation.1_lowered:
.L_overlay_start_0:
0x88: {  	s2 =	sld [smem:$0x3FD9]  }
0x89: {  	s3 =	sld [smem:$0x3FFE];
	_ =	sdelay $0x1  }
0x8a: {  	s1 =	srdreg.scid  }
0x8b: {  	s0 =	sand.u32 $0x1, s1  }
0x8c: {  	s17 =	sshll.u32 s0, $0xA;
	s2 =	sadd.s32 s3, s2  }
0x8d: {  	s2 =	sadd.s32 s2, s17  }
0x8e: {  	[smem:$0x3FC2] =	sst s2  }
0x8f: {  	_ = 	snop  }
0x90: {  	s2 =	sld [smem:$0x3FD0];
	(tm) =	ssettm $0x1  }
0x91: {  	s18 =	sld [smem:$0x3FFB];
	_ =	sdelay $0x3  }
0x92: {  	_ =	strace s18  }
0x93: {  	s3 =	sld [smem:$0x3FFC];
	_ =	sdelay $0x3  }
0x94: {  	_ =	strace s3  }
0x95: {  	s3 =	sld [smem:$0x3FFD];
	_ =	sdelay $0x3  }
0x96: {  	_ =	strace s3  }
0x97: {  	_ =	strace $0x8FFFFFFF  }
0x98: {  	s19 =	sld [smem:$0x3FDB];
	_ =	sdelay $0x1  }
0x99: {  	s4 =	simm.s32 $_scs_section_size  }
0x9a: {  	s5 =	simm.s32 $_size__tile_overlayer_lowered;
	s6 =	simm.s32 $_tile_overlayer_lowered  }
0x9b: {  	s22 =	simm.s32 $0x1BFF;
	s21 =	sshll.u32 s6, $0x1;
	s3 =	sadd.s32 s4, s19  }
0x9c: {  	s7 =	simm.s32 $0x0;
	s20 =	sshll.u32 s5, $0x1;
	s5 =	sadd.s32 s21, s3  }
0x9d: {  	[timem:s7], [sflag:s22] =	dma.local [hbm:s5], s20  }
0x9e: {  	_ =	swait.ge [sflag:s22], s20  }
0x9f: {  	s4 =	ssub.s32 $0x0, s20;
	[sflag:s22] =	ssyncset.done $0x0  }
0xa0: {  	[sflag:s22] =	ssyncadd.s32 s4;
	_ =	sdelay $0x1  }
0xa1: {  	s23 =	simm.s32 $0x1B8B  }
0xa2: {  	_ =	swait.ge [sflag:s23], $0x1  }
0xa3: {  	[sflag:s23] =	ssyncset.done $0x0  }
0xa4: {  	s25 =	simm.s32 $0x1B8E;
	s24 =	sld [smem:$0x3FFE];
	[sflag:s23] =	ssyncadd.s32 $0xFFFFFFFF  }
0xa5: {  	s26 =	simm.s32 $execute0_lowered;
	[smem:$0x3FD2] =	sst s25  }
0xa6: {  	s5 =	sshll.u32 s26, $0x1;
	_ =	strace $0x80000049;
	[dreg:$0x1] =	wrdreg $0xFFFFFFFF  }
0xa7: {  	s28 =	simm.s32 $_size_execute0_lowered;
	s3 =	sadd.s32 s3, s5;
	[dreg:$0x0] =	wrdreg $0x0  }
0xa8: {  	s5 =	sshll.u32 s28, $0x1;
	[dreg:$0x2] =	wrdreg s3  }
0xa9: {  	[dreg:$0x3] =	wrdreg s5  }
0xaa: {  	[dreg:$0x4] =	wrdreg $0xC0  }
0xab: {  	_ =	task [dreg:s7], $0x5FFFF  }
0xac: {  	[dreg:$0x1] =	wrdreg $0xFFFFFFFF  }
0xad: {  	[dreg:$0x0] =	wrdreg $0x60  }
0xae: {  	[dreg:$0x2] =	wrdreg s24  }
0xaf: {  	[dreg:$0x3] =	wrdreg s2  }
0xb0: {  	[dreg:$0x4] =	wrdreg $0xA0000  }
0xb1: {  	[dreg:$0x5] =	wrdreg $0x9  }
0xb2: {  	_ =	task.clear_ibuf [dreg:s7], $0x6FFFF;
	_ =	strace $0x90000049  }
0xb3: {  	s29 =	simm.s32 $0x9;
	_ =	strace $0x8000004B  }
0xb4: {  	_ =	swait.ge [sflag:s29], $0x1  }
0xb5: {  	[sflag:s29] =	ssyncadd.s32 $0xFFFFFFFF  }
0xb6: {  	_ =	strace $0x9000004B  }
0xb7: {  	_ =	sfence  }
0xb8: {  	s30 =	sld [smem:$0x0];
	_ =	sdelay $0x2  }
0xb9: {  	s31 =	sshll.u32 s1, $0xD;
	s1 =	sshrl.u32 s1, $0x2  }
0xba: {  	s3 =	sand.u32 $0x4000, s31;
	s1 =	sadd.s32 s1, s30  }
0xbb: {  	s0 =	sor.u32 s3, s0;
	s1 =	sshll.u32 s1, $0x11  }
0xbc: {  	s0 =	sor.u32 s1, s0  }
0xbd: {  	s0 =	sadd.s32 $0x8F2B, s0  }
0xbe: {  	[sflag:s0] =	ssyncadd.remote.s32 $0x1  }
0xbf: {  	_ =	sfence.sel $0xFFFF  }
0xc0: {  	[dreg:$0x0] =	wrdreg $0xFFFFFFFF;
	(pc) =	sbr.abs _section_cstart, $3  }
0xc1: {  	[dreg:$0x1] =	wrdreg $0xFFFFFFFF  }
0xc2: {  	_ =	task.clear_ibuf [dreg:s7], $0x2FFFF;
	_ =	strace $0x9FFFFFFF  }
0xc3: {  	(tm) =	ssettm $0x7FFFFFFF  }
tec
execute0_lowered:
.L_overlay_start_1:
0x0: {  	(tag) =	ssettag $0x1  }
0x1: {  	s0 =	rddreg [dreg:$0x0]  }
0x2: {  	s1 =	rddreg [dreg:$0x1]  }
0x3: {  	s2 =	rddreg [dreg:$0x2];
	s3 =	simm.s32 $0x0;
	s4 =	srdreg.scid  }
0x4: {  	s10 =	stileid.u32;
	s30 =	simm.s32 $0x80;
	s31 =	simm.s32 $0x6000  }
0x5: {  	s29 =	simm.s32 $0x0;
	[smem:$0x7FF] =	sst s3;
	s5 =	sadd.s32 $0xDA00, s0  }
0x6: {  	s4 =	sand.u32 $0x1, s4;
	s6 =	sadd.s32 $0x2600, s0;
	s8 =	smul.u32 $0x50000, s10  }
0x7: {  	s9 =	sadd.s32 $0xC600, s0;
	s14 =	smul.u32 $0x14000, s10;
	s0 =	sadd.s32 $0x35A00, s0  }
0x8: {  	_ =	strace $0x8000004A;
	s7 =	ssub.s32 $0x2, s4;
	[dreg:$0x4] =	wrdreg s9  }
0x9: {  	s22 =	sshll.u32 s4, $0x4;
	s4 =	smul.u32 $0x140000, s4;
	s21 =	sshrl.u32 s7, $0x1  }
0xa: {  	s13 =	sor.u32 s10, s22;
	s8 =	sshrl.u32 s8, $0x2;
	s15 =	sadd.s32 $0x4000, s14  }
0xb: {  	s16 =	sadd.s32 $0x8000, s14;
	s17 =	sadd.s32 $0xC000, s14;
	s18 =	sadd.s32 $0x10000, s14  }
0xc: {  	s7 =	ssub.s32 s7, s21;
	s8 =	sadd.s32 s8, s2;
	s9 =	sadd.s32 s15, s2  }
0xd: {  	s10 =	sadd.s32 s16, s2;
	s11 =	smul.u32 $0x2800, s13;
	s12 =	sadd.s32 s17, s2  }
0xe: {  	s19 =	smul.u32 $0x500, s13;
	s13 =	sadd.s32 s18, s2;
	s14 =	sadd.s32 s14, s4  }
0xf: {  	s15 =	sadd.s32 s4, s15;
	s25 =	sadd.s32 s4, s16;
	s26 =	sadd.s32 s4, s17  }
0x10: {  	s4 =	sadd.s32 s4, s18;
	s14 =	sshrl.u32 s14, $0x3;
	s15 =	sshrl.u32 s15, $0x3  }
0x11: {  	s28 =	sshrl.u32 s26, $0x3;
	s4 =	sshrl.u32 s4, $0x3;
	s21 =	sadd.s32 s6, s19  }
0x12: {  	s20 =	sshrl.u32 s11, $0x3;
	s19 =	sadd.s32 s1, s19;
	[dreg:$0x5] =	wrdreg s21  }
0x13: {  	s14 =	sadd.s32 s0, s14;
	s24 =	sadd.s32 s0, s15;
	[dreg:$0x6] =	wrdreg s19  }
0x14: {  	s22 =	sadd.s32 s0, s4;
	s23 =	sadd.s32 $0x100, s20;
	[dreg:$0x9] =	wrdreg s14  }
0x15: {  	s4 =	simm.s32 $0x2;
	[dreg:$0xa] =	wrdreg s24;
	s20 =	sadd.s32 s6, s23  }
0x16: {  	s14 =	sshrl.u32 s25, $0x3;
	s19 =	sadd.s32 s1, s23;
	[dreg:$0x7] =	wrdreg s20  }
0x17: {  	s24 =	simm.s32 $0x2000;
	s14 =	sadd.s32 s0, s14;
	[dreg:$0x8] =	wrdreg s19  }
0x18: {  	s25 =	simm.s32 $0x3;
	[dreg:$0xb] =	wrdreg s14;
	s14 =	sadd.s32 s0, s28  }
0x19: {  	s23 =	smax.u32 s7, $0x1;
	s0 =	simm.s32 $0x1;
	[dreg:$0xc] =	wrdreg s14  }
.LBB2_1:
0x1a: {  	s7 =	rddreg [dreg:$0x4]  }
0x1b: {  	[tilespmem:s24], [sflag:$0x3] =	stream.linear.gather [hbm4b:s7+s3], $0x4000, $0x38;
	[tilespmem:$0x1E000] =	vst v63  }
0x1c: {  	_ =	swait.ge [sflag:s25], $0x4000  }
0x1d: {  	[sflag:s25] =	ssyncset.done $0x0  }
0x1e: {  	[sflag:s25] =	ssyncadd.s32 $0xFFFFC000  }
0x1f: {  	[spmem:s8] =	stream.linear.scatter [tilespmem:s24], [sflag:$0x3], $0x4000, $0x38;
	[tilespmem:$0x1E000] =	vst v63  }
0x20: {  	_ =	swait.ge [sflag:s25], $0x4000  }
0x21: {  	[sflag:s25] =	ssyncset.done $0x0  }
0x22: {  	[sflag:s25] =	ssyncadd.s32 $0xFFFFC000  }
0x23: {  	[spmem:s9] =	stream.linear.scatter [tilespmem:s24], [sflag:$0x3], $0x4000, $0x38;
	[tilespmem:$0x1E000] =	vst v63  }
0x24: {  	_ =	swait.ge [sflag:s25], $0x4000  }
0x25: {  	[sflag:s25] =	ssyncset.done $0x0  }
0x26: {  	[sflag:s25] =	ssyncadd.s32 $0xFFFFC000  }
0x27: {  	[spmem:s10] =	stream.linear.scatter [tilespmem:s24], [sflag:$0x3], $0x4000, $0x38;
	[tilespmem:$0x1E000] =	vst v63  }
0x28: {  	_ =	swait.ge [sflag:s25], $0x4000  }
0x29: {  	[sflag:s25] =	ssyncset.done $0x0  }
0x2a: {  	[sflag:s25] =	ssyncadd.s32 $0xFFFFC000  }
0x2b: {  	[spmem:s12] =	stream.linear.scatter [tilespmem:s24], [sflag:$0x3], $0x4000, $0x38;
	[tilespmem:$0x1E000] =	vst v63  }
0x2c: {  	_ =	swait.ge [sflag:s25], $0x4000  }
0x2d: {  	[sflag:s25] =	ssyncset.done $0x0  }
0x2e: {  	[sflag:s25] =	ssyncadd.s32 $0xFFFFC000  }
0x2f: {  	[spmem:s13] =	stream.linear.scatter [tilespmem:s24], [sflag:$0x3], $0x4000, $0x38;
	[tilespmem:$0x1E000] =	vst v63  }
0x30: {  	_ =	swait.ge [sflag:s25], $0x4000  }
0x31: {  	[sflag:s25] =	ssyncset.done $0x0  }
0x32: {  	s21 =	rddreg [dreg:$0x5];
	[sflag:s25] =	ssyncadd.s32 $0xFFFFC000  }
0x33: {  	[tilespmem:s3], [sflag:$0x3] =	stream.linear.gather [hbm4b:s21+s3], $0x800, $0x38;
	[tilespmem:$0x1E000] =	vst v63  }
0x34: {  	_ =	swait.ge [sflag:s25], $0x800  }
0x35: {  	[sflag:s25] =	ssyncset.done $0x0  }
0x36: {  	s14 =	simm.s32 $0x1000;
	s26 =	rddreg [dreg:$0x6];
	[sflag:s25] =	ssyncadd.s32 $0xFFFFF800  }
0x37: {  	[tilespmem:s14], [sflag:$0x3] =	stream.linear.gather [hbm4b:s26+s3], $0x800, $0x38;
	[tilespmem:$0x1E000] =	vst v63  }
0x38: {  	_ =	swait.ge [sflag:s25], $0x800  }
0x39: {  	s15 =	simm.s32 $0x800;
	[sflag:s25] =	ssyncset.done $0x0  }
0x3a: {  	s18 =	simm.s32 $0x0;
	s14 =	rddreg [dreg:$0x7];
	[sflag:s25] =	ssyncadd.s32 $0xFFFFF800  }
0x3b: {  	[tilespmem:s15], [sflag:$0x3] =	stream.linear.gather [hbm4b:s14+s3], $0x800, $0x38;
	[tilespmem:$0x1E000] =	vst v63  }
0x3c: {  	s7 =	sand.u32 $0xE, s18;
	_ =	swait.ge [sflag:s25], $0x800  }
0x3d: {  	s17 =	simm.s32 $0x1800;
	p0 =	sne.s32 s7, $0x0;
	[sflag:s25] =	ssyncset.done $0x0  }
0x3e: {  	p1 =	por @!p0 $0x1, $0x1;
	s16 =	rddreg [dreg:$0x8];
	[sflag:s25] =	ssyncadd.s32 $0xFFFFF800  }
0x3f: {  	[tilespmem:s17], [sflag:$0x3] =	stream.linear.gather [hbm4b:s16+s3], $0x800, $0x38;
	[tilespmem:$0x1E000] =	vst v63  }
0x40: {  	p0 =	por p1, p0;
	_ =	swait.ge [sflag:s25], $0x800  }
0x41: {  	s14 =	sand.u32 @!p0 $0x3800, s3;
	[sflag:s25] =	ssyncset.done $0x0  }
0x42: {  	s14 =	sadd.s32 @!p0 $0x800, s14;
	[sflag:s25] =	ssyncadd.s32 $0xFFFFF800  }
0x43: {  	s15 =	sadd.s32 @!p0 s11, s14;
	[bflag:$0x0] =	sbarrier.arrive $0xFFFF  }
0x44: {  	[tilespmem:s24], [sflag:$0x1] =	stream.indirect.gather [hbm4b:s5+s30], $0x80, s3, s30, $0xb8;
	[tilespmem:$0x1E000] =	vst v63  }
0x45: {  	s18 =	simm.s32 @!p0 $0x0;
	s15 =	sshrl.u32 @!p0 s15, $0x3  }
0x46: {  	[tilespmem:s31], [sflag:$0x2] =	stream.indirect.gather [hbm4b:s5+s30], $0x80, s30, s30, $0xb8;
	[tilespmem:$0x1E000] =	vst v63  }
0x47: {  	s14 =	sand.u32 @!p0 $0x800, s14;
	s16 =	simm.s32 @!p0 $0x3;
	s17 =	sadd.s32 @!p0 s6, s15  }
0x48: {  	[tilespmem:s14], [sflag:$0x3] =	stream.linear.gather @!p0 [hbm4b:s17+s18], $0x800, $0x38;
	[tilespmem:$0x1E000] =	vst v63  }
0x49: {  	_ =	swait.ge @!p0 [sflag:s16], $0x800  }
0x4a: {  	[sflag:s16] =	ssyncset.done @!p0 $0x0  }
0x4b: {  	s15 =	sadd.s32 @!p0 s1, s15;
	s14 =	sor.u32 @!p0 $0x1000, s14;
	[sflag:s16] =	ssyncadd.s32 @!p0 $0xFFFFF800  }
0x4c: {  	[tilespmem:s14], [sflag:$0x3] =	stream.linear.gather @!p0 [hbm4b:s15+s18], $0x800, $0x38;
	[tilespmem:$0x1E000] =	vst v63  }
0x4d: {  	s20 =	sand.u32 $0x800, s3;
	s19 =	sshll.u32 s7, $0x7;
	_ =	swait.ge @!p0 [sflag:s16], $0x800  }
0x4e: {  	s7 =	simm.s32 $0xFFFFFFF4;
	s21 =	sand.u32 $0x700, s3;
	[sflag:s16] =	ssyncset.done @!p0 $0x0  }
0x4f: {  	s26 =	simm.s32 $0x2;
	s15 =	simm.s32 $0x180;
	[sflag:s16] =	ssyncadd.s32 @!p0 $0xFFFFF800  }
0x50: {  	s18 =	sand.u32 $0xE, s26;
	s26 =	simm.s32 $0x100;
	_ =	swait.ge [sflag:s0], $0x4000  }
0x51: {  	s28 =	sshll.u32 s18, $0x7;
	s16 =	sor.u32 $0x1000, s20;
	[sflag:s0] =	ssyncset.done $0x0  }
0x52: {  	p0 =	sne.s32 s18, $0x0;
	s14 =	sor.u32 s19, s16;
	[sflag:s0] =	ssyncadd.s32 $0xFFFFC000  }
0x53: {  	[spmem:s2] =	stream.indirect.scatter.add.f32 [tilespmem:s24], [sflag:$0x3], $0x80, s14, s30, $0xb8;
	[tilespmem:$0x1E000] =	vst v63  }
0x54: {  	p1 =	por @!p0 $0x1, $0x1;
	s17 =	sor.u32 s21, s16;
	_ =	swait.ge [sflag:s25], $0x4000  }
0x55: {  	s16 =	sand.u32 $0xF00, s26;
	p0 =	por p1, p0;
	[sflag:s25] =	ssyncset.done $0x0  }
0x56: {  	s18 =	sand.u32 @!p0 $0x3800, s26;
	s14 =	simm.s32 $0x280;
	[sflag:s25] =	ssyncadd.s32 $0xFFFFC000  }
.LBB2_2:
0x57: {  	[tilespmem:s24], [sflag:$0x1] =	stream.indirect.gather [hbm4b:s5+s30], $0x80, s16, s30, $0xb8;
	[tilespmem:$0x1E000] =	vst v63  }
0x58: {  	s16 =	smov.u32 s7;
	s7 =	sadd.s32 $0x2, s7;
	_ =	swait.ge [sflag:s4], $0x4000  }
0x59: {  	p1 =	sne.s32 s7, $0x3E;
	[sflag:s4] =	ssyncset.done $0x0  }
0x5a: {  	s17 =	sor.u32 $0x80, s17;
	s15 =	sand.u32 $0xF80, s15;
	[sflag:s4] =	ssyncadd.s32 $0xFFFFC000  }
0x5b: {  	[spmem:s2] =	stream.indirect.scatter.add.f32 [tilespmem:s31], [sflag:$0x3], $0x80, s17, s30, $0xb8;
	[tilespmem:$0x1E000] =	vst v63  }
0x5c: {  	s17 =	sadd.s32 @!p0 $0x800, s18;
	s18 =	simm.s32 @!p0 $0x3;
	_ =	swait.ge [sflag:s25], $0x4000  }
0x5d: {  	s19 =	sadd.s32 @!p0 s11, s17;
	s17 =	sand.u32 @!p0 $0x800, s17;
	[sflag:s25] =	ssyncset.done $0x0  }
0x5e: {  	s19 =	sshrl.u32 @!p0 s19, $0x3;
	s20 =	sor.u32 @!p0 $0x1000, s17;
	[sflag:s25] =	ssyncadd.s32 $0xFFFFC000  }
0x5f: {  	[tilespmem:s31], [sflag:$0x2] =	stream.indirect.gather [hbm4b:s5+s30], $0x80, s15, s30, $0xb8;
	[tilespmem:$0x1E000] =	vst v63  }
0x60: {  	s21 =	simm.s32 @!p0 $0x0;
	s15 =	sadd.s32 @!p0 s6, s19;
	s19 =	sadd.s32 @!p0 s1, s19  }
0x61: {  	[tilespmem:s17], [sflag:$0x3] =	stream.linear.gather @!p0 [hbm4b:s15+s21], $0x800, $0x38;
	[tilespmem:$0x1E000] =	vst v63  }
0x62: {  	s15 =	smov.u32 s14;
	_ =	swait.ge @!p0 [sflag:s18], $0x800  }
0x63: {  	[sflag:s18] =	ssyncset.done @!p0 $0x0  }
0x64: {  	[sflag:s18] =	ssyncadd.s32 @!p0 $0xFFFFF800  }
0x65: {  	[tilespmem:s20], [sflag:$0x3] =	stream.linear.gather @!p0 [hbm4b:s19+s21], $0x800, $0x38;
	[tilespmem:$0x1E000] =	vst v63  }
0x66: {  	_ =	swait.ge @!p0 [sflag:s18], $0x800  }
0x67: {  	[sflag:s18] =	ssyncset.done @!p0 $0x0  }
0x68: {  	s14 =	sand.u32 $0x800, s26;
	s17 =	sand.u32 $0x700, s26;
	[sflag:s18] =	ssyncadd.s32 @!p0 $0xFFFFF800  }
0x69: {  	s14 =	sor.u32 $0x1000, s14;
	s18 =	sadd.s32 $0x10, s16;
	_ =	swait.ge [sflag:s0], $0x4000  }
0x6a: {  	s19 =	sor.u32 s28, s14;
	s18 =	sand.u32 $0xE, s18;
	[sflag:s0] =	ssyncset.done $0x0  }
0x6b: {  	p0 =	sne.s32 s18, $0x0;
	s28 =	sshll.u32 s18, $0x7;
	[sflag:s0] =	ssyncadd.s32 $0xFFFFC000  }
0x6c: {  	[spmem:s2] =	stream.indirect.scatter.add.f32 [tilespmem:s24], [sflag:$0x3], $0x80, s19, s30, $0xb8;
	[tilespmem:$0x1E000] =	vst v63  }
.Ltmp0:
0x6d: {  	_ = 	snop;
	(pc) =	sbr.rel @p1 .LBB2_2-.Ltmp0, $4  }
0x6e: {  	s17 =	sor.u32 s17, s14;
	p2 =	sgt.u32 @!p0 s16, $0x20;
	_ =	swait.ge [sflag:s25], $0x4000  }
0x6f: {  	p0 =	por p2, p0;
	[sflag:s25] =	ssyncset.done $0x0  }
0x70: {  	s26 =	sadd.s32 $0x100, s26;
	[sflag:s25] =	ssyncadd.s32 $0xFFFFC000  }
0x71: {  	s14 =	sadd.s32 $0x180, s26;
	s16 =	sand.u32 $0xF00, s26;
	s18 =	sand.u32 @!p0 $0x3800, s26  }
0x72: {  	[tilespmem:s24], [sflag:$0x1] =	stream.indirect.gather [hbm4b:s5+s30], $0x80, s16, s30, $0xb8;
	[tilespmem:$0x1E000] =	vst v63  }
0x73: {  	_ =	swait.ge [sflag:s4], $0x4000  }
0x74: {  	[sflag:s4] =	ssyncset.done $0x0  }
0x75: {  	s7 =	sor.u32 $0x80, s17;
	[sflag:s4] =	ssyncadd.s32 $0xFFFFC000  }
0x76: {  	[spmem:s2] =	stream.indirect.scatter.add.f32 [tilespmem:s31], [sflag:$0x3], $0x80, s7, s30, $0xb8;
	[tilespmem:$0x1E000] =	vst v63  }
0x77: {  	s7 =	sadd.s32 @!p0 $0x800, s18;
	_ =	swait.ge [sflag:s25], $0x4000  }
0x78: {  	s16 =	sadd.s32 @!p0 s11, s7;
	[sflag:s25] =	ssyncset.done $0x0  }
0x79: {  	s15 =	sand.u32 $0xF80, s15;
	s16 =	sshrl.u32 @!p0 s16, $0x3;
	[sflag:s25] =	ssyncadd.s32 $0xFFFFC000  }
0x7a: {  	[tilespmem:s31], [sflag:$0x2] =	stream.indirect.gather [hbm4b:s5+s30], $0x80, s15, s30, $0xb8;
	[tilespmem:$0x1E000] =	vst v63  }
0x7b: {  	s17 =	simm.s32 @!p0 $0x0;
	s7 =	sand.u32 @!p0 $0x800, s7;
	s15 =	sadd.s32 @!p0 s6, s16  }
0x7c: {  	[tilespmem:s7], [sflag:$0x3] =	stream.linear.gather @!p0 [hbm4b:s15+s17], $0x800, $0x38;
	[tilespmem:$0x1E000] =	vst v63  }
0x7d: {  	s15 =	simm.s32 @!p0 $0x3  }
0x7e: {  	_ =	swait.ge @!p0 [sflag:s15], $0x800  }
0x7f: {  	[sflag:s15] =	ssyncset.done @!p0 $0x0  }
0x80: {  	s16 =	sadd.s32 @!p0 s1, s16;
	s7 =	sor.u32 @!p0 $0x1000, s7;
	[sflag:s15] =	ssyncadd.s32 @!p0 $0xFFFFF800  }
0x81: {  	[tilespmem:s7], [sflag:$0x3] =	stream.linear.gather @!p0 [hbm4b:s16+s17], $0x800, $0x38;
	[tilespmem:$0x1E000] =	vst v63  }
0x82: {  	_ =	swait.ge @!p0 [sflag:s15], $0x800  }
0x83: {  	[sflag:s15] =	ssyncset.done @!p0 $0x0  }
0x84: {  	[sflag:s15] =	ssyncadd.s32 @!p0 $0xFFFFF800  }
0x85: {  	s20 =	sand.u32 $0x800, s26;
	_ =	swait.ge [sflag:s0], $0x4000  }
0x86: {  	s7 =	sor.u32 $0x1000, s20;
	[sflag:s0] =	ssyncset.done $0x0  }
0x87: {  	s21 =	sor.u32 s28, s7;
	[sflag:s0] =	ssyncadd.s32 $0xFFFFC000  }
0x88: {  	[spmem:s2] =	stream.indirect.scatter.add.f32 [tilespmem:s24], [sflag:$0x3], $0x80, s21, s30, $0xb8;
	[tilespmem:$0x1E000] =	vst v63  }
0x89: {  	_ =	swait.ge [sflag:s25], $0x4000  }
0x8a: {  	s28 =	sadd.s32 $0x100, s26;
	[sflag:s25] =	ssyncset.done $0x0  }
0x8b: {  	s15 =	sand.u32 $0xF00, s28;
	[sflag:s25] =	ssyncadd.s32 $0xFFFFC000  }
0x8c: {  	[tilespmem:s24], [sflag:$0x1] =	stream.indirect.gather [hbm4b:s5+s30], $0x80, s15, s30, $0xb8;
	[tilespmem:$0x1E000] =	vst v63  }
0x8d: {  	s16 =	sand.u32 $0x700, s26;
	_ =	swait.ge [sflag:s4], $0x4000  }
0x8e: {  	s7 =	sor.u32 s16, s7;
	[sflag:s4] =	ssyncset.done $0x0  }
0x8f: {  	s7 =	sor.u32 $0x80, s7;
	[sflag:s4] =	ssyncadd.s32 $0xFFFFC000  }
0x90: {  	[spmem:s2] =	stream.indirect.scatter.add.f32 [tilespmem:s31], [sflag:$0x3], $0x80, s7, s30, $0xb8;
	[tilespmem:$0x1E000] =	vst v63  }
0x91: {  	_ =	swait.ge [sflag:s25], $0x4000  }
0x92: {  	[sflag:s25] =	ssyncset.done $0x0  }
0x93: {  	s17 =	sand.u32 $0xF80, s14;
	[sflag:s25] =	ssyncadd.s32 $0xFFFFC000  }
0x94: {  	[tilespmem:s31], [sflag:$0x2] =	stream.indirect.gather [hbm4b:s5+s30], $0x80, s17, s30, $0xb8;
	[tilespmem:$0x1E000] =	vst v63  }
0x95: {  	_ =	swait.ge [sflag:s0], $0x4000  }
0x96: {  	[sflag:s0] =	ssyncset.done $0x0  }
0x97: {  	s18 =	simm.s32 $0x1700;
	[sflag:s0] =	ssyncadd.s32 $0xFFFFC000  }
0x98: {  	[spmem:s2] =	stream.indirect.scatter.add.f32 [tilespmem:s24], [sflag:$0x3], $0x80, s18, s30, $0xb8;
	[tilespmem:$0x1E000] =	vst v63  }
0x99: {  	_ =	swait.ge [sflag:s25], $0x4000  }
0x9a: {  	[sflag:s25] =	ssyncset.done $0x0  }
0x9b: {  	[sflag:s25] =	ssyncadd.s32 $0xFFFFC000  }
0x9c: {  	_ =	swait.ge [sflag:s4], $0x4000  }
0x9d: {  	[sflag:s4] =	ssyncset.done $0x0  }
0x9e: {  	s19 =	simm.s32 $0x1780;
	[sflag:s4] =	ssyncadd.s32 $0xFFFFC000  }
0x9f: {  	[spmem:s2] =	stream.indirect.scatter.add.f32 [tilespmem:s31], [sflag:$0x3], $0x80, s19, s30, $0xb8;
	[tilespmem:$0x1E000] =	vst v63  }
0xa0: {  	_ =	swait.ge [sflag:s25], $0x4000  }
0xa1: {  	[sflag:s25] =	ssyncset.done $0x0  }
0xa2: {  	[sflag:s25] =	ssyncadd.s32 $0xFFFFC000  }
0xa3: {  	[bflag:$0x0] =	sbarrier.arrive $0xFFFF  }
0xa4: {  	[tilespmem:s24], [sflag:$0x3] =	stream.linear.gather [spmem:s8], $0x4000, $0x38;
	[tilespmem:$0x1E000] =	vst v63  }
0xa5: {  	_ =	swait.ge [sflag:s25], $0x4000  }
0xa6: {  	[sflag:s25] =	ssyncset.done $0x0  }
0xa7: {  	s20 =	rddreg [dreg:$0x9];
	[sflag:s25] =	ssyncadd.s32 $0xFFFFC000  }
0xa8: {  	[hbm4b:s20+s3] =	stream.linear.scatter [tilespmem:s24], [sflag:$0x3], $0x4000, $0x38;
	[tilespmem:$0x1E000] =	vst v63  }
0xa9: {  	_ =	swait.ge [sflag:s25], $0x4000  }
0xaa: {  	[sflag:s25] =	ssyncset.done $0x0  }
0xab: {  	[sflag:s25] =	ssyncadd.s32 $0xFFFFC000  }
0xac: {  	[tilespmem:s24], [sflag:$0x3] =	stream.linear.gather [spmem:s9], $0x4000, $0x38;
	[tilespmem:$0x1E000] =	vst v63  }
0xad: {  	_ =	swait.ge [sflag:s25], $0x4000  }
0xae: {  	[sflag:s25] =	ssyncset.done $0x0  }
0xaf: {  	s21 =	rddreg [dreg:$0xa];
	[sflag:s25] =	ssyncadd.s32 $0xFFFFC000  }
0xb0: {  	[hbm4b:s21+s3] =	stream.linear.scatter [tilespmem:s24], [sflag:$0x3], $0x4000, $0x38;
	[tilespmem:$0x1E000] =	vst v63  }
0xb1: {  	_ =	swait.ge [sflag:s25], $0x4000  }
0xb2: {  	[sflag:s25] =	ssyncset.done $0x0  }
0xb3: {  	[sflag:s25] =	ssyncadd.s32 $0xFFFFC000  }
0xb4: {  	[tilespmem:s24], [sflag:$0x3] =	stream.linear.gather [spmem:s10], $0x4000, $0x38;
	[tilespmem:$0x1E000] =	vst v63  }
0xb5: {  	_ =	swait.ge [sflag:s25], $0x4000  }
0xb6: {  	[sflag:s25] =	ssyncset.done $0x0  }
0xb7: {  	s26 =	rddreg [dreg:$0xb];
	[sflag:s25] =	ssyncadd.s32 $0xFFFFC000  }
0xb8: {  	[hbm4b:s26+s3] =	stream.linear.scatter [tilespmem:s24], [sflag:$0x3], $0x4000, $0x38;
	[tilespmem:$0x1E000] =	vst v63  }
0xb9: {  	_ =	swait.ge [sflag:s25], $0x4000  }
0xba: {  	[sflag:s25] =	ssyncset.done $0x0  }
0xbb: {  	[sflag:s25] =	ssyncadd.s32 $0xFFFFC000  }
0xbc: {  	[tilespmem:s24], [sflag:$0x3] =	stream.linear.gather [spmem:s12], $0x4000, $0x38;
	[tilespmem:$0x1E000] =	vst v63  }
0xbd: {  	_ =	swait.ge [sflag:s25], $0x4000  }
0xbe: {  	[sflag:s25] =	ssyncset.done $0x0  }
0xbf: {  	s28 =	rddreg [dreg:$0xc];
	[sflag:s25] =	ssyncadd.s32 $0xFFFFC000  }
0xc0: {  	[hbm4b:s28+s3] =	stream.linear.scatter [tilespmem:s24], [sflag:$0x3], $0x4000, $0x38;
	[tilespmem:$0x1E000] =	vst v63  }
0xc1: {  	_ =	swait.ge [sflag:s25], $0x4000  }
0xc2: {  	[sflag:s25] =	ssyncset.done $0x0  }
0xc3: {  	[sflag:s25] =	ssyncadd.s32 $0xFFFFC000  }
0xc4: {  	[tilespmem:s24], [sflag:$0x3] =	stream.linear.gather [spmem:s13], $0x4000, $0x38;
	[tilespmem:$0x1E000] =	vst v63  }
0xc5: {  	s29 =	sadd.s32 $0x1, s29;
	_ =	swait.ge [sflag:s25], $0x4000  }
0xc6: {  	p0 =	sne.s32 s29, s23;
	[sflag:s25] =	ssyncset.done $0x0  }
.Ltmp1:
0xc7: {  	[sflag:s25] =	ssyncadd.s32 $0xFFFFC000;
	(pc) =	sbr.rel @p0 .LBB2_1-.Ltmp1, $4  }
0xc8: {  	[hbm4b:s22+s3] =	stream.linear.scatter [tilespmem:s24], [sflag:$0x3], $0x4000, $0x38;
	[tilespmem:$0x1E000] =	vst v63  }
0xc9: {  	_ =	swait.ge [sflag:s25], $0x4000  }
0xca: {  	[sflag:s25] =	ssyncset.done $0x0  }
0xcb: {  	[sflag:s25] =	ssyncadd.s32 $0xFFFFC000  }
0xcc: {  	_ =	sfence.sel $0x180000  }
0xcd: {  	[bflag:$0x0] =	sbarrier.arrive $0xFFFF  }
0xce: {  	_ =	strace $0x9000004A  }
0xcf: {  	s0 =	stileid.u32;
	[bflag:$0x2] =	sbarrier.arrive $0xFFFF  }
0xd0: {  	p0 =	sne.s32 s0, $0x0;
	s0 =	rddreg [dreg:$0x3]  }
0xd1: {  	s0 =	sadd.s32 @!p0 $0x100000, s0  }
0xd2: {  	[sflag:s0] =	ssyncadd.tile.s32 @!p0 $0x1;
	_ =	shalt  }
.Lfunc_end2:
_tile_overlayer_lowered:
.L_overlay_start_2:
0xd3: {  	(tag) =	ssettag $0x2  }
0xd4: {  	s0 =	rddreg [dreg:$0x0];
	s2 =	stileid.u32  }
0xd5: {  	s1 =	rddreg [dreg:$0x1];
	p0 =	sne.s32 s2, $0x0  }
0xd6: {  	s3 =	rddreg [dreg:$0x2];
	[bflag:$0x3] =	sbarrier.arrive $0xFFFF;
	s2 =	simm.s32 @!p0 $0x1C03  }
0xd7: {  	[timem:s3], [sflag:s2] =	dma.local @!p0 [hbm:s0], s1  }
0xd8: {  	s0 =	simm.s32 @!p0 $0x3  }
0xd9: {  	_ =	swait.ge @!p0 [sflag:s0], s1  }
0xda: {  	s1 =	ssub.s32 @!p0 $0x0, s1;
	[sflag:s0] =	ssyncset.done @!p0 $0x0  }
0xdb: {  	[sflag:s0] =	ssyncadd.s32 @!p0 s1  }
0xdc: {  	[bflag:$0x3] =	sbarrier.arrive $0xFFFF  }
0xdd: {  	_ =	shalt  }

// kernel: kernel.14.cloned.1.call-start
scs
__scs_entry_jumppad:
0x0: {  	(pc) =	sbr.rel $0x88, $3  }
0x1: {  	(tag) =	ssettag $0x0;
	lr =	simm.s32 $0x1  }
0x2: {  	[smem:$0x3F9B] =	sst lr;
	_ =	strace $0xD0000000  }
0x3: {  	_ = 	snop  }
0x4: {  	_ = 	snop  }
0x5: {  	_ = 	snop  }
0x6: {  	_ = 	snop  }
0x7: {  	_ = 	snop  }
__scs_overlays_trampoline_lowered:
0x8: {  	[smem:$0x3FAA] =	sst s0  }
0x9: {  	[smem:$0x3FAB] =	sst s1  }
0xa: {  	[smem:$0x3FAC] =	sst s2  }
0xb: {  	[smem:$0x3FAD] =	sst s3  }
0xc: {  	[smem:$0x3FAE] =	sst s4  }
0xd: {  	[smem:$0x3FAF] =	sst s5  }
0xe: {  	[smem:$0x3FB0] =	sst s6  }
0xf: {  	[smem:$0x3FB1] =	sst s7  }
0x10: {  	[smem:$0x3FB2] =	sst s8  }
0x11: {  	[smem:$0x3FB3] =	sst s9;
	s0 =	simm.s32 @!p0 $0x0  }
0x12: {  	s1 =	sld [smem:$0x3F99];
	s0 =	simm.s32 @p0 $0x1  }
0x13: {  	[smem:$0x3FB4] =	sst s0;
	s0 =	simm.s32 @!p1 $0x0  }
0x14: {  	s2 =	sld [smem:$0x3F98];
	s0 =	simm.s32 @p1 $0x1  }
0x15: {  	[smem:$0x3FB5] =	sst s0;
	s0 =	simm.s32 @!p2 $0x0  }
0x16: {  	s3 =	sld [smem:$0x3FDB];
	s0 =	simm.s32 @p2 $0x1  }
0x17: {  	s4 =	simm.s32 $0x1BF5;
	[smem:$0x3FB7] =	sst s0  }
0x18: {  	s0 =	sld [smem:$0x3F9A];
	_ =	swait.ge [sflag:s4], $0x0  }
0x19: {  	s7 =	sld [smem:$0x3F9B]  }
0x1a: {  	s8 =	sadd.s32 $0xFFFFE003, lr  }
0x1b: {  	s9 =	sadd.s32 $0xFFFFFEF7, lr;
	s5 =	simm.s32 $0xFFFFFFFF;
	p2 =	slt.u32 s8, $0xFFFFF086  }
0x1c: {  	p1 =	slt.u32 s9, $0xF7A;
	s5 =	simm.s32 @!p2 $0x0  }
0x1d: {  	s5 =	simm.s32 @p1 $0x1;
	p0 =	seq.s32 s7, s2  }
0x1e: {  	s7 =	smul.u32 @!p0 $0xF7A, s2;
	p2 =	seq.s32 @!p0 s5, $0x0  }
0x1f: {  	s9 =	smul.u32 $0xF7A, s1;
	s8 =	simm.s32 @!p0 $0x1BF5;
	p2 =	por !p2, p0  }
0x20: {  	[sflag:s8] =	ssyncset.s32 @!p0 $0xFFFFF086;
	s6 =	sadd.s32 @!p0 s3, s7;
	s7 =	simm.s32 @!p0 $0x108  }
0x21: {  	s3 =	sadd.s32 s3, s9;
	s6 =	sadd.s32 @!p0 $0x88, s6;
	s7 =	simm.s32 @p2 $0x1082  }
0x22: {  	[simem:s7], [sflag:s8] =	dma.local @!p0 [hbm:s6], $0xF7A  }
0x23: {  	s9 =	sor.u32 $0xD0000000, s2;
	s6 =	simm.s32 $0x108;
	_ =	swait.ge @!p0 [sflag:s8], $0x0  }
0x24: {  	s3 =	sadd.s32 $0x88, s3;
	s6 =	simm.s32 @!p1 $0x1082;
	[sflag:s4] =	ssyncset.s32 $0xFFFFF086  }
0x25: {  	[simem:s6], [sflag:s4] =	dma.local [hbm:s3], $0xF7A  }
0x26: {  	[smem:$0x3F9B] =	sst s1;
	(tag) =	ssettag s2;
	_ =	strace s9  }
0x27: {  	s1 =	sld [smem:$0x3FAB]  }
0x28: {  	s2 =	sld [smem:$0x3FAC]  }
0x29: {  	s4 =	sld [smem:$0x3FAE]  }
0x2a: {  	p0 =	seq.s32 s5, $0x0;
	s5 =	sld [smem:$0x3FAF]  }
0x2b: {  	s6 =	sld [smem:$0x3FB0]  }
0x2c: {  	s7 =	sld [smem:$0x3FB1]  }
0x2d: {  	s3 =	simm.s32 $0x108;
	s8 =	sld [smem:$0x3FB2]  }
0x2e: {  	s3 =	simm.s32 @!p0 $0x1082;
	s9 =	sld [smem:$0x3FB3]  }
0x2f: {  	lr =	sadd.s32 s0, s3;
	s0 =	sld [smem:$0x3FAA]  }
0x30: {  	s3 =	sld [smem:$0x3FAD]  }
0x31: {  	[smem:$0x3FB6] =	sst s10  }
0x32: {  	s10 =	sld [smem:$0x3FB4];
	_ =	sdelay $0x3  }
0x33: {  	p0 =	seq.s32 s10, $0x1;
	s10 =	sld [smem:$0x3FB6];
	_ =	sdelay $0x3  }
0x34: {  	[smem:$0x3FB6] =	sst s10  }
0x35: {  	s10 =	sld [smem:$0x3FB5];
	_ =	sdelay $0x3  }
0x36: {  	p1 =	seq.s32 s10, $0x1;
	s10 =	sld [smem:$0x3FB6];
	_ =	sdelay $0x3  }
0x37: {  	[smem:$0x3FB6] =	sst s10  }
0x38: {  	s10 =	sld [smem:$0x3FB7]  }
0x39: {  	_ = 	snop;
	(pc) =	sbr.ind lr, $3  }
0x3a: {  	_ = 	snop  }
0x3b: {  	_ = 	snop  }
0x3c: {  	p2 =	seq.s32 s10, $0x1;
	s10 =	sld [smem:$0x3FB6]  }
0x3d: {  	_ =	shalt  }
0x3e: {  	_ =	shalt  }
0x3f: {  	_ =	shalt  }
0x40: {  	_ =	shalt  }
0x41: {  	_ =	shalt  }
0x42: {  	_ =	shalt  }
0x43: {  	_ =	shalt  }
0x44: {  	_ =	shalt  }
0x45: {  	_ =	shalt  }
0x46: {  	_ =	shalt  }
0x47: {  	_ =	shalt  }
0x48: {  	_ =	shalt  }
0x49: {  	_ =	shalt  }
0x4a: {  	_ =	shalt  }
0x4b: {  	_ =	shalt  }
0x4c: {  	_ =	shalt  }
0x4d: {  	_ =	shalt  }
0x4e: {  	_ =	shalt  }
0x4f: {  	_ =	shalt  }
0x50: {  	_ =	shalt  }
0x51: {  	_ =	shalt  }
0x52: {  	_ =	shalt  }
0x53: {  	_ =	shalt  }
0x54: {  	_ =	shalt  }
0x55: {  	_ =	shalt  }
0x56: {  	_ =	shalt  }
0x57: {  	_ =	shalt  }
0x58: {  	_ =	shalt  }
0x59: {  	_ =	shalt  }
0x5a: {  	_ =	shalt  }
0x5b: {  	_ =	shalt  }
0x5c: {  	_ =	shalt  }
0x5d: {  	_ =	shalt  }
0x5e: {  	_ =	shalt  }
0x5f: {  	_ =	shalt  }
0x60: {  	_ =	shalt  }
0x61: {  	_ =	shalt  }
0x62: {  	_ =	shalt  }
0x63: {  	_ =	shalt  }
0x64: {  	_ =	shalt  }
0x65: {  	_ =	shalt  }
0x66: {  	_ =	shalt  }
0x67: {  	_ =	shalt  }
0x68: {  	_ =	shalt  }
0x69: {  	_ =	shalt  }
0x6a: {  	_ =	shalt  }
0x6b: {  	_ =	shalt  }
0x6c: {  	_ =	shalt  }
0x6d: {  	_ =	shalt  }
0x6e: {  	_ =	shalt  }
0x6f: {  	_ =	shalt  }
0x70: {  	_ =	shalt  }
0x71: {  	_ =	shalt  }
0x72: {  	_ =	shalt  }
0x73: {  	_ =	shalt  }
0x74: {  	_ =	shalt  }
0x75: {  	_ =	shalt  }
0x76: {  	_ =	shalt  }
0x77: {  	_ =	shalt  }
0x78: {  	_ =	shalt  }
0x79: {  	_ =	shalt  }
0x7a: {  	_ =	shalt  }
0x7b: {  	_ =	shalt  }
0x7c: {  	_ =	shalt  }
0x7d: {  	_ =	shalt  }
0x7e: {  	_ =	shalt  }
0x7f: {  	_ =	shalt  }
0x80: {  	_ =	shalt  }
0x81: {  	_ =	shalt  }
0x82: {  	_ =	shalt  }
0x83: {  	_ =	shalt  }
0x84: {  	_ =	shalt  }
0x85: {  	_ =	shalt  }
0x86: {  	_ =	shalt  }
0x87: {  	_ =	shalt  }
.Lfunc_end0:
.L_simem_size_0:
called_computation.2_lowered:
.L_overlay_start_0:
0x88: {  	s2 =	sld [smem:$0x3FD9]  }
0x89: {  	s3 =	sld [smem:$0x3FFE];
	_ =	sdelay $0x1  }
0x8a: {  	s1 =	srdreg.scid  }
0x8b: {  	s0 =	sand.u32 $0x1, s1  }
0x8c: {  	s17 =	sshll.u32 s0, $0xA;
	s2 =	sadd.s32 s3, s2  }
0x8d: {  	s2 =	sadd.s32 s2, s17  }
0x8e: {  	[smem:$0x3FC2] =	sst s2  }
0x8f: {  	_ = 	snop  }
0x90: {  	s2 =	sld [smem:$0x3FD0];
	(tm) =	ssettm $0x1  }
0x91: {  	s18 =	sld [smem:$0x3FFB];
	_ =	sdelay $0x3  }
0x92: {  	_ =	strace s18  }
0x93: {  	s3 =	sld [smem:$0x3FFC];
	_ =	sdelay $0x3  }
0x94: {  	_ =	strace s3  }
0x95: {  	s3 =	sld [smem:$0x3FFD];
	_ =	sdelay $0x3  }
0x96: {  	_ =	strace s3  }
0x97: {  	_ =	strace $0x8FFFFFFF  }
0x98: {  	s19 =	sld [smem:$0x3FDB];
	_ =	sdelay $0x1  }
0x99: {  	s4 =	simm.s32 $_scs_section_size  }
0x9a: {  	s5 =	simm.s32 $_size__tile_overlayer_lowered;
	s6 =	simm.s32 $_tile_overlayer_lowered  }
0x9b: {  	s22 =	simm.s32 $0x1BFF;
	s21 =	sshll.u32 s6, $0x1;
	s3 =	sadd.s32 s4, s19  }
0x9c: {  	s7 =	simm.s32 $0x0;
	s20 =	sshll.u32 s5, $0x1;
	s5 =	sadd.s32 s21, s3  }
0x9d: {  	[timem:s7], [sflag:s22] =	dma.local [hbm:s5], s20  }
0x9e: {  	_ =	swait.ge [sflag:s22], s20  }
0x9f: {  	s4 =	ssub.s32 $0x0, s20;
	[sflag:s22] =	ssyncset.done $0x0  }
0xa0: {  	[sflag:s22] =	ssyncadd.s32 s4;
	_ =	sdelay $0x1  }
0xa1: {  	s23 =	simm.s32 $0x1B8B  }
0xa2: {  	_ =	swait.ge [sflag:s23], $0x1  }
0xa3: {  	[sflag:s23] =	ssyncset.done $0x0  }
0xa4: {  	s25 =	simm.s32 $0x1B8E;
	s24 =	sld [smem:$0x3FFE];
	[sflag:s23] =	ssyncadd.s32 $0xFFFFFFFF  }
0xa5: {  	s26 =	simm.s32 $execute0_lowered;
	[smem:$0x3FD2] =	sst s25  }
0xa6: {  	s5 =	sshll.u32 s26, $0x1;
	_ =	strace $0x8000004C;
	[dreg:$0x1] =	wrdreg $0xFFFFFFFF  }
0xa7: {  	s28 =	simm.s32 $_size_execute0_lowered;
	s3 =	sadd.s32 s3, s5;
	[dreg:$0x0] =	wrdreg $0x0  }
0xa8: {  	s5 =	sshll.u32 s28, $0x1;
	[dreg:$0x2] =	wrdreg s3  }
0xa9: {  	[dreg:$0x3] =	wrdreg s5  }
0xaa: {  	[dreg:$0x4] =	wrdreg $0xC0  }
0xab: {  	_ =	task [dreg:s7], $0x5FFFF  }
0xac: {  	[dreg:$0x1] =	wrdreg $0xFFFFFFFF  }
0xad: {  	[dreg:$0x0] =	wrdreg $0x60  }
0xae: {  	[dreg:$0x2] =	wrdreg s24  }
0xaf: {  	[dreg:$0x3] =	wrdreg s2  }
0xb0: {  	[dreg:$0x4] =	wrdreg $0xA0000  }
0xb1: {  	[dreg:$0x5] =	wrdreg $0x9  }
0xb2: {  	_ =	task.clear_ibuf [dreg:s7], $0x6FFFF;
	_ =	strace $0x9000004C  }
0xb3: {  	s29 =	simm.s32 $0x9;
	_ =	strace $0x8000004E  }
0xb4: {  	_ =	swait.ge [sflag:s29], $0x1  }
0xb5: {  	[sflag:s29] =	ssyncadd.s32 $0xFFFFFFFF  }
0xb6: {  	_ =	strace $0x9000004E  }
0xb7: {  	_ =	sfence  }
0xb8: {  	s30 =	sld [smem:$0x0];
	_ =	sdelay $0x2  }
0xb9: {  	s31 =	sshll.u32 s1, $0xD;
	s1 =	sshrl.u32 s1, $0x2  }
0xba: {  	s3 =	sand.u32 $0x4000, s31;
	s1 =	sadd.s32 s1, s30  }
0xbb: {  	s0 =	sor.u32 s3, s0;
	s1 =	sshll.u32 s1, $0x11  }
0xbc: {  	s0 =	sor.u32 s1, s0  }
0xbd: {  	s0 =	sadd.s32 $0x8F2B, s0  }
0xbe: {  	[sflag:s0] =	ssyncadd.remote.s32 $0x1  }
0xbf: {  	_ =	sfence.sel $0xFFFF  }
0xc0: {  	[dreg:$0x0] =	wrdreg $0xFFFFFFFF;
	(pc) =	sbr.abs _section_cstart, $3  }
0xc1: {  	[dreg:$0x1] =	wrdreg $0xFFFFFFFF  }
0xc2: {  	_ =	task.clear_ibuf [dreg:s7], $0x2FFFF;
	_ =	strace $0x9FFFFFFF  }
0xc3: {  	(tm) =	ssettm $0x7FFFFFFF  }
tec
execute0_lowered:
.L_overlay_start_1:
0x0: {  	(tag) =	ssettag $0x1  }
0x1: {  	s0 =	rddreg [dreg:$0x0]  }
0x2: {  	s1 =	rddreg [dreg:$0x1]  }
0x3: {  	s2 =	rddreg [dreg:$0x2];
	s3 =	simm.s32 $0x0;
	s4 =	srdreg.scid  }
0x4: {  	s10 =	stileid.u32;
	s30 =	simm.s32 $0x80;
	s31 =	simm.s32 $0x6000  }
0x5: {  	s29 =	simm.s32 $0x0;
	[smem:$0x7FF] =	sst s3;
	s5 =	sadd.s32 $0xCE00, s0  }
0x6: {  	s4 =	sand.u32 $0x1, s4;
	s6 =	sadd.s32 $0x2600, s0;
	s8 =	smul.u32 $0x50000, s10  }
0x7: {  	s9 =	sadd.s32 $0xC600, s0;
	s14 =	smul.u32 $0x14000, s10;
	s0 =	sadd.s32 $0x34E00, s0  }
0x8: {  	_ =	strace $0x8000004D;
	s7 =	ssub.s32 $0x2, s4;
	[dreg:$0x4] =	wrdreg s9  }
0x9: {  	s22 =	sshll.u32 s4, $0x4;
	s4 =	smul.u32 $0x140000, s4;
	s21 =	sshrl.u32 s7, $0x1  }
0xa: {  	s13 =	sor.u32 s10, s22;
	s8 =	sshrl.u32 s8, $0x2;
	s15 =	sadd.s32 $0x4000, s14  }
0xb: {  	s16 =	sadd.s32 $0x8000, s14;
	s17 =	sadd.s32 $0xC000, s14;
	s18 =	sadd.s32 $0x10000, s14  }
0xc: {  	s7 =	ssub.s32 s7, s21;
	s8 =	sadd.s32 s8, s2;
	s9 =	sadd.s32 s15, s2  }
0xd: {  	s10 =	sadd.s32 s16, s2;
	s11 =	smul.u32 $0x2800, s13;
	s12 =	sadd.s32 s17, s2  }
0xe: {  	s19 =	smul.u32 $0x500, s13;
	s13 =	sadd.s32 s18, s2;
	s14 =	sadd.s32 s14, s4  }
0xf: {  	s15 =	sadd.s32 s4, s15;
	s25 =	sadd.s32 s4, s16;
	s26 =	sadd.s32 s4, s17  }
0x10: {  	s4 =	sadd.s32 s4, s18;
	s14 =	sshrl.u32 s14, $0x3;
	s15 =	sshrl.u32 s15, $0x3  }
0x11: {  	s28 =	sshrl.u32 s26, $0x3;
	s4 =	sshrl.u32 s4, $0x3;
	s21 =	sadd.s32 s6, s19  }
0x12: {  	s20 =	sshrl.u32 s11, $0x3;
	s19 =	sadd.s32 s1, s19;
	[dreg:$0x5] =	wrdreg s21  }
0x13: {  	s14 =	sadd.s32 s0, s14;
	s24 =	sadd.s32 s0, s15;
	[dreg:$0x6] =	wrdreg s19  }
0x14: {  	s22 =	sadd.s32 s0, s4;
	s23 =	sadd.s32 $0x100, s20;
	[dreg:$0x9] =	wrdreg s14  }
0x15: {  	s4 =	simm.s32 $0x2;
	[dreg:$0xa] =	wrdreg s24;
	s20 =	sadd.s32 s6, s23  }
0x16: {  	s14 =	sshrl.u32 s25, $0x3;
	s19 =	sadd.s32 s1, s23;
	[dreg:$0x7] =	wrdreg s20  }
0x17: {  	s24 =	simm.s32 $0x2000;
	s14 =	sadd.s32 s0, s14;
	[dreg:$0x8] =	wrdreg s19  }
0x18: {  	s25 =	simm.s32 $0x3;
	[dreg:$0xb] =	wrdreg s14;
	s14 =	sadd.s32 s0, s28  }
0x19: {  	s23 =	smax.u32 s7, $0x1;
	s0 =	simm.s32 $0x1;
	[dreg:$0xc] =	wrdreg s14  }
.LBB2_1:
0x1a: {  	s7 =	rddreg [dreg:$0x4]  }
0x1b: {  	[tilespmem:s24], [sflag:$0x3] =	stream.linear.gather [hbm4b:s7+s3], $0x4000, $0x38;
	[tilespmem:$0x1E000] =	vst v63  }
0x1c: {  	_ =	swait.ge [sflag:s25], $0x4000  }
0x1d: {  	[sflag:s25] =	ssyncset.done $0x0  }
0x1e: {  	[sflag:s25] =	ssyncadd.s32 $0xFFFFC000  }
0x1f: {  	[spmem:s8] =	stream.linear.scatter [tilespmem:s24], [sflag:$0x3], $0x4000, $0x38;
	[tilespmem:$0x1E000] =	vst v63  }
0x20: {  	_ =	swait.ge [sflag:s25], $0x4000  }
0x21: {  	[sflag:s25] =	ssyncset.done $0x0  }
0x22: {  	[sflag:s25] =	ssyncadd.s32 $0xFFFFC000  }
0x23: {  	[spmem:s9] =	stream.linear.scatter [tilespmem:s24], [sflag:$0x3], $0x4000, $0x38;
	[tilespmem:$0x1E000] =	vst v63  }
0x24: {  	_ =	swait.ge [sflag:s25], $0x4000  }
0x25: {  	[sflag:s25] =	ssyncset.done $0x0  }
0x26: {  	[sflag:s25] =	ssyncadd.s32 $0xFFFFC000  }
0x27: {  	[spmem:s10] =	stream.linear.scatter [tilespmem:s24], [sflag:$0x3], $0x4000, $0x38;
	[tilespmem:$0x1E000] =	vst v63  }
0x28: {  	_ =	swait.ge [sflag:s25], $0x4000  }
0x29: {  	[sflag:s25] =	ssyncset.done $0x0  }
0x2a: {  	[sflag:s25] =	ssyncadd.s32 $0xFFFFC000  }
0x2b: {  	[spmem:s12] =	stream.linear.scatter [tilespmem:s24], [sflag:$0x3], $0x4000, $0x38;
	[tilespmem:$0x1E000] =	vst v63  }
0x2c: {  	_ =	swait.ge [sflag:s25], $0x4000  }
0x2d: {  	[sflag:s25] =	ssyncset.done $0x0  }
0x2e: {  	[sflag:s25] =	ssyncadd.s32 $0xFFFFC000  }
0x2f: {  	[spmem:s13] =	stream.linear.scatter [tilespmem:s24], [sflag:$0x3], $0x4000, $0x38;
	[tilespmem:$0x1E000] =	vst v63  }
0x30: {  	_ =	swait.ge [sflag:s25], $0x4000  }
0x31: {  	[sflag:s25] =	ssyncset.done $0x0  }
0x32: {  	s21 =	rddreg [dreg:$0x5];
	[sflag:s25] =	ssyncadd.s32 $0xFFFFC000  }
0x33: {  	[tilespmem:s3], [sflag:$0x3] =	stream.linear.gather [hbm4b:s21+s3], $0x800, $0x38;
	[tilespmem:$0x1E000] =	vst v63  }
0x34: {  	_ =	swait.ge [sflag:s25], $0x800  }
0x35: {  	[sflag:s25] =	ssyncset.done $0x0  }
0x36: {  	s14 =	simm.s32 $0x1000;
	s26 =	rddreg [dreg:$0x6];
	[sflag:s25] =	ssyncadd.s32 $0xFFFFF800  }
0x37: {  	[tilespmem:s14], [sflag:$0x3] =	stream.linear.gather [hbm4b:s26+s3], $0x800, $0x38;
	[tilespmem:$0x1E000] =	vst v63  }
0x38: {  	_ =	swait.ge [sflag:s25], $0x800  }
0x39: {  	s15 =	simm.s32 $0x800;
	[sflag:s25] =	ssyncset.done $0x0  }
0x3a: {  	s18 =	simm.s32 $0x0;
	s14 =	rddreg [dreg:$0x7];
	[sflag:s25] =	ssyncadd.s32 $0xFFFFF800  }
0x3b: {  	[tilespmem:s15], [sflag:$0x3] =	stream.linear.gather [hbm4b:s14+s3], $0x800, $0x38;
	[tilespmem:$0x1E000] =	vst v63  }
0x3c: {  	s7 =	sand.u32 $0xE, s18;
	_ =	swait.ge [sflag:s25], $0x800  }
0x3d: {  	s17 =	simm.s32 $0x1800;
	p0 =	sne.s32 s7, $0x0;
	[sflag:s25] =	ssyncset.done $0x0  }
0x3e: {  	p1 =	por @!p0 $0x1, $0x1;
	s16 =	rddreg [dreg:$0x8];
	[sflag:s25] =	ssyncadd.s32 $0xFFFFF800  }
0x3f: {  	[tilespmem:s17], [sflag:$0x3] =	stream.linear.gather [hbm4b:s16+s3], $0x800, $0x38;
	[tilespmem:$0x1E000] =	vst v63  }
0x40: {  	p0 =	por p1, p0;
	_ =	swait.ge [sflag:s25], $0x800  }
0x41: {  	s14 =	sand.u32 @!p0 $0x3800, s3;
	[sflag:s25] =	ssyncset.done $0x0  }
0x42: {  	s14 =	sadd.s32 @!p0 $0x800, s14;
	[sflag:s25] =	ssyncadd.s32 $0xFFFFF800  }
0x43: {  	s15 =	sadd.s32 @!p0 s11, s14;
	[bflag:$0x0] =	sbarrier.arrive $0xFFFF  }
0x44: {  	[tilespmem:s24], [sflag:$0x1] =	stream.indirect.gather [hbm4b:s5+s30], $0x80, s3, s30, $0xb8;
	[tilespmem:$0x1E000] =	vst v63  }
0x45: {  	s18 =	simm.s32 @!p0 $0x0;
	s15 =	sshrl.u32 @!p0 s15, $0x3  }
0x46: {  	[tilespmem:s31], [sflag:$0x2] =	stream.indirect.gather [hbm4b:s5+s30], $0x80, s30, s30, $0xb8;
	[tilespmem:$0x1E000] =	vst v63  }
0x47: {  	s14 =	sand.u32 @!p0 $0x800, s14;
	s16 =	simm.s32 @!p0 $0x3;
	s17 =	sadd.s32 @!p0 s6, s15  }
0x48: {  	[tilespmem:s14], [sflag:$0x3] =	stream.linear.gather @!p0 [hbm4b:s17+s18], $0x800, $0x38;
	[tilespmem:$0x1E000] =	vst v63  }
0x49: {  	_ =	swait.ge @!p0 [sflag:s16], $0x800  }
0x4a: {  	[sflag:s16] =	ssyncset.done @!p0 $0x0  }
0x4b: {  	s15 =	sadd.s32 @!p0 s1, s15;
	s14 =	sor.u32 @!p0 $0x1000, s14;
	[sflag:s16] =	ssyncadd.s32 @!p0 $0xFFFFF800  }
0x4c: {  	[tilespmem:s14], [sflag:$0x3] =	stream.linear.gather @!p0 [hbm4b:s15+s18], $0x800, $0x38;
	[tilespmem:$0x1E000] =	vst v63  }
0x4d: {  	s20 =	sand.u32 $0x800, s3;
	s19 =	sshll.u32 s7, $0x7;
	_ =	swait.ge @!p0 [sflag:s16], $0x800  }
0x4e: {  	s7 =	simm.s32 $0xFFFFFFF4;
	s21 =	sand.u32 $0x700, s3;
	[sflag:s16] =	ssyncset.done @!p0 $0x0  }
0x4f: {  	s26 =	simm.s32 $0x2;
	s15 =	simm.s32 $0x180;
	[sflag:s16] =	ssyncadd.s32 @!p0 $0xFFFFF800  }
0x50: {  	s18 =	sand.u32 $0xE, s26;
	s26 =	simm.s32 $0x100;
	_ =	swait.ge [sflag:s0], $0x4000  }
0x51: {  	s28 =	sshll.u32 s18, $0x7;
	s16 =	sor.u32 $0x1000, s20;
	[sflag:s0] =	ssyncset.done $0x0  }
0x52: {  	p0 =	sne.s32 s18, $0x0;
	s14 =	sor.u32 s19, s16;
	[sflag:s0] =	ssyncadd.s32 $0xFFFFC000  }
0x53: {  	[spmem:s2] =	stream.indirect.scatter.add.f32 [tilespmem:s24], [sflag:$0x3], $0x80, s14, s30, $0xb8;
	[tilespmem:$0x1E000] =	vst v63  }
0x54: {  	p1 =	por @!p0 $0x1, $0x1;
	s17 =	sor.u32 s21, s16;
	_ =	swait.ge [sflag:s25], $0x4000  }
0x55: {  	s16 =	sand.u32 $0xF00, s26;
	p0 =	por p1, p0;
	[sflag:s25] =	ssyncset.done $0x0  }
0x56: {  	s18 =	sand.u32 @!p0 $0x3800, s26;
	s14 =	simm.s32 $0x280;
	[sflag:s25] =	ssyncadd.s32 $0xFFFFC000  }
.LBB2_2:
0x57: {  	[tilespmem:s24], [sflag:$0x1] =	stream.indirect.gather [hbm4b:s5+s30], $0x80, s16, s30, $0xb8;
	[tilespmem:$0x1E000] =	vst v63  }
0x58: {  	s16 =	smov.u32 s7;
	s7 =	sadd.s32 $0x2, s7;
	_ =	swait.ge [sflag:s4], $0x4000  }
0x59: {  	p1 =	sne.s32 s7, $0x3E;
	[sflag:s4] =	ssyncset.done $0x0  }
0x5a: {  	s17 =	sor.u32 $0x80, s17;
	s15 =	sand.u32 $0xF80, s15;
	[sflag:s4] =	ssyncadd.s32 $0xFFFFC000  }
0x5b: {  	[spmem:s2] =	stream.indirect.scatter.add.f32 [tilespmem:s31], [sflag:$0x3], $0x80, s17, s30, $0xb8;
	[tilespmem:$0x1E000] =	vst v63  }
0x5c: {  	s17 =	sadd.s32 @!p0 $0x800, s18;
	s18 =	simm.s32 @!p0 $0x3;
	_ =	swait.ge [sflag:s25], $0x4000  }
0x5d: {  	s19 =	sadd.s32 @!p0 s11, s17;
	s17 =	sand.u32 @!p0 $0x800, s17;
	[sflag:s25] =	ssyncset.done $0x0  }
0x5e: {  	s19 =	sshrl.u32 @!p0 s19, $0x3;
	s20 =	sor.u32 @!p0 $0x1000, s17;
	[sflag:s25] =	ssyncadd.s32 $0xFFFFC000  }
0x5f: {  	[tilespmem:s31], [sflag:$0x2] =	stream.indirect.gather [hbm4b:s5+s30], $0x80, s15, s30, $0xb8;
	[tilespmem:$0x1E000] =	vst v63  }
0x60: {  	s21 =	simm.s32 @!p0 $0x0;
	s15 =	sadd.s32 @!p0 s6, s19;
	s19 =	sadd.s32 @!p0 s1, s19  }
0x61: {  	[tilespmem:s17], [sflag:$0x3] =	stream.linear.gather @!p0 [hbm4b:s15+s21], $0x800, $0x38;
	[tilespmem:$0x1E000] =	vst v63  }
0x62: {  	s15 =	smov.u32 s14;
	_ =	swait.ge @!p0 [sflag:s18], $0x800  }
0x63: {  	[sflag:s18] =	ssyncset.done @!p0 $0x0  }
0x64: {  	[sflag:s18] =	ssyncadd.s32 @!p0 $0xFFFFF800  }
0x65: {  	[tilespmem:s20], [sflag:$0x3] =	stream.linear.gather @!p0 [hbm4b:s19+s21], $0x800, $0x38;
	[tilespmem:$0x1E000] =	vst v63  }
0x66: {  	_ =	swait.ge @!p0 [sflag:s18], $0x800  }
0x67: {  	[sflag:s18] =	ssyncset.done @!p0 $0x0  }
0x68: {  	s14 =	sand.u32 $0x800, s26;
	s17 =	sand.u32 $0x700, s26;
	[sflag:s18] =	ssyncadd.s32 @!p0 $0xFFFFF800  }
0x69: {  	s14 =	sor.u32 $0x1000, s14;
	s18 =	sadd.s32 $0x10, s16;
	_ =	swait.ge [sflag:s0], $0x4000  }
0x6a: {  	s19 =	sor.u32 s28, s14;
	s18 =	sand.u32 $0xE, s18;
	[sflag:s0] =	ssyncset.done $0x0  }
0x6b: {  	p0 =	sne.s32 s18, $0x0;
	s28 =	sshll.u32 s18, $0x7;
	[sflag:s0] =	ssyncadd.s32 $0xFFFFC000  }
0x6c: {  	[spmem:s2] =	stream.indirect.scatter.add.f32 [tilespmem:s24], [sflag:$0x3], $0x80, s19, s30, $0xb8;
	[tilespmem:$0x1E000] =	vst v63  }
.Ltmp0:
0x6d: {  	_ = 	snop;
	(pc) =	sbr.rel @p1 .LBB2_2-.Ltmp0, $4  }
0x6e: {  	s17 =	sor.u32 s17, s14;
	p2 =	sgt.u32 @!p0 s16, $0x20;
	_ =	swait.ge [sflag:s25], $0x4000  }
0x6f: {  	p0 =	por p2, p0;
	[sflag:s25] =	ssyncset.done $0x0  }
0x70: {  	s26 =	sadd.s32 $0x100, s26;
	[sflag:s25] =	ssyncadd.s32 $0xFFFFC000  }
0x71: {  	s14 =	sadd.s32 $0x180, s26;
	s16 =	sand.u32 $0xF00, s26;
	s18 =	sand.u32 @!p0 $0x3800, s26  }
0x72: {  	[tilespmem:s24], [sflag:$0x1] =	stream.indirect.gather [hbm4b:s5+s30], $0x80, s16, s30, $0xb8;
	[tilespmem:$0x1E000] =	vst v63  }
0x73: {  	_ =	swait.ge [sflag:s4], $0x4000  }
0x74: {  	[sflag:s4] =	ssyncset.done $0x0  }
0x75: {  	s7 =	sor.u32 $0x80, s17;
	[sflag:s4] =	ssyncadd.s32 $0xFFFFC000  }
0x76: {  	[spmem:s2] =	stream.indirect.scatter.add.f32 [tilespmem:s31], [sflag:$0x3], $0x80, s7, s30, $0xb8;
	[tilespmem:$0x1E000] =	vst v63  }
0x77: {  	s7 =	sadd.s32 @!p0 $0x800, s18;
	_ =	swait.ge [sflag:s25], $0x4000  }
0x78: {  	s16 =	sadd.s32 @!p0 s11, s7;
	[sflag:s25] =	ssyncset.done $0x0  }
0x79: {  	s15 =	sand.u32 $0xF80, s15;
	s16 =	sshrl.u32 @!p0 s16, $0x3;
	[sflag:s25] =	ssyncadd.s32 $0xFFFFC000  }
0x7a: {  	[tilespmem:s31], [sflag:$0x2] =	stream.indirect.gather [hbm4b:s5+s30], $0x80, s15, s30, $0xb8;
	[tilespmem:$0x1E000] =	vst v63  }
0x7b: {  	s17 =	simm.s32 @!p0 $0x0;
	s7 =	sand.u32 @!p0 $0x800, s7;
	s15 =	sadd.s32 @!p0 s6, s16  }
0x7c: {  	[tilespmem:s7], [sflag:$0x3] =	stream.linear.gather @!p0 [hbm4b:s15+s17], $0x800, $0x38;
	[tilespmem:$0x1E000] =	vst v63  }
0x7d: {  	s15 =	simm.s32 @!p0 $0x3  }
0x7e: {  	_ =	swait.ge @!p0 [sflag:s15], $0x800  }
0x7f: {  	[sflag:s15] =	ssyncset.done @!p0 $0x0  }
0x80: {  	s16 =	sadd.s32 @!p0 s1, s16;
	s7 =	sor.u32 @!p0 $0x1000, s7;
	[sflag:s15] =	ssyncadd.s32 @!p0 $0xFFFFF800  }
0x81: {  	[tilespmem:s7], [sflag:$0x3] =	stream.linear.gather @!p0 [hbm4b:s16+s17], $0x800, $0x38;
	[tilespmem:$0x1E000] =	vst v63  }
0x82: {  	_ =	swait.ge @!p0 [sflag:s15], $0x800  }
0x83: {  	[sflag:s15] =	ssyncset.done @!p0 $0x0  }
0x84: {  	[sflag:s15] =	ssyncadd.s32 @!p0 $0xFFFFF800  }
0x85: {  	s20 =	sand.u32 $0x800, s26;
	_ =	swait.ge [sflag:s0], $0x4000  }
0x86: {  	s7 =	sor.u32 $0x1000, s20;
	[sflag:s0] =	ssyncset.done $0x0  }
0x87: {  	s21 =	sor.u32 s28, s7;
	[sflag:s0] =	ssyncadd.s32 $0xFFFFC000  }
0x88: {  	[spmem:s2] =	stream.indirect.scatter.add.f32 [tilespmem:s24], [sflag:$0x3], $0x80, s21, s30, $0xb8;
	[tilespmem:$0x1E000] =	vst v63  }
0x89: {  	_ =	swait.ge [sflag:s25], $0x4000  }
0x8a: {  	s28 =	sadd.s32 $0x100, s26;
	[sflag:s25] =	ssyncset.done $0x0  }
0x8b: {  	s15 =	sand.u32 $0xF00, s28;
	[sflag:s25] =	ssyncadd.s32 $0xFFFFC000  }
0x8c: {  	[tilespmem:s24], [sflag:$0x1] =	stream.indirect.gather [hbm4b:s5+s30], $0x80, s15, s30, $0xb8;
	[tilespmem:$0x1E000] =	vst v63  }
0x8d: {  	s16 =	sand.u32 $0x700, s26;
	_ =	swait.ge [sflag:s4], $0x4000  }
0x8e: {  	s7 =	sor.u32 s16, s7;
	[sflag:s4] =	ssyncset.done $0x0  }
0x8f: {  	s7 =	sor.u32 $0x80, s7;
	[sflag:s4] =	ssyncadd.s32 $0xFFFFC000  }
0x90: {  	[spmem:s2] =	stream.indirect.scatter.add.f32 [tilespmem:s31], [sflag:$0x3], $0x80, s7, s30, $0xb8;
	[tilespmem:$0x1E000] =	vst v63  }
0x91: {  	_ =	swait.ge [sflag:s25], $0x4000  }
0x92: {  	[sflag:s25] =	ssyncset.done $0x0  }
0x93: {  	s17 =	sand.u32 $0xF80, s14;
	[sflag:s25] =	ssyncadd.s32 $0xFFFFC000  }
0x94: {  	[tilespmem:s31], [sflag:$0x2] =	stream.indirect.gather [hbm4b:s5+s30], $0x80, s17, s30, $0xb8;
	[tilespmem:$0x1E000] =	vst v63  }
0x95: {  	_ =	swait.ge [sflag:s0], $0x4000  }
0x96: {  	[sflag:s0] =	ssyncset.done $0x0  }
0x97: {  	s18 =	simm.s32 $0x1700;
	[sflag:s0] =	ssyncadd.s32 $0xFFFFC000  }
0x98: {  	[spmem:s2] =	stream.indirect.scatter.add.f32 [tilespmem:s24], [sflag:$0x3], $0x80, s18, s30, $0xb8;
	[tilespmem:$0x1E000] =	vst v63  }
0x99: {  	_ =	swait.ge [sflag:s25], $0x4000  }
0x9a: {  	[sflag:s25] =	ssyncset.done $0x0  }
0x9b: {  	[sflag:s25] =	ssyncadd.s32 $0xFFFFC000  }
0x9c: {  	_ =	swait.ge [sflag:s4], $0x4000  }
0x9d: {  	[sflag:s4] =	ssyncset.done $0x0  }
0x9e: {  	s19 =	simm.s32 $0x1780;
	[sflag:s4] =	ssyncadd.s32 $0xFFFFC000  }
0x9f: {  	[spmem:s2] =	stream.indirect.scatter.add.f32 [tilespmem:s31], [sflag:$0x3], $0x80, s19, s30, $0xb8;
	[tilespmem:$0x1E000] =	vst v63  }
0xa0: {  	_ =	swait.ge [sflag:s25], $0x4000  }
0xa1: {  	[sflag:s25] =	ssyncset.done $0x0  }
0xa2: {  	[sflag:s25] =	ssyncadd.s32 $0xFFFFC000  }
0xa3: {  	[bflag:$0x0] =	sbarrier.arrive $0xFFFF  }
0xa4: {  	[tilespmem:s24], [sflag:$0x3] =	stream.linear.gather [spmem:s8], $0x4000, $0x38;
	[tilespmem:$0x1E000] =	vst v63  }
0xa5: {  	_ =	swait.ge [sflag:s25], $0x4000  }
0xa6: {  	[sflag:s25] =	ssyncset.done $0x0  }
0xa7: {  	s20 =	rddreg [dreg:$0x9];
	[sflag:s25] =	ssyncadd.s32 $0xFFFFC000  }
0xa8: {  	[hbm4b:s20+s3] =	stream.linear.scatter [tilespmem:s24], [sflag:$0x3], $0x4000, $0x38;
	[tilespmem:$0x1E000] =	vst v63  }
0xa9: {  	_ =	swait.ge [sflag:s25], $0x4000  }
0xaa: {  	[sflag:s25] =	ssyncset.done $0x0  }
0xab: {  	[sflag:s25] =	ssyncadd.s32 $0xFFFFC000  }
0xac: {  	[tilespmem:s24], [sflag:$0x3] =	stream.linear.gather [spmem:s9], $0x4000, $0x38;
	[tilespmem:$0x1E000] =	vst v63  }
0xad: {  	_ =	swait.ge [sflag:s25], $0x4000  }
0xae: {  	[sflag:s25] =	ssyncset.done $0x0  }
0xaf: {  	s21 =	rddreg [dreg:$0xa];
	[sflag:s25] =	ssyncadd.s32 $0xFFFFC000  }
0xb0: {  	[hbm4b:s21+s3] =	stream.linear.scatter [tilespmem:s24], [sflag:$0x3], $0x4000, $0x38;
	[tilespmem:$0x1E000] =	vst v63  }
0xb1: {  	_ =	swait.ge [sflag:s25], $0x4000  }
0xb2: {  	[sflag:s25] =	ssyncset.done $0x0  }
0xb3: {  	[sflag:s25] =	ssyncadd.s32 $0xFFFFC000  }
0xb4: {  	[tilespmem:s24], [sflag:$0x3] =	stream.linear.gather [spmem:s10], $0x4000, $0x38;
	[tilespmem:$0x1E000] =	vst v63  }
0xb5: {  	_ =	swait.ge [sflag:s25], $0x4000  }
0xb6: {  	[sflag:s25] =	ssyncset.done $0x0  }
0xb7: {  	s26 =	rddreg [dreg:$0xb];
	[sflag:s25] =	ssyncadd.s32 $0xFFFFC000  }
0xb8: {  	[hbm4b:s26+s3] =	stream.linear.scatter [tilespmem:s24], [sflag:$0x3], $0x4000, $0x38;
	[tilespmem:$0x1E000] =	vst v63  }
0xb9: {  	_ =	swait.ge [sflag:s25], $0x4000  }
0xba: {  	[sflag:s25] =	ssyncset.done $0x0  }
0xbb: {  	[sflag:s25] =	ssyncadd.s32 $0xFFFFC000  }
0xbc: {  	[tilespmem:s24], [sflag:$0x3] =	stream.linear.gather [spmem:s12], $0x4000, $0x38;
	[tilespmem:$0x1E000] =	vst v63  }
0xbd: {  	_ =	swait.ge [sflag:s25], $0x4000  }
0xbe: {  	[sflag:s25] =	ssyncset.done $0x0  }
0xbf: {  	s28 =	rddreg [dreg:$0xc];
	[sflag:s25] =	ssyncadd.s32 $0xFFFFC000  }
0xc0: {  	[hbm4b:s28+s3] =	stream.linear.scatter [tilespmem:s24], [sflag:$0x3], $0x4000, $0x38;
	[tilespmem:$0x1E000] =	vst v63  }
0xc1: {  	_ =	swait.ge [sflag:s25], $0x4000  }
0xc2: {  	[sflag:s25] =	ssyncset.done $0x0  }
0xc3: {  	[sflag:s25] =	ssyncadd.s32 $0xFFFFC000  }
0xc4: {  	[tilespmem:s24], [sflag:$0x3] =	stream.linear.gather [spmem:s13], $0x4000, $0x38;
	[tilespmem:$0x1E000] =	vst v63  }
0xc5: {  	s29 =	sadd.s32 $0x1, s29;
	_ =	swait.ge [sflag:s25], $0x4000  }
0xc6: {  	p0 =	sne.s32 s29, s23;
	[sflag:s25] =	ssyncset.done $0x0  }
.Ltmp1:
0xc7: {  	[sflag:s25] =	ssyncadd.s32 $0xFFFFC000;
	(pc) =	sbr.rel @p0 .LBB2_1-.Ltmp1, $4  }
0xc8: {  	[hbm4b:s22+s3] =	stream.linear.scatter [tilespmem:s24], [sflag:$0x3], $0x4000, $0x38;
	[tilespmem:$0x1E000] =	vst v63  }
0xc9: {  	_ =	swait.ge [sflag:s25], $0x4000  }
0xca: {  	[sflag:s25] =	ssyncset.done $0x0  }
0xcb: {  	[sflag:s25] =	ssyncadd.s32 $0xFFFFC000  }
0xcc: {  	_ =	sfence.sel $0x180000  }
0xcd: {  	[bflag:$0x0] =	sbarrier.arrive $0xFFFF  }
0xce: {  	_ =	strace $0x9000004D  }
0xcf: {  	s0 =	stileid.u32;
	[bflag:$0x2] =	sbarrier.arrive $0xFFFF  }
0xd0: {  	p0 =	sne.s32 s0, $0x0;
	s0 =	rddreg [dreg:$0x3]  }
0xd1: {  	s0 =	sadd.s32 @!p0 $0x100000, s0  }
0xd2: {  	[sflag:s0] =	ssyncadd.tile.s32 @!p0 $0x1;
	_ =	shalt  }
.Lfunc_end2:
_tile_overlayer_lowered:
.L_overlay_start_2:
0xd3: {  	(tag) =	ssettag $0x2  }
0xd4: {  	s0 =	rddreg [dreg:$0x0];
	s2 =	stileid.u32  }
0xd5: {  	s1 =	rddreg [dreg:$0x1];
	p0 =	sne.s32 s2, $0x0  }
0xd6: {  	s3 =	rddreg [dreg:$0x2];
	[bflag:$0x3] =	sbarrier.arrive $0xFFFF;
	s2 =	simm.s32 @!p0 $0x1C03  }
0xd7: {  	[timem:s3], [sflag:s2] =	dma.local @!p0 [hbm:s0], s1  }
0xd8: {  	s0 =	simm.s32 @!p0 $0x3  }
0xd9: {  	_ =	swait.ge @!p0 [sflag:s0], s1  }
0xda: {  	s1 =	ssub.s32 @!p0 $0x0, s1;
	[sflag:s0] =	ssyncset.done @!p0 $0x0  }
0xdb: {  	[sflag:s0] =	ssyncadd.s32 @!p0 s1  }
0xdc: {  	[bflag:$0x3] =	sbarrier.arrive $0xFFFF  }
0xdd: {  	_ =	shalt  }

// kernel: kernel.8.cloned.1.call-start
scs
__scs_entry_jumppad:
0x0: {  	(pc) =	sbr.rel $0x88, $3  }
0x1: {  	(tag) =	ssettag $0x0;
	lr =	simm.s32 $0x1  }
0x2: {  	[smem:$0x3F9B] =	sst lr;
	_ =	strace $0xD0000000  }
0x3: {  	_ = 	snop  }
0x4: {  	_ = 	snop  }
0x5: {  	_ = 	snop  }
0x6: {  	_ = 	snop  }
0x7: {  	_ = 	snop  }
__scs_overlays_trampoline_lowered:
0x8: {  	[smem:$0x3FAA] =	sst s0  }
0x9: {  	[smem:$0x3FAB] =	sst s1  }
0xa: {  	[smem:$0x3FAC] =	sst s2  }
0xb: {  	[smem:$0x3FAD] =	sst s3  }
0xc: {  	[smem:$0x3FAE] =	sst s4  }
0xd: {  	[smem:$0x3FAF] =	sst s5  }
0xe: {  	[smem:$0x3FB0] =	sst s6  }
0xf: {  	[smem:$0x3FB1] =	sst s7  }
0x10: {  	[smem:$0x3FB2] =	sst s8  }
0x11: {  	[smem:$0x3FB3] =	sst s9;
	s0 =	simm.s32 @!p0 $0x0  }
0x12: {  	s1 =	sld [smem:$0x3F99];
	s0 =	simm.s32 @p0 $0x1  }
0x13: {  	[smem:$0x3FB4] =	sst s0;
	s0 =	simm.s32 @!p1 $0x0  }
0x14: {  	s2 =	sld [smem:$0x3F98];
	s0 =	simm.s32 @p1 $0x1  }
0x15: {  	[smem:$0x3FB5] =	sst s0;
	s0 =	simm.s32 @!p2 $0x0  }
0x16: {  	s3 =	sld [smem:$0x3FDB];
	s0 =	simm.s32 @p2 $0x1  }
0x17: {  	s4 =	simm.s32 $0x1BF5;
	[smem:$0x3FB7] =	sst s0  }
0x18: {  	s0 =	sld [smem:$0x3F9A];
	_ =	swait.ge [sflag:s4], $0x0  }
0x19: {  	s7 =	sld [smem:$0x3F9B]  }
0x1a: {  	s8 =	sadd.s32 $0xFFFFE003, lr  }
0x1b: {  	s9 =	sadd.s32 $0xFFFFFEF7, lr;
	s5 =	simm.s32 $0xFFFFFFFF;
	p2 =	slt.u32 s8, $0xFFFFF086  }
0x1c: {  	p1 =	slt.u32 s9, $0xF7A;
	s5 =	simm.s32 @!p2 $0x0  }
0x1d: {  	s5 =	simm.s32 @p1 $0x1;
	p0 =	seq.s32 s7, s2  }
0x1e: {  	s7 =	smul.u32 @!p0 $0xF7A, s2;
	p2 =	seq.s32 @!p0 s5, $0x0  }
0x1f: {  	s9 =	smul.u32 $0xF7A, s1;
	s8 =	simm.s32 @!p0 $0x1BF5;
	p2 =	por !p2, p0  }
0x20: {  	[sflag:s8] =	ssyncset.s32 @!p0 $0xFFFFF086;
	s6 =	sadd.s32 @!p0 s3, s7;
	s7 =	simm.s32 @!p0 $0x108  }
0x21: {  	s3 =	sadd.s32 s3, s9;
	s6 =	sadd.s32 @!p0 $0x88, s6;
	s7 =	simm.s32 @p2 $0x1082  }
0x22: {  	[simem:s7], [sflag:s8] =	dma.local @!p0 [hbm:s6], $0xF7A  }
0x23: {  	s9 =	sor.u32 $0xD0000000, s2;
	s6 =	simm.s32 $0x108;
	_ =	swait.ge @!p0 [sflag:s8], $0x0  }
0x24: {  	s3 =	sadd.s32 $0x88, s3;
	s6 =	simm.s32 @!p1 $0x1082;
	[sflag:s4] =	ssyncset.s32 $0xFFFFF086  }
0x25: {  	[simem:s6], [sflag:s4] =	dma.local [hbm:s3], $0xF7A  }
0x26: {  	[smem:$0x3F9B] =	sst s1;
	(tag) =	ssettag s2;
	_ =	strace s9  }
0x27: {  	s1 =	sld [smem:$0x3FAB]  }
0x28: {  	s2 =	sld [smem:$0x3FAC]  }
0x29: {  	s4 =	sld [smem:$0x3FAE]  }
0x2a: {  	p0 =	seq.s32 s5, $0x0;
	s5 =	sld [smem:$0x3FAF]  }
0x2b: {  	s6 =	sld [smem:$0x3FB0]  }
0x2c: {  	s7 =	sld [smem:$0x3FB1]  }
0x2d: {  	s3 =	simm.s32 $0x108;
	s8 =	sld [smem:$0x3FB2]  }
0x2e: {  	s3 =	simm.s32 @!p0 $0x1082;
	s9 =	sld [smem:$0x3FB3]  }
0x2f: {  	lr =	sadd.s32 s0, s3;
	s0 =	sld [smem:$0x3FAA]  }
0x30: {  	s3 =	sld [smem:$0x3FAD]  }
0x31: {  	[smem:$0x3FB6] =	sst s10  }
0x32: {  	s10 =	sld [smem:$0x3FB4];
	_ =	sdelay $0x3  }
0x33: {  	p0 =	seq.s32 s10, $0x1;
	s10 =	sld [smem:$0x3FB6];
	_ =	sdelay $0x3  }
0x34: {  	[smem:$0x3FB6] =	sst s10  }
0x35: {  	s10 =	sld [smem:$0x3FB5];
	_ =	sdelay $0x3  }
0x36: {  	p1 =	seq.s32 s10, $0x1;
	s10 =	sld [smem:$0x3FB6];
	_ =	sdelay $0x3  }
0x37: {  	[smem:$0x3FB6] =	sst s10  }
0x38: {  	s10 =	sld [smem:$0x3FB7]  }
0x39: {  	_ = 	snop;
	(pc) =	sbr.ind lr, $3  }
0x3a: {  	_ = 	snop  }
0x3b: {  	_ = 	snop  }
0x3c: {  	p2 =	seq.s32 s10, $0x1;
	s10 =	sld [smem:$0x3FB6]  }
0x3d: {  	_ =	shalt  }
0x3e: {  	_ =	shalt  }
0x3f: {  	_ =	shalt  }
0x40: {  	_ =	shalt  }
0x41: {  	_ =	shalt  }
0x42: {  	_ =	shalt  }
0x43: {  	_ =	shalt  }
0x44: {  	_ =	shalt  }
0x45: {  	_ =	shalt  }
0x46: {  	_ =	shalt  }
0x47: {  	_ =	shalt  }
0x48: {  	_ =	shalt  }
0x49: {  	_ =	shalt  }
0x4a: {  	_ =	shalt  }
0x4b: {  	_ =	shalt  }
0x4c: {  	_ =	shalt  }
0x4d: {  	_ =	shalt  }
0x4e: {  	_ =	shalt  }
0x4f: {  	_ =	shalt  }
0x50: {  	_ =	shalt  }
0x51: {  	_ =	shalt  }
0x52: {  	_ =	shalt  }
0x53: {  	_ =	shalt  }
0x54: {  	_ =	shalt  }
0x55: {  	_ =	shalt  }
0x56: {  	_ =	shalt  }
0x57: {  	_ =	shalt  }
0x58: {  	_ =	shalt  }
0x59: {  	_ =	shalt  }
0x5a: {  	_ =	shalt  }
0x5b: {  	_ =	shalt  }
0x5c: {  	_ =	shalt  }
0x5d: {  	_ =	shalt  }
0x5e: {  	_ =	shalt  }
0x5f: {  	_ =	shalt  }
0x60: {  	_ =	shalt  }
0x61: {  	_ =	shalt  }
0x62: {  	_ =	shalt  }
0x63: {  	_ =	shalt  }
0x64: {  	_ =	shalt  }
0x65: {  	_ =	shalt  }
0x66: {  	_ =	shalt  }
0x67: {  	_ =	shalt  }
0x68: {  	_ =	shalt  }
0x69: {  	_ =	shalt  }
0x6a: {  	_ =	shalt  }
0x6b: {  	_ =	shalt  }
0x6c: {  	_ =	shalt  }
0x6d: {  	_ =	shalt  }
0x6e: {  	_ =	shalt  }
0x6f: {  	_ =	shalt  }
0x70: {  	_ =	shalt  }
0x71: {  	_ =	shalt  }
0x72: {  	_ =	shalt  }
0x73: {  	_ =	shalt  }
0x74: {  	_ =	shalt  }
0x75: {  	_ =	shalt  }
0x76: {  	_ =	shalt  }
0x77: {  	_ =	shalt  }
0x78: {  	_ =	shalt  }
0x79: {  	_ =	shalt  }
0x7a: {  	_ =	shalt  }
0x7b: {  	_ =	shalt  }
0x7c: {  	_ =	shalt  }
0x7d: {  	_ =	shalt  }
0x7e: {  	_ =	shalt  }
0x7f: {  	_ =	shalt  }
0x80: {  	_ =	shalt  }
0x81: {  	_ =	shalt  }
0x82: {  	_ =	shalt  }
0x83: {  	_ =	shalt  }
0x84: {  	_ =	shalt  }
0x85: {  	_ =	shalt  }
0x86: {  	_ =	shalt  }
0x87: {  	_ =	shalt  }
.Lfunc_end0:
.L_simem_size_0:
called_computation_lowered:
.L_overlay_start_0:
0x88: {  	s2 =	sld [smem:$0x3FD9]  }
0x89: {  	s3 =	sld [smem:$0x3FFE];
	_ =	sdelay $0x1  }
0x8a: {  	s1 =	srdreg.scid  }
0x8b: {  	s0 =	sand.u32 $0x1, s1  }
0x8c: {  	s17 =	sshll.u32 s0, $0xA;
	s2 =	sadd.s32 s3, s2  }
0x8d: {  	s2 =	sadd.s32 s2, s17  }
0x8e: {  	[smem:$0x3FC2] =	sst s2  }
0x8f: {  	_ = 	snop  }
0x90: {  	s2 =	sld [smem:$0x3FD0];
	(tm) =	ssettm $0x1  }
0x91: {  	s18 =	sld [smem:$0x3FFB];
	_ =	sdelay $0x3  }
0x92: {  	_ =	strace s18  }
0x93: {  	s3 =	sld [smem:$0x3FFC];
	_ =	sdelay $0x3  }
0x94: {  	_ =	strace s3  }
0x95: {  	s3 =	sld [smem:$0x3FFD];
	_ =	sdelay $0x3  }
0x96: {  	_ =	strace s3  }
0x97: {  	_ =	strace $0x8FFFFFFF  }
0x98: {  	s19 =	sld [smem:$0x3FDB];
	_ =	sdelay $0x1  }
0x99: {  	s4 =	simm.s32 $_scs_section_size  }
0x9a: {  	s5 =	simm.s32 $_size__tile_overlayer_lowered;
	s6 =	simm.s32 $_tile_overlayer_lowered  }
0x9b: {  	s22 =	simm.s32 $0x1BFF;
	s21 =	sshll.u32 s6, $0x1;
	s3 =	sadd.s32 s4, s19  }
0x9c: {  	s7 =	simm.s32 $0x0;
	s20 =	sshll.u32 s5, $0x1;
	s5 =	sadd.s32 s21, s3  }
0x9d: {  	[timem:s7], [sflag:s22] =	dma.local [hbm:s5], s20  }
0x9e: {  	_ =	swait.ge [sflag:s22], s20  }
0x9f: {  	s4 =	ssub.s32 $0x0, s20;
	[sflag:s22] =	ssyncset.done $0x0  }
0xa0: {  	[sflag:s22] =	ssyncadd.s32 s4;
	_ =	sdelay $0x1  }
0xa1: {  	s23 =	simm.s32 $0x1B8B  }
0xa2: {  	_ =	swait.ge [sflag:s23], $0x1  }
0xa3: {  	[sflag:s23] =	ssyncset.done $0x0  }
0xa4: {  	s25 =	simm.s32 $0x1B8E;
	s24 =	sld [smem:$0x3FFE];
	[sflag:s23] =	ssyncadd.s32 $0xFFFFFFFF  }
0xa5: {  	s26 =	simm.s32 $execute0_lowered;
	[smem:$0x3FD2] =	sst s25  }
0xa6: {  	s5 =	sshll.u32 s26, $0x1;
	_ =	strace $0x80000046;
	[dreg:$0x1] =	wrdreg $0xFFFFFFFF  }
0xa7: {  	s28 =	simm.s32 $_size_execute0_lowered;
	s3 =	sadd.s32 s3, s5;
	[dreg:$0x0] =	wrdreg $0x0  }
0xa8: {  	s5 =	sshll.u32 s28, $0x1;
	[dreg:$0x2] =	wrdreg s3  }
0xa9: {  	[dreg:$0x3] =	wrdreg s5  }
0xaa: {  	[dreg:$0x4] =	wrdreg $0xC0  }
0xab: {  	_ =	task [dreg:s7], $0x5FFFF  }
0xac: {  	[dreg:$0x1] =	wrdreg $0xFFFFFFFF  }
0xad: {  	[dreg:$0x0] =	wrdreg $0x60  }
0xae: {  	[dreg:$0x2] =	wrdreg s24  }
0xaf: {  	[dreg:$0x3] =	wrdreg s2  }
0xb0: {  	[dreg:$0x4] =	wrdreg $0x13000  }
0xb1: {  	[dreg:$0x5] =	wrdreg $0x15800  }
0xb2: {  	[dreg:$0x6] =	wrdreg $0x9  }
0xb3: {  	_ =	task.clear_ibuf [dreg:s7], $0x7FFFF;
	_ =	strace $0x90000046  }
0xb4: {  	s29 =	simm.s32 $0x9;
	_ =	strace $0x80000048  }
0xb5: {  	_ =	swait.ge [sflag:s29], $0x1  }
0xb6: {  	[sflag:s29] =	ssyncadd.s32 $0xFFFFFFFF  }
0xb7: {  	_ =	strace $0x90000048  }
0xb8: {  	_ =	sfence  }
0xb9: {  	s30 =	sld [smem:$0x0];
	_ =	sdelay $0x2  }
0xba: {  	s31 =	sshll.u32 s1, $0xD;
	s1 =	sshrl.u32 s1, $0x2  }
0xbb: {  	s3 =	sand.u32 $0x4000, s31;
	s1 =	sadd.s32 s1, s30  }
0xbc: {  	s0 =	sor.u32 s3, s0;
	s1 =	sshll.u32 s1, $0x11  }
0xbd: {  	s0 =	sor.u32 s1, s0  }
0xbe: {  	s0 =	sadd.s32 $0x8F2B, s0  }
0xbf: {  	[sflag:s0] =	ssyncadd.remote.s32 $0x1  }
0xc0: {  	_ =	sfence.sel $0xFFFF  }
0xc1: {  	[dreg:$0x0] =	wrdreg $0xFFFFFFFF;
	(pc) =	sbr.abs _section_cstart, $3  }
0xc2: {  	[dreg:$0x1] =	wrdreg $0xFFFFFFFF  }
0xc3: {  	_ =	task.clear_ibuf [dreg:s7], $0x2FFFF;
	_ =	strace $0x9FFFFFFF  }
0xc4: {  	(tm) =	ssettm $0x7FFFFFFF  }
0xc5: {  	_ =	shalt  }
tec
execute0_lowered:
.L_overlay_start_1:
0x0: {  	(tag) =	ssettag $0x1  }
0x1: {  	s5 =	rddreg [dreg:$0x0]  }
0x2: {  	s10 =	rddreg [dreg:$0x1]  }
0x3: {  	s2 =	rddreg [dreg:$0x2]  }
0x4: {  	s0 =	srdreg.scid;
	s3 =	rddreg [dreg:$0x3]  }
0x5: {  	s1 =	rddreg [dreg:$0x4];
	s4 =	simm.s32 $0x0;
	s6 =	sand.u32 $0x1, s0  }
0x6: {  	s14 =	simm.s32 $0x80;
	s0 =	stileid.u32;
	s7 =	smul.u32 $0x28000, s6  }
0x7: {  	s15 =	simm.s32 $0x1000;
	s16 =	simm.s32 $0x100;
	s8 =	smul.u32 $0x2800, s0  }
0x8: {  	s17 =	simm.s32 $0x0;
	[smem:$0x7FF] =	sst s4;
	s29 =	smul.u32 $0x500, s0  }
0x9: {  	_ =	strace $0x80000047;
	s30 =	sshll.u32 s6, $0x7;
	s6 =	ssub.s32 $0x2, s6  }
0xa: {  	s31 =	smul.u32 $0x280, s0;
	s9 =	sshrl.u32 s6, $0x1;
	s7 =	sadd.s32 s8, s7  }
0xb: {  	s9 =	ssub.s32 s6, s9;
	s11 =	sshrl.u32 s7, $0x3;
	s7 =	sor.u32 s30, s29  }
0xc: {  	s6 =	sadd.s32 s31, s3;
	s9 =	smax.u32 s9, $0x1;
	s7 =	sshrl.u32 s7, $0x3  }
0xd: {  	s12 =	sadd.s32 s11, s5;
	s10 =	sadd.s32 s11, s10;
	s13 =	sadd.s32 s7, s5  }
0xe: {  	s5 =	sadd.s32 s31, s2;
	s11 =	sadd.s32 $0x2600, s12;
	s12 =	simm.s32 $0x1080  }
0xf: {  	v0 =	vimm.f32 $1.000000000e+00;
	v1 =	vimm.f32 $0.0e+00;
	s7 =	sadd.s32 $0xC600, s13;
	s8 =	sadd.s32 $0xD000, s13;
	s13 =	simm.s32 $0x1  }
.LBB2_1:
0x10: {  	[tilespmem:$0x1000] =	vst v0  }
0x11: {  	[tilespmem:$0x1010] =	vst v0  }
0x12: {  	[tilespmem:$0x1020] =	vst v0  }
0x13: {  	[tilespmem:$0x1030] =	vst v0  }
0x14: {  	[tilespmem:$0x1040] =	vst v0  }
0x15: {  	[tilespmem:$0x1050] =	vst v0  }
0x16: {  	[tilespmem:$0x1060] =	vst v0  }
0x17: {  	[tilespmem:$0x1070] =	vst v0  }
0x18: {  	[tilespmem:$0x1080] =	vst v1  }
0x19: {  	[tilespmem:$0x1090] =	vst v1  }
0x1a: {  	[tilespmem:$0x10A0] =	vst v1  }
0x1b: {  	[tilespmem:$0x10B0] =	vst v1  }
0x1c: {  	[tilespmem:$0x10C0] =	vst v1  }
0x1d: {  	[tilespmem:$0x10D0] =	vst v1  }
0x1e: {  	[tilespmem:$0x10E0] =	vst v1  }
0x1f: {  	[tilespmem:$0x10F0] =	vst v1  }
0x20: {  	[tilespmem:$0x1100] =	vst v1  }
0x21: {  	[tilespmem:$0x1110] =	vst v1  }
0x22: {  	[tilespmem:$0x1120] =	vst v1  }
0x23: {  	[tilespmem:$0x1130] =	vst v1  }
0x24: {  	[tilespmem:$0x1140] =	vst v1  }
0x25: {  	[tilespmem:$0x1150] =	vst v1  }
0x26: {  	[tilespmem:$0x1160] =	vst v1  }
0x27: {  	[tilespmem:$0x1170] =	vst v1  }
0x28: {  	[tilespmem:$0x1180] =	vst v1  }
0x29: {  	[tilespmem:$0x1190] =	vst v1  }
0x2a: {  	[tilespmem:$0x11A0] =	vst v1  }
0x2b: {  	[tilespmem:$0x11B0] =	vst v1  }
0x2c: {  	[tilespmem:$0x11C0] =	vst v1  }
0x2d: {  	[tilespmem:$0x11D0] =	vst v1  }
0x2e: {  	[tilespmem:$0x11E0] =	vst v1  }
0x2f: {  	[tilespmem:$0x11F0] =	vst v1  }
0x30: {  	[tilespmem:$0x1200] =	vst v1  }
0x31: {  	[tilespmem:$0x1210] =	vst v1  }
0x32: {  	[tilespmem:$0x1220] =	vst v1  }
0x33: {  	[tilespmem:$0x1230] =	vst v1  }
0x34: {  	[tilespmem:$0x1240] =	vst v1  }
0x35: {  	[tilespmem:$0x1250] =	vst v1  }
0x36: {  	[tilespmem:$0x1260] =	vst v1  }
0x37: {  	[tilespmem:$0x1270] =	vst v1  }
0x38: {  	[tilespmem:$0x1280] =	vst v1  }
0x39: {  	[tilespmem:$0x1290] =	vst v1  }
0x3a: {  	[tilespmem:$0x12A0] =	vst v1  }
0x3b: {  	[tilespmem:$0x12B0] =	vst v1  }
0x3c: {  	[tilespmem:$0x12C0] =	vst v1  }
0x3d: {  	[tilespmem:$0x12D0] =	vst v1  }
0x3e: {  	[tilespmem:$0x12E0] =	vst v1  }
0x3f: {  	[tilespmem:$0x12F0] =	vst v1  }
0x40: {  	[spmem:s5] =	stream.linear.scatter [tilespmem:s12], [sflag:$0x1], $0x280, $0x38;
	[tilespmem:$0x1800] =	vst v63  }
0x41: {  	_ =	swait.ge [sflag:s13], $0x280  }
0x42: {  	[sflag:s13] =	ssyncset.done $0x0  }
0x43: {  	[sflag:s13] =	ssyncadd.s32 $0xFFFFFD80  }
0x44: {  	[spmem:s6] =	stream.linear.scatter [tilespmem:s12], [sflag:$0x1], $0x280, $0x38;
	[tilespmem:$0x1800] =	vst v63  }
0x45: {  	_ =	swait.ge [sflag:s13], $0x280  }
0x46: {  	s18 =	sand.u32 $0xF, s4;
	[sflag:s13] =	ssyncset.done $0x0  }
0x47: {  	p0 =	sne.s32 s18, $0x0;
	[sflag:s13] =	ssyncadd.s32 $0xFFFFFD80  }
0x48: {  	s19 =	simm.s32 @!p0 $0x0;
	s20 =	simm.s32 @!p0 $0x1;
	[bflag:$0x0] =	sbarrier.arrive $0xFFFF  }
0x49: {  	[tilespmem:s19], [sflag:$0x1] =	stream.linear.gather @!p0 [hbm4b:s11+s19], $0x800, $0x38;
	[tilespmem:$0x1800] =	vst v63  }
0x4a: {  	_ =	swait.ge @!p0 [sflag:s20], $0x800  }
0x4b: {  	[sflag:s20] =	ssyncset.done @!p0 $0x0  }
0x4c: {  	s21 =	simm.s32 @!p0 $0x800;
	[sflag:s20] =	ssyncadd.s32 @!p0 $0xFFFFF800  }
0x4d: {  	[tilespmem:s21], [sflag:$0x1] =	stream.linear.gather @!p0 [hbm4b:s10+s19], $0x800, $0x38;
	[tilespmem:$0x1800] =	vst v63  }
0x4e: {  	_ =	swait.ge @!p0 [sflag:s20], $0x800  }
0x4f: {  	[sflag:s20] =	ssyncset.done @!p0 $0x0  }
0x50: {  	s18 =	sshll.u32 s18, $0x7;
	[sflag:s20] =	ssyncadd.s32 @!p0 $0xFFFFF800  }
0x51: {  	[spmem:s2] =	stream.indirect.scatter.add.f32 [tilespmem:s15], [sflag:$0x1], $0x1, s18, s14, $0xb8;
	[tilespmem:$0x1800] =	vst v63  }
0x52: {  	_ =	swait.ge [sflag:s13], $0x80  }
0x53: {  	s31 =	simm.s32 $0x1;
	[sflag:s13] =	ssyncset.done $0x0  }
0x54: {  	s19 =	simm.s32 $0x2;
	s18 =	sor.u32 $0x800, s18;
	[sflag:s13] =	ssyncadd.s32 $0xFFFFFF80  }
0x55: {  	[spmem:s3] =	stream.indirect.scatter.add.f32 [tilespmem:s15], [sflag:$0x1], $0x1, s18, s14, $0xb8;
	[tilespmem:$0x1800] =	vst v63  }
0x56: {  	s21 =	sand.u32 $0xF, s31;
	s20 =	sadd.s32 $0x10, s11;
	_ =	swait.ge [sflag:s13], $0x80  }
0x57: {  	p0 =	sne.s32 s21, $0x0;
	s18 =	sadd.s32 $0x10, s10;
	[sflag:s13] =	ssyncset.done $0x0  }
.LBB2_2:
0x58: {  	s22 =	simm.s32 @!p0 $0x0;
	s23 =	simm.s32 @!p0 $0x1;
	[sflag:s13] =	ssyncadd.s32 $0xFFFFFF80  }
0x59: {  	[tilespmem:s22], [sflag:$0x1] =	stream.linear.gather @!p0 [hbm4b:s20+s22], $0x800, $0x38;
	[tilespmem:$0x1800] =	vst v63  }
0x5a: {  	s24 =	smov.u32 s19;
	s19 =	sadd.s32 $0x1, s19;
	_ =	swait.ge @!p0 [sflag:s23], $0x800  }
0x5b: {  	p1 =	sne.s32 s19, $0x50;
	[sflag:s23] =	ssyncset.done @!p0 $0x0  }
0x5c: {  	s25 =	simm.s32 @!p0 $0x800;
	[sflag:s23] =	ssyncadd.s32 @!p0 $0xFFFFF800  }
0x5d: {  	[tilespmem:s25], [sflag:$0x1] =	stream.linear.gather @!p0 [hbm4b:s18+s22], $0x800, $0x38;
	[tilespmem:$0x1800] =	vst v63  }
0x5e: {  	_ =	swait.ge @!p0 [sflag:s23], $0x800  }
0x5f: {  	[sflag:s23] =	ssyncset.done @!p0 $0x0  }
0x60: {  	s21 =	sshll.u32 s21, $0x7;
	[sflag:s23] =	ssyncadd.s32 @!p0 $0xFFFFF800  }
0x61: {  	[spmem:s2] =	stream.indirect.scatter.add.f32 [tilespmem:s15], [sflag:$0x1], $0x1, s21, s14, $0xb8;
	[tilespmem:$0x1800] =	vst v63  }
0x62: {  	_ =	swait.ge [sflag:s13], $0x80  }
.Ltmp0:
0x63: {  	[sflag:s13] =	ssyncset.done $0x0;
	(pc) =	sbr.rel @p1 .LBB2_2-.Ltmp0, $4  }
0x64: {  	s21 =	sor.u32 $0x800, s21;
	[sflag:s13] =	ssyncadd.s32 $0xFFFFFF80  }
0x65: {  	[spmem:s3] =	stream.indirect.scatter.add.f32 [tilespmem:s15], [sflag:$0x1], $0x1, s21, s14, $0xb8;
	[tilespmem:$0x1800] =	vst v63  }
0x66: {  	s20 =	sadd.s32 $0x10, s20;
	s21 =	sand.u32 $0xF, s24;
	_ =	swait.ge [sflag:s13], $0x80  }
0x67: {  	s18 =	sadd.s32 $0x10, s18;
	p0 =	sne.s32 s21, $0x0;
	[sflag:s13] =	ssyncset.done $0x0  }
0x68: {  	s19 =	simm.s32 @!p0 $0x0;
	s22 =	simm.s32 @!p0 $0x1;
	[sflag:s13] =	ssyncadd.s32 $0xFFFFFF80  }
0x69: {  	[tilespmem:s19], [sflag:$0x1] =	stream.linear.gather @!p0 [hbm4b:s20+s19], $0x800, $0x38;
	[tilespmem:$0x1800] =	vst v63  }
0x6a: {  	_ =	swait.ge @!p0 [sflag:s22], $0x800  }
0x6b: {  	[sflag:s22] =	ssyncset.done @!p0 $0x0  }
0x6c: {  	s20 =	simm.s32 @!p0 $0x800;
	[sflag:s22] =	ssyncadd.s32 @!p0 $0xFFFFF800  }
0x6d: {  	[tilespmem:s20], [sflag:$0x1] =	stream.linear.gather @!p0 [hbm4b:s18+s19], $0x800, $0x38;
	[tilespmem:$0x1800] =	vst v63  }
0x6e: {  	_ =	swait.ge @!p0 [sflag:s22], $0x800  }
0x6f: {  	[sflag:s22] =	ssyncset.done @!p0 $0x0  }
0x70: {  	s31 =	sshll.u32 s21, $0x7;
	[sflag:s22] =	ssyncadd.s32 @!p0 $0xFFFFF800  }
0x71: {  	[spmem:s2] =	stream.indirect.scatter.add.f32 [tilespmem:s15], [sflag:$0x1], $0x1, s31, s14, $0xb8;
	[tilespmem:$0x1800] =	vst v63  }
0x72: {  	_ =	swait.ge [sflag:s13], $0x80  }
0x73: {  	[sflag:s13] =	ssyncset.done $0x0  }
0x74: {  	s18 =	sor.u32 $0x800, s31;
	[sflag:s13] =	ssyncadd.s32 $0xFFFFFF80  }
0x75: {  	[spmem:s3] =	stream.indirect.scatter.add.f32 [tilespmem:s15], [sflag:$0x1], $0x1, s18, s14, $0xb8;
	[tilespmem:$0x1800] =	vst v63  }
0x76: {  	_ =	swait.ge [sflag:s13], $0x80  }
0x77: {  	[sflag:s13] =	ssyncset.done $0x0  }
0x78: {  	[sflag:s13] =	ssyncadd.s32 $0xFFFFFF80  }
0x79: {  	[bflag:$0x0] =	sbarrier.arrive $0xFFFF  }
0x7a: {  	[tilespmem:s12], [sflag:$0x1] =	stream.linear.gather [spmem:s5], $0x280, $0x38;
	[tilespmem:$0x1800] =	vst v63  }
0x7b: {  	_ =	swait.ge [sflag:s13], $0x280  }
0x7c: {  	[sflag:s13] =	ssyncset.done $0x0  }
0x7d: {  	[sflag:s13] =	ssyncadd.s32 $0xFFFFFD80  }
0x7e: {  	[hbm4b:s7+s14] =	stream.strided.scatter [tilespmem:s12], [sflag:$0x1], $0x280, s16, s14, $0x38;
	[tilespmem:$0x1800] =	vst v63  }
0x7f: {  	_ =	swait.ge [sflag:s13], $0x280  }
0x80: {  	[sflag:s13] =	ssyncset.done $0x0  }
0x81: {  	[sflag:s13] =	ssyncadd.s32 $0xFFFFFD80  }
0x82: {  	[tilespmem:s12], [sflag:$0x1] =	stream.linear.gather [spmem:s6], $0x280, $0x38;
	[tilespmem:$0x1800] =	vst v63  }
0x83: {  	s17 =	sadd.s32 $0x1, s17;
	_ =	swait.ge [sflag:s13], $0x280  }
0x84: {  	p0 =	sne.s32 s17, s9;
	[sflag:s13] =	ssyncset.done $0x0  }
.Ltmp1:
0x85: {  	[sflag:s13] =	ssyncadd.s32 $0xFFFFFD80;
	(pc) =	sbr.rel @p0 .LBB2_1-.Ltmp1, $4  }
0x86: {  	[hbm4b:s8+s14] =	stream.strided.scatter [tilespmem:s12], [sflag:$0x1], $0x280, s16, s14, $0x38;
	[tilespmem:$0x1800] =	vst v63  }
0x87: {  	_ =	swait.ge [sflag:s13], $0x280  }
0x88: {  	[sflag:s13] =	ssyncset.done $0x0  }
0x89: {  	[sflag:s13] =	ssyncadd.s32 $0xFFFFFD80  }
0x8a: {  	_ =	sfence.sel $0x180000  }
0x8b: {  	[bflag:$0x0] =	sbarrier.arrive $0xFFFF  }
0x8c: {  	p0 =	sne.s32 s0, $0x0;
	_ =	strace $0x90000047  }
0x8d: {  	s0 =	sadd.s32 @!p0 $0x100000, s1;
	[bflag:$0x2] =	sbarrier.arrive $0xFFFF  }
0x8e: {  	[sflag:s0] =	ssyncadd.tile.s32 @!p0 $0x1;
	_ =	shalt  }
.Lfunc_end2:
_tile_overlayer_lowered:
.L_overlay_start_2:
0x8f: {  	(tag) =	ssettag $0x2  }
0x90: {  	s0 =	rddreg [dreg:$0x0];
	s2 =	stileid.u32  }
0x91: {  	s1 =	rddreg [dreg:$0x1];
	p0 =	sne.s32 s2, $0x0  }
0x92: {  	s3 =	rddreg [dreg:$0x2];
	[bflag:$0x3] =	sbarrier.arrive $0xFFFF;
	s2 =	simm.s32 @!p0 $0x1C01  }
0x93: {  	[timem:s3], [sflag:s2] =	dma.local @!p0 [hbm:s0], s1  }
0x94: {  	s0 =	simm.s32 @!p0 $0x1  }
0x95: {  	_ =	swait.ge @!p0 [sflag:s0], s1  }
0x96: {  	s1 =	ssub.s32 @!p0 $0x0, s1;
	[sflag:s0] =	ssyncset.done @!p0 $0x0  }
0x97: {  	[sflag:s0] =	ssyncadd.s32 @!p0 s1  }
0x98: {  	[bflag:$0x3] =	sbarrier.arrive $0xFFFF  }
0x99: {  	_ =	shalt  }

</sc_bundles>
